<compile_context>
chip_gen: v7x
topology: tpu7x:2x2x1
jax: 0.10.2.dev20260603
libtpu: 0.0.44.dev20260713+nightly
codegen_flags: <defaults>
</compile_context>

<pallas_src>
import functools

import jax
import jax.numpy as jnp
from jax import lax
from jax.experimental import pallas as pl
from jax.experimental.pallas import tpu as pltpu
from jax.experimental.pallas import tpu_sc as plsc

NC = 2
NS = 16
NW = NC * NS
LANES = 16

CHUNK_ROWS = 32
PC = 800
MACRO = 8000
SHARD = 64000


def _make_sc_kernel(B, L, V, E):
    assert E == LANES
    rows_per_w = B // NW
    nchunks = rows_per_w // CHUNK_ROWS
    ci = CHUNK_ROWS * L
    idx_per_w = rows_per_w * L
    inv_l = 1.0 / float(L)
    last_shard = V - SHARD * (NS - 1)
    assert 0 < last_shard <= SHARD and last_shard % MACRO == 0
    assert SHARD % MACRO == 0 and (MACRO // PC) % 2 == 0

    mesh = plsc.VectorSubcoreMesh(core_axis_name="c", subcore_axis_name="s")

    @functools.partial(
        pl.kernel,
        mesh=mesh,
        out_type=jax.ShapeDtypeStruct((B,), jnp.float32),
        compiler_params=pltpu.CompilerParams(
            needs_layout_passes=False, use_tc_tiling_on_sc=False),
        scratch_types=[
            pltpu.VMEM_SHARED((V,), jnp.float32),
            pltpu.VMEM((E, PC), jnp.float32),
            pltpu.VMEM((E, PC), jnp.float32),
            pltpu.VMEM((MACRO,), jnp.float32),
            pltpu.VMEM((ci,), jnp.int32),
            pltpu.VMEM((ci,), jnp.int32),
            pltpu.VMEM((ci,), jnp.float32),
            pltpu.VMEM((ci,), jnp.float32),
            pltpu.VMEM((rows_per_w,), jnp.float32),
            pltpu.VMEM((LANES,), jnp.float32),
            pltpu.VMEM((LANES,), jnp.float32),
            pltpu.SemaphoreType.DMA,
            pltpu.SemaphoreType.DMA,
            pltpu.SemaphoreType.DMA,
            pltpu.SemaphoreType.DMA,
        ],
    )
    def sc_kernel(x_hbm, w_hbm, b_hbm, out_hbm,
                  p_sh, pin0, pin1, pout, idx0, idx1, vals0, vals1,
                  outbuf, wv, bv, psem0, psem1, sem0, sem1):
        cid = lax.axis_index("c")
        sid = lax.axis_index("s")
        wid = sid * NC + cid
        pltpu.sync_copy(w_hbm, wv)
        pltpu.sync_copy(b_hbm, bv)
        iota = lax.broadcasted_iota(jnp.int32, (LANES,), 0)
        wl = wv[...] * inv_l
        bvec = bv[...]

        plsc.subcore_barrier()

        base_i = wid * idx_per_w
        idx_bufs = (idx0, idx1)
        val_bufs = (vals0, vals1)
        sems = (sem0, sem1)

        def gstart(c, k):
            off = base_i + c * ci
            pltpu.sync_copy(x_hbm.at[pl.ds(off, ci)], idx_bufs[k])
            return pltpu.async_copy(p_sh.at[idx_bufs[k]], val_bufs[k], sems[k])

        def reduce_chunk(c, k):
            vals_v = val_bufs[k]
            for g in range(CHUNK_ROWS // LANES):
                rowbase = (iota + g * LANES) * L

                def lbody(t, a):
                    l = t * 8
                    for u in range(8):
                        a = a + plsc.load_gather(vals_v, [rowbase + (l + u)])
                    return a

                acc = lax.fori_loop(0, L // 8, lbody,
                                    jnp.zeros((LANES,), jnp.float32))
                z = acc + bvec
                e = jnp.exp(-jnp.abs(z))
                s = jnp.where(z >= 0, 1.0 / (1.0 + e), e / (1.0 + e))
                outbuf[pl.ds(c * CHUNK_ROWS + g * LANES, LANES)] = s

        cpg = gstart(0, 0)
        for c in range(nchunks):
            cpg.wait()
            if c + 1 < nchunks:
                cpg = gstart(c + 1, (c + 1) % 2)
            reduce_chunk(c, c % 2)

        pltpu.sync_copy(outbuf, out_hbm.at[pl.ds(wid * rows_per_w, rows_per_w)])

    return sc_kernel


@jax.jit
def kernel(x, emb_table, lin_w, lin_b):
    B, L = x.shape
    V, E = emb_table.shape
    x_flat = x.reshape(-1).astype(jnp.int32)
    embt = emb_table.T
    w16 = lin_w.reshape(E).astype(jnp.float32)
    b16 = jnp.broadcast_to(lin_b.reshape(1), (LANES,)).astype(jnp.float32)
    out = _make_sc_kernel(B, L, V, E)(x_flat, w16, b16)
    return out.reshape(B, 1)

# --- scband reference (transcript-rebuilt; emitter-appended) ---
"""Pipeline reference for scband-solution-20461224198802 (READ-ONLY COPY).

The authoritative reference and input builder live on the scoring server;
editing this copy changes nothing except your own understanding.
"""

import jax, jax.numpy as jnp
import numpy as np

VOCAB = 1000000
EMBED = 16
B = 16384
L = 200

def setup_inputs(seed: int = 0) -> dict:
    key = jax.random.key(seed)
    k1, k2, k3, k4 = jax.random.split(key, 4)
    x = jax.random.randint(k1, (B, L), 0, VOCAB, dtype=jnp.int64)
    emb_table = jax.random.normal(k2, (VOCAB, EMBED), dtype=jnp.float32)
    lin_w = jax.random.normal(k3, (1, EMBED), dtype=jnp.float32) * (1.0 / jnp.sqrt(EMBED))
    lin_b = jax.random.normal(k4, (1,), dtype=jnp.float32) * 0.01
    return {"x": x, "emb_table": emb_table, "lin_w": lin_w, "lin_b": lin_b}

def reference(x, emb_table, lin_w, lin_b):
    # embedding lookup: gather rows
    embedding = jnp.take(emb_table, x, axis=0)  # [B, L, EMBED]
    pooled = embedding.mean(axis=1)             # [B, EMBED]
    output = pooled @ lin_w.T + lin_b           # [B, 1]
    return jax.nn.sigmoid(output)

if __name__ == "__main__":
    import jax
    _d = setup_inputs()
    print(jax.jit(kernel)(*tuple(_d.values())))

</pallas_src>

<mosaic_0001>
#map = affine_map<(d0, d1) -> (0)>
module attributes {stable_mosaic.version = 14 : i64} {
  func.func @sc_kernel(%arg0: i32, %arg1: i32, %arg2: memref<3276800xi32, #tpu.memory_space<hbm>>, %arg3: memref<16xf32, #tpu.memory_space<hbm>>, %arg4: memref<16xf32, #tpu.memory_space<hbm>>, %arg5: memref<16384xf32, #tpu.memory_space<hbm>>, %arg6: memref<1000000xf32, #tpu.memory_space<vmem_shared>>, %arg7: memref<16x800xf32, #tpu.memory_space<vmem>>, %arg8: memref<16x800xf32, #tpu.memory_space<vmem>>, %arg9: memref<8000xf32, #tpu.memory_space<vmem>>, %arg10: memref<6400xi32, #tpu.memory_space<vmem>>, %arg11: memref<6400xi32, #tpu.memory_space<vmem>>, %arg12: memref<6400xf32, #tpu.memory_space<vmem>>, %arg13: memref<6400xf32, #tpu.memory_space<vmem>>, %arg14: memref<512xf32, #tpu.memory_space<vmem>>, %arg15: memref<16xf32, #tpu.memory_space<vmem>>, %arg16: memref<16xf32, #tpu.memory_space<vmem>>, %arg17: memref<!tpu.dma_semaphore, #tpu.memory_space<semaphore_mem>>, %arg18: memref<!tpu.dma_semaphore, #tpu.memory_space<semaphore_mem>>, %arg19: memref<!tpu.dma_semaphore, #tpu.memory_space<semaphore_mem>>, %arg20: memref<!tpu.dma_semaphore, #tpu.memory_space<semaphore_mem>>) attributes {dimension_semantics = [#tpu.dimension_semantics<core_parallel>, #tpu.dimension_semantics<subcore_parallel>], iteration_bounds = array<i64: 2, 16>, scalar_prefetch = 0 : i64, scratch_operands = 15 : i64, tpu.core_type = #tpu.core_type<sc_vector_subcore>, window_params = [{transform_indices = #map}, {transform_indices = #map}, {transform_indices = #map}, {transform_indices = #map}]} {
    %mul3A = arith.constant 2 : i32
    %mul3A_0 = arith.muli %arg1, %mul3A : i32
    %add3A = arith.addi %mul3A_0, %arg0 : i32
    "tpu.region"() ({
      %run_scoped3A = tpu.sem_alloc : memref<!tpu.dma_semaphore, #tpu.memory_space<semaphore_mem>>
      tpu.enqueue_dma source(%arg3 : memref<16xf32, #tpu.memory_space<hbm>>) target(%arg15 : memref<16xf32, #tpu.memory_space<vmem>>) target_semaphore(%run_scoped3A : memref<!tpu.dma_semaphore, #tpu.memory_space<semaphore_mem>>)
      tpu.wait_dma2 semaphore(%run_scoped3A : memref<!tpu.dma_semaphore, #tpu.memory_space<semaphore_mem>>) src(%arg3 : memref<16xf32, #tpu.memory_space<hbm>>) dst(%arg15 : memref<16xf32, #tpu.memory_space<vmem>>)
      tpu.yield
    }) : () -> ()
    "tpu.region"() ({
      %run_scoped3A = tpu.sem_alloc : memref<!tpu.dma_semaphore, #tpu.memory_space<semaphore_mem>>
      tpu.enqueue_dma source(%arg4 : memref<16xf32, #tpu.memory_space<hbm>>) target(%arg16 : memref<16xf32, #tpu.memory_space<vmem>>) target_semaphore(%run_scoped3A : memref<!tpu.dma_semaphore, #tpu.memory_space<semaphore_mem>>)
      tpu.wait_dma2 semaphore(%run_scoped3A : memref<!tpu.dma_semaphore, #tpu.memory_space<semaphore_mem>>) src(%arg4 : memref<16xf32, #tpu.memory_space<hbm>>) dst(%arg16 : memref<16xf32, #tpu.memory_space<vmem>>)
      tpu.yield
    }) : () -> ()
    %iota3A = tpu.iota {dimensions = array<i32: 0>} : vector<16xi32>
    %get3A = arith.constant 0 : index
    %get3A_1 = tpu.vector_load %arg15[%get3A] {strides = array<i32>} : memref<16xf32, #tpu.memory_space<vmem>>, vector<16xf32>,
    %mul3A_2 = arith.constant 5.000000e-03 : f32
    %mul3A_3 = vector.broadcast %mul3A_2 : f32 to vector<16xf32>
    %mul3A_4 = arith.mulf %get3A_1, %mul3A_3 : vector<16xf32>
    %get3A_5 = arith.constant 0 : index
    %get3A_6 = tpu.vector_load %arg16[%get3A_5] {strides = array<i32>} : memref<16xf32, #tpu.memory_space<vmem>>, vector<16xf32>,
    %barrier3A = arith.constant 0 : index
    tpu.barrier barrier_id(%barrier3A)
    %mul3A_7 = arith.constant 102400 : i32
    %mul3A_8 = arith.muli %add3A, %mul3A_7 : i32
    %add3A_9 = arith.constant 0 : i32
    %add3A_10 = arith.addi %mul3A_8, %add3A_9 : i32
    "tpu.region"() ({
      %run_scoped3A = tpu.sem_alloc : memref<!tpu.dma_semaphore, #tpu.memory_space<semaphore_mem>>
      %dma_start3A_1248 = tpu.memref_slice %arg2[%add3A_10] : memref<3276800xi32, #tpu.memory_space<hbm>> -> memref<6400xi32, #tpu.memory_space<hbm>>
      %dma_start3A_1249 = tpu.memref_slice %arg2[%add3A_10] : memref<3276800xi32, #tpu.memory_space<hbm>> -> memref<6400xi32, #tpu.memory_space<hbm>>
      tpu.enqueue_dma source(%dma_start3A_1249 : memref<6400xi32, #tpu.memory_space<hbm>>) target(%arg10 : memref<6400xi32, #tpu.memory_space<vmem>>) target_semaphore(%run_scoped3A : memref<!tpu.dma_semaphore, #tpu.memory_space<semaphore_mem>>)
      %dma_wait3A_1250 = tpu.memref_slice %arg2[%add3A_10] : memref<3276800xi32, #tpu.memory_space<hbm>> -> memref<6400xi32, #tpu.memory_space<hbm>>
      %dma_wait3A_1251 = tpu.memref_slice %arg2[%add3A_10] : memref<3276800xi32, #tpu.memory_space<hbm>> -> memref<6400xi32, #tpu.memory_space<hbm>>
      tpu.wait_dma2 semaphore(%run_scoped3A : memref<!tpu.dma_semaphore, #tpu.memory_space<semaphore_mem>>) src(%dma_wait3A_1251 : memref<6400xi32, #tpu.memory_space<hbm>>) dst(%arg10 : memref<6400xi32, #tpu.memory_space<vmem>>)
      tpu.yield
    }) : () -> ()
    %dma_start3A = arith.constant 0 : i32
    %dma_start3A_11 = tpu.memref_slice %arg6[%dma_start3A] : memref<1000000xf32, #tpu.memory_space<vmem_shared>> -> memref<1000000xf32, #tpu.memory_space<vmem_shared>>
    tpu.enqueue_indirect_dma source(%dma_start3A_11 : memref<1000000xf32, #tpu.memory_space<vmem_shared>>) target(%arg12 : memref<6400xf32, #tpu.memory_space<vmem>>) offsets(%arg10 : memref<6400xi32, #tpu.memory_space<vmem>>) semaphore(%arg19 : memref<!tpu.dma_semaphore, #tpu.memory_space<semaphore_mem>>)
    %dma_wait3A = arith.constant 0 : i32
    %dma_wait3A_12 = tpu.memref_slice %arg6[%dma_wait3A] : memref<1000000xf32, #tpu.memory_space<vmem_shared>> -> memref<1000000xf32, #tpu.memory_space<vmem_shared>>
    tpu.wait_indirect_dma semaphore(%arg19 : memref<!tpu.dma_semaphore, #tpu.memory_space<semaphore_mem>>) src(%dma_wait3A_12 : memref<1000000xf32, #tpu.memory_space<vmem_shared>>) dst(%arg12 : memref<6400xf32, #tpu.memory_space<vmem>>)
    %add3A_13 = arith.constant 6400 : i32
    %add3A_14 = arith.addi %mul3A_8, %add3A_13 : i32
    "tpu.region"() ({
      %run_scoped3A = tpu.sem_alloc : memref<!tpu.dma_semaphore, #tpu.memory_space<semaphore_mem>>
      %dma_start3A_1248 = tpu.memref_slice %arg2[%add3A_14] : memref<3276800xi32, #tpu.memory_space<hbm>> -> memref<6400xi32, #tpu.memory_space<hbm>>
      %dma_start3A_1249 = tpu.memref_slice %arg2[%add3A_14] : memref<3276800xi32, #tpu.memory_space<hbm>> -> memref<6400xi32, #tpu.memory_space<hbm>>
      tpu.enqueue_dma source(%dma_start3A_1249 : memref<6400xi32, #tpu.memory_space<hbm>>) target(%arg11 : memref<6400xi32, #tpu.memory_space<vmem>>) target_semaphore(%run_scoped3A : memref<!tpu.dma_semaphore, #tpu.memory_space<semaphore_mem>>)
      %dma_wait3A_1250 = tpu.memref_slice %arg2[%add3A_14] : memref<3276800xi32, #tpu.memory_space<hbm>> -> memref<6400xi32, #tpu.memory_space<hbm>>
      %dma_wait3A_1251 = tpu.memref_slice %arg2[%add3A_14] : memref<3276800xi32, #tpu.memory_space<hbm>> -> memref<6400xi32, #tpu.memory_space<hbm>>
      tpu.wait_dma2 semaphore(%run_scoped3A : memref<!tpu.dma_semaphore, #tpu.memory_space<semaphore_mem>>) src(%dma_wait3A_1251 : memref<6400xi32, #tpu.memory_space<hbm>>) dst(%arg11 : memref<6400xi32, #tpu.memory_space<vmem>>)
      tpu.yield
    }) : () -> ()
    %dma_start3A_15 = arith.constant 0 : i32
    %dma_start3A_16 = tpu.memref_slice %arg6[%dma_start3A_15] : memref<1000000xf32, #tpu.memory_space<vmem_shared>> -> memref<1000000xf32, #tpu.memory_space<vmem_shared>>
    tpu.enqueue_indirect_dma source(%dma_start3A_16 : memref<1000000xf32, #tpu.memory_space<vmem_shared>>) target(%arg13 : memref<6400xf32, #tpu.memory_space<vmem>>) offsets(%arg11 : memref<6400xi32, #tpu.memory_space<vmem>>) semaphore(%arg20 : memref<!tpu.dma_semaphore, #tpu.memory_space<semaphore_mem>>)
    %add3A_17 = arith.constant 0 : i32
    %add3A_18 = vector.broadcast %add3A_17 : i32 to vector<16xi32>
    %add3A_19 = arith.addi %iota3A, %add3A_18 : vector<16xi32>
    %mul3A_20 = arith.constant 200 : i32
    %mul3A_21 = vector.broadcast %mul3A_20 : i32 to vector<16xi32>
    %mul3A_22 = arith.muli %add3A_19, %mul3A_21 : vector<16xi32>
    %broadcast_in_dim3A = arith.constant 0.000000e+00 : f32
    %broadcast_in_dim3A_23 = vector.broadcast %broadcast_in_dim3A : f32 to vector<16xf32>
    %scan3A = arith.constant 0 : i32
    %scan3A_24 = arith.constant 25 : i32
    %scan3A_25 = arith.addi %scan3A, %scan3A_24 : i32
    %scan3A_26 = arith.constant 1 : i32
    %scan3A_27 = scf.for %scan3A_1248 = %scan3A to %scan3A_25 step %scan3A_26 iter_args(%scan3A_1249 = %broadcast_in_dim3A_23) -> (vector<16xf32>)  : i32 {
      %mul3A_1250 = arith.constant 8 : i32
      %mul3A_1251 = arith.muli %scan3A_1248, %mul3A_1250 : i32
      %add3A_1252 = arith.constant 0 : i32
      %add3A_1253 = arith.addi %mul3A_1251, %add3A_1252 : i32
      %add3A_1254 = vector.broadcast %add3A_1253 : i32 to vector<16xi32>
      %add3A_1255 = arith.addi %mul3A_22, %add3A_1254 : vector<16xi32>
      %gather3A = tpu.vector_load_idx %arg12[%add3A_1255] : memref<6400xf32, #tpu.memory_space<vmem>>[vector<16xi32>], vector<16xf32>,
      %add3A_1256 = arith.addf %scan3A_1249, %gather3A : vector<16xf32>
      %add3A_1257 = arith.constant 1 : i32
      %add3A_1258 = arith.addi %mul3A_1251, %add3A_1257 : i32
      %add3A_1259 = vector.broadcast %add3A_1258 : i32 to vector<16xi32>
      %add3A_1260 = arith.addi %mul3A_22, %add3A_1259 : vector<16xi32>
      %gather3A_1261 = tpu.vector_load_idx %arg12[%add3A_1260] : memref<6400xf32, #tpu.memory_space<vmem>>[vector<16xi32>], vector<16xf32>,
      %add3A_1262 = arith.addf %add3A_1256, %gather3A_1261 : vector<16xf32>
      %add3A_1263 = arith.constant 2 : i32
      %add3A_1264 = arith.addi %mul3A_1251, %add3A_1263 : i32
      %add3A_1265 = vector.broadcast %add3A_1264 : i32 to vector<16xi32>
      %add3A_1266 = arith.addi %mul3A_22, %add3A_1265 : vector<16xi32>
      %gather3A_1267 = tpu.vector_load_idx %arg12[%add3A_1266] : memref<6400xf32, #tpu.memory_space<vmem>>[vector<16xi32>], vector<16xf32>,
      %add3A_1268 = arith.addf %add3A_1262, %gather3A_1267 : vector<16xf32>
      %add3A_1269 = arith.constant 3 : i32
      %add3A_1270 = arith.addi %mul3A_1251, %add3A_1269 : i32
      %add3A_1271 = vector.broadcast %add3A_1270 : i32 to vector<16xi32>
      %add3A_1272 = arith.addi %mul3A_22, %add3A_1271 : vector<16xi32>
      %gather3A_1273 = tpu.vector_load_idx %arg12[%add3A_1272] : memref<6400xf32, #tpu.memory_space<vmem>>[vector<16xi32>], vector<16xf32>,
      %add3A_1274 = arith.addf %add3A_1268, %gather3A_1273 : vector<16xf32>
      %add3A_1275 = arith.constant 4 : i32
      %add3A_1276 = arith.addi %mul3A_1251, %add3A_1275 : i32
      %add3A_1277 = vector.broadcast %add3A_1276 : i32 to vector<16xi32>
      %add3A_1278 = arith.addi %mul3A_22, %add3A_1277 : vector<16xi32>
      %gather3A_1279 = tpu.vector_load_idx %arg12[%add3A_1278] : memref<6400xf32, #tpu.memory_space<vmem>>[vector<16xi32>], vector<16xf32>,
      %add3A_1280 = arith.addf %add3A_1274, %gather3A_1279 : vector<16xf32>
      %add3A_1281 = arith.constant 5 : i32
      %add3A_1282 = arith.addi %mul3A_1251, %add3A_1281 : i32
      %add3A_1283 = vector.broadcast %add3A_1282 : i32 to vector<16xi32>
      %add3A_1284 = arith.addi %mul3A_22, %add3A_1283 : vector<16xi32>
      %gather3A_1285 = tpu.vector_load_idx %arg12[%add3A_1284] : memref<6400xf32, #tpu.memory_space<vmem>>[vector<16xi32>], vector<16xf32>,
      %add3A_1286 = arith.addf %add3A_1280, %gather3A_1285 : vector<16xf32>
      %add3A_1287 = arith.constant 6 : i32
      %add3A_1288 = arith.addi %mul3A_1251, %add3A_1287 : i32
      %add3A_1289 = vector.broadcast %add3A_1288 : i32 to vector<16xi32>
      %add3A_1290 = arith.addi %mul3A_22, %add3A_1289 : vector<16xi32>
      %gather3A_1291 = tpu.vector_load_idx %arg12[%add3A_1290] : memref<6400xf32, #tpu.memory_space<vmem>>[vector<16xi32>], vector<16xf32>,
      %add3A_1292 = arith.addf %add3A_1286, %gather3A_1291 : vector<16xf32>
      %add3A_1293 = arith.constant 7 : i32
      %add3A_1294 = arith.addi %mul3A_1251, %add3A_1293 : i32
      %add3A_1295 = vector.broadcast %add3A_1294 : i32 to vector<16xi32>
      %add3A_1296 = arith.addi %mul3A_22, %add3A_1295 : vector<16xi32>
      %gather3A_1297 = tpu.vector_load_idx %arg12[%add3A_1296] : memref<6400xf32, #tpu.memory_space<vmem>>[vector<16xi32>], vector<16xf32>,
      %add3A_1298 = arith.addf %add3A_1292, %gather3A_1297 : vector<16xf32>
      scf.yield %add3A_1298 : vector<16xf32>
    }
    %scan3A_28 = arith.constant 25 : i32
    %add3A_29 = arith.addf %scan3A_27, %get3A_6 : vector<16xf32>
    %abs3A = math.absf %add3A_29 : vector<16xf32>
    %neg3A = arith.constant 0.000000e+00 : f32
    %neg3A_30 = vector.broadcast %neg3A : f32 to vector<16xf32>
    %neg3A_31 = arith.subf %neg3A_30, %abs3A : vector<16xf32>
    %exp3A = math.exp %neg3A_31 : vector<16xf32>
    %ge3A = arith.constant 0.000000e+00 : f32
    %ge3A_32 = vector.broadcast %ge3A : f32 to vector<16xf32>
    %ge3A_33 = arith.cmpf oge, %add3A_29, %ge3A_32 : vector<16xf32>
    %add3A_34 = arith.constant 1.000000e+00 : f32
    %add3A_35 = vector.broadcast %add3A_34 : f32 to vector<16xf32>
    %add3A_36 = arith.addf %add3A_35, %exp3A : vector<16xf32>
    %div3A = arith.constant 1.000000e+00 : f32
    %div3A_37 = vector.broadcast %div3A : f32 to vector<16xf32>
    %div3A_38 = arith.divf %div3A_37, %add3A_36 : vector<16xf32>
    %add3A_39 = arith.constant 1.000000e+00 : f32
    %add3A_40 = vector.broadcast %add3A_39 : f32 to vector<16xf32>
    %add3A_41 = arith.addf %add3A_40, %exp3A : vector<16xf32>
    %div3A_42 = arith.divf %exp3A, %add3A_41 : vector<16xf32>
    %select_n3A = arith.select %ge3A_33, %div3A_38, %div3A_42 : vector<16xi1>, vector<16xf32>
    %swap3A = arith.constant 0 : index
    %swap3A_43 = tpu.vector_load %arg14[%swap3A] {strides = array<i32>} : memref<512xf32, #tpu.memory_space<vmem>>, vector<16xf32>,
    tpu.vector_store %arg14[%swap3A], %select_n3A {strides = array<i32>} : memref<512xf32, #tpu.memory_space<vmem>>, vector<16xf32>,
    %add3A_44 = arith.constant 16 : i32
    %add3A_45 = vector.broadcast %add3A_44 : i32 to vector<16xi32>
    %add3A_46 = arith.addi %iota3A, %add3A_45 : vector<16xi32>
    %mul3A_47 = arith.constant 200 : i32
    %mul3A_48 = vector.broadcast %mul3A_47 : i32 to vector<16xi32>
    %mul3A_49 = arith.muli %add3A_46, %mul3A_48 : vector<16xi32>
    %broadcast_in_dim3A_50 = arith.constant 0.000000e+00 : f32
    %broadcast_in_dim3A_51 = vector.broadcast %broadcast_in_dim3A_50 : f32 to vector<16xf32>
    %scan3A_52 = arith.constant 0 : i32
    %scan3A_53 = arith.constant 25 : i32
    %scan3A_54 = arith.addi %scan3A_52, %scan3A_53 : i32
    %scan3A_55 = arith.constant 1 : i32
    %scan3A_56 = scf.for %scan3A_1248 = %scan3A_52 to %scan3A_54 step %scan3A_55 iter_args(%scan3A_1249 = %broadcast_in_dim3A_51) -> (vector<16xf32>)  : i32 {
      %mul3A_1250 = arith.constant 8 : i32
      %mul3A_1251 = arith.muli %scan3A_1248, %mul3A_1250 : i32
      %add3A_1252 = arith.constant 0 : i32
      %add3A_1253 = arith.addi %mul3A_1251, %add3A_1252 : i32
      %add3A_1254 = vector.broadcast %add3A_1253 : i32 to vector<16xi32>
      %add3A_1255 = arith.addi %mul3A_49, %add3A_1254 : vector<16xi32>
      %gather3A = tpu.vector_load_idx %arg12[%add3A_1255] : memref<6400xf32, #tpu.memory_space<vmem>>[vector<16xi32>], vector<16xf32>,
      %add3A_1256 = arith.addf %scan3A_1249, %gather3A : vector<16xf32>
      %add3A_1257 = arith.constant 1 : i32
      %add3A_1258 = arith.addi %mul3A_1251, %add3A_1257 : i32
      %add3A_1259 = vector.broadcast %add3A_1258 : i32 to vector<16xi32>
      %add3A_1260 = arith.addi %mul3A_49, %add3A_1259 : vector<16xi32>
      %gather3A_1261 = tpu.vector_load_idx %arg12[%add3A_1260] : memref<6400xf32, #tpu.memory_space<vmem>>[vector<16xi32>], vector<16xf32>,
      %add3A_1262 = arith.addf %add3A_1256, %gather3A_1261 : vector<16xf32>
      %add3A_1263 = arith.constant 2 : i32
      %add3A_1264 = arith.addi %mul3A_1251, %add3A_1263 : i32
      %add3A_1265 = vector.broadcast %add3A_1264 : i32 to vector<16xi32>
      %add3A_1266 = arith.addi %mul3A_49, %add3A_1265 : vector<16xi32>
      %gather3A_1267 = tpu.vector_load_idx %arg12[%add3A_1266] : memref<6400xf32, #tpu.memory_space<vmem>>[vector<16xi32>], vector<16xf32>,
      %add3A_1268 = arith.addf %add3A_1262, %gather3A_1267 : vector<16xf32>
      %add3A_1269 = arith.constant 3 : i32
      %add3A_1270 = arith.addi %mul3A_1251, %add3A_1269 : i32
      %add3A_1271 = vector.broadcast %add3A_1270 : i32 to vector<16xi32>
      %add3A_1272 = arith.addi %mul3A_49, %add3A_1271 : vector<16xi32>
      %gather3A_1273 = tpu.vector_load_idx %arg12[%add3A_1272] : memref<6400xf32, #tpu.memory_space<vmem>>[vector<16xi32>], vector<16xf32>,
      %add3A_1274 = arith.addf %add3A_1268, %gather3A_1273 : vector<16xf32>
      %add3A_1275 = arith.constant 4 : i32
      %add3A_1276 = arith.addi %mul3A_1251, %add3A_1275 : i32
      %add3A_1277 = vector.broadcast %add3A_1276 : i32 to vector<16xi32>
      %add3A_1278 = arith.addi %mul3A_49, %add3A_1277 : vector<16xi32>
      %gather3A_1279 = tpu.vector_load_idx %arg12[%add3A_1278] : memref<6400xf32, #tpu.memory_space<vmem>>[vector<16xi32>], vector<16xf32>,
      %add3A_1280 = arith.addf %add3A_1274, %gather3A_1279 : vector<16xf32>
      %add3A_1281 = arith.constant 5 : i32
      %add3A_1282 = arith.addi %mul3A_1251, %add3A_1281 : i32
      %add3A_1283 = vector.broadcast %add3A_1282 : i32 to vector<16xi32>
      %add3A_1284 = arith.addi %mul3A_49, %add3A_1283 : vector<16xi32>
      %gather3A_1285 = tpu.vector_load_idx %arg12[%add3A_1284] : memref<6400xf32, #tpu.memory_space<vmem>>[vector<16xi32>], vector<16xf32>,
      %add3A_1286 = arith.addf %add3A_1280, %gather3A_1285 : vector<16xf32>
      %add3A_1287 = arith.constant 6 : i32
      %add3A_1288 = arith.addi %mul3A_1251, %add3A_1287 : i32
      %add3A_1289 = vector.broadcast %add3A_1288 : i32 to vector<16xi32>
      %add3A_1290 = arith.addi %mul3A_49, %add3A_1289 : vector<16xi32>
      %gather3A_1291 = tpu.vector_load_idx %arg12[%add3A_1290] : memref<6400xf32, #tpu.memory_space<vmem>>[vector<16xi32>], vector<16xf32>,
      %add3A_1292 = arith.addf %add3A_1286, %gather3A_1291 : vector<16xf32>
      %add3A_1293 = arith.constant 7 : i32
      %add3A_1294 = arith.addi %mul3A_1251, %add3A_1293 : i32
      %add3A_1295 = vector.broadcast %add3A_1294 : i32 to vector<16xi32>
      %add3A_1296 = arith.addi %mul3A_49, %add3A_1295 : vector<16xi32>
      %gather3A_1297 = tpu.vector_load_idx %arg12[%add3A_1296] : memref<6400xf32, #tpu.memory_space<vmem>>[vector<16xi32>], vector<16xf32>,
      %add3A_1298 = arith.addf %add3A_1292, %gather3A_1297 : vector<16xf32>
      scf.yield %add3A_1298 : vector<16xf32>
    }
    %scan3A_57 = arith.constant 25 : i32
    %add3A_58 = arith.addf %scan3A_56, %get3A_6 : vector<16xf32>
    %abs3A_59 = math.absf %add3A_58 : vector<16xf32>
    %neg3A_60 = arith.constant 0.000000e+00 : f32
    %neg3A_61 = vector.broadcast %neg3A_60 : f32 to vector<16xf32>
    %neg3A_62 = arith.subf %neg3A_61, %abs3A_59 : vector<16xf32>
    %exp3A_63 = math.exp %neg3A_62 : vector<16xf32>
    %ge3A_64 = arith.constant 0.000000e+00 : f32
    %ge3A_65 = vector.broadcast %ge3A_64 : f32 to vector<16xf32>
    %ge3A_66 = arith.cmpf oge, %add3A_58, %ge3A_65 : vector<16xf32>
    %add3A_67 = arith.constant 1.000000e+00 : f32
    %add3A_68 = vector.broadcast %add3A_67 : f32 to vector<16xf32>
    %add3A_69 = arith.addf %add3A_68, %exp3A_63 : vector<16xf32>
    %div3A_70 = arith.constant 1.000000e+00 : f32
    %div3A_71 = vector.broadcast %div3A_70 : f32 to vector<16xf32>
    %div3A_72 = arith.divf %div3A_71, %add3A_69 : vector<16xf32>
    %add3A_73 = arith.constant 1.000000e+00 : f32
    %add3A_74 = vector.broadcast %add3A_73 : f32 to vector<16xf32>
    %add3A_75 = arith.addf %add3A_74, %exp3A_63 : vector<16xf32>
    %div3A_76 = arith.divf %exp3A_63, %add3A_75 : vector<16xf32>
    %select_n3A_77 = arith.select %ge3A_66, %div3A_72, %div3A_76 : vector<16xi1>, vector<16xf32>
    %swap3A_78 = arith.constant 16 : index
    %swap3A_79 = tpu.vector_load %arg14[%swap3A_78] {strides = array<i32>} : memref<512xf32, #tpu.memory_space<vmem>>, vector<16xf32>,
    tpu.vector_store %arg14[%swap3A_78], %select_n3A_77 {strides = array<i32>} : memref<512xf32, #tpu.memory_space<vmem>>, vector<16xf32>,
    %dma_wait3A_80 = arith.constant 0 : i32
    %dma_wait3A_81 = tpu.memref_slice %arg6[%dma_wait3A_80] : memref<1000000xf32, #tpu.memory_space<vmem_shared>> -> memref<1000000xf32, #tpu.memory_space<vmem_shared>>
    tpu.wait_indirect_dma semaphore(%arg20 : memref<!tpu.dma_semaphore, #tpu.memory_space<semaphore_mem>>) src(%dma_wait3A_81 : memref<1000000xf32, #tpu.memory_space<vmem_shared>>) dst(%arg13 : memref<6400xf32, #tpu.memory_space<vmem>>)
    %add3A_82 = arith.constant 12800 : i32
    %add3A_83 = arith.addi %mul3A_8, %add3A_82 : i32
    "tpu.region"() ({
      %run_scoped3A = tpu.sem_alloc : memref<!tpu.dma_semaphore, #tpu.memory_space<semaphore_mem>>
      %dma_start3A_1248 = tpu.memref_slice %arg2[%add3A_83] : memref<3276800xi32, #tpu.memory_space<hbm>> -> memref<6400xi32, #tpu.memory_space<hbm>>
      %dma_start3A_1249 = tpu.memref_slice %arg2[%add3A_83] : memref<3276800xi32, #tpu.memory_space<hbm>> -> memref<6400xi32, #tpu.memory_space<hbm>>
      tpu.enqueue_dma source(%dma_start3A_1249 : memref<6400xi32, #tpu.memory_space<hbm>>) target(%arg10 : memref<6400xi32, #tpu.memory_space<vmem>>) target_semaphore(%run_scoped3A : memref<!tpu.dma_semaphore, #tpu.memory_space<semaphore_mem>>)
      %dma_wait3A_1250 = tpu.memref_slice %arg2[%add3A_83] : memref<3276800xi32, #tpu.memory_space<hbm>> -> memref<6400xi32, #tpu.memory_space<hbm>>
      %dma_wait3A_1251 = tpu.memref_slice %arg2[%add3A_83] : memref<3276800xi32, #tpu.memory_space<hbm>> -> memref<6400xi32, #tpu.memory_space<hbm>>
      tpu.wait_dma2 semaphore(%run_scoped3A : memref<!tpu.dma_semaphore, #tpu.memory_space<semaphore_mem>>) src(%dma_wait3A_1251 : memref<6400xi32, #tpu.memory_space<hbm>>) dst(%arg10 : memref<6400xi32, #tpu.memory_space<vmem>>)
      tpu.yield
    }) : () -> ()
    %dma_start3A_84 = arith.constant 0 : i32
    %dma_start3A_85 = tpu.memref_slice %arg6[%dma_start3A_84] : memref<1000000xf32, #tpu.memory_space<vmem_shared>> -> memref<1000000xf32, #tpu.memory_space<vmem_shared>>
    tpu.enqueue_indirect_dma source(%dma_start3A_85 : memref<1000000xf32, #tpu.memory_space<vmem_shared>>) target(%arg12 : memref<6400xf32, #tpu.memory_space<vmem>>) offsets(%arg10 : memref<6400xi32, #tpu.memory_space<vmem>>) semaphore(%arg19 : memref<!tpu.dma_semaphore, #tpu.memory_space<semaphore_mem>>)
    %add3A_86 = arith.constant 0 : i32
    %add3A_87 = vector.broadcast %add3A_86 : i32 to vector<16xi32>
    %add3A_88 = arith.addi %iota3A, %add3A_87 : vector<16xi32>
    %mul3A_89 = arith.constant 200 : i32
    %mul3A_90 = vector.broadcast %mul3A_89 : i32 to vector<16xi32>
    %mul3A_91 = arith.muli %add3A_88, %mul3A_90 : vector<16xi32>
    %broadcast_in_dim3A_92 = arith.constant 0.000000e+00 : f32
    %broadcast_in_dim3A_93 = vector.broadcast %broadcast_in_dim3A_92 : f32 to vector<16xf32>
    %scan3A_94 = arith.constant 0 : i32
    %scan3A_95 = arith.constant 25 : i32
    %scan3A_96 = arith.addi %scan3A_94, %scan3A_95 : i32
    %scan3A_97 = arith.constant 1 : i32
    %scan3A_98 = scf.for %scan3A_1248 = %scan3A_94 to %scan3A_96 step %scan3A_97 iter_args(%scan3A_1249 = %broadcast_in_dim3A_93) -> (vector<16xf32>)  : i32 {
      %mul3A_1250 = arith.constant 8 : i32
      %mul3A_1251 = arith.muli %scan3A_1248, %mul3A_1250 : i32
      %add3A_1252 = arith.constant 0 : i32
      %add3A_1253 = arith.addi %mul3A_1251, %add3A_1252 : i32
      %add3A_1254 = vector.broadcast %add3A_1253 : i32 to vector<16xi32>
      %add3A_1255 = arith.addi %mul3A_91, %add3A_1254 : vector<16xi32>
      %gather3A = tpu.vector_load_idx %arg13[%add3A_1255] : memref<6400xf32, #tpu.memory_space<vmem>>[vector<16xi32>], vector<16xf32>,
      %add3A_1256 = arith.addf %scan3A_1249, %gather3A : vector<16xf32>
      %add3A_1257 = arith.constant 1 : i32
      %add3A_1258 = arith.addi %mul3A_1251, %add3A_1257 : i32
      %add3A_1259 = vector.broadcast %add3A_1258 : i32 to vector<16xi32>
      %add3A_1260 = arith.addi %mul3A_91, %add3A_1259 : vector<16xi32>
      %gather3A_1261 = tpu.vector_load_idx %arg13[%add3A_1260] : memref<6400xf32, #tpu.memory_space<vmem>>[vector<16xi32>], vector<16xf32>,
      %add3A_1262 = arith.addf %add3A_1256, %gather3A_1261 : vector<16xf32>
      %add3A_1263 = arith.constant 2 : i32
      %add3A_1264 = arith.addi %mul3A_1251, %add3A_1263 : i32
      %add3A_1265 = vector.broadcast %add3A_1264 : i32 to vector<16xi32>
      %add3A_1266 = arith.addi %mul3A_91, %add3A_1265 : vector<16xi32>
      %gather3A_1267 = tpu.vector_load_idx %arg13[%add3A_1266] : memref<6400xf32, #tpu.memory_space<vmem>>[vector<16xi32>], vector<16xf32>,
      %add3A_1268 = arith.addf %add3A_1262, %gather3A_1267 : vector<16xf32>
      %add3A_1269 = arith.constant 3 : i32
      %add3A_1270 = arith.addi %mul3A_1251, %add3A_1269 : i32
      %add3A_1271 = vector.broadcast %add3A_1270 : i32 to vector<16xi32>
      %add3A_1272 = arith.addi %mul3A_91, %add3A_1271 : vector<16xi32>
      %gather3A_1273 = tpu.vector_load_idx %arg13[%add3A_1272] : memref<6400xf32, #tpu.memory_space<vmem>>[vector<16xi32>], vector<16xf32>,
      %add3A_1274 = arith.addf %add3A_1268, %gather3A_1273 : vector<16xf32>
      %add3A_1275 = arith.constant 4 : i32
      %add3A_1276 = arith.addi %mul3A_1251, %add3A_1275 : i32
      %add3A_1277 = vector.broadcast %add3A_1276 : i32 to vector<16xi32>
      %add3A_1278 = arith.addi %mul3A_91, %add3A_1277 : vector<16xi32>
      %gather3A_1279 = tpu.vector_load_idx %arg13[%add3A_1278] : memref<6400xf32, #tpu.memory_space<vmem>>[vector<16xi32>], vector<16xf32>,
      %add3A_1280 = arith.addf %add3A_1274, %gather3A_1279 : vector<16xf32>
      %add3A_1281 = arith.constant 5 : i32
      %add3A_1282 = arith.addi %mul3A_1251, %add3A_1281 : i32
      %add3A_1283 = vector.broadcast %add3A_1282 : i32 to vector<16xi32>
      %add3A_1284 = arith.addi %mul3A_91, %add3A_1283 : vector<16xi32>
      %gather3A_1285 = tpu.vector_load_idx %arg13[%add3A_1284] : memref<6400xf32, #tpu.memory_space<vmem>>[vector<16xi32>], vector<16xf32>,
      %add3A_1286 = arith.addf %add3A_1280, %gather3A_1285 : vector<16xf32>
      %add3A_1287 = arith.constant 6 : i32
      %add3A_1288 = arith.addi %mul3A_1251, %add3A_1287 : i32
      %add3A_1289 = vector.broadcast %add3A_1288 : i32 to vector<16xi32>
      %add3A_1290 = arith.addi %mul3A_91, %add3A_1289 : vector<16xi32>
      %gather3A_1291 = tpu.vector_load_idx %arg13[%add3A_1290] : memref<6400xf32, #tpu.memory_space<vmem>>[vector<16xi32>], vector<16xf32>,
      %add3A_1292 = arith.addf %add3A_1286, %gather3A_1291 : vector<16xf32>
      %add3A_1293 = arith.constant 7 : i32
      %add3A_1294 = arith.addi %mul3A_1251, %add3A_1293 : i32
      %add3A_1295 = vector.broadcast %add3A_1294 : i32 to vector<16xi32>
      %add3A_1296 = arith.addi %mul3A_91, %add3A_1295 : vector<16xi32>
      %gather3A_1297 = tpu.vector_load_idx %arg13[%add3A_1296] : memref<6400xf32, #tpu.memory_space<vmem>>[vector<16xi32>], vector<16xf32>,
      %add3A_1298 = arith.addf %add3A_1292, %gather3A_1297 : vector<16xf32>
      scf.yield %add3A_1298 : vector<16xf32>
    }
    %scan3A_99 = arith.constant 25 : i32
    %add3A_100 = arith.addf %scan3A_98, %get3A_6 : vector<16xf32>
    %abs3A_101 = math.absf %add3A_100 : vector<16xf32>
    %neg3A_102 = arith.constant 0.000000e+00 : f32
    %neg3A_103 = vector.broadcast %neg3A_102 : f32 to vector<16xf32>
    %neg3A_104 = arith.subf %neg3A_103, %abs3A_101 : vector<16xf32>
    %exp3A_105 = math.exp %neg3A_104 : vector<16xf32>
    %ge3A_106 = arith.constant 0.000000e+00 : f32
    %ge3A_107 = vector.broadcast %ge3A_106 : f32 to vector<16xf32>
    %ge3A_108 = arith.cmpf oge, %add3A_100, %ge3A_107 : vector<16xf32>
    %add3A_109 = arith.constant 1.000000e+00 : f32
    %add3A_110 = vector.broadcast %add3A_109 : f32 to vector<16xf32>
    %add3A_111 = arith.addf %add3A_110, %exp3A_105 : vector<16xf32>
    %div3A_112 = arith.constant 1.000000e+00 : f32
    %div3A_113 = vector.broadcast %div3A_112 : f32 to vector<16xf32>
    %div3A_114 = arith.divf %div3A_113, %add3A_111 : vector<16xf32>
    %add3A_115 = arith.constant 1.000000e+00 : f32
    %add3A_116 = vector.broadcast %add3A_115 : f32 to vector<16xf32>
    %add3A_117 = arith.addf %add3A_116, %exp3A_105 : vector<16xf32>
    %div3A_118 = arith.divf %exp3A_105, %add3A_117 : vector<16xf32>
    %select_n3A_119 = arith.select %ge3A_108, %div3A_114, %div3A_118 : vector<16xi1>, vector<16xf32>
    %swap3A_120 = arith.constant 32 : index
    %swap3A_121 = tpu.vector_load %arg14[%swap3A_120] {strides = array<i32>} : memref<512xf32, #tpu.memory_space<vmem>>, vector<16xf32>,
    tpu.vector_store %arg14[%swap3A_120], %select_n3A_119 {strides = array<i32>} : memref<512xf32, #tpu.memory_space<vmem>>, vector<16xf32>,
    %add3A_122 = arith.constant 16 : i32
    %add3A_123 = vector.broadcast %add3A_122 : i32 to vector<16xi32>
    %add3A_124 = arith.addi %iota3A, %add3A_123 : vector<16xi32>
    %mul3A_125 = arith.constant 200 : i32
    %mul3A_126 = vector.broadcast %mul3A_125 : i32 to vector<16xi32>
    %mul3A_127 = arith.muli %add3A_124, %mul3A_126 : vector<16xi32>
    %broadcast_in_dim3A_128 = arith.constant 0.000000e+00 : f32
    %broadcast_in_dim3A_129 = vector.broadcast %broadcast_in_dim3A_128 : f32 to vector<16xf32>
    %scan3A_130 = arith.constant 0 : i32
    %scan3A_131 = arith.constant 25 : i32
    %scan3A_132 = arith.addi %scan3A_130, %scan3A_131 : i32
    %scan3A_133 = arith.constant 1 : i32
    %scan3A_134 = scf.for %scan3A_1248 = %scan3A_130 to %scan3A_132 step %scan3A_133 iter_args(%scan3A_1249 = %broadcast_in_dim3A_129) -> (vector<16xf32>)  : i32 {
      %mul3A_1250 = arith.constant 8 : i32
      %mul3A_1251 = arith.muli %scan3A_1248, %mul3A_1250 : i32
      %add3A_1252 = arith.constant 0 : i32
      %add3A_1253 = arith.addi %mul3A_1251, %add3A_1252 : i32
      %add3A_1254 = vector.broadcast %add3A_1253 : i32 to vector<16xi32>
      %add3A_1255 = arith.addi %mul3A_127, %add3A_1254 : vector<16xi32>
      %gather3A = tpu.vector_load_idx %arg13[%add3A_1255] : memref<6400xf32, #tpu.memory_space<vmem>>[vector<16xi32>], vector<16xf32>,
      %add3A_1256 = arith.addf %scan3A_1249, %gather3A : vector<16xf32>
      %add3A_1257 = arith.constant 1 : i32
      %add3A_1258 = arith.addi %mul3A_1251, %add3A_1257 : i32
      %add3A_1259 = vector.broadcast %add3A_1258 : i32 to vector<16xi32>
      %add3A_1260 = arith.addi %mul3A_127, %add3A_1259 : vector<16xi32>
      %gather3A_1261 = tpu.vector_load_idx %arg13[%add3A_1260] : memref<6400xf32, #tpu.memory_space<vmem>>[vector<16xi32>], vector<16xf32>,
      %add3A_1262 = arith.addf %add3A_1256, %gather3A_1261 : vector<16xf32>
      %add3A_1263 = arith.constant 2 : i32
      %add3A_1264 = arith.addi %mul3A_1251, %add3A_1263 : i32
      %add3A_1265 = vector.broadcast %add3A_1264 : i32 to vector<16xi32>
      %add3A_1266 = arith.addi %mul3A_127, %add3A_1265 : vector<16xi32>
      %gather3A_1267 = tpu.vector_load_idx %arg13[%add3A_1266] : memref<6400xf32, #tpu.memory_space<vmem>>[vector<16xi32>], vector<16xf32>,
      %add3A_1268 = arith.addf %add3A_1262, %gather3A_1267 : vector<16xf32>
      %add3A_1269 = arith.constant 3 : i32
      %add3A_1270 = arith.addi %mul3A_1251, %add3A_1269 : i32
      %add3A_1271 = vector.broadcast %add3A_1270 : i32 to vector<16xi32>
      %add3A_1272 = arith.addi %mul3A_127, %add3A_1271 : vector<16xi32>
      %gather3A_1273 = tpu.vector_load_idx %arg13[%add3A_1272] : memref<6400xf32, #tpu.memory_space<vmem>>[vector<16xi32>], vector<16xf32>,
      %add3A_1274 = arith.addf %add3A_1268, %gather3A_1273 : vector<16xf32>
      %add3A_1275 = arith.constant 4 : i32
      %add3A_1276 = arith.addi %mul3A_1251, %add3A_1275 : i32
      %add3A_1277 = vector.broadcast %add3A_1276 : i32 to vector<16xi32>
      %add3A_1278 = arith.addi %mul3A_127, %add3A_1277 : vector<16xi32>
      %gather3A_1279 = tpu.vector_load_idx %arg13[%add3A_1278] : memref<6400xf32, #tpu.memory_space<vmem>>[vector<16xi32>], vector<16xf32>,
      %add3A_1280 = arith.addf %add3A_1274, %gather3A_1279 : vector<16xf32>
      %add3A_1281 = arith.constant 5 : i32
      %add3A_1282 = arith.addi %mul3A_1251, %add3A_1281 : i32
      %add3A_1283 = vector.broadcast %add3A_1282 : i32 to vector<16xi32>
      %add3A_1284 = arith.addi %mul3A_127, %add3A_1283 : vector<16xi32>
      %gather3A_1285 = tpu.vector_load_idx %arg13[%add3A_1284] : memref<6400xf32, #tpu.memory_space<vmem>>[vector<16xi32>], vector<16xf32>,
      %add3A_1286 = arith.addf %add3A_1280, %gather3A_1285 : vector<16xf32>
      %add3A_1287 = arith.constant 6 : i32
      %add3A_1288 = arith.addi %mul3A_1251, %add3A_1287 : i32
      %add3A_1289 = vector.broadcast %add3A_1288 : i32 to vector<16xi32>
      %add3A_1290 = arith.addi %mul3A_127, %add3A_1289 : vector<16xi32>
      %gather3A_1291 = tpu.vector_load_idx %arg13[%add3A_1290] : memref<6400xf32, #tpu.memory_space<vmem>>[vector<16xi32>], vector<16xf32>,
      %add3A_1292 = arith.addf %add3A_1286, %gather3A_1291 : vector<16xf32>
      %add3A_1293 = arith.constant 7 : i32
      %add3A_1294 = arith.addi %mul3A_1251, %add3A_1293 : i32
      %add3A_1295 = vector.broadcast %add3A_1294 : i32 to vector<16xi32>
      %add3A_1296 = arith.addi %mul3A_127, %add3A_1295 : vector<16xi32>
      %gather3A_1297 = tpu.vector_load_idx %arg13[%add3A_1296] : memref<6400xf32, #tpu.memory_space<vmem>>[vector<16xi32>], vector<16xf32>,
      %add3A_1298 = arith.addf %add3A_1292, %gather3A_1297 : vector<16xf32>
      scf.yield %add3A_1298 : vector<16xf32>
    }
    %scan3A_135 = arith.constant 25 : i32
    %add3A_136 = arith.addf %scan3A_134, %get3A_6 : vector<16xf32>
    %abs3A_137 = math.absf %add3A_136 : vector<16xf32>
    %neg3A_138 = arith.constant 0.000000e+00 : f32
    %neg3A_139 = vector.broadcast %neg3A_138 : f32 to vector<16xf32>
    %neg3A_140 = arith.subf %neg3A_139, %abs3A_137 : vector<16xf32>
    %exp3A_141 = math.exp %neg3A_140 : vector<16xf32>
    %ge3A_142 = arith.constant 0.000000e+00 : f32
    %ge3A_143 = vector.broadcast %ge3A_142 : f32 to vector<16xf32>
    %ge3A_144 = arith.cmpf oge, %add3A_136, %ge3A_143 : vector<16xf32>
    %add3A_145 = arith.constant 1.000000e+00 : f32
    %add3A_146 = vector.broadcast %add3A_145 : f32 to vector<16xf32>
    %add3A_147 = arith.addf %add3A_146, %exp3A_141 : vector<16xf32>
    %div3A_148 = arith.constant 1.000000e+00 : f32
    %div3A_149 = vector.broadcast %div3A_148 : f32 to vector<16xf32>
    %div3A_150 = arith.divf %div3A_149, %add3A_147 : vector<16xf32>
    %add3A_151 = arith.constant 1.000000e+00 : f32
    %add3A_152 = vector.broadcast %add3A_151 : f32 to vector<16xf32>
    %add3A_153 = arith.addf %add3A_152, %exp3A_141 : vector<16xf32>
    %div3A_154 = arith.divf %exp3A_141, %add3A_153 : vector<16xf32>
    %select_n3A_155 = arith.select %ge3A_144, %div3A_150, %div3A_154 : vector<16xi1>, vector<16xf32>
    %swap3A_156 = arith.constant 48 : index
    %swap3A_157 = tpu.vector_load %arg14[%swap3A_156] {strides = array<i32>} : memref<512xf32, #tpu.memory_space<vmem>>, vector<16xf32>,
    tpu.vector_store %arg14[%swap3A_156], %select_n3A_155 {strides = array<i32>} : memref<512xf32, #tpu.memory_space<vmem>>, vector<16xf32>,
    %dma_wait3A_158 = arith.constant 0 : i32
    %dma_wait3A_159 = tpu.memref_slice %arg6[%dma_wait3A_158] : memref<1000000xf32, #tpu.memory_space<vmem_shared>> -> memref<1000000xf32, #tpu.memory_space<vmem_shared>>
    tpu.wait_indirect_dma semaphore(%arg19 : memref<!tpu.dma_semaphore, #tpu.memory_space<semaphore_mem>>) src(%dma_wait3A_159 : memref<1000000xf32, #tpu.memory_space<vmem_shared>>) dst(%arg12 : memref<6400xf32, #tpu.memory_space<vmem>>)
    %add3A_160 = arith.constant 19200 : i32
    %add3A_161 = arith.addi %mul3A_8, %add3A_160 : i32
    "tpu.region"() ({
      %run_scoped3A = tpu.sem_alloc : memref<!tpu.dma_semaphore, #tpu.memory_space<semaphore_mem>>
      %dma_start3A_1248 = tpu.memref_slice %arg2[%add3A_161] : memref<3276800xi32, #tpu.memory_space<hbm>> -> memref<6400xi32, #tpu.memory_space<hbm>>
      %dma_start3A_1249 = tpu.memref_slice %arg2[%add3A_161] : memref<3276800xi32, #tpu.memory_space<hbm>> -> memref<6400xi32, #tpu.memory_space<hbm>>
      tpu.enqueue_dma source(%dma_start3A_1249 : memref<6400xi32, #tpu.memory_space<hbm>>) target(%arg11 : memref<6400xi32, #tpu.memory_space<vmem>>) target_semaphore(%run_scoped3A : memref<!tpu.dma_semaphore, #tpu.memory_space<semaphore_mem>>)
      %dma_wait3A_1250 = tpu.memref_slice %arg2[%add3A_161] : memref<3276800xi32, #tpu.memory_space<hbm>> -> memref<6400xi32, #tpu.memory_space<hbm>>
      %dma_wait3A_1251 = tpu.memref_slice %arg2[%add3A_161] : memref<3276800xi32, #tpu.memory_space<hbm>> -> memref<6400xi32, #tpu.memory_space<hbm>>
      tpu.wait_dma2 semaphore(%run_scoped3A : memref<!tpu.dma_semaphore, #tpu.memory_space<semaphore_mem>>) src(%dma_wait3A_1251 : memref<6400xi32, #tpu.memory_space<hbm>>) dst(%arg11 : memref<6400xi32, #tpu.memory_space<vmem>>)
      tpu.yield
    }) : () -> ()
    %dma_start3A_162 = arith.constant 0 : i32
    %dma_start3A_163 = tpu.memref_slice %arg6[%dma_start3A_162] : memref<1000000xf32, #tpu.memory_space<vmem_shared>> -> memref<1000000xf32, #tpu.memory_space<vmem_shared>>
    tpu.enqueue_indirect_dma source(%dma_start3A_163 : memref<1000000xf32, #tpu.memory_space<vmem_shared>>) target(%arg13 : memref<6400xf32, #tpu.memory_space<vmem>>) offsets(%arg11 : memref<6400xi32, #tpu.memory_space<vmem>>) semaphore(%arg20 : memref<!tpu.dma_semaphore, #tpu.memory_space<semaphore_mem>>)
    %add3A_164 = arith.constant 0 : i32
    %add3A_165 = vector.broadcast %add3A_164 : i32 to vector<16xi32>
    %add3A_166 = arith.addi %iota3A, %add3A_165 : vector<16xi32>
    %mul3A_167 = arith.constant 200 : i32
    %mul3A_168 = vector.broadcast %mul3A_167 : i32 to vector<16xi32>
    %mul3A_169 = arith.muli %add3A_166, %mul3A_168 : vector<16xi32>
    %broadcast_in_dim3A_170 = arith.constant 0.000000e+00 : f32
    %broadcast_in_dim3A_171 = vector.broadcast %broadcast_in_dim3A_170 : f32 to vector<16xf32>
    %scan3A_172 = arith.constant 0 : i32
    %scan3A_173 = arith.constant 25 : i32
    %scan3A_174 = arith.addi %scan3A_172, %scan3A_173 : i32
    %scan3A_175 = arith.constant 1 : i32
    %scan3A_176 = scf.for %scan3A_1248 = %scan3A_172 to %scan3A_174 step %scan3A_175 iter_args(%scan3A_1249 = %broadcast_in_dim3A_171) -> (vector<16xf32>)  : i32 {
      %mul3A_1250 = arith.constant 8 : i32
      %mul3A_1251 = arith.muli %scan3A_1248, %mul3A_1250 : i32
      %add3A_1252 = arith.constant 0 : i32
      %add3A_1253 = arith.addi %mul3A_1251, %add3A_1252 : i32
      %add3A_1254 = vector.broadcast %add3A_1253 : i32 to vector<16xi32>
      %add3A_1255 = arith.addi %mul3A_169, %add3A_1254 : vector<16xi32>
      %gather3A = tpu.vector_load_idx %arg12[%add3A_1255] : memref<6400xf32, #tpu.memory_space<vmem>>[vector<16xi32>], vector<16xf32>,
      %add3A_1256 = arith.addf %scan3A_1249, %gather3A : vector<16xf32>
      %add3A_1257 = arith.constant 1 : i32
      %add3A_1258 = arith.addi %mul3A_1251, %add3A_1257 : i32
      %add3A_1259 = vector.broadcast %add3A_1258 : i32 to vector<16xi32>
      %add3A_1260 = arith.addi %mul3A_169, %add3A_1259 : vector<16xi32>
      %gather3A_1261 = tpu.vector_load_idx %arg12[%add3A_1260] : memref<6400xf32, #tpu.memory_space<vmem>>[vector<16xi32>], vector<16xf32>,
      %add3A_1262 = arith.addf %add3A_1256, %gather3A_1261 : vector<16xf32>
      %add3A_1263 = arith.constant 2 : i32
      %add3A_1264 = arith.addi %mul3A_1251, %add3A_1263 : i32
      %add3A_1265 = vector.broadcast %add3A_1264 : i32 to vector<16xi32>
      %add3A_1266 = arith.addi %mul3A_169, %add3A_1265 : vector<16xi32>
      %gather3A_1267 = tpu.vector_load_idx %arg12[%add3A_1266] : memref<6400xf32, #tpu.memory_space<vmem>>[vector<16xi32>], vector<16xf32>,
      %add3A_1268 = arith.addf %add3A_1262, %gather3A_1267 : vector<16xf32>
      %add3A_1269 = arith.constant 3 : i32
      %add3A_1270 = arith.addi %mul3A_1251, %add3A_1269 : i32
      %add3A_1271 = vector.broadcast %add3A_1270 : i32 to vector<16xi32>
      %add3A_1272 = arith.addi %mul3A_169, %add3A_1271 : vector<16xi32>
      %gather3A_1273 = tpu.vector_load_idx %arg12[%add3A_1272] : memref<6400xf32, #tpu.memory_space<vmem>>[vector<16xi32>], vector<16xf32>,
      %add3A_1274 = arith.addf %add3A_1268, %gather3A_1273 : vector<16xf32>
      %add3A_1275 = arith.constant 4 : i32
      %add3A_1276 = arith.addi %mul3A_1251, %add3A_1275 : i32
      %add3A_1277 = vector.broadcast %add3A_1276 : i32 to vector<16xi32>
      %add3A_1278 = arith.addi %mul3A_169, %add3A_1277 : vector<16xi32>
      %gather3A_1279 = tpu.vector_load_idx %arg12[%add3A_1278] : memref<6400xf32, #tpu.memory_space<vmem>>[vector<16xi32>], vector<16xf32>,
      %add3A_1280 = arith.addf %add3A_1274, %gather3A_1279 : vector<16xf32>
      %add3A_1281 = arith.constant 5 : i32
      %add3A_1282 = arith.addi %mul3A_1251, %add3A_1281 : i32
      %add3A_1283 = vector.broadcast %add3A_1282 : i32 to vector<16xi32>
      %add3A_1284 = arith.addi %mul3A_169, %add3A_1283 : vector<16xi32>
      %gather3A_1285 = tpu.vector_load_idx %arg12[%add3A_1284] : memref<6400xf32, #tpu.memory_space<vmem>>[vector<16xi32>], vector<16xf32>,
      %add3A_1286 = arith.addf %add3A_1280, %gather3A_1285 : vector<16xf32>
      %add3A_1287 = arith.constant 6 : i32
      %add3A_1288 = arith.addi %mul3A_1251, %add3A_1287 : i32
      %add3A_1289 = vector.broadcast %add3A_1288 : i32 to vector<16xi32>
      %add3A_1290 = arith.addi %mul3A_169, %add3A_1289 : vector<16xi32>
      %gather3A_1291 = tpu.vector_load_idx %arg12[%add3A_1290] : memref<6400xf32, #tpu.memory_space<vmem>>[vector<16xi32>], vector<16xf32>,
      %add3A_1292 = arith.addf %add3A_1286, %gather3A_1291 : vector<16xf32>
      %add3A_1293 = arith.constant 7 : i32
      %add3A_1294 = arith.addi %mul3A_1251, %add3A_1293 : i32
      %add3A_1295 = vector.broadcast %add3A_1294 : i32 to vector<16xi32>
      %add3A_1296 = arith.addi %mul3A_169, %add3A_1295 : vector<16xi32>
      %gather3A_1297 = tpu.vector_load_idx %arg12[%add3A_1296] : memref<6400xf32, #tpu.memory_space<vmem>>[vector<16xi32>], vector<16xf32>,
      %add3A_1298 = arith.addf %add3A_1292, %gather3A_1297 : vector<16xf32>
      scf.yield %add3A_1298 : vector<16xf32>
    }
    %scan3A_177 = arith.constant 25 : i32
    %add3A_178 = arith.addf %scan3A_176, %get3A_6 : vector<16xf32>
    %abs3A_179 = math.absf %add3A_178 : vector<16xf32>
    %neg3A_180 = arith.constant 0.000000e+00 : f32
    %neg3A_181 = vector.broadcast %neg3A_180 : f32 to vector<16xf32>
    %neg3A_182 = arith.subf %neg3A_181, %abs3A_179 : vector<16xf32>
    %exp3A_183 = math.exp %neg3A_182 : vector<16xf32>
    %ge3A_184 = arith.constant 0.000000e+00 : f32
    %ge3A_185 = vector.broadcast %ge3A_184 : f32 to vector<16xf32>
    %ge3A_186 = arith.cmpf oge, %add3A_178, %ge3A_185 : vector<16xf32>
    %add3A_187 = arith.constant 1.000000e+00 : f32
    %add3A_188 = vector.broadcast %add3A_187 : f32 to vector<16xf32>
    %add3A_189 = arith.addf %add3A_188, %exp3A_183 : vector<16xf32>
    %div3A_190 = arith.constant 1.000000e+00 : f32
    %div3A_191 = vector.broadcast %div3A_190 : f32 to vector<16xf32>
    %div3A_192 = arith.divf %div3A_191, %add3A_189 : vector<16xf32>
    %add3A_193 = arith.constant 1.000000e+00 : f32
    %add3A_194 = vector.broadcast %add3A_193 : f32 to vector<16xf32>
    %add3A_195 = arith.addf %add3A_194, %exp3A_183 : vector<16xf32>
    %div3A_196 = arith.divf %exp3A_183, %add3A_195 : vector<16xf32>
    %select_n3A_197 = arith.select %ge3A_186, %div3A_192, %div3A_196 : vector<16xi1>, vector<16xf32>
    %swap3A_198 = arith.constant 64 : index
    %swap3A_199 = tpu.vector_load %arg14[%swap3A_198] {strides = array<i32>} : memref<512xf32, #tpu.memory_space<vmem>>, vector<16xf32>,
    tpu.vector_store %arg14[%swap3A_198], %select_n3A_197 {strides = array<i32>} : memref<512xf32, #tpu.memory_space<vmem>>, vector<16xf32>,
    %add3A_200 = arith.constant 16 : i32
    %add3A_201 = vector.broadcast %add3A_200 : i32 to vector<16xi32>
    %add3A_202 = arith.addi %iota3A, %add3A_201 : vector<16xi32>
    %mul3A_203 = arith.constant 200 : i32
    %mul3A_204 = vector.broadcast %mul3A_203 : i32 to vector<16xi32>
    %mul3A_205 = arith.muli %add3A_202, %mul3A_204 : vector<16xi32>
    %broadcast_in_dim3A_206 = arith.constant 0.000000e+00 : f32
    %broadcast_in_dim3A_207 = vector.broadcast %broadcast_in_dim3A_206 : f32 to vector<16xf32>
    %scan3A_208 = arith.constant 0 : i32
    %scan3A_209 = arith.constant 25 : i32
    %scan3A_210 = arith.addi %scan3A_208, %scan3A_209 : i32
    %scan3A_211 = arith.constant 1 : i32
    %scan3A_212 = scf.for %scan3A_1248 = %scan3A_208 to %scan3A_210 step %scan3A_211 iter_args(%scan3A_1249 = %broadcast_in_dim3A_207) -> (vector<16xf32>)  : i32 {
      %mul3A_1250 = arith.constant 8 : i32
      %mul3A_1251 = arith.muli %scan3A_1248, %mul3A_1250 : i32
      %add3A_1252 = arith.constant 0 : i32
      %add3A_1253 = arith.addi %mul3A_1251, %add3A_1252 : i32
      %add3A_1254 = vector.broadcast %add3A_1253 : i32 to vector<16xi32>
      %add3A_1255 = arith.addi %mul3A_205, %add3A_1254 : vector<16xi32>
      %gather3A = tpu.vector_load_idx %arg12[%add3A_1255] : memref<6400xf32, #tpu.memory_space<vmem>>[vector<16xi32>], vector<16xf32>,
      %add3A_1256 = arith.addf %scan3A_1249, %gather3A : vector<16xf32>
      %add3A_1257 = arith.constant 1 : i32
      %add3A_1258 = arith.addi %mul3A_1251, %add3A_1257 : i32
      %add3A_1259 = vector.broadcast %add3A_1258 : i32 to vector<16xi32>
      %add3A_1260 = arith.addi %mul3A_205, %add3A_1259 : vector<16xi32>
      %gather3A_1261 = tpu.vector_load_idx %arg12[%add3A_1260] : memref<6400xf32, #tpu.memory_space<vmem>>[vector<16xi32>], vector<16xf32>,
      %add3A_1262 = arith.addf %add3A_1256, %gather3A_1261 : vector<16xf32>
      %add3A_1263 = arith.constant 2 : i32
      %add3A_1264 = arith.addi %mul3A_1251, %add3A_1263 : i32
      %add3A_1265 = vector.broadcast %add3A_1264 : i32 to vector<16xi32>
      %add3A_1266 = arith.addi %mul3A_205, %add3A_1265 : vector<16xi32>
      %gather3A_1267 = tpu.vector_load_idx %arg12[%add3A_1266] : memref<6400xf32, #tpu.memory_space<vmem>>[vector<16xi32>], vector<16xf32>,
      %add3A_1268 = arith.addf %add3A_1262, %gather3A_1267 : vector<16xf32>
      %add3A_1269 = arith.constant 3 : i32
      %add3A_1270 = arith.addi %mul3A_1251, %add3A_1269 : i32
      %add3A_1271 = vector.broadcast %add3A_1270 : i32 to vector<16xi32>
      %add3A_1272 = arith.addi %mul3A_205, %add3A_1271 : vector<16xi32>
      %gather3A_1273 = tpu.vector_load_idx %arg12[%add3A_1272] : memref<6400xf32, #tpu.memory_space<vmem>>[vector<16xi32>], vector<16xf32>,
      %add3A_1274 = arith.addf %add3A_1268, %gather3A_1273 : vector<16xf32>
      %add3A_1275 = arith.constant 4 : i32
      %add3A_1276 = arith.addi %mul3A_1251, %add3A_1275 : i32
      %add3A_1277 = vector.broadcast %add3A_1276 : i32 to vector<16xi32>
      %add3A_1278 = arith.addi %mul3A_205, %add3A_1277 : vector<16xi32>
      %gather3A_1279 = tpu.vector_load_idx %arg12[%add3A_1278] : memref<6400xf32, #tpu.memory_space<vmem>>[vector<16xi32>], vector<16xf32>,
      %add3A_1280 = arith.addf %add3A_1274, %gather3A_1279 : vector<16xf32>
      %add3A_1281 = arith.constant 5 : i32
      %add3A_1282 = arith.addi %mul3A_1251, %add3A_1281 : i32
      %add3A_1283 = vector.broadcast %add3A_1282 : i32 to vector<16xi32>
      %add3A_1284 = arith.addi %mul3A_205, %add3A_1283 : vector<16xi32>
      %gather3A_1285 = tpu.vector_load_idx %arg12[%add3A_1284] : memref<6400xf32, #tpu.memory_space<vmem>>[vector<16xi32>], vector<16xf32>,
      %add3A_1286 = arith.addf %add3A_1280, %gather3A_1285 : vector<16xf32>
      %add3A_1287 = arith.constant 6 : i32
      %add3A_1288 = arith.addi %mul3A_1251, %add3A_1287 : i32
      %add3A_1289 = vector.broadcast %add3A_1288 : i32 to vector<16xi32>
      %add3A_1290 = arith.addi %mul3A_205, %add3A_1289 : vector<16xi32>
      %gather3A_1291 = tpu.vector_load_idx %arg12[%add3A_1290] : memref<6400xf32, #tpu.memory_space<vmem>>[vector<16xi32>], vector<16xf32>,
      %add3A_1292 = arith.addf %add3A_1286, %gather3A_1291 : vector<16xf32>
      %add3A_1293 = arith.constant 7 : i32
      %add3A_1294 = arith.addi %mul3A_1251, %add3A_1293 : i32
      %add3A_1295 = vector.broadcast %add3A_1294 : i32 to vector<16xi32>
      %add3A_1296 = arith.addi %mul3A_205, %add3A_1295 : vector<16xi32>
      %gather3A_1297 = tpu.vector_load_idx %arg12[%add3A_1296] : memref<6400xf32, #tpu.memory_space<vmem>>[vector<16xi32>], vector<16xf32>,
      %add3A_1298 = arith.addf %add3A_1292, %gather3A_1297 : vector<16xf32>
      scf.yield %add3A_1298 : vector<16xf32>
    }
    %scan3A_213 = arith.constant 25 : i32
    %add3A_214 = arith.addf %scan3A_212, %get3A_6 : vector<16xf32>
    %abs3A_215 = math.absf %add3A_214 : vector<16xf32>
    %neg3A_216 = arith.constant 0.000000e+00 : f32
    %neg3A_217 = vector.broadcast %neg3A_216 : f32 to vector<16xf32>
    %neg3A_218 = arith.subf %neg3A_217, %abs3A_215 : vector<16xf32>
    %exp3A_219 = math.exp %neg3A_218 : vector<16xf32>
    %ge3A_220 = arith.constant 0.000000e+00 : f32
    %ge3A_221 = vector.broadcast %ge3A_220 : f32 to vector<16xf32>
    %ge3A_222 = arith.cmpf oge, %add3A_214, %ge3A_221 : vector<16xf32>
    %add3A_223 = arith.constant 1.000000e+00 : f32
    %add3A_224 = vector.broadcast %add3A_223 : f32 to vector<16xf32>
    %add3A_225 = arith.addf %add3A_224, %exp3A_219 : vector<16xf32>
    %div3A_226 = arith.constant 1.000000e+00 : f32
    %div3A_227 = vector.broadcast %div3A_226 : f32 to vector<16xf32>
    %div3A_228 = arith.divf %div3A_227, %add3A_225 : vector<16xf32>
    %add3A_229 = arith.constant 1.000000e+00 : f32
    %add3A_230 = vector.broadcast %add3A_229 : f32 to vector<16xf32>
    %add3A_231 = arith.addf %add3A_230, %exp3A_219 : vector<16xf32>
    %div3A_232 = arith.divf %exp3A_219, %add3A_231 : vector<16xf32>
    %select_n3A_233 = arith.select %ge3A_222, %div3A_228, %div3A_232 : vector<16xi1>, vector<16xf32>
    %swap3A_234 = arith.constant 80 : index
    %swap3A_235 = tpu.vector_load %arg14[%swap3A_234] {strides = array<i32>} : memref<512xf32, #tpu.memory_space<vmem>>, vector<16xf32>,
    tpu.vector_store %arg14[%swap3A_234], %select_n3A_233 {strides = array<i32>} : memref<512xf32, #tpu.memory_space<vmem>>, vector<16xf32>,
    %dma_wait3A_236 = arith.constant 0 : i32
    %dma_wait3A_237 = tpu.memref_slice %arg6[%dma_wait3A_236] : memref<1000000xf32, #tpu.memory_space<vmem_shared>> -> memref<1000000xf32, #tpu.memory_space<vmem_shared>>
    tpu.wait_indirect_dma semaphore(%arg20 : memref<!tpu.dma_semaphore, #tpu.memory_space<semaphore_mem>>) src(%dma_wait3A_237 : memref<1000000xf32, #tpu.memory_space<vmem_shared>>) dst(%arg13 : memref<6400xf32, #tpu.memory_space<vmem>>)
    %add3A_238 = arith.constant 25600 : i32
    %add3A_239 = arith.addi %mul3A_8, %add3A_238 : i32
    "tpu.region"() ({
      %run_scoped3A = tpu.sem_alloc : memref<!tpu.dma_semaphore, #tpu.memory_space<semaphore_mem>>
      %dma_start3A_1248 = tpu.memref_slice %arg2[%add3A_239] : memref<3276800xi32, #tpu.memory_space<hbm>> -> memref<6400xi32, #tpu.memory_space<hbm>>
      %dma_start3A_1249 = tpu.memref_slice %arg2[%add3A_239] : memref<3276800xi32, #tpu.memory_space<hbm>> -> memref<6400xi32, #tpu.memory_space<hbm>>
      tpu.enqueue_dma source(%dma_start3A_1249 : memref<6400xi32, #tpu.memory_space<hbm>>) target(%arg10 : memref<6400xi32, #tpu.memory_space<vmem>>) target_semaphore(%run_scoped3A : memref<!tpu.dma_semaphore, #tpu.memory_space<semaphore_mem>>)
      %dma_wait3A_1250 = tpu.memref_slice %arg2[%add3A_239] : memref<3276800xi32, #tpu.memory_space<hbm>> -> memref<6400xi32, #tpu.memory_space<hbm>>
      %dma_wait3A_1251 = tpu.memref_slice %arg2[%add3A_239] : memref<3276800xi32, #tpu.memory_space<hbm>> -> memref<6400xi32, #tpu.memory_space<hbm>>
      tpu.wait_dma2 semaphore(%run_scoped3A : memref<!tpu.dma_semaphore, #tpu.memory_space<semaphore_mem>>) src(%dma_wait3A_1251 : memref<6400xi32, #tpu.memory_space<hbm>>) dst(%arg10 : memref<6400xi32, #tpu.memory_space<vmem>>)
      tpu.yield
    }) : () -> ()
    %dma_start3A_240 = arith.constant 0 : i32
    %dma_start3A_241 = tpu.memref_slice %arg6[%dma_start3A_240] : memref<1000000xf32, #tpu.memory_space<vmem_shared>> -> memref<1000000xf32, #tpu.memory_space<vmem_shared>>
    tpu.enqueue_indirect_dma source(%dma_start3A_241 : memref<1000000xf32, #tpu.memory_space<vmem_shared>>) target(%arg12 : memref<6400xf32, #tpu.memory_space<vmem>>) offsets(%arg10 : memref<6400xi32, #tpu.memory_space<vmem>>) semaphore(%arg19 : memref<!tpu.dma_semaphore, #tpu.memory_space<semaphore_mem>>)
    %add3A_242 = arith.constant 0 : i32
    %add3A_243 = vector.broadcast %add3A_242 : i32 to vector<16xi32>
    %add3A_244 = arith.addi %iota3A, %add3A_243 : vector<16xi32>
    %mul3A_245 = arith.constant 200 : i32
    %mul3A_246 = vector.broadcast %mul3A_245 : i32 to vector<16xi32>
    %mul3A_247 = arith.muli %add3A_244, %mul3A_246 : vector<16xi32>
    %broadcast_in_dim3A_248 = arith.constant 0.000000e+00 : f32
    %broadcast_in_dim3A_249 = vector.broadcast %broadcast_in_dim3A_248 : f32 to vector<16xf32>
    %scan3A_250 = arith.constant 0 : i32
    %scan3A_251 = arith.constant 25 : i32
    %scan3A_252 = arith.addi %scan3A_250, %scan3A_251 : i32
    %scan3A_253 = arith.constant 1 : i32
    %scan3A_254 = scf.for %scan3A_1248 = %scan3A_250 to %scan3A_252 step %scan3A_253 iter_args(%scan3A_1249 = %broadcast_in_dim3A_249) -> (vector<16xf32>)  : i32 {
      %mul3A_1250 = arith.constant 8 : i32
      %mul3A_1251 = arith.muli %scan3A_1248, %mul3A_1250 : i32
      %add3A_1252 = arith.constant 0 : i32
      %add3A_1253 = arith.addi %mul3A_1251, %add3A_1252 : i32
      %add3A_1254 = vector.broadcast %add3A_1253 : i32 to vector<16xi32>
      %add3A_1255 = arith.addi %mul3A_247, %add3A_1254 : vector<16xi32>
      %gather3A = tpu.vector_load_idx %arg13[%add3A_1255] : memref<6400xf32, #tpu.memory_space<vmem>>[vector<16xi32>], vector<16xf32>,
      %add3A_1256 = arith.addf %scan3A_1249, %gather3A : vector<16xf32>
      %add3A_1257 = arith.constant 1 : i32
      %add3A_1258 = arith.addi %mul3A_1251, %add3A_1257 : i32
      %add3A_1259 = vector.broadcast %add3A_1258 : i32 to vector<16xi32>
      %add3A_1260 = arith.addi %mul3A_247, %add3A_1259 : vector<16xi32>
      %gather3A_1261 = tpu.vector_load_idx %arg13[%add3A_1260] : memref<6400xf32, #tpu.memory_space<vmem>>[vector<16xi32>], vector<16xf32>,
      %add3A_1262 = arith.addf %add3A_1256, %gather3A_1261 : vector<16xf32>
      %add3A_1263 = arith.constant 2 : i32
      %add3A_1264 = arith.addi %mul3A_1251, %add3A_1263 : i32
      %add3A_1265 = vector.broadcast %add3A_1264 : i32 to vector<16xi32>
      %add3A_1266 = arith.addi %mul3A_247, %add3A_1265 : vector<16xi32>
      %gather3A_1267 = tpu.vector_load_idx %arg13[%add3A_1266] : memref<6400xf32, #tpu.memory_space<vmem>>[vector<16xi32>], vector<16xf32>,
      %add3A_1268 = arith.addf %add3A_1262, %gather3A_1267 : vector<16xf32>
      %add3A_1269 = arith.constant 3 : i32
      %add3A_1270 = arith.addi %mul3A_1251, %add3A_1269 : i32
      %add3A_1271 = vector.broadcast %add3A_1270 : i32 to vector<16xi32>
      %add3A_1272 = arith.addi %mul3A_247, %add3A_1271 : vector<16xi32>
      %gather3A_1273 = tpu.vector_load_idx %arg13[%add3A_1272] : memref<6400xf32, #tpu.memory_space<vmem>>[vector<16xi32>], vector<16xf32>,
      %add3A_1274 = arith.addf %add3A_1268, %gather3A_1273 : vector<16xf32>
      %add3A_1275 = arith.constant 4 : i32
      %add3A_1276 = arith.addi %mul3A_1251, %add3A_1275 : i32
      %add3A_1277 = vector.broadcast %add3A_1276 : i32 to vector<16xi32>
      %add3A_1278 = arith.addi %mul3A_247, %add3A_1277 : vector<16xi32>
      %gather3A_1279 = tpu.vector_load_idx %arg13[%add3A_1278] : memref<6400xf32, #tpu.memory_space<vmem>>[vector<16xi32>], vector<16xf32>,
      %add3A_1280 = arith.addf %add3A_1274, %gather3A_1279 : vector<16xf32>
      %add3A_1281 = arith.constant 5 : i32
      %add3A_1282 = arith.addi %mul3A_1251, %add3A_1281 : i32
      %add3A_1283 = vector.broadcast %add3A_1282 : i32 to vector<16xi32>
      %add3A_1284 = arith.addi %mul3A_247, %add3A_1283 : vector<16xi32>
      %gather3A_1285 = tpu.vector_load_idx %arg13[%add3A_1284] : memref<6400xf32, #tpu.memory_space<vmem>>[vector<16xi32>], vector<16xf32>,
      %add3A_1286 = arith.addf %add3A_1280, %gather3A_1285 : vector<16xf32>
      %add3A_1287 = arith.constant 6 : i32
      %add3A_1288 = arith.addi %mul3A_1251, %add3A_1287 : i32
      %add3A_1289 = vector.broadcast %add3A_1288 : i32 to vector<16xi32>
      %add3A_1290 = arith.addi %mul3A_247, %add3A_1289 : vector<16xi32>
      %gather3A_1291 = tpu.vector_load_idx %arg13[%add3A_1290] : memref<6400xf32, #tpu.memory_space<vmem>>[vector<16xi32>], vector<16xf32>,
      %add3A_1292 = arith.addf %add3A_1286, %gather3A_1291 : vector<16xf32>
      %add3A_1293 = arith.constant 7 : i32
      %add3A_1294 = arith.addi %mul3A_1251, %add3A_1293 : i32
      %add3A_1295 = vector.broadcast %add3A_1294 : i32 to vector<16xi32>
      %add3A_1296 = arith.addi %mul3A_247, %add3A_1295 : vector<16xi32>
      %gather3A_1297 = tpu.vector_load_idx %arg13[%add3A_1296] : memref<6400xf32, #tpu.memory_space<vmem>>[vector<16xi32>], vector<16xf32>,
      %add3A_1298 = arith.addf %add3A_1292, %gather3A_1297 : vector<16xf32>
      scf.yield %add3A_1298 : vector<16xf32>
    }
    %scan3A_255 = arith.constant 25 : i32
    %add3A_256 = arith.addf %scan3A_254, %get3A_6 : vector<16xf32>
    %abs3A_257 = math.absf %add3A_256 : vector<16xf32>
    %neg3A_258 = arith.constant 0.000000e+00 : f32
    %neg3A_259 = vector.broadcast %neg3A_258 : f32 to vector<16xf32>
    %neg3A_260 = arith.subf %neg3A_259, %abs3A_257 : vector<16xf32>
    %exp3A_261 = math.exp %neg3A_260 : vector<16xf32>
    %ge3A_262 = arith.constant 0.000000e+00 : f32
    %ge3A_263 = vector.broadcast %ge3A_262 : f32 to vector<16xf32>
    %ge3A_264 = arith.cmpf oge, %add3A_256, %ge3A_263 : vector<16xf32>
    %add3A_265 = arith.constant 1.000000e+00 : f32
    %add3A_266 = vector.broadcast %add3A_265 : f32 to vector<16xf32>
    %add3A_267 = arith.addf %add3A_266, %exp3A_261 : vector<16xf32>
    %div3A_268 = arith.constant 1.000000e+00 : f32
    %div3A_269 = vector.broadcast %div3A_268 : f32 to vector<16xf32>
    %div3A_270 = arith.divf %div3A_269, %add3A_267 : vector<16xf32>
    %add3A_271 = arith.constant 1.000000e+00 : f32
    %add3A_272 = vector.broadcast %add3A_271 : f32 to vector<16xf32>
    %add3A_273 = arith.addf %add3A_272, %exp3A_261 : vector<16xf32>
    %div3A_274 = arith.divf %exp3A_261, %add3A_273 : vector<16xf32>
    %select_n3A_275 = arith.select %ge3A_264, %div3A_270, %div3A_274 : vector<16xi1>, vector<16xf32>
    %swap3A_276 = arith.constant 96 : index
    %swap3A_277 = tpu.vector_load %arg14[%swap3A_276] {strides = array<i32>} : memref<512xf32, #tpu.memory_space<vmem>>, vector<16xf32>,
    tpu.vector_store %arg14[%swap3A_276], %select_n3A_275 {strides = array<i32>} : memref<512xf32, #tpu.memory_space<vmem>>, vector<16xf32>,
    %add3A_278 = arith.constant 16 : i32
    %add3A_279 = vector.broadcast %add3A_278 : i32 to vector<16xi32>
    %add3A_280 = arith.addi %iota3A, %add3A_279 : vector<16xi32>
    %mul3A_281 = arith.constant 200 : i32
    %mul3A_282 = vector.broadcast %mul3A_281 : i32 to vector<16xi32>
    %mul3A_283 = arith.muli %add3A_280, %mul3A_282 : vector<16xi32>
    %broadcast_in_dim3A_284 = arith.constant 0.000000e+00 : f32
    %broadcast_in_dim3A_285 = vector.broadcast %broadcast_in_dim3A_284 : f32 to vector<16xf32>
    %scan3A_286 = arith.constant 0 : i32
    %scan3A_287 = arith.constant 25 : i32
    %scan3A_288 = arith.addi %scan3A_286, %scan3A_287 : i32
    %scan3A_289 = arith.constant 1 : i32
    %scan3A_290 = scf.for %scan3A_1248 = %scan3A_286 to %scan3A_288 step %scan3A_289 iter_args(%scan3A_1249 = %broadcast_in_dim3A_285) -> (vector<16xf32>)  : i32 {
      %mul3A_1250 = arith.constant 8 : i32
      %mul3A_1251 = arith.muli %scan3A_1248, %mul3A_1250 : i32
      %add3A_1252 = arith.constant 0 : i32
      %add3A_1253 = arith.addi %mul3A_1251, %add3A_1252 : i32
      %add3A_1254 = vector.broadcast %add3A_1253 : i32 to vector<16xi32>
      %add3A_1255 = arith.addi %mul3A_283, %add3A_1254 : vector<16xi32>
      %gather3A = tpu.vector_load_idx %arg13[%add3A_1255] : memref<6400xf32, #tpu.memory_space<vmem>>[vector<16xi32>], vector<16xf32>,
      %add3A_1256 = arith.addf %scan3A_1249, %gather3A : vector<16xf32>
      %add3A_1257 = arith.constant 1 : i32
      %add3A_1258 = arith.addi %mul3A_1251, %add3A_1257 : i32
      %add3A_1259 = vector.broadcast %add3A_1258 : i32 to vector<16xi32>
      %add3A_1260 = arith.addi %mul3A_283, %add3A_1259 : vector<16xi32>
      %gather3A_1261 = tpu.vector_load_idx %arg13[%add3A_1260] : memref<6400xf32, #tpu.memory_space<vmem>>[vector<16xi32>], vector<16xf32>,
      %add3A_1262 = arith.addf %add3A_1256, %gather3A_1261 : vector<16xf32>
      %add3A_1263 = arith.constant 2 : i32
      %add3A_1264 = arith.addi %mul3A_1251, %add3A_1263 : i32
      %add3A_1265 = vector.broadcast %add3A_1264 : i32 to vector<16xi32>
      %add3A_1266 = arith.addi %mul3A_283, %add3A_1265 : vector<16xi32>
      %gather3A_1267 = tpu.vector_load_idx %arg13[%add3A_1266] : memref<6400xf32, #tpu.memory_space<vmem>>[vector<16xi32>], vector<16xf32>,
      %add3A_1268 = arith.addf %add3A_1262, %gather3A_1267 : vector<16xf32>
      %add3A_1269 = arith.constant 3 : i32
      %add3A_1270 = arith.addi %mul3A_1251, %add3A_1269 : i32
      %add3A_1271 = vector.broadcast %add3A_1270 : i32 to vector<16xi32>
      %add3A_1272 = arith.addi %mul3A_283, %add3A_1271 : vector<16xi32>
      %gather3A_1273 = tpu.vector_load_idx %arg13[%add3A_1272] : memref<6400xf32, #tpu.memory_space<vmem>>[vector<16xi32>], vector<16xf32>,
      %add3A_1274 = arith.addf %add3A_1268, %gather3A_1273 : vector<16xf32>
      %add3A_1275 = arith.constant 4 : i32
      %add3A_1276 = arith.addi %mul3A_1251, %add3A_1275 : i32
      %add3A_1277 = vector.broadcast %add3A_1276 : i32 to vector<16xi32>
      %add3A_1278 = arith.addi %mul3A_283, %add3A_1277 : vector<16xi32>
      %gather3A_1279 = tpu.vector_load_idx %arg13[%add3A_1278] : memref<6400xf32, #tpu.memory_space<vmem>>[vector<16xi32>], vector<16xf32>,
      %add3A_1280 = arith.addf %add3A_1274, %gather3A_1279 : vector<16xf32>
      %add3A_1281 = arith.constant 5 : i32
      %add3A_1282 = arith.addi %mul3A_1251, %add3A_1281 : i32
      %add3A_1283 = vector.broadcast %add3A_1282 : i32 to vector<16xi32>
      %add3A_1284 = arith.addi %mul3A_283, %add3A_1283 : vector<16xi32>
      %gather3A_1285 = tpu.vector_load_idx %arg13[%add3A_1284] : memref<6400xf32, #tpu.memory_space<vmem>>[vector<16xi32>], vector<16xf32>,
      %add3A_1286 = arith.addf %add3A_1280, %gather3A_1285 : vector<16xf32>
      %add3A_1287 = arith.constant 6 : i32
      %add3A_1288 = arith.addi %mul3A_1251, %add3A_1287 : i32
      %add3A_1289 = vector.broadcast %add3A_1288 : i32 to vector<16xi32>
      %add3A_1290 = arith.addi %mul3A_283, %add3A_1289 : vector<16xi32>
      %gather3A_1291 = tpu.vector_load_idx %arg13[%add3A_1290] : memref<6400xf32, #tpu.memory_space<vmem>>[vector<16xi32>], vector<16xf32>,
      %add3A_1292 = arith.addf %add3A_1286, %gather3A_1291 : vector<16xf32>
      %add3A_1293 = arith.constant 7 : i32
      %add3A_1294 = arith.addi %mul3A_1251, %add3A_1293 : i32
      %add3A_1295 = vector.broadcast %add3A_1294 : i32 to vector<16xi32>
      %add3A_1296 = arith.addi %mul3A_283, %add3A_1295 : vector<16xi32>
      %gather3A_1297 = tpu.vector_load_idx %arg13[%add3A_1296] : memref<6400xf32, #tpu.memory_space<vmem>>[vector<16xi32>], vector<16xf32>,
      %add3A_1298 = arith.addf %add3A_1292, %gather3A_1297 : vector<16xf32>
      scf.yield %add3A_1298 : vector<16xf32>
    }
    %scan3A_291 = arith.constant 25 : i32
    %add3A_292 = arith.addf %scan3A_290, %get3A_6 : vector<16xf32>
    %abs3A_293 = math.absf %add3A_292 : vector<16xf32>
    %neg3A_294 = arith.constant 0.000000e+00 : f32
    %neg3A_295 = vector.broadcast %neg3A_294 : f32 to vector<16xf32>
    %neg3A_296 = arith.subf %neg3A_295, %abs3A_293 : vector<16xf32>
    %exp3A_297 = math.exp %neg3A_296 : vector<16xf32>
    %ge3A_298 = arith.constant 0.000000e+00 : f32
    %ge3A_299 = vector.broadcast %ge3A_298 : f32 to vector<16xf32>
    %ge3A_300 = arith.cmpf oge, %add3A_292, %ge3A_299 : vector<16xf32>
    %add3A_301 = arith.constant 1.000000e+00 : f32
    %add3A_302 = vector.broadcast %add3A_301 : f32 to vector<16xf32>
    %add3A_303 = arith.addf %add3A_302, %exp3A_297 : vector<16xf32>
    %div3A_304 = arith.constant 1.000000e+00 : f32
    %div3A_305 = vector.broadcast %div3A_304 : f32 to vector<16xf32>
    %div3A_306 = arith.divf %div3A_305, %add3A_303 : vector<16xf32>
    %add3A_307 = arith.constant 1.000000e+00 : f32
    %add3A_308 = vector.broadcast %add3A_307 : f32 to vector<16xf32>
    %add3A_309 = arith.addf %add3A_308, %exp3A_297 : vector<16xf32>
    %div3A_310 = arith.divf %exp3A_297, %add3A_309 : vector<16xf32>
    %select_n3A_311 = arith.select %ge3A_300, %div3A_306, %div3A_310 : vector<16xi1>, vector<16xf32>
    %swap3A_312 = arith.constant 112 : index
    %swap3A_313 = tpu.vector_load %arg14[%swap3A_312] {strides = array<i32>} : memref<512xf32, #tpu.memory_space<vmem>>, vector<16xf32>,
    tpu.vector_store %arg14[%swap3A_312], %select_n3A_311 {strides = array<i32>} : memref<512xf32, #tpu.memory_space<vmem>>, vector<16xf32>,
    %dma_wait3A_314 = arith.constant 0 : i32
    %dma_wait3A_315 = tpu.memref_slice %arg6[%dma_wait3A_314] : memref<1000000xf32, #tpu.memory_space<vmem_shared>> -> memref<1000000xf32, #tpu.memory_space<vmem_shared>>
    tpu.wait_indirect_dma semaphore(%arg19 : memref<!tpu.dma_semaphore, #tpu.memory_space<semaphore_mem>>) src(%dma_wait3A_315 : memref<1000000xf32, #tpu.memory_space<vmem_shared>>) dst(%arg12 : memref<6400xf32, #tpu.memory_space<vmem>>)
    %add3A_316 = arith.constant 32000 : i32
    %add3A_317 = arith.addi %mul3A_8, %add3A_316 : i32
    "tpu.region"() ({
      %run_scoped3A = tpu.sem_alloc : memref<!tpu.dma_semaphore, #tpu.memory_space<semaphore_mem>>
      %dma_start3A_1248 = tpu.memref_slice %arg2[%add3A_317] : memref<3276800xi32, #tpu.memory_space<hbm>> -> memref<6400xi32, #tpu.memory_space<hbm>>
      %dma_start3A_1249 = tpu.memref_slice %arg2[%add3A_317] : memref<3276800xi32, #tpu.memory_space<hbm>> -> memref<6400xi32, #tpu.memory_space<hbm>>
      tpu.enqueue_dma source(%dma_start3A_1249 : memref<6400xi32, #tpu.memory_space<hbm>>) target(%arg11 : memref<6400xi32, #tpu.memory_space<vmem>>) target_semaphore(%run_scoped3A : memref<!tpu.dma_semaphore, #tpu.memory_space<semaphore_mem>>)
      %dma_wait3A_1250 = tpu.memref_slice %arg2[%add3A_317] : memref<3276800xi32, #tpu.memory_space<hbm>> -> memref<6400xi32, #tpu.memory_space<hbm>>
      %dma_wait3A_1251 = tpu.memref_slice %arg2[%add3A_317] : memref<3276800xi32, #tpu.memory_space<hbm>> -> memref<6400xi32, #tpu.memory_space<hbm>>
      tpu.wait_dma2 semaphore(%run_scoped3A : memref<!tpu.dma_semaphore, #tpu.memory_space<semaphore_mem>>) src(%dma_wait3A_1251 : memref<6400xi32, #tpu.memory_space<hbm>>) dst(%arg11 : memref<6400xi32, #tpu.memory_space<vmem>>)
      tpu.yield
    }) : () -> ()
    %dma_start3A_318 = arith.constant 0 : i32
    %dma_start3A_319 = tpu.memref_slice %arg6[%dma_start3A_318] : memref<1000000xf32, #tpu.memory_space<vmem_shared>> -> memref<1000000xf32, #tpu.memory_space<vmem_shared>>
    tpu.enqueue_indirect_dma source(%dma_start3A_319 : memref<1000000xf32, #tpu.memory_space<vmem_shared>>) target(%arg13 : memref<6400xf32, #tpu.memory_space<vmem>>) offsets(%arg11 : memref<6400xi32, #tpu.memory_space<vmem>>) semaphore(%arg20 : memref<!tpu.dma_semaphore, #tpu.memory_space<semaphore_mem>>)
    %add3A_320 = arith.constant 0 : i32
    %add3A_321 = vector.broadcast %add3A_320 : i32 to vector<16xi32>
    %add3A_322 = arith.addi %iota3A, %add3A_321 : vector<16xi32>
    %mul3A_323 = arith.constant 200 : i32
    %mul3A_324 = vector.broadcast %mul3A_323 : i32 to vector<16xi32>
    %mul3A_325 = arith.muli %add3A_322, %mul3A_324 : vector<16xi32>
    %broadcast_in_dim3A_326 = arith.constant 0.000000e+00 : f32
    %broadcast_in_dim3A_327 = vector.broadcast %broadcast_in_dim3A_326 : f32 to vector<16xf32>
    %scan3A_328 = arith.constant 0 : i32
    %scan3A_329 = arith.constant 25 : i32
    %scan3A_330 = arith.addi %scan3A_328, %scan3A_329 : i32
    %scan3A_331 = arith.constant 1 : i32
    %scan3A_332 = scf.for %scan3A_1248 = %scan3A_328 to %scan3A_330 step %scan3A_331 iter_args(%scan3A_1249 = %broadcast_in_dim3A_327) -> (vector<16xf32>)  : i32 {
      %mul3A_1250 = arith.constant 8 : i32
      %mul3A_1251 = arith.muli %scan3A_1248, %mul3A_1250 : i32
      %add3A_1252 = arith.constant 0 : i32
      %add3A_1253 = arith.addi %mul3A_1251, %add3A_1252 : i32
      %add3A_1254 = vector.broadcast %add3A_1253 : i32 to vector<16xi32>
      %add3A_1255 = arith.addi %mul3A_325, %add3A_1254 : vector<16xi32>
      %gather3A = tpu.vector_load_idx %arg12[%add3A_1255] : memref<6400xf32, #tpu.memory_space<vmem>>[vector<16xi32>], vector<16xf32>,
      %add3A_1256 = arith.addf %scan3A_1249, %gather3A : vector<16xf32>
      %add3A_1257 = arith.constant 1 : i32
      %add3A_1258 = arith.addi %mul3A_1251, %add3A_1257 : i32
      %add3A_1259 = vector.broadcast %add3A_1258 : i32 to vector<16xi32>
      %add3A_1260 = arith.addi %mul3A_325, %add3A_1259 : vector<16xi32>
      %gather3A_1261 = tpu.vector_load_idx %arg12[%add3A_1260] : memref<6400xf32, #tpu.memory_space<vmem>>[vector<16xi32>], vector<16xf32>,
      %add3A_1262 = arith.addf %add3A_1256, %gather3A_1261 : vector<16xf32>
      %add3A_1263 = arith.constant 2 : i32
      %add3A_1264 = arith.addi %mul3A_1251, %add3A_1263 : i32
      %add3A_1265 = vector.broadcast %add3A_1264 : i32 to vector<16xi32>
      %add3A_1266 = arith.addi %mul3A_325, %add3A_1265 : vector<16xi32>
      %gather3A_1267 = tpu.vector_load_idx %arg12[%add3A_1266] : memref<6400xf32, #tpu.memory_space<vmem>>[vector<16xi32>], vector<16xf32>,
      %add3A_1268 = arith.addf %add3A_1262, %gather3A_1267 : vector<16xf32>
      %add3A_1269 = arith.constant 3 : i32
      %add3A_1270 = arith.addi %mul3A_1251, %add3A_1269 : i32
      %add3A_1271 = vector.broadcast %add3A_1270 : i32 to vector<16xi32>
      %add3A_1272 = arith.addi %mul3A_325, %add3A_1271 : vector<16xi32>
      %gather3A_1273 = tpu.vector_load_idx %arg12[%add3A_1272] : memref<6400xf32, #tpu.memory_space<vmem>>[vector<16xi32>], vector<16xf32>,
      %add3A_1274 = arith.addf %add3A_1268, %gather3A_1273 : vector<16xf32>
      %add3A_1275 = arith.constant 4 : i32
      %add3A_1276 = arith.addi %mul3A_1251, %add3A_1275 : i32
      %add3A_1277 = vector.broadcast %add3A_1276 : i32 to vector<16xi32>
      %add3A_1278 = arith.addi %mul3A_325, %add3A_1277 : vector<16xi32>
      %gather3A_1279 = tpu.vector_load_idx %arg12[%add3A_1278] : memref<6400xf32, #tpu.memory_space<vmem>>[vector<16xi32>], vector<16xf32>,
      %add3A_1280 = arith.addf %add3A_1274, %gather3A_1279 : vector<16xf32>
      %add3A_1281 = arith.constant 5 : i32
      %add3A_1282 = arith.addi %mul3A_1251, %add3A_1281 : i32
      %add3A_1283 = vector.broadcast %add3A_1282 : i32 to vector<16xi32>
      %add3A_1284 = arith.addi %mul3A_325, %add3A_1283 : vector<16xi32>
      %gather3A_1285 = tpu.vector_load_idx %arg12[%add3A_1284] : memref<6400xf32, #tpu.memory_space<vmem>>[vector<16xi32>], vector<16xf32>,
      %add3A_1286 = arith.addf %add3A_1280, %gather3A_1285 : vector<16xf32>
      %add3A_1287 = arith.constant 6 : i32
      %add3A_1288 = arith.addi %mul3A_1251, %add3A_1287 : i32
      %add3A_1289 = vector.broadcast %add3A_1288 : i32 to vector<16xi32>
      %add3A_1290 = arith.addi %mul3A_325, %add3A_1289 : vector<16xi32>
      %gather3A_1291 = tpu.vector_load_idx %arg12[%add3A_1290] : memref<6400xf32, #tpu.memory_space<vmem>>[vector<16xi32>], vector<16xf32>,
      %add3A_1292 = arith.addf %add3A_1286, %gather3A_1291 : vector<16xf32>
      %add3A_1293 = arith.constant 7 : i32
      %add3A_1294 = arith.addi %mul3A_1251, %add3A_1293 : i32
      %add3A_1295 = vector.broadcast %add3A_1294 : i32 to vector<16xi32>
      %add3A_1296 = arith.addi %mul3A_325, %add3A_1295 : vector<16xi32>
      %gather3A_1297 = tpu.vector_load_idx %arg12[%add3A_1296] : memref<6400xf32, #tpu.memory_space<vmem>>[vector<16xi32>], vector<16xf32>,
      %add3A_1298 = arith.addf %add3A_1292, %gather3A_1297 : vector<16xf32>
      scf.yield %add3A_1298 : vector<16xf32>
    }
    %scan3A_333 = arith.constant 25 : i32
    %add3A_334 = arith.addf %scan3A_332, %get3A_6 : vector<16xf32>
    %abs3A_335 = math.absf %add3A_334 : vector<16xf32>
    %neg3A_336 = arith.constant 0.000000e+00 : f32
    %neg3A_337 = vector.broadcast %neg3A_336 : f32 to vector<16xf32>
    %neg3A_338 = arith.subf %neg3A_337, %abs3A_335 : vector<16xf32>
    %exp3A_339 = math.exp %neg3A_338 : vector<16xf32>
    %ge3A_340 = arith.constant 0.000000e+00 : f32
    %ge3A_341 = vector.broadcast %ge3A_340 : f32 to vector<16xf32>
    %ge3A_342 = arith.cmpf oge, %add3A_334, %ge3A_341 : vector<16xf32>
    %add3A_343 = arith.constant 1.000000e+00 : f32
    %add3A_344 = vector.broadcast %add3A_343 : f32 to vector<16xf32>
    %add3A_345 = arith.addf %add3A_344, %exp3A_339 : vector<16xf32>
    %div3A_346 = arith.constant 1.000000e+00 : f32
    %div3A_347 = vector.broadcast %div3A_346 : f32 to vector<16xf32>
    %div3A_348 = arith.divf %div3A_347, %add3A_345 : vector<16xf32>
    %add3A_349 = arith.constant 1.000000e+00 : f32
    %add3A_350 = vector.broadcast %add3A_349 : f32 to vector<16xf32>
    %add3A_351 = arith.addf %add3A_350, %exp3A_339 : vector<16xf32>
    %div3A_352 = arith.divf %exp3A_339, %add3A_351 : vector<16xf32>
    %select_n3A_353 = arith.select %ge3A_342, %div3A_348, %div3A_352 : vector<16xi1>, vector<16xf32>
    %swap3A_354 = arith.constant 128 : index
    %swap3A_355 = tpu.vector_load %arg14[%swap3A_354] {strides = array<i32>} : memref<512xf32, #tpu.memory_space<vmem>>, vector<16xf32>,
    tpu.vector_store %arg14[%swap3A_354], %select_n3A_353 {strides = array<i32>} : memref<512xf32, #tpu.memory_space<vmem>>, vector<16xf32>,
    %add3A_356 = arith.constant 16 : i32
    %add3A_357 = vector.broadcast %add3A_356 : i32 to vector<16xi32>
    %add3A_358 = arith.addi %iota3A, %add3A_357 : vector<16xi32>
    %mul3A_359 = arith.constant 200 : i32
    %mul3A_360 = vector.broadcast %mul3A_359 : i32 to vector<16xi32>
    %mul3A_361 = arith.muli %add3A_358, %mul3A_360 : vector<16xi32>
    %broadcast_in_dim3A_362 = arith.constant 0.000000e+00 : f32
    %broadcast_in_dim3A_363 = vector.broadcast %broadcast_in_dim3A_362 : f32 to vector<16xf32>
    %scan3A_364 = arith.constant 0 : i32
    %scan3A_365 = arith.constant 25 : i32
    %scan3A_366 = arith.addi %scan3A_364, %scan3A_365 : i32
    %scan3A_367 = arith.constant 1 : i32
    %scan3A_368 = scf.for %scan3A_1248 = %scan3A_364 to %scan3A_366 step %scan3A_367 iter_args(%scan3A_1249 = %broadcast_in_dim3A_363) -> (vector<16xf32>)  : i32 {
      %mul3A_1250 = arith.constant 8 : i32
      %mul3A_1251 = arith.muli %scan3A_1248, %mul3A_1250 : i32
      %add3A_1252 = arith.constant 0 : i32
      %add3A_1253 = arith.addi %mul3A_1251, %add3A_1252 : i32
      %add3A_1254 = vector.broadcast %add3A_1253 : i32 to vector<16xi32>
      %add3A_1255 = arith.addi %mul3A_361, %add3A_1254 : vector<16xi32>
      %gather3A = tpu.vector_load_idx %arg12[%add3A_1255] : memref<6400xf32, #tpu.memory_space<vmem>>[vector<16xi32>], vector<16xf32>,
      %add3A_1256 = arith.addf %scan3A_1249, %gather3A : vector<16xf32>
      %add3A_1257 = arith.constant 1 : i32
      %add3A_1258 = arith.addi %mul3A_1251, %add3A_1257 : i32
      %add3A_1259 = vector.broadcast %add3A_1258 : i32 to vector<16xi32>
      %add3A_1260 = arith.addi %mul3A_361, %add3A_1259 : vector<16xi32>
      %gather3A_1261 = tpu.vector_load_idx %arg12[%add3A_1260] : memref<6400xf32, #tpu.memory_space<vmem>>[vector<16xi32>], vector<16xf32>,
      %add3A_1262 = arith.addf %add3A_1256, %gather3A_1261 : vector<16xf32>
      %add3A_1263 = arith.constant 2 : i32
      %add3A_1264 = arith.addi %mul3A_1251, %add3A_1263 : i32
      %add3A_1265 = vector.broadcast %add3A_1264 : i32 to vector<16xi32>
      %add3A_1266 = arith.addi %mul3A_361, %add3A_1265 : vector<16xi32>
      %gather3A_1267 = tpu.vector_load_idx %arg12[%add3A_1266] : memref<6400xf32, #tpu.memory_space<vmem>>[vector<16xi32>], vector<16xf32>,
      %add3A_1268 = arith.addf %add3A_1262, %gather3A_1267 : vector<16xf32>
      %add3A_1269 = arith.constant 3 : i32
      %add3A_1270 = arith.addi %mul3A_1251, %add3A_1269 : i32
      %add3A_1271 = vector.broadcast %add3A_1270 : i32 to vector<16xi32>
      %add3A_1272 = arith.addi %mul3A_361, %add3A_1271 : vector<16xi32>
      %gather3A_1273 = tpu.vector_load_idx %arg12[%add3A_1272] : memref<6400xf32, #tpu.memory_space<vmem>>[vector<16xi32>], vector<16xf32>,
      %add3A_1274 = arith.addf %add3A_1268, %gather3A_1273 : vector<16xf32>
      %add3A_1275 = arith.constant 4 : i32
      %add3A_1276 = arith.addi %mul3A_1251, %add3A_1275 : i32
      %add3A_1277 = vector.broadcast %add3A_1276 : i32 to vector<16xi32>
      %add3A_1278 = arith.addi %mul3A_361, %add3A_1277 : vector<16xi32>
      %gather3A_1279 = tpu.vector_load_idx %arg12[%add3A_1278] : memref<6400xf32, #tpu.memory_space<vmem>>[vector<16xi32>], vector<16xf32>,
      %add3A_1280 = arith.addf %add3A_1274, %gather3A_1279 : vector<16xf32>
      %add3A_1281 = arith.constant 5 : i32
      %add3A_1282 = arith.addi %mul3A_1251, %add3A_1281 : i32
      %add3A_1283 = vector.broadcast %add3A_1282 : i32 to vector<16xi32>
      %add3A_1284 = arith.addi %mul3A_361, %add3A_1283 : vector<16xi32>
      %gather3A_1285 = tpu.vector_load_idx %arg12[%add3A_1284] : memref<6400xf32, #tpu.memory_space<vmem>>[vector<16xi32>], vector<16xf32>,
      %add3A_1286 = arith.addf %add3A_1280, %gather3A_1285 : vector<16xf32>
      %add3A_1287 = arith.constant 6 : i32
      %add3A_1288 = arith.addi %mul3A_1251, %add3A_1287 : i32
      %add3A_1289 = vector.broadcast %add3A_1288 : i32 to vector<16xi32>
      %add3A_1290 = arith.addi %mul3A_361, %add3A_1289 : vector<16xi32>
      %gather3A_1291 = tpu.vector_load_idx %arg12[%add3A_1290] : memref<6400xf32, #tpu.memory_space<vmem>>[vector<16xi32>], vector<16xf32>,
      %add3A_1292 = arith.addf %add3A_1286, %gather3A_1291 : vector<16xf32>
      %add3A_1293 = arith.constant 7 : i32
      %add3A_1294 = arith.addi %mul3A_1251, %add3A_1293 : i32
      %add3A_1295 = vector.broadcast %add3A_1294 : i32 to vector<16xi32>
      %add3A_1296 = arith.addi %mul3A_361, %add3A_1295 : vector<16xi32>
      %gather3A_1297 = tpu.vector_load_idx %arg12[%add3A_1296] : memref<6400xf32, #tpu.memory_space<vmem>>[vector<16xi32>], vector<16xf32>,
      %add3A_1298 = arith.addf %add3A_1292, %gather3A_1297 : vector<16xf32>
      scf.yield %add3A_1298 : vector<16xf32>
    }
    %scan3A_369 = arith.constant 25 : i32
    %add3A_370 = arith.addf %scan3A_368, %get3A_6 : vector<16xf32>
    %abs3A_371 = math.absf %add3A_370 : vector<16xf32>
    %neg3A_372 = arith.constant 0.000000e+00 : f32
    %neg3A_373 = vector.broadcast %neg3A_372 : f32 to vector<16xf32>
    %neg3A_374 = arith.subf %neg3A_373, %abs3A_371 : vector<16xf32>
    %exp3A_375 = math.exp %neg3A_374 : vector<16xf32>
    %ge3A_376 = arith.constant 0.000000e+00 : f32
    %ge3A_377 = vector.broadcast %ge3A_376 : f32 to vector<16xf32>
    %ge3A_378 = arith.cmpf oge, %add3A_370, %ge3A_377 : vector<16xf32>
    %add3A_379 = arith.constant 1.000000e+00 : f32
    %add3A_380 = vector.broadcast %add3A_379 : f32 to vector<16xf32>
    %add3A_381 = arith.addf %add3A_380, %exp3A_375 : vector<16xf32>
    %div3A_382 = arith.constant 1.000000e+00 : f32
    %div3A_383 = vector.broadcast %div3A_382 : f32 to vector<16xf32>
    %div3A_384 = arith.divf %div3A_383, %add3A_381 : vector<16xf32>
    %add3A_385 = arith.constant 1.000000e+00 : f32
    %add3A_386 = vector.broadcast %add3A_385 : f32 to vector<16xf32>
    %add3A_387 = arith.addf %add3A_386, %exp3A_375 : vector<16xf32>
    %div3A_388 = arith.divf %exp3A_375, %add3A_387 : vector<16xf32>
    %select_n3A_389 = arith.select %ge3A_378, %div3A_384, %div3A_388 : vector<16xi1>, vector<16xf32>
    %swap3A_390 = arith.constant 144 : index
    %swap3A_391 = tpu.vector_load %arg14[%swap3A_390] {strides = array<i32>} : memref<512xf32, #tpu.memory_space<vmem>>, vector<16xf32>,
    tpu.vector_store %arg14[%swap3A_390], %select_n3A_389 {strides = array<i32>} : memref<512xf32, #tpu.memory_space<vmem>>, vector<16xf32>,
    %dma_wait3A_392 = arith.constant 0 : i32
    %dma_wait3A_393 = tpu.memref_slice %arg6[%dma_wait3A_392] : memref<1000000xf32, #tpu.memory_space<vmem_shared>> -> memref<1000000xf32, #tpu.memory_space<vmem_shared>>
    tpu.wait_indirect_dma semaphore(%arg20 : memref<!tpu.dma_semaphore, #tpu.memory_space<semaphore_mem>>) src(%dma_wait3A_393 : memref<1000000xf32, #tpu.memory_space<vmem_shared>>) dst(%arg13 : memref<6400xf32, #tpu.memory_space<vmem>>)
    %add3A_394 = arith.constant 38400 : i32
    %add3A_395 = arith.addi %mul3A_8, %add3A_394 : i32
    "tpu.region"() ({
      %run_scoped3A = tpu.sem_alloc : memref<!tpu.dma_semaphore, #tpu.memory_space<semaphore_mem>>
      %dma_start3A_1248 = tpu.memref_slice %arg2[%add3A_395] : memref<3276800xi32, #tpu.memory_space<hbm>> -> memref<6400xi32, #tpu.memory_space<hbm>>
      %dma_start3A_1249 = tpu.memref_slice %arg2[%add3A_395] : memref<3276800xi32, #tpu.memory_space<hbm>> -> memref<6400xi32, #tpu.memory_space<hbm>>
      tpu.enqueue_dma source(%dma_start3A_1249 : memref<6400xi32, #tpu.memory_space<hbm>>) target(%arg10 : memref<6400xi32, #tpu.memory_space<vmem>>) target_semaphore(%run_scoped3A : memref<!tpu.dma_semaphore, #tpu.memory_space<semaphore_mem>>)
      %dma_wait3A_1250 = tpu.memref_slice %arg2[%add3A_395] : memref<3276800xi32, #tpu.memory_space<hbm>> -> memref<6400xi32, #tpu.memory_space<hbm>>
      %dma_wait3A_1251 = tpu.memref_slice %arg2[%add3A_395] : memref<3276800xi32, #tpu.memory_space<hbm>> -> memref<6400xi32, #tpu.memory_space<hbm>>
      tpu.wait_dma2 semaphore(%run_scoped3A : memref<!tpu.dma_semaphore, #tpu.memory_space<semaphore_mem>>) src(%dma_wait3A_1251 : memref<6400xi32, #tpu.memory_space<hbm>>) dst(%arg10 : memref<6400xi32, #tpu.memory_space<vmem>>)
      tpu.yield
    }) : () -> ()
    %dma_start3A_396 = arith.constant 0 : i32
    %dma_start3A_397 = tpu.memref_slice %arg6[%dma_start3A_396] : memref<1000000xf32, #tpu.memory_space<vmem_shared>> -> memref<1000000xf32, #tpu.memory_space<vmem_shared>>
    tpu.enqueue_indirect_dma source(%dma_start3A_397 : memref<1000000xf32, #tpu.memory_space<vmem_shared>>) target(%arg12 : memref<6400xf32, #tpu.memory_space<vmem>>) offsets(%arg10 : memref<6400xi32, #tpu.memory_space<vmem>>) semaphore(%arg19 : memref<!tpu.dma_semaphore, #tpu.memory_space<semaphore_mem>>)
    %add3A_398 = arith.constant 0 : i32
    %add3A_399 = vector.broadcast %add3A_398 : i32 to vector<16xi32>
    %add3A_400 = arith.addi %iota3A, %add3A_399 : vector<16xi32>
    %mul3A_401 = arith.constant 200 : i32
    %mul3A_402 = vector.broadcast %mul3A_401 : i32 to vector<16xi32>
    %mul3A_403 = arith.muli %add3A_400, %mul3A_402 : vector<16xi32>
    %broadcast_in_dim3A_404 = arith.constant 0.000000e+00 : f32
    %broadcast_in_dim3A_405 = vector.broadcast %broadcast_in_dim3A_404 : f32 to vector<16xf32>
    %scan3A_406 = arith.constant 0 : i32
    %scan3A_407 = arith.constant 25 : i32
    %scan3A_408 = arith.addi %scan3A_406, %scan3A_407 : i32
    %scan3A_409 = arith.constant 1 : i32
    %scan3A_410 = scf.for %scan3A_1248 = %scan3A_406 to %scan3A_408 step %scan3A_409 iter_args(%scan3A_1249 = %broadcast_in_dim3A_405) -> (vector<16xf32>)  : i32 {
      %mul3A_1250 = arith.constant 8 : i32
      %mul3A_1251 = arith.muli %scan3A_1248, %mul3A_1250 : i32
      %add3A_1252 = arith.constant 0 : i32
      %add3A_1253 = arith.addi %mul3A_1251, %add3A_1252 : i32
      %add3A_1254 = vector.broadcast %add3A_1253 : i32 to vector<16xi32>
      %add3A_1255 = arith.addi %mul3A_403, %add3A_1254 : vector<16xi32>
      %gather3A = tpu.vector_load_idx %arg13[%add3A_1255] : memref<6400xf32, #tpu.memory_space<vmem>>[vector<16xi32>], vector<16xf32>,
      %add3A_1256 = arith.addf %scan3A_1249, %gather3A : vector<16xf32>
      %add3A_1257 = arith.constant 1 : i32
      %add3A_1258 = arith.addi %mul3A_1251, %add3A_1257 : i32
      %add3A_1259 = vector.broadcast %add3A_1258 : i32 to vector<16xi32>
      %add3A_1260 = arith.addi %mul3A_403, %add3A_1259 : vector<16xi32>
      %gather3A_1261 = tpu.vector_load_idx %arg13[%add3A_1260] : memref<6400xf32, #tpu.memory_space<vmem>>[vector<16xi32>], vector<16xf32>,
      %add3A_1262 = arith.addf %add3A_1256, %gather3A_1261 : vector<16xf32>
      %add3A_1263 = arith.constant 2 : i32
      %add3A_1264 = arith.addi %mul3A_1251, %add3A_1263 : i32
      %add3A_1265 = vector.broadcast %add3A_1264 : i32 to vector<16xi32>
      %add3A_1266 = arith.addi %mul3A_403, %add3A_1265 : vector<16xi32>
      %gather3A_1267 = tpu.vector_load_idx %arg13[%add3A_1266] : memref<6400xf32, #tpu.memory_space<vmem>>[vector<16xi32>], vector<16xf32>,
      %add3A_1268 = arith.addf %add3A_1262, %gather3A_1267 : vector<16xf32>
      %add3A_1269 = arith.constant 3 : i32
      %add3A_1270 = arith.addi %mul3A_1251, %add3A_1269 : i32
      %add3A_1271 = vector.broadcast %add3A_1270 : i32 to vector<16xi32>
      %add3A_1272 = arith.addi %mul3A_403, %add3A_1271 : vector<16xi32>
      %gather3A_1273 = tpu.vector_load_idx %arg13[%add3A_1272] : memref<6400xf32, #tpu.memory_space<vmem>>[vector<16xi32>], vector<16xf32>,
      %add3A_1274 = arith.addf %add3A_1268, %gather3A_1273 : vector<16xf32>
      %add3A_1275 = arith.constant 4 : i32
      %add3A_1276 = arith.addi %mul3A_1251, %add3A_1275 : i32
      %add3A_1277 = vector.broadcast %add3A_1276 : i32 to vector<16xi32>
      %add3A_1278 = arith.addi %mul3A_403, %add3A_1277 : vector<16xi32>
      %gather3A_1279 = tpu.vector_load_idx %arg13[%add3A_1278] : memref<6400xf32, #tpu.memory_space<vmem>>[vector<16xi32>], vector<16xf32>,
      %add3A_1280 = arith.addf %add3A_1274, %gather3A_1279 : vector<16xf32>
      %add3A_1281 = arith.constant 5 : i32
      %add3A_1282 = arith.addi %mul3A_1251, %add3A_1281 : i32
      %add3A_1283 = vector.broadcast %add3A_1282 : i32 to vector<16xi32>
      %add3A_1284 = arith.addi %mul3A_403, %add3A_1283 : vector<16xi32>
      %gather3A_1285 = tpu.vector_load_idx %arg13[%add3A_1284] : memref<6400xf32, #tpu.memory_space<vmem>>[vector<16xi32>], vector<16xf32>,
      %add3A_1286 = arith.addf %add3A_1280, %gather3A_1285 : vector<16xf32>
      %add3A_1287 = arith.constant 6 : i32
      %add3A_1288 = arith.addi %mul3A_1251, %add3A_1287 : i32
      %add3A_1289 = vector.broadcast %add3A_1288 : i32 to vector<16xi32>
      %add3A_1290 = arith.addi %mul3A_403, %add3A_1289 : vector<16xi32>
      %gather3A_1291 = tpu.vector_load_idx %arg13[%add3A_1290] : memref<6400xf32, #tpu.memory_space<vmem>>[vector<16xi32>], vector<16xf32>,
      %add3A_1292 = arith.addf %add3A_1286, %gather3A_1291 : vector<16xf32>
      %add3A_1293 = arith.constant 7 : i32
      %add3A_1294 = arith.addi %mul3A_1251, %add3A_1293 : i32
      %add3A_1295 = vector.broadcast %add3A_1294 : i32 to vector<16xi32>
      %add3A_1296 = arith.addi %mul3A_403, %add3A_1295 : vector<16xi32>
      %gather3A_1297 = tpu.vector_load_idx %arg13[%add3A_1296] : memref<6400xf32, #tpu.memory_space<vmem>>[vector<16xi32>], vector<16xf32>,
      %add3A_1298 = arith.addf %add3A_1292, %gather3A_1297 : vector<16xf32>
      scf.yield %add3A_1298 : vector<16xf32>
    }
    %scan3A_411 = arith.constant 25 : i32
    %add3A_412 = arith.addf %scan3A_410, %get3A_6 : vector<16xf32>
    %abs3A_413 = math.absf %add3A_412 : vector<16xf32>
    %neg3A_414 = arith.constant 0.000000e+00 : f32
    %neg3A_415 = vector.broadcast %neg3A_414 : f32 to vector<16xf32>
    %neg3A_416 = arith.subf %neg3A_415, %abs3A_413 : vector<16xf32>
    %exp3A_417 = math.exp %neg3A_416 : vector<16xf32>
    %ge3A_418 = arith.constant 0.000000e+00 : f32
    %ge3A_419 = vector.broadcast %ge3A_418 : f32 to vector<16xf32>
    %ge3A_420 = arith.cmpf oge, %add3A_412, %ge3A_419 : vector<16xf32>
    %add3A_421 = arith.constant 1.000000e+00 : f32
    %add3A_422 = vector.broadcast %add3A_421 : f32 to vector<16xf32>
    %add3A_423 = arith.addf %add3A_422, %exp3A_417 : vector<16xf32>
    %div3A_424 = arith.constant 1.000000e+00 : f32
    %div3A_425 = vector.broadcast %div3A_424 : f32 to vector<16xf32>
    %div3A_426 = arith.divf %div3A_425, %add3A_423 : vector<16xf32>
    %add3A_427 = arith.constant 1.000000e+00 : f32
    %add3A_428 = vector.broadcast %add3A_427 : f32 to vector<16xf32>
    %add3A_429 = arith.addf %add3A_428, %exp3A_417 : vector<16xf32>
    %div3A_430 = arith.divf %exp3A_417, %add3A_429 : vector<16xf32>
    %select_n3A_431 = arith.select %ge3A_420, %div3A_426, %div3A_430 : vector<16xi1>, vector<16xf32>
    %swap3A_432 = arith.constant 160 : index
    %swap3A_433 = tpu.vector_load %arg14[%swap3A_432] {strides = array<i32>} : memref<512xf32, #tpu.memory_space<vmem>>, vector<16xf32>,
    tpu.vector_store %arg14[%swap3A_432], %select_n3A_431 {strides = array<i32>} : memref<512xf32, #tpu.memory_space<vmem>>, vector<16xf32>,
    %add3A_434 = arith.constant 16 : i32
    %add3A_435 = vector.broadcast %add3A_434 : i32 to vector<16xi32>
    %add3A_436 = arith.addi %iota3A, %add3A_435 : vector<16xi32>
    %mul3A_437 = arith.constant 200 : i32
    %mul3A_438 = vector.broadcast %mul3A_437 : i32 to vector<16xi32>
    %mul3A_439 = arith.muli %add3A_436, %mul3A_438 : vector<16xi32>
    %broadcast_in_dim3A_440 = arith.constant 0.000000e+00 : f32
    %broadcast_in_dim3A_441 = vector.broadcast %broadcast_in_dim3A_440 : f32 to vector<16xf32>
    %scan3A_442 = arith.constant 0 : i32
    %scan3A_443 = arith.constant 25 : i32
    %scan3A_444 = arith.addi %scan3A_442, %scan3A_443 : i32
    %scan3A_445 = arith.constant 1 : i32
    %scan3A_446 = scf.for %scan3A_1248 = %scan3A_442 to %scan3A_444 step %scan3A_445 iter_args(%scan3A_1249 = %broadcast_in_dim3A_441) -> (vector<16xf32>)  : i32 {
      %mul3A_1250 = arith.constant 8 : i32
      %mul3A_1251 = arith.muli %scan3A_1248, %mul3A_1250 : i32
      %add3A_1252 = arith.constant 0 : i32
      %add3A_1253 = arith.addi %mul3A_1251, %add3A_1252 : i32
      %add3A_1254 = vector.broadcast %add3A_1253 : i32 to vector<16xi32>
      %add3A_1255 = arith.addi %mul3A_439, %add3A_1254 : vector<16xi32>
      %gather3A = tpu.vector_load_idx %arg13[%add3A_1255] : memref<6400xf32, #tpu.memory_space<vmem>>[vector<16xi32>], vector<16xf32>,
      %add3A_1256 = arith.addf %scan3A_1249, %gather3A : vector<16xf32>
      %add3A_1257 = arith.constant 1 : i32
      %add3A_1258 = arith.addi %mul3A_1251, %add3A_1257 : i32
      %add3A_1259 = vector.broadcast %add3A_1258 : i32 to vector<16xi32>
      %add3A_1260 = arith.addi %mul3A_439, %add3A_1259 : vector<16xi32>
      %gather3A_1261 = tpu.vector_load_idx %arg13[%add3A_1260] : memref<6400xf32, #tpu.memory_space<vmem>>[vector<16xi32>], vector<16xf32>,
      %add3A_1262 = arith.addf %add3A_1256, %gather3A_1261 : vector<16xf32>
      %add3A_1263 = arith.constant 2 : i32
      %add3A_1264 = arith.addi %mul3A_1251, %add3A_1263 : i32
      %add3A_1265 = vector.broadcast %add3A_1264 : i32 to vector<16xi32>
      %add3A_1266 = arith.addi %mul3A_439, %add3A_1265 : vector<16xi32>
      %gather3A_1267 = tpu.vector_load_idx %arg13[%add3A_1266] : memref<6400xf32, #tpu.memory_space<vmem>>[vector<16xi32>], vector<16xf32>,
      %add3A_1268 = arith.addf %add3A_1262, %gather3A_1267 : vector<16xf32>
      %add3A_1269 = arith.constant 3 : i32
      %add3A_1270 = arith.addi %mul3A_1251, %add3A_1269 : i32
      %add3A_1271 = vector.broadcast %add3A_1270 : i32 to vector<16xi32>
      %add3A_1272 = arith.addi %mul3A_439, %add3A_1271 : vector<16xi32>
      %gather3A_1273 = tpu.vector_load_idx %arg13[%add3A_1272] : memref<6400xf32, #tpu.memory_space<vmem>>[vector<16xi32>], vector<16xf32>,
      %add3A_1274 = arith.addf %add3A_1268, %gather3A_1273 : vector<16xf32>
      %add3A_1275 = arith.constant 4 : i32
      %add3A_1276 = arith.addi %mul3A_1251, %add3A_1275 : i32
      %add3A_1277 = vector.broadcast %add3A_1276 : i32 to vector<16xi32>
      %add3A_1278 = arith.addi %mul3A_439, %add3A_1277 : vector<16xi32>
      %gather3A_1279 = tpu.vector_load_idx %arg13[%add3A_1278] : memref<6400xf32, #tpu.memory_space<vmem>>[vector<16xi32>], vector<16xf32>,
      %add3A_1280 = arith.addf %add3A_1274, %gather3A_1279 : vector<16xf32>
      %add3A_1281 = arith.constant 5 : i32
      %add3A_1282 = arith.addi %mul3A_1251, %add3A_1281 : i32
      %add3A_1283 = vector.broadcast %add3A_1282 : i32 to vector<16xi32>
      %add3A_1284 = arith.addi %mul3A_439, %add3A_1283 : vector<16xi32>
      %gather3A_1285 = tpu.vector_load_idx %arg13[%add3A_1284] : memref<6400xf32, #tpu.memory_space<vmem>>[vector<16xi32>], vector<16xf32>,
      %add3A_1286 = arith.addf %add3A_1280, %gather3A_1285 : vector<16xf32>
      %add3A_1287 = arith.constant 6 : i32
      %add3A_1288 = arith.addi %mul3A_1251, %add3A_1287 : i32
      %add3A_1289 = vector.broadcast %add3A_1288 : i32 to vector<16xi32>
      %add3A_1290 = arith.addi %mul3A_439, %add3A_1289 : vector<16xi32>
      %gather3A_1291 = tpu.vector_load_idx %arg13[%add3A_1290] : memref<6400xf32, #tpu.memory_space<vmem>>[vector<16xi32>], vector<16xf32>,
      %add3A_1292 = arith.addf %add3A_1286, %gather3A_1291 : vector<16xf32>
      %add3A_1293 = arith.constant 7 : i32
      %add3A_1294 = arith.addi %mul3A_1251, %add3A_1293 : i32
      %add3A_1295 = vector.broadcast %add3A_1294 : i32 to vector<16xi32>
      %add3A_1296 = arith.addi %mul3A_439, %add3A_1295 : vector<16xi32>
      %gather3A_1297 = tpu.vector_load_idx %arg13[%add3A_1296] : memref<6400xf32, #tpu.memory_space<vmem>>[vector<16xi32>], vector<16xf32>,
      %add3A_1298 = arith.addf %add3A_1292, %gather3A_1297 : vector<16xf32>
      scf.yield %add3A_1298 : vector<16xf32>
    }
    %scan3A_447 = arith.constant 25 : i32
    %add3A_448 = arith.addf %scan3A_446, %get3A_6 : vector<16xf32>
    %abs3A_449 = math.absf %add3A_448 : vector<16xf32>
    %neg3A_450 = arith.constant 0.000000e+00 : f32
    %neg3A_451 = vector.broadcast %neg3A_450 : f32 to vector<16xf32>
    %neg3A_452 = arith.subf %neg3A_451, %abs3A_449 : vector<16xf32>
    %exp3A_453 = math.exp %neg3A_452 : vector<16xf32>
    %ge3A_454 = arith.constant 0.000000e+00 : f32
    %ge3A_455 = vector.broadcast %ge3A_454 : f32 to vector<16xf32>
    %ge3A_456 = arith.cmpf oge, %add3A_448, %ge3A_455 : vector<16xf32>
    %add3A_457 = arith.constant 1.000000e+00 : f32
    %add3A_458 = vector.broadcast %add3A_457 : f32 to vector<16xf32>
    %add3A_459 = arith.addf %add3A_458, %exp3A_453 : vector<16xf32>
    %div3A_460 = arith.constant 1.000000e+00 : f32
    %div3A_461 = vector.broadcast %div3A_460 : f32 to vector<16xf32>
    %div3A_462 = arith.divf %div3A_461, %add3A_459 : vector<16xf32>
    %add3A_463 = arith.constant 1.000000e+00 : f32
    %add3A_464 = vector.broadcast %add3A_463 : f32 to vector<16xf32>
    %add3A_465 = arith.addf %add3A_464, %exp3A_453 : vector<16xf32>
    %div3A_466 = arith.divf %exp3A_453, %add3A_465 : vector<16xf32>
    %select_n3A_467 = arith.select %ge3A_456, %div3A_462, %div3A_466 : vector<16xi1>, vector<16xf32>
    %swap3A_468 = arith.constant 176 : index
    %swap3A_469 = tpu.vector_load %arg14[%swap3A_468] {strides = array<i32>} : memref<512xf32, #tpu.memory_space<vmem>>, vector<16xf32>,
    tpu.vector_store %arg14[%swap3A_468], %select_n3A_467 {strides = array<i32>} : memref<512xf32, #tpu.memory_space<vmem>>, vector<16xf32>,
    %dma_wait3A_470 = arith.constant 0 : i32
    %dma_wait3A_471 = tpu.memref_slice %arg6[%dma_wait3A_470] : memref<1000000xf32, #tpu.memory_space<vmem_shared>> -> memref<1000000xf32, #tpu.memory_space<vmem_shared>>
    tpu.wait_indirect_dma semaphore(%arg19 : memref<!tpu.dma_semaphore, #tpu.memory_space<semaphore_mem>>) src(%dma_wait3A_471 : memref<1000000xf32, #tpu.memory_space<vmem_shared>>) dst(%arg12 : memref<6400xf32, #tpu.memory_space<vmem>>)
    %add3A_472 = arith.constant 44800 : i32
    %add3A_473 = arith.addi %mul3A_8, %add3A_472 : i32
    "tpu.region"() ({
      %run_scoped3A = tpu.sem_alloc : memref<!tpu.dma_semaphore, #tpu.memory_space<semaphore_mem>>
      %dma_start3A_1248 = tpu.memref_slice %arg2[%add3A_473] : memref<3276800xi32, #tpu.memory_space<hbm>> -> memref<6400xi32, #tpu.memory_space<hbm>>
      %dma_start3A_1249 = tpu.memref_slice %arg2[%add3A_473] : memref<3276800xi32, #tpu.memory_space<hbm>> -> memref<6400xi32, #tpu.memory_space<hbm>>
      tpu.enqueue_dma source(%dma_start3A_1249 : memref<6400xi32, #tpu.memory_space<hbm>>) target(%arg11 : memref<6400xi32, #tpu.memory_space<vmem>>) target_semaphore(%run_scoped3A : memref<!tpu.dma_semaphore, #tpu.memory_space<semaphore_mem>>)
      %dma_wait3A_1250 = tpu.memref_slice %arg2[%add3A_473] : memref<3276800xi32, #tpu.memory_space<hbm>> -> memref<6400xi32, #tpu.memory_space<hbm>>
      %dma_wait3A_1251 = tpu.memref_slice %arg2[%add3A_473] : memref<3276800xi32, #tpu.memory_space<hbm>> -> memref<6400xi32, #tpu.memory_space<hbm>>
      tpu.wait_dma2 semaphore(%run_scoped3A : memref<!tpu.dma_semaphore, #tpu.memory_space<semaphore_mem>>) src(%dma_wait3A_1251 : memref<6400xi32, #tpu.memory_space<hbm>>) dst(%arg11 : memref<6400xi32, #tpu.memory_space<vmem>>)
      tpu.yield
    }) : () -> ()
    %dma_start3A_474 = arith.constant 0 : i32
    %dma_start3A_475 = tpu.memref_slice %arg6[%dma_start3A_474] : memref<1000000xf32, #tpu.memory_space<vmem_shared>> -> memref<1000000xf32, #tpu.memory_space<vmem_shared>>
    tpu.enqueue_indirect_dma source(%dma_start3A_475 : memref<1000000xf32, #tpu.memory_space<vmem_shared>>) target(%arg13 : memref<6400xf32, #tpu.memory_space<vmem>>) offsets(%arg11 : memref<6400xi32, #tpu.memory_space<vmem>>) semaphore(%arg20 : memref<!tpu.dma_semaphore, #tpu.memory_space<semaphore_mem>>)
    %add3A_476 = arith.constant 0 : i32
    %add3A_477 = vector.broadcast %add3A_476 : i32 to vector<16xi32>
    %add3A_478 = arith.addi %iota3A, %add3A_477 : vector<16xi32>
    %mul3A_479 = arith.constant 200 : i32
    %mul3A_480 = vector.broadcast %mul3A_479 : i32 to vector<16xi32>
    %mul3A_481 = arith.muli %add3A_478, %mul3A_480 : vector<16xi32>
    %broadcast_in_dim3A_482 = arith.constant 0.000000e+00 : f32
    %broadcast_in_dim3A_483 = vector.broadcast %broadcast_in_dim3A_482 : f32 to vector<16xf32>
    %scan3A_484 = arith.constant 0 : i32
    %scan3A_485 = arith.constant 25 : i32
    %scan3A_486 = arith.addi %scan3A_484, %scan3A_485 : i32
    %scan3A_487 = arith.constant 1 : i32
    %scan3A_488 = scf.for %scan3A_1248 = %scan3A_484 to %scan3A_486 step %scan3A_487 iter_args(%scan3A_1249 = %broadcast_in_dim3A_483) -> (vector<16xf32>)  : i32 {
      %mul3A_1250 = arith.constant 8 : i32
      %mul3A_1251 = arith.muli %scan3A_1248, %mul3A_1250 : i32
      %add3A_1252 = arith.constant 0 : i32
      %add3A_1253 = arith.addi %mul3A_1251, %add3A_1252 : i32
      %add3A_1254 = vector.broadcast %add3A_1253 : i32 to vector<16xi32>
      %add3A_1255 = arith.addi %mul3A_481, %add3A_1254 : vector<16xi32>
      %gather3A = tpu.vector_load_idx %arg12[%add3A_1255] : memref<6400xf32, #tpu.memory_space<vmem>>[vector<16xi32>], vector<16xf32>,
      %add3A_1256 = arith.addf %scan3A_1249, %gather3A : vector<16xf32>
      %add3A_1257 = arith.constant 1 : i32
      %add3A_1258 = arith.addi %mul3A_1251, %add3A_1257 : i32
      %add3A_1259 = vector.broadcast %add3A_1258 : i32 to vector<16xi32>
      %add3A_1260 = arith.addi %mul3A_481, %add3A_1259 : vector<16xi32>
      %gather3A_1261 = tpu.vector_load_idx %arg12[%add3A_1260] : memref<6400xf32, #tpu.memory_space<vmem>>[vector<16xi32>], vector<16xf32>,
      %add3A_1262 = arith.addf %add3A_1256, %gather3A_1261 : vector<16xf32>
      %add3A_1263 = arith.constant 2 : i32
      %add3A_1264 = arith.addi %mul3A_1251, %add3A_1263 : i32
      %add3A_1265 = vector.broadcast %add3A_1264 : i32 to vector<16xi32>
      %add3A_1266 = arith.addi %mul3A_481, %add3A_1265 : vector<16xi32>
      %gather3A_1267 = tpu.vector_load_idx %arg12[%add3A_1266] : memref<6400xf32, #tpu.memory_space<vmem>>[vector<16xi32>], vector<16xf32>,
      %add3A_1268 = arith.addf %add3A_1262, %gather3A_1267 : vector<16xf32>
      %add3A_1269 = arith.constant 3 : i32
      %add3A_1270 = arith.addi %mul3A_1251, %add3A_1269 : i32
      %add3A_1271 = vector.broadcast %add3A_1270 : i32 to vector<16xi32>
      %add3A_1272 = arith.addi %mul3A_481, %add3A_1271 : vector<16xi32>
      %gather3A_1273 = tpu.vector_load_idx %arg12[%add3A_1272] : memref<6400xf32, #tpu.memory_space<vmem>>[vector<16xi32>], vector<16xf32>,
      %add3A_1274 = arith.addf %add3A_1268, %gather3A_1273 : vector<16xf32>
      %add3A_1275 = arith.constant 4 : i32
      %add3A_1276 = arith.addi %mul3A_1251, %add3A_1275 : i32
      %add3A_1277 = vector.broadcast %add3A_1276 : i32 to vector<16xi32>
      %add3A_1278 = arith.addi %mul3A_481, %add3A_1277 : vector<16xi32>
      %gather3A_1279 = tpu.vector_load_idx %arg12[%add3A_1278] : memref<6400xf32, #tpu.memory_space<vmem>>[vector<16xi32>], vector<16xf32>,
      %add3A_1280 = arith.addf %add3A_1274, %gather3A_1279 : vector<16xf32>
      %add3A_1281 = arith.constant 5 : i32
      %add3A_1282 = arith.addi %mul3A_1251, %add3A_1281 : i32
      %add3A_1283 = vector.broadcast %add3A_1282 : i32 to vector<16xi32>
      %add3A_1284 = arith.addi %mul3A_481, %add3A_1283 : vector<16xi32>
      %gather3A_1285 = tpu.vector_load_idx %arg12[%add3A_1284] : memref<6400xf32, #tpu.memory_space<vmem>>[vector<16xi32>], vector<16xf32>,
      %add3A_1286 = arith.addf %add3A_1280, %gather3A_1285 : vector<16xf32>
      %add3A_1287 = arith.constant 6 : i32
      %add3A_1288 = arith.addi %mul3A_1251, %add3A_1287 : i32
      %add3A_1289 = vector.broadcast %add3A_1288 : i32 to vector<16xi32>
      %add3A_1290 = arith.addi %mul3A_481, %add3A_1289 : vector<16xi32>
      %gather3A_1291 = tpu.vector_load_idx %arg12[%add3A_1290] : memref<6400xf32, #tpu.memory_space<vmem>>[vector<16xi32>], vector<16xf32>,
      %add3A_1292 = arith.addf %add3A_1286, %gather3A_1291 : vector<16xf32>
      %add3A_1293 = arith.constant 7 : i32
      %add3A_1294 = arith.addi %mul3A_1251, %add3A_1293 : i32
      %add3A_1295 = vector.broadcast %add3A_1294 : i32 to vector<16xi32>
      %add3A_1296 = arith.addi %mul3A_481, %add3A_1295 : vector<16xi32>
      %gather3A_1297 = tpu.vector_load_idx %arg12[%add3A_1296] : memref<6400xf32, #tpu.memory_space<vmem>>[vector<16xi32>], vector<16xf32>,
      %add3A_1298 = arith.addf %add3A_1292, %gather3A_1297 : vector<16xf32>
      scf.yield %add3A_1298 : vector<16xf32>
    }
    %scan3A_489 = arith.constant 25 : i32
    %add3A_490 = arith.addf %scan3A_488, %get3A_6 : vector<16xf32>
    %abs3A_491 = math.absf %add3A_490 : vector<16xf32>
    %neg3A_492 = arith.constant 0.000000e+00 : f32
    %neg3A_493 = vector.broadcast %neg3A_492 : f32 to vector<16xf32>
    %neg3A_494 = arith.subf %neg3A_493, %abs3A_491 : vector<16xf32>
    %exp3A_495 = math.exp %neg3A_494 : vector<16xf32>
    %ge3A_496 = arith.constant 0.000000e+00 : f32
    %ge3A_497 = vector.broadcast %ge3A_496 : f32 to vector<16xf32>
    %ge3A_498 = arith.cmpf oge, %add3A_490, %ge3A_497 : vector<16xf32>
    %add3A_499 = arith.constant 1.000000e+00 : f32
    %add3A_500 = vector.broadcast %add3A_499 : f32 to vector<16xf32>
    %add3A_501 = arith.addf %add3A_500, %exp3A_495 : vector<16xf32>
    %div3A_502 = arith.constant 1.000000e+00 : f32
    %div3A_503 = vector.broadcast %div3A_502 : f32 to vector<16xf32>
    %div3A_504 = arith.divf %div3A_503, %add3A_501 : vector<16xf32>
    %add3A_505 = arith.constant 1.000000e+00 : f32
    %add3A_506 = vector.broadcast %add3A_505 : f32 to vector<16xf32>
    %add3A_507 = arith.addf %add3A_506, %exp3A_495 : vector<16xf32>
    %div3A_508 = arith.divf %exp3A_495, %add3A_507 : vector<16xf32>
    %select_n3A_509 = arith.select %ge3A_498, %div3A_504, %div3A_508 : vector<16xi1>, vector<16xf32>
    %swap3A_510 = arith.constant 192 : index
    %swap3A_511 = tpu.vector_load %arg14[%swap3A_510] {strides = array<i32>} : memref<512xf32, #tpu.memory_space<vmem>>, vector<16xf32>,
    tpu.vector_store %arg14[%swap3A_510], %select_n3A_509 {strides = array<i32>} : memref<512xf32, #tpu.memory_space<vmem>>, vector<16xf32>,
    %add3A_512 = arith.constant 16 : i32
    %add3A_513 = vector.broadcast %add3A_512 : i32 to vector<16xi32>
    %add3A_514 = arith.addi %iota3A, %add3A_513 : vector<16xi32>
    %mul3A_515 = arith.constant 200 : i32
    %mul3A_516 = vector.broadcast %mul3A_515 : i32 to vector<16xi32>
    %mul3A_517 = arith.muli %add3A_514, %mul3A_516 : vector<16xi32>
    %broadcast_in_dim3A_518 = arith.constant 0.000000e+00 : f32
    %broadcast_in_dim3A_519 = vector.broadcast %broadcast_in_dim3A_518 : f32 to vector<16xf32>
    %scan3A_520 = arith.constant 0 : i32
    %scan3A_521 = arith.constant 25 : i32
    %scan3A_522 = arith.addi %scan3A_520, %scan3A_521 : i32
    %scan3A_523 = arith.constant 1 : i32
    %scan3A_524 = scf.for %scan3A_1248 = %scan3A_520 to %scan3A_522 step %scan3A_523 iter_args(%scan3A_1249 = %broadcast_in_dim3A_519) -> (vector<16xf32>)  : i32 {
      %mul3A_1250 = arith.constant 8 : i32
      %mul3A_1251 = arith.muli %scan3A_1248, %mul3A_1250 : i32
      %add3A_1252 = arith.constant 0 : i32
      %add3A_1253 = arith.addi %mul3A_1251, %add3A_1252 : i32
      %add3A_1254 = vector.broadcast %add3A_1253 : i32 to vector<16xi32>
      %add3A_1255 = arith.addi %mul3A_517, %add3A_1254 : vector<16xi32>
      %gather3A = tpu.vector_load_idx %arg12[%add3A_1255] : memref<6400xf32, #tpu.memory_space<vmem>>[vector<16xi32>], vector<16xf32>,
      %add3A_1256 = arith.addf %scan3A_1249, %gather3A : vector<16xf32>
      %add3A_1257 = arith.constant 1 : i32
      %add3A_1258 = arith.addi %mul3A_1251, %add3A_1257 : i32
      %add3A_1259 = vector.broadcast %add3A_1258 : i32 to vector<16xi32>
      %add3A_1260 = arith.addi %mul3A_517, %add3A_1259 : vector<16xi32>
      %gather3A_1261 = tpu.vector_load_idx %arg12[%add3A_1260] : memref<6400xf32, #tpu.memory_space<vmem>>[vector<16xi32>], vector<16xf32>,
      %add3A_1262 = arith.addf %add3A_1256, %gather3A_1261 : vector<16xf32>
      %add3A_1263 = arith.constant 2 : i32
      %add3A_1264 = arith.addi %mul3A_1251, %add3A_1263 : i32
      %add3A_1265 = vector.broadcast %add3A_1264 : i32 to vector<16xi32>
      %add3A_1266 = arith.addi %mul3A_517, %add3A_1265 : vector<16xi32>
      %gather3A_1267 = tpu.vector_load_idx %arg12[%add3A_1266] : memref<6400xf32, #tpu.memory_space<vmem>>[vector<16xi32>], vector<16xf32>,
      %add3A_1268 = arith.addf %add3A_1262, %gather3A_1267 : vector<16xf32>
      %add3A_1269 = arith.constant 3 : i32
      %add3A_1270 = arith.addi %mul3A_1251, %add3A_1269 : i32
      %add3A_1271 = vector.broadcast %add3A_1270 : i32 to vector<16xi32>
      %add3A_1272 = arith.addi %mul3A_517, %add3A_1271 : vector<16xi32>
      %gather3A_1273 = tpu.vector_load_idx %arg12[%add3A_1272] : memref<6400xf32, #tpu.memory_space<vmem>>[vector<16xi32>], vector<16xf32>,
      %add3A_1274 = arith.addf %add3A_1268, %gather3A_1273 : vector<16xf32>
      %add3A_1275 = arith.constant 4 : i32
      %add3A_1276 = arith.addi %mul3A_1251, %add3A_1275 : i32
      %add3A_1277 = vector.broadcast %add3A_1276 : i32 to vector<16xi32>
      %add3A_1278 = arith.addi %mul3A_517, %add3A_1277 : vector<16xi32>
      %gather3A_1279 = tpu.vector_load_idx %arg12[%add3A_1278] : memref<6400xf32, #tpu.memory_space<vmem>>[vector<16xi32>], vector<16xf32>,
      %add3A_1280 = arith.addf %add3A_1274, %gather3A_1279 : vector<16xf32>
      %add3A_1281 = arith.constant 5 : i32
      %add3A_1282 = arith.addi %mul3A_1251, %add3A_1281 : i32
      %add3A_1283 = vector.broadcast %add3A_1282 : i32 to vector<16xi32>
      %add3A_1284 = arith.addi %mul3A_517, %add3A_1283 : vector<16xi32>
      %gather3A_1285 = tpu.vector_load_idx %arg12[%add3A_1284] : memref<6400xf32, #tpu.memory_space<vmem>>[vector<16xi32>], vector<16xf32>,
      %add3A_1286 = arith.addf %add3A_1280, %gather3A_1285 : vector<16xf32>
      %add3A_1287 = arith.constant 6 : i32
      %add3A_1288 = arith.addi %mul3A_1251, %add3A_1287 : i32
      %add3A_1289 = vector.broadcast %add3A_1288 : i32 to vector<16xi32>
      %add3A_1290 = arith.addi %mul3A_517, %add3A_1289 : vector<16xi32>
      %gather3A_1291 = tpu.vector_load_idx %arg12[%add3A_1290] : memref<6400xf32, #tpu.memory_space<vmem>>[vector<16xi32>], vector<16xf32>,
      %add3A_1292 = arith.addf %add3A_1286, %gather3A_1291 : vector<16xf32>
      %add3A_1293 = arith.constant 7 : i32
      %add3A_1294 = arith.addi %mul3A_1251, %add3A_1293 : i32
      %add3A_1295 = vector.broadcast %add3A_1294 : i32 to vector<16xi32>
      %add3A_1296 = arith.addi %mul3A_517, %add3A_1295 : vector<16xi32>
      %gather3A_1297 = tpu.vector_load_idx %arg12[%add3A_1296] : memref<6400xf32, #tpu.memory_space<vmem>>[vector<16xi32>], vector<16xf32>,
      %add3A_1298 = arith.addf %add3A_1292, %gather3A_1297 : vector<16xf32>
      scf.yield %add3A_1298 : vector<16xf32>
    }
    %scan3A_525 = arith.constant 25 : i32
    %add3A_526 = arith.addf %scan3A_524, %get3A_6 : vector<16xf32>
    %abs3A_527 = math.absf %add3A_526 : vector<16xf32>
    %neg3A_528 = arith.constant 0.000000e+00 : f32
    %neg3A_529 = vector.broadcast %neg3A_528 : f32 to vector<16xf32>
    %neg3A_530 = arith.subf %neg3A_529, %abs3A_527 : vector<16xf32>
    %exp3A_531 = math.exp %neg3A_530 : vector<16xf32>
    %ge3A_532 = arith.constant 0.000000e+00 : f32
    %ge3A_533 = vector.broadcast %ge3A_532 : f32 to vector<16xf32>
    %ge3A_534 = arith.cmpf oge, %add3A_526, %ge3A_533 : vector<16xf32>
    %add3A_535 = arith.constant 1.000000e+00 : f32
    %add3A_536 = vector.broadcast %add3A_535 : f32 to vector<16xf32>
    %add3A_537 = arith.addf %add3A_536, %exp3A_531 : vector<16xf32>
    %div3A_538 = arith.constant 1.000000e+00 : f32
    %div3A_539 = vector.broadcast %div3A_538 : f32 to vector<16xf32>
    %div3A_540 = arith.divf %div3A_539, %add3A_537 : vector<16xf32>
    %add3A_541 = arith.constant 1.000000e+00 : f32
    %add3A_542 = vector.broadcast %add3A_541 : f32 to vector<16xf32>
    %add3A_543 = arith.addf %add3A_542, %exp3A_531 : vector<16xf32>
    %div3A_544 = arith.divf %exp3A_531, %add3A_543 : vector<16xf32>
    %select_n3A_545 = arith.select %ge3A_534, %div3A_540, %div3A_544 : vector<16xi1>, vector<16xf32>
    %swap3A_546 = arith.constant 208 : index
    %swap3A_547 = tpu.vector_load %arg14[%swap3A_546] {strides = array<i32>} : memref<512xf32, #tpu.memory_space<vmem>>, vector<16xf32>,
    tpu.vector_store %arg14[%swap3A_546], %select_n3A_545 {strides = array<i32>} : memref<512xf32, #tpu.memory_space<vmem>>, vector<16xf32>,
    %dma_wait3A_548 = arith.constant 0 : i32
    %dma_wait3A_549 = tpu.memref_slice %arg6[%dma_wait3A_548] : memref<1000000xf32, #tpu.memory_space<vmem_shared>> -> memref<1000000xf32, #tpu.memory_space<vmem_shared>>
    tpu.wait_indirect_dma semaphore(%arg20 : memref<!tpu.dma_semaphore, #tpu.memory_space<semaphore_mem>>) src(%dma_wait3A_549 : memref<1000000xf32, #tpu.memory_space<vmem_shared>>) dst(%arg13 : memref<6400xf32, #tpu.memory_space<vmem>>)
    %add3A_550 = arith.constant 51200 : i32
    %add3A_551 = arith.addi %mul3A_8, %add3A_550 : i32
    "tpu.region"() ({
      %run_scoped3A = tpu.sem_alloc : memref<!tpu.dma_semaphore, #tpu.memory_space<semaphore_mem>>
      %dma_start3A_1248 = tpu.memref_slice %arg2[%add3A_551] : memref<3276800xi32, #tpu.memory_space<hbm>> -> memref<6400xi32, #tpu.memory_space<hbm>>
      %dma_start3A_1249 = tpu.memref_slice %arg2[%add3A_551] : memref<3276800xi32, #tpu.memory_space<hbm>> -> memref<6400xi32, #tpu.memory_space<hbm>>
      tpu.enqueue_dma source(%dma_start3A_1249 : memref<6400xi32, #tpu.memory_space<hbm>>) target(%arg10 : memref<6400xi32, #tpu.memory_space<vmem>>) target_semaphore(%run_scoped3A : memref<!tpu.dma_semaphore, #tpu.memory_space<semaphore_mem>>)
      %dma_wait3A_1250 = tpu.memref_slice %arg2[%add3A_551] : memref<3276800xi32, #tpu.memory_space<hbm>> -> memref<6400xi32, #tpu.memory_space<hbm>>
      %dma_wait3A_1251 = tpu.memref_slice %arg2[%add3A_551] : memref<3276800xi32, #tpu.memory_space<hbm>> -> memref<6400xi32, #tpu.memory_space<hbm>>
      tpu.wait_dma2 semaphore(%run_scoped3A : memref<!tpu.dma_semaphore, #tpu.memory_space<semaphore_mem>>) src(%dma_wait3A_1251 : memref<6400xi32, #tpu.memory_space<hbm>>) dst(%arg10 : memref<6400xi32, #tpu.memory_space<vmem>>)
      tpu.yield
    }) : () -> ()
    %dma_start3A_552 = arith.constant 0 : i32
    %dma_start3A_553 = tpu.memref_slice %arg6[%dma_start3A_552] : memref<1000000xf32, #tpu.memory_space<vmem_shared>> -> memref<1000000xf32, #tpu.memory_space<vmem_shared>>
    tpu.enqueue_indirect_dma source(%dma_start3A_553 : memref<1000000xf32, #tpu.memory_space<vmem_shared>>) target(%arg12 : memref<6400xf32, #tpu.memory_space<vmem>>) offsets(%arg10 : memref<6400xi32, #tpu.memory_space<vmem>>) semaphore(%arg19 : memref<!tpu.dma_semaphore, #tpu.memory_space<semaphore_mem>>)
    %add3A_554 = arith.constant 0 : i32
    %add3A_555 = vector.broadcast %add3A_554 : i32 to vector<16xi32>
    %add3A_556 = arith.addi %iota3A, %add3A_555 : vector<16xi32>
    %mul3A_557 = arith.constant 200 : i32
    %mul3A_558 = vector.broadcast %mul3A_557 : i32 to vector<16xi32>
    %mul3A_559 = arith.muli %add3A_556, %mul3A_558 : vector<16xi32>
    %broadcast_in_dim3A_560 = arith.constant 0.000000e+00 : f32
    %broadcast_in_dim3A_561 = vector.broadcast %broadcast_in_dim3A_560 : f32 to vector<16xf32>
    %scan3A_562 = arith.constant 0 : i32
    %scan3A_563 = arith.constant 25 : i32
    %scan3A_564 = arith.addi %scan3A_562, %scan3A_563 : i32
    %scan3A_565 = arith.constant 1 : i32
    %scan3A_566 = scf.for %scan3A_1248 = %scan3A_562 to %scan3A_564 step %scan3A_565 iter_args(%scan3A_1249 = %broadcast_in_dim3A_561) -> (vector<16xf32>)  : i32 {
      %mul3A_1250 = arith.constant 8 : i32
      %mul3A_1251 = arith.muli %scan3A_1248, %mul3A_1250 : i32
      %add3A_1252 = arith.constant 0 : i32
      %add3A_1253 = arith.addi %mul3A_1251, %add3A_1252 : i32
      %add3A_1254 = vector.broadcast %add3A_1253 : i32 to vector<16xi32>
      %add3A_1255 = arith.addi %mul3A_559, %add3A_1254 : vector<16xi32>
      %gather3A = tpu.vector_load_idx %arg13[%add3A_1255] : memref<6400xf32, #tpu.memory_space<vmem>>[vector<16xi32>], vector<16xf32>,
      %add3A_1256 = arith.addf %scan3A_1249, %gather3A : vector<16xf32>
      %add3A_1257 = arith.constant 1 : i32
      %add3A_1258 = arith.addi %mul3A_1251, %add3A_1257 : i32
      %add3A_1259 = vector.broadcast %add3A_1258 : i32 to vector<16xi32>
      %add3A_1260 = arith.addi %mul3A_559, %add3A_1259 : vector<16xi32>
      %gather3A_1261 = tpu.vector_load_idx %arg13[%add3A_1260] : memref<6400xf32, #tpu.memory_space<vmem>>[vector<16xi32>], vector<16xf32>,
      %add3A_1262 = arith.addf %add3A_1256, %gather3A_1261 : vector<16xf32>
      %add3A_1263 = arith.constant 2 : i32
      %add3A_1264 = arith.addi %mul3A_1251, %add3A_1263 : i32
      %add3A_1265 = vector.broadcast %add3A_1264 : i32 to vector<16xi32>
      %add3A_1266 = arith.addi %mul3A_559, %add3A_1265 : vector<16xi32>
      %gather3A_1267 = tpu.vector_load_idx %arg13[%add3A_1266] : memref<6400xf32, #tpu.memory_space<vmem>>[vector<16xi32>], vector<16xf32>,
      %add3A_1268 = arith.addf %add3A_1262, %gather3A_1267 : vector<16xf32>
      %add3A_1269 = arith.constant 3 : i32
      %add3A_1270 = arith.addi %mul3A_1251, %add3A_1269 : i32
      %add3A_1271 = vector.broadcast %add3A_1270 : i32 to vector<16xi32>
      %add3A_1272 = arith.addi %mul3A_559, %add3A_1271 : vector<16xi32>
      %gather3A_1273 = tpu.vector_load_idx %arg13[%add3A_1272] : memref<6400xf32, #tpu.memory_space<vmem>>[vector<16xi32>], vector<16xf32>,
      %add3A_1274 = arith.addf %add3A_1268, %gather3A_1273 : vector<16xf32>
      %add3A_1275 = arith.constant 4 : i32
      %add3A_1276 = arith.addi %mul3A_1251, %add3A_1275 : i32
      %add3A_1277 = vector.broadcast %add3A_1276 : i32 to vector<16xi32>
      %add3A_1278 = arith.addi %mul3A_559, %add3A_1277 : vector<16xi32>
      %gather3A_1279 = tpu.vector_load_idx %arg13[%add3A_1278] : memref<6400xf32, #tpu.memory_space<vmem>>[vector<16xi32>], vector<16xf32>,
      %add3A_1280 = arith.addf %add3A_1274, %gather3A_1279 : vector<16xf32>
      %add3A_1281 = arith.constant 5 : i32
      %add3A_1282 = arith.addi %mul3A_1251, %add3A_1281 : i32
      %add3A_1283 = vector.broadcast %add3A_1282 : i32 to vector<16xi32>
      %add3A_1284 = arith.addi %mul3A_559, %add3A_1283 : vector<16xi32>
      %gather3A_1285 = tpu.vector_load_idx %arg13[%add3A_1284] : memref<6400xf32, #tpu.memory_space<vmem>>[vector<16xi32>], vector<16xf32>,
      %add3A_1286 = arith.addf %add3A_1280, %gather3A_1285 : vector<16xf32>
      %add3A_1287 = arith.constant 6 : i32
      %add3A_1288 = arith.addi %mul3A_1251, %add3A_1287 : i32
      %add3A_1289 = vector.broadcast %add3A_1288 : i32 to vector<16xi32>
      %add3A_1290 = arith.addi %mul3A_559, %add3A_1289 : vector<16xi32>
      %gather3A_1291 = tpu.vector_load_idx %arg13[%add3A_1290] : memref<6400xf32, #tpu.memory_space<vmem>>[vector<16xi32>], vector<16xf32>,
      %add3A_1292 = arith.addf %add3A_1286, %gather3A_1291 : vector<16xf32>
      %add3A_1293 = arith.constant 7 : i32
      %add3A_1294 = arith.addi %mul3A_1251, %add3A_1293 : i32
      %add3A_1295 = vector.broadcast %add3A_1294 : i32 to vector<16xi32>
      %add3A_1296 = arith.addi %mul3A_559, %add3A_1295 : vector<16xi32>
      %gather3A_1297 = tpu.vector_load_idx %arg13[%add3A_1296] : memref<6400xf32, #tpu.memory_space<vmem>>[vector<16xi32>], vector<16xf32>,
      %add3A_1298 = arith.addf %add3A_1292, %gather3A_1297 : vector<16xf32>
      scf.yield %add3A_1298 : vector<16xf32>
    }
    %scan3A_567 = arith.constant 25 : i32
    %add3A_568 = arith.addf %scan3A_566, %get3A_6 : vector<16xf32>
    %abs3A_569 = math.absf %add3A_568 : vector<16xf32>
    %neg3A_570 = arith.constant 0.000000e+00 : f32
    %neg3A_571 = vector.broadcast %neg3A_570 : f32 to vector<16xf32>
    %neg3A_572 = arith.subf %neg3A_571, %abs3A_569 : vector<16xf32>
    %exp3A_573 = math.exp %neg3A_572 : vector<16xf32>
    %ge3A_574 = arith.constant 0.000000e+00 : f32
    %ge3A_575 = vector.broadcast %ge3A_574 : f32 to vector<16xf32>
    %ge3A_576 = arith.cmpf oge, %add3A_568, %ge3A_575 : vector<16xf32>
    %add3A_577 = arith.constant 1.000000e+00 : f32
    %add3A_578 = vector.broadcast %add3A_577 : f32 to vector<16xf32>
    %add3A_579 = arith.addf %add3A_578, %exp3A_573 : vector<16xf32>
    %div3A_580 = arith.constant 1.000000e+00 : f32
    %div3A_581 = vector.broadcast %div3A_580 : f32 to vector<16xf32>
    %div3A_582 = arith.divf %div3A_581, %add3A_579 : vector<16xf32>
    %add3A_583 = arith.constant 1.000000e+00 : f32
    %add3A_584 = vector.broadcast %add3A_583 : f32 to vector<16xf32>
    %add3A_585 = arith.addf %add3A_584, %exp3A_573 : vector<16xf32>
    %div3A_586 = arith.divf %exp3A_573, %add3A_585 : vector<16xf32>
    %select_n3A_587 = arith.select %ge3A_576, %div3A_582, %div3A_586 : vector<16xi1>, vector<16xf32>
    %swap3A_588 = arith.constant 224 : index
    %swap3A_589 = tpu.vector_load %arg14[%swap3A_588] {strides = array<i32>} : memref<512xf32, #tpu.memory_space<vmem>>, vector<16xf32>,
    tpu.vector_store %arg14[%swap3A_588], %select_n3A_587 {strides = array<i32>} : memref<512xf32, #tpu.memory_space<vmem>>, vector<16xf32>,
    %add3A_590 = arith.constant 16 : i32
    %add3A_591 = vector.broadcast %add3A_590 : i32 to vector<16xi32>
    %add3A_592 = arith.addi %iota3A, %add3A_591 : vector<16xi32>
    %mul3A_593 = arith.constant 200 : i32
    %mul3A_594 = vector.broadcast %mul3A_593 : i32 to vector<16xi32>
    %mul3A_595 = arith.muli %add3A_592, %mul3A_594 : vector<16xi32>
    %broadcast_in_dim3A_596 = arith.constant 0.000000e+00 : f32
    %broadcast_in_dim3A_597 = vector.broadcast %broadcast_in_dim3A_596 : f32 to vector<16xf32>
    %scan3A_598 = arith.constant 0 : i32
    %scan3A_599 = arith.constant 25 : i32
    %scan3A_600 = arith.addi %scan3A_598, %scan3A_599 : i32
    %scan3A_601 = arith.constant 1 : i32
    %scan3A_602 = scf.for %scan3A_1248 = %scan3A_598 to %scan3A_600 step %scan3A_601 iter_args(%scan3A_1249 = %broadcast_in_dim3A_597) -> (vector<16xf32>)  : i32 {
      %mul3A_1250 = arith.constant 8 : i32
      %mul3A_1251 = arith.muli %scan3A_1248, %mul3A_1250 : i32
      %add3A_1252 = arith.constant 0 : i32
      %add3A_1253 = arith.addi %mul3A_1251, %add3A_1252 : i32
      %add3A_1254 = vector.broadcast %add3A_1253 : i32 to vector<16xi32>
      %add3A_1255 = arith.addi %mul3A_595, %add3A_1254 : vector<16xi32>
      %gather3A = tpu.vector_load_idx %arg13[%add3A_1255] : memref<6400xf32, #tpu.memory_space<vmem>>[vector<16xi32>], vector<16xf32>,
      %add3A_1256 = arith.addf %scan3A_1249, %gather3A : vector<16xf32>
      %add3A_1257 = arith.constant 1 : i32
      %add3A_1258 = arith.addi %mul3A_1251, %add3A_1257 : i32
      %add3A_1259 = vector.broadcast %add3A_1258 : i32 to vector<16xi32>
      %add3A_1260 = arith.addi %mul3A_595, %add3A_1259 : vector<16xi32>
      %gather3A_1261 = tpu.vector_load_idx %arg13[%add3A_1260] : memref<6400xf32, #tpu.memory_space<vmem>>[vector<16xi32>], vector<16xf32>,
      %add3A_1262 = arith.addf %add3A_1256, %gather3A_1261 : vector<16xf32>
      %add3A_1263 = arith.constant 2 : i32
      %add3A_1264 = arith.addi %mul3A_1251, %add3A_1263 : i32
      %add3A_1265 = vector.broadcast %add3A_1264 : i32 to vector<16xi32>
      %add3A_1266 = arith.addi %mul3A_595, %add3A_1265 : vector<16xi32>
      %gather3A_1267 = tpu.vector_load_idx %arg13[%add3A_1266] : memref<6400xf32, #tpu.memory_space<vmem>>[vector<16xi32>], vector<16xf32>,
      %add3A_1268 = arith.addf %add3A_1262, %gather3A_1267 : vector<16xf32>
      %add3A_1269 = arith.constant 3 : i32
      %add3A_1270 = arith.addi %mul3A_1251, %add3A_1269 : i32
      %add3A_1271 = vector.broadcast %add3A_1270 : i32 to vector<16xi32>
      %add3A_1272 = arith.addi %mul3A_595, %add3A_1271 : vector<16xi32>
      %gather3A_1273 = tpu.vector_load_idx %arg13[%add3A_1272] : memref<6400xf32, #tpu.memory_space<vmem>>[vector<16xi32>], vector<16xf32>,
      %add3A_1274 = arith.addf %add3A_1268, %gather3A_1273 : vector<16xf32>
      %add3A_1275 = arith.constant 4 : i32
      %add3A_1276 = arith.addi %mul3A_1251, %add3A_1275 : i32
      %add3A_1277 = vector.broadcast %add3A_1276 : i32 to vector<16xi32>
      %add3A_1278 = arith.addi %mul3A_595, %add3A_1277 : vector<16xi32>
      %gather3A_1279 = tpu.vector_load_idx %arg13[%add3A_1278] : memref<6400xf32, #tpu.memory_space<vmem>>[vector<16xi32>], vector<16xf32>,
      %add3A_1280 = arith.addf %add3A_1274, %gather3A_1279 : vector<16xf32>
      %add3A_1281 = arith.constant 5 : i32
      %add3A_1282 = arith.addi %mul3A_1251, %add3A_1281 : i32
      %add3A_1283 = vector.broadcast %add3A_1282 : i32 to vector<16xi32>
      %add3A_1284 = arith.addi %mul3A_595, %add3A_1283 : vector<16xi32>
      %gather3A_1285 = tpu.vector_load_idx %arg13[%add3A_1284] : memref<6400xf32, #tpu.memory_space<vmem>>[vector<16xi32>], vector<16xf32>,
      %add3A_1286 = arith.addf %add3A_1280, %gather3A_1285 : vector<16xf32>
      %add3A_1287 = arith.constant 6 : i32
      %add3A_1288 = arith.addi %mul3A_1251, %add3A_1287 : i32
      %add3A_1289 = vector.broadcast %add3A_1288 : i32 to vector<16xi32>
      %add3A_1290 = arith.addi %mul3A_595, %add3A_1289 : vector<16xi32>
      %gather3A_1291 = tpu.vector_load_idx %arg13[%add3A_1290] : memref<6400xf32, #tpu.memory_space<vmem>>[vector<16xi32>], vector<16xf32>,
      %add3A_1292 = arith.addf %add3A_1286, %gather3A_1291 : vector<16xf32>
      %add3A_1293 = arith.constant 7 : i32
      %add3A_1294 = arith.addi %mul3A_1251, %add3A_1293 : i32
      %add3A_1295 = vector.broadcast %add3A_1294 : i32 to vector<16xi32>
      %add3A_1296 = arith.addi %mul3A_595, %add3A_1295 : vector<16xi32>
      %gather3A_1297 = tpu.vector_load_idx %arg13[%add3A_1296] : memref<6400xf32, #tpu.memory_space<vmem>>[vector<16xi32>], vector<16xf32>,
      %add3A_1298 = arith.addf %add3A_1292, %gather3A_1297 : vector<16xf32>
      scf.yield %add3A_1298 : vector<16xf32>
    }
    %scan3A_603 = arith.constant 25 : i32
    %add3A_604 = arith.addf %scan3A_602, %get3A_6 : vector<16xf32>
    %abs3A_605 = math.absf %add3A_604 : vector<16xf32>
    %neg3A_606 = arith.constant 0.000000e+00 : f32
    %neg3A_607 = vector.broadcast %neg3A_606 : f32 to vector<16xf32>
    %neg3A_608 = arith.subf %neg3A_607, %abs3A_605 : vector<16xf32>
    %exp3A_609 = math.exp %neg3A_608 : vector<16xf32>
    %ge3A_610 = arith.constant 0.000000e+00 : f32
    %ge3A_611 = vector.broadcast %ge3A_610 : f32 to vector<16xf32>
    %ge3A_612 = arith.cmpf oge, %add3A_604, %ge3A_611 : vector<16xf32>
    %add3A_613 = arith.constant 1.000000e+00 : f32
    %add3A_614 = vector.broadcast %add3A_613 : f32 to vector<16xf32>
    %add3A_615 = arith.addf %add3A_614, %exp3A_609 : vector<16xf32>
    %div3A_616 = arith.constant 1.000000e+00 : f32
    %div3A_617 = vector.broadcast %div3A_616 : f32 to vector<16xf32>
    %div3A_618 = arith.divf %div3A_617, %add3A_615 : vector<16xf32>
    %add3A_619 = arith.constant 1.000000e+00 : f32
    %add3A_620 = vector.broadcast %add3A_619 : f32 to vector<16xf32>
    %add3A_621 = arith.addf %add3A_620, %exp3A_609 : vector<16xf32>
    %div3A_622 = arith.divf %exp3A_609, %add3A_621 : vector<16xf32>
    %select_n3A_623 = arith.select %ge3A_612, %div3A_618, %div3A_622 : vector<16xi1>, vector<16xf32>
    %swap3A_624 = arith.constant 240 : index
    %swap3A_625 = tpu.vector_load %arg14[%swap3A_624] {strides = array<i32>} : memref<512xf32, #tpu.memory_space<vmem>>, vector<16xf32>,
    tpu.vector_store %arg14[%swap3A_624], %select_n3A_623 {strides = array<i32>} : memref<512xf32, #tpu.memory_space<vmem>>, vector<16xf32>,
    %dma_wait3A_626 = arith.constant 0 : i32
    %dma_wait3A_627 = tpu.memref_slice %arg6[%dma_wait3A_626] : memref<1000000xf32, #tpu.memory_space<vmem_shared>> -> memref<1000000xf32, #tpu.memory_space<vmem_shared>>
    tpu.wait_indirect_dma semaphore(%arg19 : memref<!tpu.dma_semaphore, #tpu.memory_space<semaphore_mem>>) src(%dma_wait3A_627 : memref<1000000xf32, #tpu.memory_space<vmem_shared>>) dst(%arg12 : memref<6400xf32, #tpu.memory_space<vmem>>)
    %add3A_628 = arith.constant 57600 : i32
    %add3A_629 = arith.addi %mul3A_8, %add3A_628 : i32
    "tpu.region"() ({
      %run_scoped3A = tpu.sem_alloc : memref<!tpu.dma_semaphore, #tpu.memory_space<semaphore_mem>>
      %dma_start3A_1248 = tpu.memref_slice %arg2[%add3A_629] : memref<3276800xi32, #tpu.memory_space<hbm>> -> memref<6400xi32, #tpu.memory_space<hbm>>
      %dma_start3A_1249 = tpu.memref_slice %arg2[%add3A_629] : memref<3276800xi32, #tpu.memory_space<hbm>> -> memref<6400xi32, #tpu.memory_space<hbm>>
      tpu.enqueue_dma source(%dma_start3A_1249 : memref<6400xi32, #tpu.memory_space<hbm>>) target(%arg11 : memref<6400xi32, #tpu.memory_space<vmem>>) target_semaphore(%run_scoped3A : memref<!tpu.dma_semaphore, #tpu.memory_space<semaphore_mem>>)
      %dma_wait3A_1250 = tpu.memref_slice %arg2[%add3A_629] : memref<3276800xi32, #tpu.memory_space<hbm>> -> memref<6400xi32, #tpu.memory_space<hbm>>
      %dma_wait3A_1251 = tpu.memref_slice %arg2[%add3A_629] : memref<3276800xi32, #tpu.memory_space<hbm>> -> memref<6400xi32, #tpu.memory_space<hbm>>
      tpu.wait_dma2 semaphore(%run_scoped3A : memref<!tpu.dma_semaphore, #tpu.memory_space<semaphore_mem>>) src(%dma_wait3A_1251 : memref<6400xi32, #tpu.memory_space<hbm>>) dst(%arg11 : memref<6400xi32, #tpu.memory_space<vmem>>)
      tpu.yield
    }) : () -> ()
    %dma_start3A_630 = arith.constant 0 : i32
    %dma_start3A_631 = tpu.memref_slice %arg6[%dma_start3A_630] : memref<1000000xf32, #tpu.memory_space<vmem_shared>> -> memref<1000000xf32, #tpu.memory_space<vmem_shared>>
    tpu.enqueue_indirect_dma source(%dma_start3A_631 : memref<1000000xf32, #tpu.memory_space<vmem_shared>>) target(%arg13 : memref<6400xf32, #tpu.memory_space<vmem>>) offsets(%arg11 : memref<6400xi32, #tpu.memory_space<vmem>>) semaphore(%arg20 : memref<!tpu.dma_semaphore, #tpu.memory_space<semaphore_mem>>)
    %add3A_632 = arith.constant 0 : i32
    %add3A_633 = vector.broadcast %add3A_632 : i32 to vector<16xi32>
    %add3A_634 = arith.addi %iota3A, %add3A_633 : vector<16xi32>
    %mul3A_635 = arith.constant 200 : i32
    %mul3A_636 = vector.broadcast %mul3A_635 : i32 to vector<16xi32>
    %mul3A_637 = arith.muli %add3A_634, %mul3A_636 : vector<16xi32>
    %broadcast_in_dim3A_638 = arith.constant 0.000000e+00 : f32
    %broadcast_in_dim3A_639 = vector.broadcast %broadcast_in_dim3A_638 : f32 to vector<16xf32>
    %scan3A_640 = arith.constant 0 : i32
    %scan3A_641 = arith.constant 25 : i32
    %scan3A_642 = arith.addi %scan3A_640, %scan3A_641 : i32
    %scan3A_643 = arith.constant 1 : i32
    %scan3A_644 = scf.for %scan3A_1248 = %scan3A_640 to %scan3A_642 step %scan3A_643 iter_args(%scan3A_1249 = %broadcast_in_dim3A_639) -> (vector<16xf32>)  : i32 {
      %mul3A_1250 = arith.constant 8 : i32
      %mul3A_1251 = arith.muli %scan3A_1248, %mul3A_1250 : i32
      %add3A_1252 = arith.constant 0 : i32
      %add3A_1253 = arith.addi %mul3A_1251, %add3A_1252 : i32
      %add3A_1254 = vector.broadcast %add3A_1253 : i32 to vector<16xi32>
      %add3A_1255 = arith.addi %mul3A_637, %add3A_1254 : vector<16xi32>
      %gather3A = tpu.vector_load_idx %arg12[%add3A_1255] : memref<6400xf32, #tpu.memory_space<vmem>>[vector<16xi32>], vector<16xf32>,
      %add3A_1256 = arith.addf %scan3A_1249, %gather3A : vector<16xf32>
      %add3A_1257 = arith.constant 1 : i32
      %add3A_1258 = arith.addi %mul3A_1251, %add3A_1257 : i32
      %add3A_1259 = vector.broadcast %add3A_1258 : i32 to vector<16xi32>
      %add3A_1260 = arith.addi %mul3A_637, %add3A_1259 : vector<16xi32>
      %gather3A_1261 = tpu.vector_load_idx %arg12[%add3A_1260] : memref<6400xf32, #tpu.memory_space<vmem>>[vector<16xi32>], vector<16xf32>,
      %add3A_1262 = arith.addf %add3A_1256, %gather3A_1261 : vector<16xf32>
      %add3A_1263 = arith.constant 2 : i32
      %add3A_1264 = arith.addi %mul3A_1251, %add3A_1263 : i32
      %add3A_1265 = vector.broadcast %add3A_1264 : i32 to vector<16xi32>
      %add3A_1266 = arith.addi %mul3A_637, %add3A_1265 : vector<16xi32>
      %gather3A_1267 = tpu.vector_load_idx %arg12[%add3A_1266] : memref<6400xf32, #tpu.memory_space<vmem>>[vector<16xi32>], vector<16xf32>,
      %add3A_1268 = arith.addf %add3A_1262, %gather3A_1267 : vector<16xf32>
      %add3A_1269 = arith.constant 3 : i32
      %add3A_1270 = arith.addi %mul3A_1251, %add3A_1269 : i32
      %add3A_1271 = vector.broadcast %add3A_1270 : i32 to vector<16xi32>
      %add3A_1272 = arith.addi %mul3A_637, %add3A_1271 : vector<16xi32>
      %gather3A_1273 = tpu.vector_load_idx %arg12[%add3A_1272] : memref<6400xf32, #tpu.memory_space<vmem>>[vector<16xi32>], vector<16xf32>,
      %add3A_1274 = arith.addf %add3A_1268, %gather3A_1273 : vector<16xf32>
      %add3A_1275 = arith.constant 4 : i32
      %add3A_1276 = arith.addi %mul3A_1251, %add3A_1275 : i32
      %add3A_1277 = vector.broadcast %add3A_1276 : i32 to vector<16xi32>
      %add3A_1278 = arith.addi %mul3A_637, %add3A_1277 : vector<16xi32>
      %gather3A_1279 = tpu.vector_load_idx %arg12[%add3A_1278] : memref<6400xf32, #tpu.memory_space<vmem>>[vector<16xi32>], vector<16xf32>,
      %add3A_1280 = arith.addf %add3A_1274, %gather3A_1279 : vector<16xf32>
      %add3A_1281 = arith.constant 5 : i32
      %add3A_1282 = arith.addi %mul3A_1251, %add3A_1281 : i32
      %add3A_1283 = vector.broadcast %add3A_1282 : i32 to vector<16xi32>
      %add3A_1284 = arith.addi %mul3A_637, %add3A_1283 : vector<16xi32>
      %gather3A_1285 = tpu.vector_load_idx %arg12[%add3A_1284] : memref<6400xf32, #tpu.memory_space<vmem>>[vector<16xi32>], vector<16xf32>,
      %add3A_1286 = arith.addf %add3A_1280, %gather3A_1285 : vector<16xf32>
      %add3A_1287 = arith.constant 6 : i32
      %add3A_1288 = arith.addi %mul3A_1251, %add3A_1287 : i32
      %add3A_1289 = vector.broadcast %add3A_1288 : i32 to vector<16xi32>
      %add3A_1290 = arith.addi %mul3A_637, %add3A_1289 : vector<16xi32>
      %gather3A_1291 = tpu.vector_load_idx %arg12[%add3A_1290] : memref<6400xf32, #tpu.memory_space<vmem>>[vector<16xi32>], vector<16xf32>,
      %add3A_1292 = arith.addf %add3A_1286, %gather3A_1291 : vector<16xf32>
      %add3A_1293 = arith.constant 7 : i32
      %add3A_1294 = arith.addi %mul3A_1251, %add3A_1293 : i32
      %add3A_1295 = vector.broadcast %add3A_1294 : i32 to vector<16xi32>
      %add3A_1296 = arith.addi %mul3A_637, %add3A_1295 : vector<16xi32>
      %gather3A_1297 = tpu.vector_load_idx %arg12[%add3A_1296] : memref<6400xf32, #tpu.memory_space<vmem>>[vector<16xi32>], vector<16xf32>,
      %add3A_1298 = arith.addf %add3A_1292, %gather3A_1297 : vector<16xf32>
      scf.yield %add3A_1298 : vector<16xf32>
    }
    %scan3A_645 = arith.constant 25 : i32
    %add3A_646 = arith.addf %scan3A_644, %get3A_6 : vector<16xf32>
    %abs3A_647 = math.absf %add3A_646 : vector<16xf32>
    %neg3A_648 = arith.constant 0.000000e+00 : f32
    %neg3A_649 = vector.broadcast %neg3A_648 : f32 to vector<16xf32>
    %neg3A_650 = arith.subf %neg3A_649, %abs3A_647 : vector<16xf32>
    %exp3A_651 = math.exp %neg3A_650 : vector<16xf32>
    %ge3A_652 = arith.constant 0.000000e+00 : f32
    %ge3A_653 = vector.broadcast %ge3A_652 : f32 to vector<16xf32>
    %ge3A_654 = arith.cmpf oge, %add3A_646, %ge3A_653 : vector<16xf32>
    %add3A_655 = arith.constant 1.000000e+00 : f32
    %add3A_656 = vector.broadcast %add3A_655 : f32 to vector<16xf32>
    %add3A_657 = arith.addf %add3A_656, %exp3A_651 : vector<16xf32>
    %div3A_658 = arith.constant 1.000000e+00 : f32
    %div3A_659 = vector.broadcast %div3A_658 : f32 to vector<16xf32>
    %div3A_660 = arith.divf %div3A_659, %add3A_657 : vector<16xf32>
    %add3A_661 = arith.constant 1.000000e+00 : f32
    %add3A_662 = vector.broadcast %add3A_661 : f32 to vector<16xf32>
    %add3A_663 = arith.addf %add3A_662, %exp3A_651 : vector<16xf32>
    %div3A_664 = arith.divf %exp3A_651, %add3A_663 : vector<16xf32>
    %select_n3A_665 = arith.select %ge3A_654, %div3A_660, %div3A_664 : vector<16xi1>, vector<16xf32>
    %swap3A_666 = arith.constant 256 : index
    %swap3A_667 = tpu.vector_load %arg14[%swap3A_666] {strides = array<i32>} : memref<512xf32, #tpu.memory_space<vmem>>, vector<16xf32>,
    tpu.vector_store %arg14[%swap3A_666], %select_n3A_665 {strides = array<i32>} : memref<512xf32, #tpu.memory_space<vmem>>, vector<16xf32>,
    %add3A_668 = arith.constant 16 : i32
    %add3A_669 = vector.broadcast %add3A_668 : i32 to vector<16xi32>
    %add3A_670 = arith.addi %iota3A, %add3A_669 : vector<16xi32>
    %mul3A_671 = arith.constant 200 : i32
    %mul3A_672 = vector.broadcast %mul3A_671 : i32 to vector<16xi32>
    %mul3A_673 = arith.muli %add3A_670, %mul3A_672 : vector<16xi32>
    %broadcast_in_dim3A_674 = arith.constant 0.000000e+00 : f32
    %broadcast_in_dim3A_675 = vector.broadcast %broadcast_in_dim3A_674 : f32 to vector<16xf32>
    %scan3A_676 = arith.constant 0 : i32
    %scan3A_677 = arith.constant 25 : i32
    %scan3A_678 = arith.addi %scan3A_676, %scan3A_677 : i32
    %scan3A_679 = arith.constant 1 : i32
    %scan3A_680 = scf.for %scan3A_1248 = %scan3A_676 to %scan3A_678 step %scan3A_679 iter_args(%scan3A_1249 = %broadcast_in_dim3A_675) -> (vector<16xf32>)  : i32 {
      %mul3A_1250 = arith.constant 8 : i32
      %mul3A_1251 = arith.muli %scan3A_1248, %mul3A_1250 : i32
      %add3A_1252 = arith.constant 0 : i32
      %add3A_1253 = arith.addi %mul3A_1251, %add3A_1252 : i32
      %add3A_1254 = vector.broadcast %add3A_1253 : i32 to vector<16xi32>
      %add3A_1255 = arith.addi %mul3A_673, %add3A_1254 : vector<16xi32>
      %gather3A = tpu.vector_load_idx %arg12[%add3A_1255] : memref<6400xf32, #tpu.memory_space<vmem>>[vector<16xi32>], vector<16xf32>,
      %add3A_1256 = arith.addf %scan3A_1249, %gather3A : vector<16xf32>
      %add3A_1257 = arith.constant 1 : i32
      %add3A_1258 = arith.addi %mul3A_1251, %add3A_1257 : i32
      %add3A_1259 = vector.broadcast %add3A_1258 : i32 to vector<16xi32>
      %add3A_1260 = arith.addi %mul3A_673, %add3A_1259 : vector<16xi32>
      %gather3A_1261 = tpu.vector_load_idx %arg12[%add3A_1260] : memref<6400xf32, #tpu.memory_space<vmem>>[vector<16xi32>], vector<16xf32>,
      %add3A_1262 = arith.addf %add3A_1256, %gather3A_1261 : vector<16xf32>
      %add3A_1263 = arith.constant 2 : i32
      %add3A_1264 = arith.addi %mul3A_1251, %add3A_1263 : i32
      %add3A_1265 = vector.broadcast %add3A_1264 : i32 to vector<16xi32>
      %add3A_1266 = arith.addi %mul3A_673, %add3A_1265 : vector<16xi32>
      %gather3A_1267 = tpu.vector_load_idx %arg12[%add3A_1266] : memref<6400xf32, #tpu.memory_space<vmem>>[vector<16xi32>], vector<16xf32>,
      %add3A_1268 = arith.addf %add3A_1262, %gather3A_1267 : vector<16xf32>
      %add3A_1269 = arith.constant 3 : i32
      %add3A_1270 = arith.addi %mul3A_1251, %add3A_1269 : i32
      %add3A_1271 = vector.broadcast %add3A_1270 : i32 to vector<16xi32>
      %add3A_1272 = arith.addi %mul3A_673, %add3A_1271 : vector<16xi32>
      %gather3A_1273 = tpu.vector_load_idx %arg12[%add3A_1272] : memref<6400xf32, #tpu.memory_space<vmem>>[vector<16xi32>], vector<16xf32>,
      %add3A_1274 = arith.addf %add3A_1268, %gather3A_1273 : vector<16xf32>
      %add3A_1275 = arith.constant 4 : i32
      %add3A_1276 = arith.addi %mul3A_1251, %add3A_1275 : i32
      %add3A_1277 = vector.broadcast %add3A_1276 : i32 to vector<16xi32>
      %add3A_1278 = arith.addi %mul3A_673, %add3A_1277 : vector<16xi32>
      %gather3A_1279 = tpu.vector_load_idx %arg12[%add3A_1278] : memref<6400xf32, #tpu.memory_space<vmem>>[vector<16xi32>], vector<16xf32>,
      %add3A_1280 = arith.addf %add3A_1274, %gather3A_1279 : vector<16xf32>
      %add3A_1281 = arith.constant 5 : i32
      %add3A_1282 = arith.addi %mul3A_1251, %add3A_1281 : i32
      %add3A_1283 = vector.broadcast %add3A_1282 : i32 to vector<16xi32>
      %add3A_1284 = arith.addi %mul3A_673, %add3A_1283 : vector<16xi32>
      %gather3A_1285 = tpu.vector_load_idx %arg12[%add3A_1284] : memref<6400xf32, #tpu.memory_space<vmem>>[vector<16xi32>], vector<16xf32>,
      %add3A_1286 = arith.addf %add3A_1280, %gather3A_1285 : vector<16xf32>
      %add3A_1287 = arith.constant 6 : i32
      %add3A_1288 = arith.addi %mul3A_1251, %add3A_1287 : i32
      %add3A_1289 = vector.broadcast %add3A_1288 : i32 to vector<16xi32>
      %add3A_1290 = arith.addi %mul3A_673, %add3A_1289 : vector<16xi32>
      %gather3A_1291 = tpu.vector_load_idx %arg12[%add3A_1290] : memref<6400xf32, #tpu.memory_space<vmem>>[vector<16xi32>], vector<16xf32>,
      %add3A_1292 = arith.addf %add3A_1286, %gather3A_1291 : vector<16xf32>
      %add3A_1293 = arith.constant 7 : i32
      %add3A_1294 = arith.addi %mul3A_1251, %add3A_1293 : i32
      %add3A_1295 = vector.broadcast %add3A_1294 : i32 to vector<16xi32>
      %add3A_1296 = arith.addi %mul3A_673, %add3A_1295 : vector<16xi32>
      %gather3A_1297 = tpu.vector_load_idx %arg12[%add3A_1296] : memref<6400xf32, #tpu.memory_space<vmem>>[vector<16xi32>], vector<16xf32>,
      %add3A_1298 = arith.addf %add3A_1292, %gather3A_1297 : vector<16xf32>
      scf.yield %add3A_1298 : vector<16xf32>
    }
    %scan3A_681 = arith.constant 25 : i32
    %add3A_682 = arith.addf %scan3A_680, %get3A_6 : vector<16xf32>
    %abs3A_683 = math.absf %add3A_682 : vector<16xf32>
    %neg3A_684 = arith.constant 0.000000e+00 : f32
    %neg3A_685 = vector.broadcast %neg3A_684 : f32 to vector<16xf32>
    %neg3A_686 = arith.subf %neg3A_685, %abs3A_683 : vector<16xf32>
    %exp3A_687 = math.exp %neg3A_686 : vector<16xf32>
    %ge3A_688 = arith.constant 0.000000e+00 : f32
    %ge3A_689 = vector.broadcast %ge3A_688 : f32 to vector<16xf32>
    %ge3A_690 = arith.cmpf oge, %add3A_682, %ge3A_689 : vector<16xf32>
    %add3A_691 = arith.constant 1.000000e+00 : f32
    %add3A_692 = vector.broadcast %add3A_691 : f32 to vector<16xf32>
    %add3A_693 = arith.addf %add3A_692, %exp3A_687 : vector<16xf32>
    %div3A_694 = arith.constant 1.000000e+00 : f32
    %div3A_695 = vector.broadcast %div3A_694 : f32 to vector<16xf32>
    %div3A_696 = arith.divf %div3A_695, %add3A_693 : vector<16xf32>
    %add3A_697 = arith.constant 1.000000e+00 : f32
    %add3A_698 = vector.broadcast %add3A_697 : f32 to vector<16xf32>
    %add3A_699 = arith.addf %add3A_698, %exp3A_687 : vector<16xf32>
    %div3A_700 = arith.divf %exp3A_687, %add3A_699 : vector<16xf32>
    %select_n3A_701 = arith.select %ge3A_690, %div3A_696, %div3A_700 : vector<16xi1>, vector<16xf32>
    %swap3A_702 = arith.constant 272 : index
    %swap3A_703 = tpu.vector_load %arg14[%swap3A_702] {strides = array<i32>} : memref<512xf32, #tpu.memory_space<vmem>>, vector<16xf32>,
    tpu.vector_store %arg14[%swap3A_702], %select_n3A_701 {strides = array<i32>} : memref<512xf32, #tpu.memory_space<vmem>>, vector<16xf32>,
    %dma_wait3A_704 = arith.constant 0 : i32
    %dma_wait3A_705 = tpu.memref_slice %arg6[%dma_wait3A_704] : memref<1000000xf32, #tpu.memory_space<vmem_shared>> -> memref<1000000xf32, #tpu.memory_space<vmem_shared>>
    tpu.wait_indirect_dma semaphore(%arg20 : memref<!tpu.dma_semaphore, #tpu.memory_space<semaphore_mem>>) src(%dma_wait3A_705 : memref<1000000xf32, #tpu.memory_space<vmem_shared>>) dst(%arg13 : memref<6400xf32, #tpu.memory_space<vmem>>)
    %add3A_706 = arith.constant 64000 : i32
    %add3A_707 = arith.addi %mul3A_8, %add3A_706 : i32
    "tpu.region"() ({
      %run_scoped3A = tpu.sem_alloc : memref<!tpu.dma_semaphore, #tpu.memory_space<semaphore_mem>>
      %dma_start3A_1248 = tpu.memref_slice %arg2[%add3A_707] : memref<3276800xi32, #tpu.memory_space<hbm>> -> memref<6400xi32, #tpu.memory_space<hbm>>
      %dma_start3A_1249 = tpu.memref_slice %arg2[%add3A_707] : memref<3276800xi32, #tpu.memory_space<hbm>> -> memref<6400xi32, #tpu.memory_space<hbm>>
      tpu.enqueue_dma source(%dma_start3A_1249 : memref<6400xi32, #tpu.memory_space<hbm>>) target(%arg10 : memref<6400xi32, #tpu.memory_space<vmem>>) target_semaphore(%run_scoped3A : memref<!tpu.dma_semaphore, #tpu.memory_space<semaphore_mem>>)
      %dma_wait3A_1250 = tpu.memref_slice %arg2[%add3A_707] : memref<3276800xi32, #tpu.memory_space<hbm>> -> memref<6400xi32, #tpu.memory_space<hbm>>
      %dma_wait3A_1251 = tpu.memref_slice %arg2[%add3A_707] : memref<3276800xi32, #tpu.memory_space<hbm>> -> memref<6400xi32, #tpu.memory_space<hbm>>
      tpu.wait_dma2 semaphore(%run_scoped3A : memref<!tpu.dma_semaphore, #tpu.memory_space<semaphore_mem>>) src(%dma_wait3A_1251 : memref<6400xi32, #tpu.memory_space<hbm>>) dst(%arg10 : memref<6400xi32, #tpu.memory_space<vmem>>)
      tpu.yield
    }) : () -> ()
    %dma_start3A_708 = arith.constant 0 : i32
    %dma_start3A_709 = tpu.memref_slice %arg6[%dma_start3A_708] : memref<1000000xf32, #tpu.memory_space<vmem_shared>> -> memref<1000000xf32, #tpu.memory_space<vmem_shared>>
    tpu.enqueue_indirect_dma source(%dma_start3A_709 : memref<1000000xf32, #tpu.memory_space<vmem_shared>>) target(%arg12 : memref<6400xf32, #tpu.memory_space<vmem>>) offsets(%arg10 : memref<6400xi32, #tpu.memory_space<vmem>>) semaphore(%arg19 : memref<!tpu.dma_semaphore, #tpu.memory_space<semaphore_mem>>)
    %add3A_710 = arith.constant 0 : i32
    %add3A_711 = vector.broadcast %add3A_710 : i32 to vector<16xi32>
    %add3A_712 = arith.addi %iota3A, %add3A_711 : vector<16xi32>
    %mul3A_713 = arith.constant 200 : i32
    %mul3A_714 = vector.broadcast %mul3A_713 : i32 to vector<16xi32>
    %mul3A_715 = arith.muli %add3A_712, %mul3A_714 : vector<16xi32>
    %broadcast_in_dim3A_716 = arith.constant 0.000000e+00 : f32
    %broadcast_in_dim3A_717 = vector.broadcast %broadcast_in_dim3A_716 : f32 to vector<16xf32>
    %scan3A_718 = arith.constant 0 : i32
    %scan3A_719 = arith.constant 25 : i32
    %scan3A_720 = arith.addi %scan3A_718, %scan3A_719 : i32
    %scan3A_721 = arith.constant 1 : i32
    %scan3A_722 = scf.for %scan3A_1248 = %scan3A_718 to %scan3A_720 step %scan3A_721 iter_args(%scan3A_1249 = %broadcast_in_dim3A_717) -> (vector<16xf32>)  : i32 {
      %mul3A_1250 = arith.constant 8 : i32
      %mul3A_1251 = arith.muli %scan3A_1248, %mul3A_1250 : i32
      %add3A_1252 = arith.constant 0 : i32
      %add3A_1253 = arith.addi %mul3A_1251, %add3A_1252 : i32
      %add3A_1254 = vector.broadcast %add3A_1253 : i32 to vector<16xi32>
      %add3A_1255 = arith.addi %mul3A_715, %add3A_1254 : vector<16xi32>
      %gather3A = tpu.vector_load_idx %arg13[%add3A_1255] : memref<6400xf32, #tpu.memory_space<vmem>>[vector<16xi32>], vector<16xf32>,
      %add3A_1256 = arith.addf %scan3A_1249, %gather3A : vector<16xf32>
      %add3A_1257 = arith.constant 1 : i32
      %add3A_1258 = arith.addi %mul3A_1251, %add3A_1257 : i32
      %add3A_1259 = vector.broadcast %add3A_1258 : i32 to vector<16xi32>
      %add3A_1260 = arith.addi %mul3A_715, %add3A_1259 : vector<16xi32>
      %gather3A_1261 = tpu.vector_load_idx %arg13[%add3A_1260] : memref<6400xf32, #tpu.memory_space<vmem>>[vector<16xi32>], vector<16xf32>,
      %add3A_1262 = arith.addf %add3A_1256, %gather3A_1261 : vector<16xf32>
      %add3A_1263 = arith.constant 2 : i32
      %add3A_1264 = arith.addi %mul3A_1251, %add3A_1263 : i32
      %add3A_1265 = vector.broadcast %add3A_1264 : i32 to vector<16xi32>
      %add3A_1266 = arith.addi %mul3A_715, %add3A_1265 : vector<16xi32>
      %gather3A_1267 = tpu.vector_load_idx %arg13[%add3A_1266] : memref<6400xf32, #tpu.memory_space<vmem>>[vector<16xi32>], vector<16xf32>,
      %add3A_1268 = arith.addf %add3A_1262, %gather3A_1267 : vector<16xf32>
      %add3A_1269 = arith.constant 3 : i32
      %add3A_1270 = arith.addi %mul3A_1251, %add3A_1269 : i32
      %add3A_1271 = vector.broadcast %add3A_1270 : i32 to vector<16xi32>
      %add3A_1272 = arith.addi %mul3A_715, %add3A_1271 : vector<16xi32>
      %gather3A_1273 = tpu.vector_load_idx %arg13[%add3A_1272] : memref<6400xf32, #tpu.memory_space<vmem>>[vector<16xi32>], vector<16xf32>,
      %add3A_1274 = arith.addf %add3A_1268, %gather3A_1273 : vector<16xf32>
      %add3A_1275 = arith.constant 4 : i32
      %add3A_1276 = arith.addi %mul3A_1251, %add3A_1275 : i32
      %add3A_1277 = vector.broadcast %add3A_1276 : i32 to vector<16xi32>
      %add3A_1278 = arith.addi %mul3A_715, %add3A_1277 : vector<16xi32>
      %gather3A_1279 = tpu.vector_load_idx %arg13[%add3A_1278] : memref<6400xf32, #tpu.memory_space<vmem>>[vector<16xi32>], vector<16xf32>,
      %add3A_1280 = arith.addf %add3A_1274, %gather3A_1279 : vector<16xf32>
      %add3A_1281 = arith.constant 5 : i32
      %add3A_1282 = arith.addi %mul3A_1251, %add3A_1281 : i32
      %add3A_1283 = vector.broadcast %add3A_1282 : i32 to vector<16xi32>
      %add3A_1284 = arith.addi %mul3A_715, %add3A_1283 : vector<16xi32>
      %gather3A_1285 = tpu.vector_load_idx %arg13[%add3A_1284] : memref<6400xf32, #tpu.memory_space<vmem>>[vector<16xi32>], vector<16xf32>,
      %add3A_1286 = arith.addf %add3A_1280, %gather3A_1285 : vector<16xf32>
      %add3A_1287 = arith.constant 6 : i32
      %add3A_1288 = arith.addi %mul3A_1251, %add3A_1287 : i32
      %add3A_1289 = vector.broadcast %add3A_1288 : i32 to vector<16xi32>
      %add3A_1290 = arith.addi %mul3A_715, %add3A_1289 : vector<16xi32>
      %gather3A_1291 = tpu.vector_load_idx %arg13[%add3A_1290] : memref<6400xf32, #tpu.memory_space<vmem>>[vector<16xi32>], vector<16xf32>,
      %add3A_1292 = arith.addf %add3A_1286, %gather3A_1291 : vector<16xf32>
      %add3A_1293 = arith.constant 7 : i32
      %add3A_1294 = arith.addi %mul3A_1251, %add3A_1293 : i32
      %add3A_1295 = vector.broadcast %add3A_1294 : i32 to vector<16xi32>
      %add3A_1296 = arith.addi %mul3A_715, %add3A_1295 : vector<16xi32>
      %gather3A_1297 = tpu.vector_load_idx %arg13[%add3A_1296] : memref<6400xf32, #tpu.memory_space<vmem>>[vector<16xi32>], vector<16xf32>,
      %add3A_1298 = arith.addf %add3A_1292, %gather3A_1297 : vector<16xf32>
      scf.yield %add3A_1298 : vector<16xf32>
    }
    %scan3A_723 = arith.constant 25 : i32
    %add3A_724 = arith.addf %scan3A_722, %get3A_6 : vector<16xf32>
    %abs3A_725 = math.absf %add3A_724 : vector<16xf32>
    %neg3A_726 = arith.constant 0.000000e+00 : f32
    %neg3A_727 = vector.broadcast %neg3A_726 : f32 to vector<16xf32>
    %neg3A_728 = arith.subf %neg3A_727, %abs3A_725 : vector<16xf32>
    %exp3A_729 = math.exp %neg3A_728 : vector<16xf32>
    %ge3A_730 = arith.constant 0.000000e+00 : f32
    %ge3A_731 = vector.broadcast %ge3A_730 : f32 to vector<16xf32>
    %ge3A_732 = arith.cmpf oge, %add3A_724, %ge3A_731 : vector<16xf32>
    %add3A_733 = arith.constant 1.000000e+00 : f32
    %add3A_734 = vector.broadcast %add3A_733 : f32 to vector<16xf32>
    %add3A_735 = arith.addf %add3A_734, %exp3A_729 : vector<16xf32>
    %div3A_736 = arith.constant 1.000000e+00 : f32
    %div3A_737 = vector.broadcast %div3A_736 : f32 to vector<16xf32>
    %div3A_738 = arith.divf %div3A_737, %add3A_735 : vector<16xf32>
    %add3A_739 = arith.constant 1.000000e+00 : f32
    %add3A_740 = vector.broadcast %add3A_739 : f32 to vector<16xf32>
    %add3A_741 = arith.addf %add3A_740, %exp3A_729 : vector<16xf32>
    %div3A_742 = arith.divf %exp3A_729, %add3A_741 : vector<16xf32>
    %select_n3A_743 = arith.select %ge3A_732, %div3A_738, %div3A_742 : vector<16xi1>, vector<16xf32>
    %swap3A_744 = arith.constant 288 : index
    %swap3A_745 = tpu.vector_load %arg14[%swap3A_744] {strides = array<i32>} : memref<512xf32, #tpu.memory_space<vmem>>, vector<16xf32>,
    tpu.vector_store %arg14[%swap3A_744], %select_n3A_743 {strides = array<i32>} : memref<512xf32, #tpu.memory_space<vmem>>, vector<16xf32>,
    %add3A_746 = arith.constant 16 : i32
    %add3A_747 = vector.broadcast %add3A_746 : i32 to vector<16xi32>
    %add3A_748 = arith.addi %iota3A, %add3A_747 : vector<16xi32>
    %mul3A_749 = arith.constant 200 : i32
    %mul3A_750 = vector.broadcast %mul3A_749 : i32 to vector<16xi32>
    %mul3A_751 = arith.muli %add3A_748, %mul3A_750 : vector<16xi32>
    %broadcast_in_dim3A_752 = arith.constant 0.000000e+00 : f32
    %broadcast_in_dim3A_753 = vector.broadcast %broadcast_in_dim3A_752 : f32 to vector<16xf32>
    %scan3A_754 = arith.constant 0 : i32
    %scan3A_755 = arith.constant 25 : i32
    %scan3A_756 = arith.addi %scan3A_754, %scan3A_755 : i32
    %scan3A_757 = arith.constant 1 : i32
    %scan3A_758 = scf.for %scan3A_1248 = %scan3A_754 to %scan3A_756 step %scan3A_757 iter_args(%scan3A_1249 = %broadcast_in_dim3A_753) -> (vector<16xf32>)  : i32 {
      %mul3A_1250 = arith.constant 8 : i32
      %mul3A_1251 = arith.muli %scan3A_1248, %mul3A_1250 : i32
      %add3A_1252 = arith.constant 0 : i32
      %add3A_1253 = arith.addi %mul3A_1251, %add3A_1252 : i32
      %add3A_1254 = vector.broadcast %add3A_1253 : i32 to vector<16xi32>
      %add3A_1255 = arith.addi %mul3A_751, %add3A_1254 : vector<16xi32>
      %gather3A = tpu.vector_load_idx %arg13[%add3A_1255] : memref<6400xf32, #tpu.memory_space<vmem>>[vector<16xi32>], vector<16xf32>,
      %add3A_1256 = arith.addf %scan3A_1249, %gather3A : vector<16xf32>
      %add3A_1257 = arith.constant 1 : i32
      %add3A_1258 = arith.addi %mul3A_1251, %add3A_1257 : i32
      %add3A_1259 = vector.broadcast %add3A_1258 : i32 to vector<16xi32>
      %add3A_1260 = arith.addi %mul3A_751, %add3A_1259 : vector<16xi32>
      %gather3A_1261 = tpu.vector_load_idx %arg13[%add3A_1260] : memref<6400xf32, #tpu.memory_space<vmem>>[vector<16xi32>], vector<16xf32>,
      %add3A_1262 = arith.addf %add3A_1256, %gather3A_1261 : vector<16xf32>
      %add3A_1263 = arith.constant 2 : i32
      %add3A_1264 = arith.addi %mul3A_1251, %add3A_1263 : i32
      %add3A_1265 = vector.broadcast %add3A_1264 : i32 to vector<16xi32>
      %add3A_1266 = arith.addi %mul3A_751, %add3A_1265 : vector<16xi32>
      %gather3A_1267 = tpu.vector_load_idx %arg13[%add3A_1266] : memref<6400xf32, #tpu.memory_space<vmem>>[vector<16xi32>], vector<16xf32>,
      %add3A_1268 = arith.addf %add3A_1262, %gather3A_1267 : vector<16xf32>
      %add3A_1269 = arith.constant 3 : i32
      %add3A_1270 = arith.addi %mul3A_1251, %add3A_1269 : i32
      %add3A_1271 = vector.broadcast %add3A_1270 : i32 to vector<16xi32>
      %add3A_1272 = arith.addi %mul3A_751, %add3A_1271 : vector<16xi32>
      %gather3A_1273 = tpu.vector_load_idx %arg13[%add3A_1272] : memref<6400xf32, #tpu.memory_space<vmem>>[vector<16xi32>], vector<16xf32>,
      %add3A_1274 = arith.addf %add3A_1268, %gather3A_1273 : vector<16xf32>
      %add3A_1275 = arith.constant 4 : i32
      %add3A_1276 = arith.addi %mul3A_1251, %add3A_1275 : i32
      %add3A_1277 = vector.broadcast %add3A_1276 : i32 to vector<16xi32>
      %add3A_1278 = arith.addi %mul3A_751, %add3A_1277 : vector<16xi32>
      %gather3A_1279 = tpu.vector_load_idx %arg13[%add3A_1278] : memref<6400xf32, #tpu.memory_space<vmem>>[vector<16xi32>], vector<16xf32>,
      %add3A_1280 = arith.addf %add3A_1274, %gather3A_1279 : vector<16xf32>
      %add3A_1281 = arith.constant 5 : i32
      %add3A_1282 = arith.addi %mul3A_1251, %add3A_1281 : i32
      %add3A_1283 = vector.broadcast %add3A_1282 : i32 to vector<16xi32>
      %add3A_1284 = arith.addi %mul3A_751, %add3A_1283 : vector<16xi32>
      %gather3A_1285 = tpu.vector_load_idx %arg13[%add3A_1284] : memref<6400xf32, #tpu.memory_space<vmem>>[vector<16xi32>], vector<16xf32>,
      %add3A_1286 = arith.addf %add3A_1280, %gather3A_1285 : vector<16xf32>
      %add3A_1287 = arith.constant 6 : i32
      %add3A_1288 = arith.addi %mul3A_1251, %add3A_1287 : i32
      %add3A_1289 = vector.broadcast %add3A_1288 : i32 to vector<16xi32>
      %add3A_1290 = arith.addi %mul3A_751, %add3A_1289 : vector<16xi32>
      %gather3A_1291 = tpu.vector_load_idx %arg13[%add3A_1290] : memref<6400xf32, #tpu.memory_space<vmem>>[vector<16xi32>], vector<16xf32>,
      %add3A_1292 = arith.addf %add3A_1286, %gather3A_1291 : vector<16xf32>
      %add3A_1293 = arith.constant 7 : i32
      %add3A_1294 = arith.addi %mul3A_1251, %add3A_1293 : i32
      %add3A_1295 = vector.broadcast %add3A_1294 : i32 to vector<16xi32>
      %add3A_1296 = arith.addi %mul3A_751, %add3A_1295 : vector<16xi32>
      %gather3A_1297 = tpu.vector_load_idx %arg13[%add3A_1296] : memref<6400xf32, #tpu.memory_space<vmem>>[vector<16xi32>], vector<16xf32>,
      %add3A_1298 = arith.addf %add3A_1292, %gather3A_1297 : vector<16xf32>
      scf.yield %add3A_1298 : vector<16xf32>
    }
    %scan3A_759 = arith.constant 25 : i32
    %add3A_760 = arith.addf %scan3A_758, %get3A_6 : vector<16xf32>
    %abs3A_761 = math.absf %add3A_760 : vector<16xf32>
    %neg3A_762 = arith.constant 0.000000e+00 : f32
    %neg3A_763 = vector.broadcast %neg3A_762 : f32 to vector<16xf32>
    %neg3A_764 = arith.subf %neg3A_763, %abs3A_761 : vector<16xf32>
    %exp3A_765 = math.exp %neg3A_764 : vector<16xf32>
    %ge3A_766 = arith.constant 0.000000e+00 : f32
    %ge3A_767 = vector.broadcast %ge3A_766 : f32 to vector<16xf32>
    %ge3A_768 = arith.cmpf oge, %add3A_760, %ge3A_767 : vector<16xf32>
    %add3A_769 = arith.constant 1.000000e+00 : f32
    %add3A_770 = vector.broadcast %add3A_769 : f32 to vector<16xf32>
    %add3A_771 = arith.addf %add3A_770, %exp3A_765 : vector<16xf32>
    %div3A_772 = arith.constant 1.000000e+00 : f32
    %div3A_773 = vector.broadcast %div3A_772 : f32 to vector<16xf32>
    %div3A_774 = arith.divf %div3A_773, %add3A_771 : vector<16xf32>
    %add3A_775 = arith.constant 1.000000e+00 : f32
    %add3A_776 = vector.broadcast %add3A_775 : f32 to vector<16xf32>
    %add3A_777 = arith.addf %add3A_776, %exp3A_765 : vector<16xf32>
    %div3A_778 = arith.divf %exp3A_765, %add3A_777 : vector<16xf32>
    %select_n3A_779 = arith.select %ge3A_768, %div3A_774, %div3A_778 : vector<16xi1>, vector<16xf32>
    %swap3A_780 = arith.constant 304 : index
    %swap3A_781 = tpu.vector_load %arg14[%swap3A_780] {strides = array<i32>} : memref<512xf32, #tpu.memory_space<vmem>>, vector<16xf32>,
    tpu.vector_store %arg14[%swap3A_780], %select_n3A_779 {strides = array<i32>} : memref<512xf32, #tpu.memory_space<vmem>>, vector<16xf32>,
    %dma_wait3A_782 = arith.constant 0 : i32
    %dma_wait3A_783 = tpu.memref_slice %arg6[%dma_wait3A_782] : memref<1000000xf32, #tpu.memory_space<vmem_shared>> -> memref<1000000xf32, #tpu.memory_space<vmem_shared>>
    tpu.wait_indirect_dma semaphore(%arg19 : memref<!tpu.dma_semaphore, #tpu.memory_space<semaphore_mem>>) src(%dma_wait3A_783 : memref<1000000xf32, #tpu.memory_space<vmem_shared>>) dst(%arg12 : memref<6400xf32, #tpu.memory_space<vmem>>)
    %add3A_784 = arith.constant 70400 : i32
    %add3A_785 = arith.addi %mul3A_8, %add3A_784 : i32
    "tpu.region"() ({
      %run_scoped3A = tpu.sem_alloc : memref<!tpu.dma_semaphore, #tpu.memory_space<semaphore_mem>>
      %dma_start3A_1248 = tpu.memref_slice %arg2[%add3A_785] : memref<3276800xi32, #tpu.memory_space<hbm>> -> memref<6400xi32, #tpu.memory_space<hbm>>
      %dma_start3A_1249 = tpu.memref_slice %arg2[%add3A_785] : memref<3276800xi32, #tpu.memory_space<hbm>> -> memref<6400xi32, #tpu.memory_space<hbm>>
      tpu.enqueue_dma source(%dma_start3A_1249 : memref<6400xi32, #tpu.memory_space<hbm>>) target(%arg11 : memref<6400xi32, #tpu.memory_space<vmem>>) target_semaphore(%run_scoped3A : memref<!tpu.dma_semaphore, #tpu.memory_space<semaphore_mem>>)
      %dma_wait3A_1250 = tpu.memref_slice %arg2[%add3A_785] : memref<3276800xi32, #tpu.memory_space<hbm>> -> memref<6400xi32, #tpu.memory_space<hbm>>
      %dma_wait3A_1251 = tpu.memref_slice %arg2[%add3A_785] : memref<3276800xi32, #tpu.memory_space<hbm>> -> memref<6400xi32, #tpu.memory_space<hbm>>
      tpu.wait_dma2 semaphore(%run_scoped3A : memref<!tpu.dma_semaphore, #tpu.memory_space<semaphore_mem>>) src(%dma_wait3A_1251 : memref<6400xi32, #tpu.memory_space<hbm>>) dst(%arg11 : memref<6400xi32, #tpu.memory_space<vmem>>)
      tpu.yield
    }) : () -> ()
    %dma_start3A_786 = arith.constant 0 : i32
    %dma_start3A_787 = tpu.memref_slice %arg6[%dma_start3A_786] : memref<1000000xf32, #tpu.memory_space<vmem_shared>> -> memref<1000000xf32, #tpu.memory_space<vmem_shared>>
    tpu.enqueue_indirect_dma source(%dma_start3A_787 : memref<1000000xf32, #tpu.memory_space<vmem_shared>>) target(%arg13 : memref<6400xf32, #tpu.memory_space<vmem>>) offsets(%arg11 : memref<6400xi32, #tpu.memory_space<vmem>>) semaphore(%arg20 : memref<!tpu.dma_semaphore, #tpu.memory_space<semaphore_mem>>)
    %add3A_788 = arith.constant 0 : i32
    %add3A_789 = vector.broadcast %add3A_788 : i32 to vector<16xi32>
    %add3A_790 = arith.addi %iota3A, %add3A_789 : vector<16xi32>
    %mul3A_791 = arith.constant 200 : i32
    %mul3A_792 = vector.broadcast %mul3A_791 : i32 to vector<16xi32>
    %mul3A_793 = arith.muli %add3A_790, %mul3A_792 : vector<16xi32>
    %broadcast_in_dim3A_794 = arith.constant 0.000000e+00 : f32
    %broadcast_in_dim3A_795 = vector.broadcast %broadcast_in_dim3A_794 : f32 to vector<16xf32>
    %scan3A_796 = arith.constant 0 : i32
    %scan3A_797 = arith.constant 25 : i32
    %scan3A_798 = arith.addi %scan3A_796, %scan3A_797 : i32
    %scan3A_799 = arith.constant 1 : i32
    %scan3A_800 = scf.for %scan3A_1248 = %scan3A_796 to %scan3A_798 step %scan3A_799 iter_args(%scan3A_1249 = %broadcast_in_dim3A_795) -> (vector<16xf32>)  : i32 {
      %mul3A_1250 = arith.constant 8 : i32
      %mul3A_1251 = arith.muli %scan3A_1248, %mul3A_1250 : i32
      %add3A_1252 = arith.constant 0 : i32
      %add3A_1253 = arith.addi %mul3A_1251, %add3A_1252 : i32
      %add3A_1254 = vector.broadcast %add3A_1253 : i32 to vector<16xi32>
      %add3A_1255 = arith.addi %mul3A_793, %add3A_1254 : vector<16xi32>
      %gather3A = tpu.vector_load_idx %arg12[%add3A_1255] : memref<6400xf32, #tpu.memory_space<vmem>>[vector<16xi32>], vector<16xf32>,
      %add3A_1256 = arith.addf %scan3A_1249, %gather3A : vector<16xf32>
      %add3A_1257 = arith.constant 1 : i32
      %add3A_1258 = arith.addi %mul3A_1251, %add3A_1257 : i32
      %add3A_1259 = vector.broadcast %add3A_1258 : i32 to vector<16xi32>
      %add3A_1260 = arith.addi %mul3A_793, %add3A_1259 : vector<16xi32>
      %gather3A_1261 = tpu.vector_load_idx %arg12[%add3A_1260] : memref<6400xf32, #tpu.memory_space<vmem>>[vector<16xi32>], vector<16xf32>,
      %add3A_1262 = arith.addf %add3A_1256, %gather3A_1261 : vector<16xf32>
      %add3A_1263 = arith.constant 2 : i32
      %add3A_1264 = arith.addi %mul3A_1251, %add3A_1263 : i32
      %add3A_1265 = vector.broadcast %add3A_1264 : i32 to vector<16xi32>
      %add3A_1266 = arith.addi %mul3A_793, %add3A_1265 : vector<16xi32>
      %gather3A_1267 = tpu.vector_load_idx %arg12[%add3A_1266] : memref<6400xf32, #tpu.memory_space<vmem>>[vector<16xi32>], vector<16xf32>,
      %add3A_1268 = arith.addf %add3A_1262, %gather3A_1267 : vector<16xf32>
      %add3A_1269 = arith.constant 3 : i32
      %add3A_1270 = arith.addi %mul3A_1251, %add3A_1269 : i32
      %add3A_1271 = vector.broadcast %add3A_1270 : i32 to vector<16xi32>
      %add3A_1272 = arith.addi %mul3A_793, %add3A_1271 : vector<16xi32>
      %gather3A_1273 = tpu.vector_load_idx %arg12[%add3A_1272] : memref<6400xf32, #tpu.memory_space<vmem>>[vector<16xi32>], vector<16xf32>,
      %add3A_1274 = arith.addf %add3A_1268, %gather3A_1273 : vector<16xf32>
      %add3A_1275 = arith.constant 4 : i32
      %add3A_1276 = arith.addi %mul3A_1251, %add3A_1275 : i32
      %add3A_1277 = vector.broadcast %add3A_1276 : i32 to vector<16xi32>
      %add3A_1278 = arith.addi %mul3A_793, %add3A_1277 : vector<16xi32>
      %gather3A_1279 = tpu.vector_load_idx %arg12[%add3A_1278] : memref<6400xf32, #tpu.memory_space<vmem>>[vector<16xi32>], vector<16xf32>,
      %add3A_1280 = arith.addf %add3A_1274, %gather3A_1279 : vector<16xf32>
      %add3A_1281 = arith.constant 5 : i32
      %add3A_1282 = arith.addi %mul3A_1251, %add3A_1281 : i32
      %add3A_1283 = vector.broadcast %add3A_1282 : i32 to vector<16xi32>
      %add3A_1284 = arith.addi %mul3A_793, %add3A_1283 : vector<16xi32>
      %gather3A_1285 = tpu.vector_load_idx %arg12[%add3A_1284] : memref<6400xf32, #tpu.memory_space<vmem>>[vector<16xi32>], vector<16xf32>,
      %add3A_1286 = arith.addf %add3A_1280, %gather3A_1285 : vector<16xf32>
      %add3A_1287 = arith.constant 6 : i32
      %add3A_1288 = arith.addi %mul3A_1251, %add3A_1287 : i32
      %add3A_1289 = vector.broadcast %add3A_1288 : i32 to vector<16xi32>
      %add3A_1290 = arith.addi %mul3A_793, %add3A_1289 : vector<16xi32>
      %gather3A_1291 = tpu.vector_load_idx %arg12[%add3A_1290] : memref<6400xf32, #tpu.memory_space<vmem>>[vector<16xi32>], vector<16xf32>,
      %add3A_1292 = arith.addf %add3A_1286, %gather3A_1291 : vector<16xf32>
      %add3A_1293 = arith.constant 7 : i32
      %add3A_1294 = arith.addi %mul3A_1251, %add3A_1293 : i32
      %add3A_1295 = vector.broadcast %add3A_1294 : i32 to vector<16xi32>
      %add3A_1296 = arith.addi %mul3A_793, %add3A_1295 : vector<16xi32>
      %gather3A_1297 = tpu.vector_load_idx %arg12[%add3A_1296] : memref<6400xf32, #tpu.memory_space<vmem>>[vector<16xi32>], vector<16xf32>,
      %add3A_1298 = arith.addf %add3A_1292, %gather3A_1297 : vector<16xf32>
      scf.yield %add3A_1298 : vector<16xf32>
    }
    %scan3A_801 = arith.constant 25 : i32
    %add3A_802 = arith.addf %scan3A_800, %get3A_6 : vector<16xf32>
    %abs3A_803 = math.absf %add3A_802 : vector<16xf32>
    %neg3A_804 = arith.constant 0.000000e+00 : f32
    %neg3A_805 = vector.broadcast %neg3A_804 : f32 to vector<16xf32>
    %neg3A_806 = arith.subf %neg3A_805, %abs3A_803 : vector<16xf32>
    %exp3A_807 = math.exp %neg3A_806 : vector<16xf32>
    %ge3A_808 = arith.constant 0.000000e+00 : f32
    %ge3A_809 = vector.broadcast %ge3A_808 : f32 to vector<16xf32>
    %ge3A_810 = arith.cmpf oge, %add3A_802, %ge3A_809 : vector<16xf32>
    %add3A_811 = arith.constant 1.000000e+00 : f32
    %add3A_812 = vector.broadcast %add3A_811 : f32 to vector<16xf32>
    %add3A_813 = arith.addf %add3A_812, %exp3A_807 : vector<16xf32>
    %div3A_814 = arith.constant 1.000000e+00 : f32
    %div3A_815 = vector.broadcast %div3A_814 : f32 to vector<16xf32>
    %div3A_816 = arith.divf %div3A_815, %add3A_813 : vector<16xf32>
    %add3A_817 = arith.constant 1.000000e+00 : f32
    %add3A_818 = vector.broadcast %add3A_817 : f32 to vector<16xf32>
    %add3A_819 = arith.addf %add3A_818, %exp3A_807 : vector<16xf32>
    %div3A_820 = arith.divf %exp3A_807, %add3A_819 : vector<16xf32>
    %select_n3A_821 = arith.select %ge3A_810, %div3A_816, %div3A_820 : vector<16xi1>, vector<16xf32>
    %swap3A_822 = arith.constant 320 : index
    %swap3A_823 = tpu.vector_load %arg14[%swap3A_822] {strides = array<i32>} : memref<512xf32, #tpu.memory_space<vmem>>, vector<16xf32>,
    tpu.vector_store %arg14[%swap3A_822], %select_n3A_821 {strides = array<i32>} : memref<512xf32, #tpu.memory_space<vmem>>, vector<16xf32>,
    %add3A_824 = arith.constant 16 : i32
    %add3A_825 = vector.broadcast %add3A_824 : i32 to vector<16xi32>
    %add3A_826 = arith.addi %iota3A, %add3A_825 : vector<16xi32>
    %mul3A_827 = arith.constant 200 : i32
    %mul3A_828 = vector.broadcast %mul3A_827 : i32 to vector<16xi32>
    %mul3A_829 = arith.muli %add3A_826, %mul3A_828 : vector<16xi32>
    %broadcast_in_dim3A_830 = arith.constant 0.000000e+00 : f32
    %broadcast_in_dim3A_831 = vector.broadcast %broadcast_in_dim3A_830 : f32 to vector<16xf32>
    %scan3A_832 = arith.constant 0 : i32
    %scan3A_833 = arith.constant 25 : i32
    %scan3A_834 = arith.addi %scan3A_832, %scan3A_833 : i32
    %scan3A_835 = arith.constant 1 : i32
    %scan3A_836 = scf.for %scan3A_1248 = %scan3A_832 to %scan3A_834 step %scan3A_835 iter_args(%scan3A_1249 = %broadcast_in_dim3A_831) -> (vector<16xf32>)  : i32 {
      %mul3A_1250 = arith.constant 8 : i32
      %mul3A_1251 = arith.muli %scan3A_1248, %mul3A_1250 : i32
      %add3A_1252 = arith.constant 0 : i32
      %add3A_1253 = arith.addi %mul3A_1251, %add3A_1252 : i32
      %add3A_1254 = vector.broadcast %add3A_1253 : i32 to vector<16xi32>
      %add3A_1255 = arith.addi %mul3A_829, %add3A_1254 : vector<16xi32>
      %gather3A = tpu.vector_load_idx %arg12[%add3A_1255] : memref<6400xf32, #tpu.memory_space<vmem>>[vector<16xi32>], vector<16xf32>,
      %add3A_1256 = arith.addf %scan3A_1249, %gather3A : vector<16xf32>
      %add3A_1257 = arith.constant 1 : i32
      %add3A_1258 = arith.addi %mul3A_1251, %add3A_1257 : i32
      %add3A_1259 = vector.broadcast %add3A_1258 : i32 to vector<16xi32>
      %add3A_1260 = arith.addi %mul3A_829, %add3A_1259 : vector<16xi32>
      %gather3A_1261 = tpu.vector_load_idx %arg12[%add3A_1260] : memref<6400xf32, #tpu.memory_space<vmem>>[vector<16xi32>], vector<16xf32>,
      %add3A_1262 = arith.addf %add3A_1256, %gather3A_1261 : vector<16xf32>
      %add3A_1263 = arith.constant 2 : i32
      %add3A_1264 = arith.addi %mul3A_1251, %add3A_1263 : i32
      %add3A_1265 = vector.broadcast %add3A_1264 : i32 to vector<16xi32>
      %add3A_1266 = arith.addi %mul3A_829, %add3A_1265 : vector<16xi32>
      %gather3A_1267 = tpu.vector_load_idx %arg12[%add3A_1266] : memref<6400xf32, #tpu.memory_space<vmem>>[vector<16xi32>], vector<16xf32>,
      %add3A_1268 = arith.addf %add3A_1262, %gather3A_1267 : vector<16xf32>
      %add3A_1269 = arith.constant 3 : i32
      %add3A_1270 = arith.addi %mul3A_1251, %add3A_1269 : i32
      %add3A_1271 = vector.broadcast %add3A_1270 : i32 to vector<16xi32>
      %add3A_1272 = arith.addi %mul3A_829, %add3A_1271 : vector<16xi32>
      %gather3A_1273 = tpu.vector_load_idx %arg12[%add3A_1272] : memref<6400xf32, #tpu.memory_space<vmem>>[vector<16xi32>], vector<16xf32>,
      %add3A_1274 = arith.addf %add3A_1268, %gather3A_1273 : vector<16xf32>
      %add3A_1275 = arith.constant 4 : i32
      %add3A_1276 = arith.addi %mul3A_1251, %add3A_1275 : i32
      %add3A_1277 = vector.broadcast %add3A_1276 : i32 to vector<16xi32>
      %add3A_1278 = arith.addi %mul3A_829, %add3A_1277 : vector<16xi32>
      %gather3A_1279 = tpu.vector_load_idx %arg12[%add3A_1278] : memref<6400xf32, #tpu.memory_space<vmem>>[vector<16xi32>], vector<16xf32>,
      %add3A_1280 = arith.addf %add3A_1274, %gather3A_1279 : vector<16xf32>
      %add3A_1281 = arith.constant 5 : i32
      %add3A_1282 = arith.addi %mul3A_1251, %add3A_1281 : i32
      %add3A_1283 = vector.broadcast %add3A_1282 : i32 to vector<16xi32>
      %add3A_1284 = arith.addi %mul3A_829, %add3A_1283 : vector<16xi32>
      %gather3A_1285 = tpu.vector_load_idx %arg12[%add3A_1284] : memref<6400xf32, #tpu.memory_space<vmem>>[vector<16xi32>], vector<16xf32>,
      %add3A_1286 = arith.addf %add3A_1280, %gather3A_1285 : vector<16xf32>
      %add3A_1287 = arith.constant 6 : i32
      %add3A_1288 = arith.addi %mul3A_1251, %add3A_1287 : i32
      %add3A_1289 = vector.broadcast %add3A_1288 : i32 to vector<16xi32>
      %add3A_1290 = arith.addi %mul3A_829, %add3A_1289 : vector<16xi32>
      %gather3A_1291 = tpu.vector_load_idx %arg12[%add3A_1290] : memref<6400xf32, #tpu.memory_space<vmem>>[vector<16xi32>], vector<16xf32>,
      %add3A_1292 = arith.addf %add3A_1286, %gather3A_1291 : vector<16xf32>
      %add3A_1293 = arith.constant 7 : i32
      %add3A_1294 = arith.addi %mul3A_1251, %add3A_1293 : i32
      %add3A_1295 = vector.broadcast %add3A_1294 : i32 to vector<16xi32>
      %add3A_1296 = arith.addi %mul3A_829, %add3A_1295 : vector<16xi32>
      %gather3A_1297 = tpu.vector_load_idx %arg12[%add3A_1296] : memref<6400xf32, #tpu.memory_space<vmem>>[vector<16xi32>], vector<16xf32>,
      %add3A_1298 = arith.addf %add3A_1292, %gather3A_1297 : vector<16xf32>
      scf.yield %add3A_1298 : vector<16xf32>
    }
    %scan3A_837 = arith.constant 25 : i32
    %add3A_838 = arith.addf %scan3A_836, %get3A_6 : vector<16xf32>
    %abs3A_839 = math.absf %add3A_838 : vector<16xf32>
    %neg3A_840 = arith.constant 0.000000e+00 : f32
    %neg3A_841 = vector.broadcast %neg3A_840 : f32 to vector<16xf32>
    %neg3A_842 = arith.subf %neg3A_841, %abs3A_839 : vector<16xf32>
    %exp3A_843 = math.exp %neg3A_842 : vector<16xf32>
    %ge3A_844 = arith.constant 0.000000e+00 : f32
    %ge3A_845 = vector.broadcast %ge3A_844 : f32 to vector<16xf32>
    %ge3A_846 = arith.cmpf oge, %add3A_838, %ge3A_845 : vector<16xf32>
    %add3A_847 = arith.constant 1.000000e+00 : f32
    %add3A_848 = vector.broadcast %add3A_847 : f32 to vector<16xf32>
    %add3A_849 = arith.addf %add3A_848, %exp3A_843 : vector<16xf32>
    %div3A_850 = arith.constant 1.000000e+00 : f32
    %div3A_851 = vector.broadcast %div3A_850 : f32 to vector<16xf32>
    %div3A_852 = arith.divf %div3A_851, %add3A_849 : vector<16xf32>
    %add3A_853 = arith.constant 1.000000e+00 : f32
    %add3A_854 = vector.broadcast %add3A_853 : f32 to vector<16xf32>
    %add3A_855 = arith.addf %add3A_854, %exp3A_843 : vector<16xf32>
    %div3A_856 = arith.divf %exp3A_843, %add3A_855 : vector<16xf32>
    %select_n3A_857 = arith.select %ge3A_846, %div3A_852, %div3A_856 : vector<16xi1>, vector<16xf32>
    %swap3A_858 = arith.constant 336 : index
    %swap3A_859 = tpu.vector_load %arg14[%swap3A_858] {strides = array<i32>} : memref<512xf32, #tpu.memory_space<vmem>>, vector<16xf32>,
    tpu.vector_store %arg14[%swap3A_858], %select_n3A_857 {strides = array<i32>} : memref<512xf32, #tpu.memory_space<vmem>>, vector<16xf32>,
    %dma_wait3A_860 = arith.constant 0 : i32
    %dma_wait3A_861 = tpu.memref_slice %arg6[%dma_wait3A_860] : memref<1000000xf32, #tpu.memory_space<vmem_shared>> -> memref<1000000xf32, #tpu.memory_space<vmem_shared>>
    tpu.wait_indirect_dma semaphore(%arg20 : memref<!tpu.dma_semaphore, #tpu.memory_space<semaphore_mem>>) src(%dma_wait3A_861 : memref<1000000xf32, #tpu.memory_space<vmem_shared>>) dst(%arg13 : memref<6400xf32, #tpu.memory_space<vmem>>)
    %add3A_862 = arith.constant 76800 : i32
    %add3A_863 = arith.addi %mul3A_8, %add3A_862 : i32
    "tpu.region"() ({
      %run_scoped3A = tpu.sem_alloc : memref<!tpu.dma_semaphore, #tpu.memory_space<semaphore_mem>>
      %dma_start3A_1248 = tpu.memref_slice %arg2[%add3A_863] : memref<3276800xi32, #tpu.memory_space<hbm>> -> memref<6400xi32, #tpu.memory_space<hbm>>
      %dma_start3A_1249 = tpu.memref_slice %arg2[%add3A_863] : memref<3276800xi32, #tpu.memory_space<hbm>> -> memref<6400xi32, #tpu.memory_space<hbm>>
      tpu.enqueue_dma source(%dma_start3A_1249 : memref<6400xi32, #tpu.memory_space<hbm>>) target(%arg10 : memref<6400xi32, #tpu.memory_space<vmem>>) target_semaphore(%run_scoped3A : memref<!tpu.dma_semaphore, #tpu.memory_space<semaphore_mem>>)
      %dma_wait3A_1250 = tpu.memref_slice %arg2[%add3A_863] : memref<3276800xi32, #tpu.memory_space<hbm>> -> memref<6400xi32, #tpu.memory_space<hbm>>
      %dma_wait3A_1251 = tpu.memref_slice %arg2[%add3A_863] : memref<3276800xi32, #tpu.memory_space<hbm>> -> memref<6400xi32, #tpu.memory_space<hbm>>
      tpu.wait_dma2 semaphore(%run_scoped3A : memref<!tpu.dma_semaphore, #tpu.memory_space<semaphore_mem>>) src(%dma_wait3A_1251 : memref<6400xi32, #tpu.memory_space<hbm>>) dst(%arg10 : memref<6400xi32, #tpu.memory_space<vmem>>)
      tpu.yield
    }) : () -> ()
    %dma_start3A_864 = arith.constant 0 : i32
    %dma_start3A_865 = tpu.memref_slice %arg6[%dma_start3A_864] : memref<1000000xf32, #tpu.memory_space<vmem_shared>> -> memref<1000000xf32, #tpu.memory_space<vmem_shared>>
    tpu.enqueue_indirect_dma source(%dma_start3A_865 : memref<1000000xf32, #tpu.memory_space<vmem_shared>>) target(%arg12 : memref<6400xf32, #tpu.memory_space<vmem>>) offsets(%arg10 : memref<6400xi32, #tpu.memory_space<vmem>>) semaphore(%arg19 : memref<!tpu.dma_semaphore, #tpu.memory_space<semaphore_mem>>)
    %add3A_866 = arith.constant 0 : i32
    %add3A_867 = vector.broadcast %add3A_866 : i32 to vector<16xi32>
    %add3A_868 = arith.addi %iota3A, %add3A_867 : vector<16xi32>
    %mul3A_869 = arith.constant 200 : i32
    %mul3A_870 = vector.broadcast %mul3A_869 : i32 to vector<16xi32>
    %mul3A_871 = arith.muli %add3A_868, %mul3A_870 : vector<16xi32>
    %broadcast_in_dim3A_872 = arith.constant 0.000000e+00 : f32
    %broadcast_in_dim3A_873 = vector.broadcast %broadcast_in_dim3A_872 : f32 to vector<16xf32>
    %scan3A_874 = arith.constant 0 : i32
    %scan3A_875 = arith.constant 25 : i32
    %scan3A_876 = arith.addi %scan3A_874, %scan3A_875 : i32
    %scan3A_877 = arith.constant 1 : i32
    %scan3A_878 = scf.for %scan3A_1248 = %scan3A_874 to %scan3A_876 step %scan3A_877 iter_args(%scan3A_1249 = %broadcast_in_dim3A_873) -> (vector<16xf32>)  : i32 {
      %mul3A_1250 = arith.constant 8 : i32
      %mul3A_1251 = arith.muli %scan3A_1248, %mul3A_1250 : i32
      %add3A_1252 = arith.constant 0 : i32
      %add3A_1253 = arith.addi %mul3A_1251, %add3A_1252 : i32
      %add3A_1254 = vector.broadcast %add3A_1253 : i32 to vector<16xi32>
      %add3A_1255 = arith.addi %mul3A_871, %add3A_1254 : vector<16xi32>
      %gather3A = tpu.vector_load_idx %arg13[%add3A_1255] : memref<6400xf32, #tpu.memory_space<vmem>>[vector<16xi32>], vector<16xf32>,
      %add3A_1256 = arith.addf %scan3A_1249, %gather3A : vector<16xf32>
      %add3A_1257 = arith.constant 1 : i32
      %add3A_1258 = arith.addi %mul3A_1251, %add3A_1257 : i32
      %add3A_1259 = vector.broadcast %add3A_1258 : i32 to vector<16xi32>
      %add3A_1260 = arith.addi %mul3A_871, %add3A_1259 : vector<16xi32>
      %gather3A_1261 = tpu.vector_load_idx %arg13[%add3A_1260] : memref<6400xf32, #tpu.memory_space<vmem>>[vector<16xi32>], vector<16xf32>,
      %add3A_1262 = arith.addf %add3A_1256, %gather3A_1261 : vector<16xf32>
      %add3A_1263 = arith.constant 2 : i32
      %add3A_1264 = arith.addi %mul3A_1251, %add3A_1263 : i32
      %add3A_1265 = vector.broadcast %add3A_1264 : i32 to vector<16xi32>
      %add3A_1266 = arith.addi %mul3A_871, %add3A_1265 : vector<16xi32>
      %gather3A_1267 = tpu.vector_load_idx %arg13[%add3A_1266] : memref<6400xf32, #tpu.memory_space<vmem>>[vector<16xi32>], vector<16xf32>,
      %add3A_1268 = arith.addf %add3A_1262, %gather3A_1267 : vector<16xf32>
      %add3A_1269 = arith.constant 3 : i32
      %add3A_1270 = arith.addi %mul3A_1251, %add3A_1269 : i32
      %add3A_1271 = vector.broadcast %add3A_1270 : i32 to vector<16xi32>
      %add3A_1272 = arith.addi %mul3A_871, %add3A_1271 : vector<16xi32>
      %gather3A_1273 = tpu.vector_load_idx %arg13[%add3A_1272] : memref<6400xf32, #tpu.memory_space<vmem>>[vector<16xi32>], vector<16xf32>,
      %add3A_1274 = arith.addf %add3A_1268, %gather3A_1273 : vector<16xf32>
      %add3A_1275 = arith.constant 4 : i32
      %add3A_1276 = arith.addi %mul3A_1251, %add3A_1275 : i32
      %add3A_1277 = vector.broadcast %add3A_1276 : i32 to vector<16xi32>
      %add3A_1278 = arith.addi %mul3A_871, %add3A_1277 : vector<16xi32>
      %gather3A_1279 = tpu.vector_load_idx %arg13[%add3A_1278] : memref<6400xf32, #tpu.memory_space<vmem>>[vector<16xi32>], vector<16xf32>,
      %add3A_1280 = arith.addf %add3A_1274, %gather3A_1279 : vector<16xf32>
      %add3A_1281 = arith.constant 5 : i32
      %add3A_1282 = arith.addi %mul3A_1251, %add3A_1281 : i32
      %add3A_1283 = vector.broadcast %add3A_1282 : i32 to vector<16xi32>
      %add3A_1284 = arith.addi %mul3A_871, %add3A_1283 : vector<16xi32>
      %gather3A_1285 = tpu.vector_load_idx %arg13[%add3A_1284] : memref<6400xf32, #tpu.memory_space<vmem>>[vector<16xi32>], vector<16xf32>,
      %add3A_1286 = arith.addf %add3A_1280, %gather3A_1285 : vector<16xf32>
      %add3A_1287 = arith.constant 6 : i32
      %add3A_1288 = arith.addi %mul3A_1251, %add3A_1287 : i32
      %add3A_1289 = vector.broadcast %add3A_1288 : i32 to vector<16xi32>
      %add3A_1290 = arith.addi %mul3A_871, %add3A_1289 : vector<16xi32>
      %gather3A_1291 = tpu.vector_load_idx %arg13[%add3A_1290] : memref<6400xf32, #tpu.memory_space<vmem>>[vector<16xi32>], vector<16xf32>,
      %add3A_1292 = arith.addf %add3A_1286, %gather3A_1291 : vector<16xf32>
      %add3A_1293 = arith.constant 7 : i32
      %add3A_1294 = arith.addi %mul3A_1251, %add3A_1293 : i32
      %add3A_1295 = vector.broadcast %add3A_1294 : i32 to vector<16xi32>
      %add3A_1296 = arith.addi %mul3A_871, %add3A_1295 : vector<16xi32>
      %gather3A_1297 = tpu.vector_load_idx %arg13[%add3A_1296] : memref<6400xf32, #tpu.memory_space<vmem>>[vector<16xi32>], vector<16xf32>,
      %add3A_1298 = arith.addf %add3A_1292, %gather3A_1297 : vector<16xf32>
      scf.yield %add3A_1298 : vector<16xf32>
    }
    %scan3A_879 = arith.constant 25 : i32
    %add3A_880 = arith.addf %scan3A_878, %get3A_6 : vector<16xf32>
    %abs3A_881 = math.absf %add3A_880 : vector<16xf32>
    %neg3A_882 = arith.constant 0.000000e+00 : f32
    %neg3A_883 = vector.broadcast %neg3A_882 : f32 to vector<16xf32>
    %neg3A_884 = arith.subf %neg3A_883, %abs3A_881 : vector<16xf32>
    %exp3A_885 = math.exp %neg3A_884 : vector<16xf32>
    %ge3A_886 = arith.constant 0.000000e+00 : f32
    %ge3A_887 = vector.broadcast %ge3A_886 : f32 to vector<16xf32>
    %ge3A_888 = arith.cmpf oge, %add3A_880, %ge3A_887 : vector<16xf32>
    %add3A_889 = arith.constant 1.000000e+00 : f32
    %add3A_890 = vector.broadcast %add3A_889 : f32 to vector<16xf32>
    %add3A_891 = arith.addf %add3A_890, %exp3A_885 : vector<16xf32>
    %div3A_892 = arith.constant 1.000000e+00 : f32
    %div3A_893 = vector.broadcast %div3A_892 : f32 to vector<16xf32>
    %div3A_894 = arith.divf %div3A_893, %add3A_891 : vector<16xf32>
    %add3A_895 = arith.constant 1.000000e+00 : f32
    %add3A_896 = vector.broadcast %add3A_895 : f32 to vector<16xf32>
    %add3A_897 = arith.addf %add3A_896, %exp3A_885 : vector<16xf32>
    %div3A_898 = arith.divf %exp3A_885, %add3A_897 : vector<16xf32>
    %select_n3A_899 = arith.select %ge3A_888, %div3A_894, %div3A_898 : vector<16xi1>, vector<16xf32>
    %swap3A_900 = arith.constant 352 : index
    %swap3A_901 = tpu.vector_load %arg14[%swap3A_900] {strides = array<i32>} : memref<512xf32, #tpu.memory_space<vmem>>, vector<16xf32>,
    tpu.vector_store %arg14[%swap3A_900], %select_n3A_899 {strides = array<i32>} : memref<512xf32, #tpu.memory_space<vmem>>, vector<16xf32>,
    %add3A_902 = arith.constant 16 : i32
    %add3A_903 = vector.broadcast %add3A_902 : i32 to vector<16xi32>
    %add3A_904 = arith.addi %iota3A, %add3A_903 : vector<16xi32>
    %mul3A_905 = arith.constant 200 : i32
    %mul3A_906 = vector.broadcast %mul3A_905 : i32 to vector<16xi32>
    %mul3A_907 = arith.muli %add3A_904, %mul3A_906 : vector<16xi32>
    %broadcast_in_dim3A_908 = arith.constant 0.000000e+00 : f32
    %broadcast_in_dim3A_909 = vector.broadcast %broadcast_in_dim3A_908 : f32 to vector<16xf32>
    %scan3A_910 = arith.constant 0 : i32
    %scan3A_911 = arith.constant 25 : i32
    %scan3A_912 = arith.addi %scan3A_910, %scan3A_911 : i32
    %scan3A_913 = arith.constant 1 : i32
    %scan3A_914 = scf.for %scan3A_1248 = %scan3A_910 to %scan3A_912 step %scan3A_913 iter_args(%scan3A_1249 = %broadcast_in_dim3A_909) -> (vector<16xf32>)  : i32 {
      %mul3A_1250 = arith.constant 8 : i32
      %mul3A_1251 = arith.muli %scan3A_1248, %mul3A_1250 : i32
      %add3A_1252 = arith.constant 0 : i32
      %add3A_1253 = arith.addi %mul3A_1251, %add3A_1252 : i32
      %add3A_1254 = vector.broadcast %add3A_1253 : i32 to vector<16xi32>
      %add3A_1255 = arith.addi %mul3A_907, %add3A_1254 : vector<16xi32>
      %gather3A = tpu.vector_load_idx %arg13[%add3A_1255] : memref<6400xf32, #tpu.memory_space<vmem>>[vector<16xi32>], vector<16xf32>,
      %add3A_1256 = arith.addf %scan3A_1249, %gather3A : vector<16xf32>
      %add3A_1257 = arith.constant 1 : i32
      %add3A_1258 = arith.addi %mul3A_1251, %add3A_1257 : i32
      %add3A_1259 = vector.broadcast %add3A_1258 : i32 to vector<16xi32>
      %add3A_1260 = arith.addi %mul3A_907, %add3A_1259 : vector<16xi32>
      %gather3A_1261 = tpu.vector_load_idx %arg13[%add3A_1260] : memref<6400xf32, #tpu.memory_space<vmem>>[vector<16xi32>], vector<16xf32>,
      %add3A_1262 = arith.addf %add3A_1256, %gather3A_1261 : vector<16xf32>
      %add3A_1263 = arith.constant 2 : i32
      %add3A_1264 = arith.addi %mul3A_1251, %add3A_1263 : i32
      %add3A_1265 = vector.broadcast %add3A_1264 : i32 to vector<16xi32>
      %add3A_1266 = arith.addi %mul3A_907, %add3A_1265 : vector<16xi32>
      %gather3A_1267 = tpu.vector_load_idx %arg13[%add3A_1266] : memref<6400xf32, #tpu.memory_space<vmem>>[vector<16xi32>], vector<16xf32>,
      %add3A_1268 = arith.addf %add3A_1262, %gather3A_1267 : vector<16xf32>
      %add3A_1269 = arith.constant 3 : i32
      %add3A_1270 = arith.addi %mul3A_1251, %add3A_1269 : i32
      %add3A_1271 = vector.broadcast %add3A_1270 : i32 to vector<16xi32>
      %add3A_1272 = arith.addi %mul3A_907, %add3A_1271 : vector<16xi32>
      %gather3A_1273 = tpu.vector_load_idx %arg13[%add3A_1272] : memref<6400xf32, #tpu.memory_space<vmem>>[vector<16xi32>], vector<16xf32>,
      %add3A_1274 = arith.addf %add3A_1268, %gather3A_1273 : vector<16xf32>
      %add3A_1275 = arith.constant 4 : i32
      %add3A_1276 = arith.addi %mul3A_1251, %add3A_1275 : i32
      %add3A_1277 = vector.broadcast %add3A_1276 : i32 to vector<16xi32>
      %add3A_1278 = arith.addi %mul3A_907, %add3A_1277 : vector<16xi32>
      %gather3A_1279 = tpu.vector_load_idx %arg13[%add3A_1278] : memref<6400xf32, #tpu.memory_space<vmem>>[vector<16xi32>], vector<16xf32>,
      %add3A_1280 = arith.addf %add3A_1274, %gather3A_1279 : vector<16xf32>
      %add3A_1281 = arith.constant 5 : i32
      %add3A_1282 = arith.addi %mul3A_1251, %add3A_1281 : i32
      %add3A_1283 = vector.broadcast %add3A_1282 : i32 to vector<16xi32>
      %add3A_1284 = arith.addi %mul3A_907, %add3A_1283 : vector<16xi32>
      %gather3A_1285 = tpu.vector_load_idx %arg13[%add3A_1284] : memref<6400xf32, #tpu.memory_space<vmem>>[vector<16xi32>], vector<16xf32>,
      %add3A_1286 = arith.addf %add3A_1280, %gather3A_1285 : vector<16xf32>
      %add3A_1287 = arith.constant 6 : i32
      %add3A_1288 = arith.addi %mul3A_1251, %add3A_1287 : i32
      %add3A_1289 = vector.broadcast %add3A_1288 : i32 to vector<16xi32>
      %add3A_1290 = arith.addi %mul3A_907, %add3A_1289 : vector<16xi32>
      %gather3A_1291 = tpu.vector_load_idx %arg13[%add3A_1290] : memref<6400xf32, #tpu.memory_space<vmem>>[vector<16xi32>], vector<16xf32>,
      %add3A_1292 = arith.addf %add3A_1286, %gather3A_1291 : vector<16xf32>
      %add3A_1293 = arith.constant 7 : i32
      %add3A_1294 = arith.addi %mul3A_1251, %add3A_1293 : i32
      %add3A_1295 = vector.broadcast %add3A_1294 : i32 to vector<16xi32>
      %add3A_1296 = arith.addi %mul3A_907, %add3A_1295 : vector<16xi32>
      %gather3A_1297 = tpu.vector_load_idx %arg13[%add3A_1296] : memref<6400xf32, #tpu.memory_space<vmem>>[vector<16xi32>], vector<16xf32>,
      %add3A_1298 = arith.addf %add3A_1292, %gather3A_1297 : vector<16xf32>
      scf.yield %add3A_1298 : vector<16xf32>
    }
    %scan3A_915 = arith.constant 25 : i32
    %add3A_916 = arith.addf %scan3A_914, %get3A_6 : vector<16xf32>
    %abs3A_917 = math.absf %add3A_916 : vector<16xf32>
    %neg3A_918 = arith.constant 0.000000e+00 : f32
    %neg3A_919 = vector.broadcast %neg3A_918 : f32 to vector<16xf32>
    %neg3A_920 = arith.subf %neg3A_919, %abs3A_917 : vector<16xf32>
    %exp3A_921 = math.exp %neg3A_920 : vector<16xf32>
    %ge3A_922 = arith.constant 0.000000e+00 : f32
    %ge3A_923 = vector.broadcast %ge3A_922 : f32 to vector<16xf32>
    %ge3A_924 = arith.cmpf oge, %add3A_916, %ge3A_923 : vector<16xf32>
    %add3A_925 = arith.constant 1.000000e+00 : f32
    %add3A_926 = vector.broadcast %add3A_925 : f32 to vector<16xf32>
    %add3A_927 = arith.addf %add3A_926, %exp3A_921 : vector<16xf32>
    %div3A_928 = arith.constant 1.000000e+00 : f32
    %div3A_929 = vector.broadcast %div3A_928 : f32 to vector<16xf32>
    %div3A_930 = arith.divf %div3A_929, %add3A_927 : vector<16xf32>
    %add3A_931 = arith.constant 1.000000e+00 : f32
    %add3A_932 = vector.broadcast %add3A_931 : f32 to vector<16xf32>
    %add3A_933 = arith.addf %add3A_932, %exp3A_921 : vector<16xf32>
    %div3A_934 = arith.divf %exp3A_921, %add3A_933 : vector<16xf32>
    %select_n3A_935 = arith.select %ge3A_924, %div3A_930, %div3A_934 : vector<16xi1>, vector<16xf32>
    %swap3A_936 = arith.constant 368 : index
    %swap3A_937 = tpu.vector_load %arg14[%swap3A_936] {strides = array<i32>} : memref<512xf32, #tpu.memory_space<vmem>>, vector<16xf32>,
    tpu.vector_store %arg14[%swap3A_936], %select_n3A_935 {strides = array<i32>} : memref<512xf32, #tpu.memory_space<vmem>>, vector<16xf32>,
    %dma_wait3A_938 = arith.constant 0 : i32
    %dma_wait3A_939 = tpu.memref_slice %arg6[%dma_wait3A_938] : memref<1000000xf32, #tpu.memory_space<vmem_shared>> -> memref<1000000xf32, #tpu.memory_space<vmem_shared>>
    tpu.wait_indirect_dma semaphore(%arg19 : memref<!tpu.dma_semaphore, #tpu.memory_space<semaphore_mem>>) src(%dma_wait3A_939 : memref<1000000xf32, #tpu.memory_space<vmem_shared>>) dst(%arg12 : memref<6400xf32, #tpu.memory_space<vmem>>)
    %add3A_940 = arith.constant 83200 : i32
    %add3A_941 = arith.addi %mul3A_8, %add3A_940 : i32
    "tpu.region"() ({
      %run_scoped3A = tpu.sem_alloc : memref<!tpu.dma_semaphore, #tpu.memory_space<semaphore_mem>>
      %dma_start3A_1248 = tpu.memref_slice %arg2[%add3A_941] : memref<3276800xi32, #tpu.memory_space<hbm>> -> memref<6400xi32, #tpu.memory_space<hbm>>
      %dma_start3A_1249 = tpu.memref_slice %arg2[%add3A_941] : memref<3276800xi32, #tpu.memory_space<hbm>> -> memref<6400xi32, #tpu.memory_space<hbm>>
      tpu.enqueue_dma source(%dma_start3A_1249 : memref<6400xi32, #tpu.memory_space<hbm>>) target(%arg11 : memref<6400xi32, #tpu.memory_space<vmem>>) target_semaphore(%run_scoped3A : memref<!tpu.dma_semaphore, #tpu.memory_space<semaphore_mem>>)
      %dma_wait3A_1250 = tpu.memref_slice %arg2[%add3A_941] : memref<3276800xi32, #tpu.memory_space<hbm>> -> memref<6400xi32, #tpu.memory_space<hbm>>
      %dma_wait3A_1251 = tpu.memref_slice %arg2[%add3A_941] : memref<3276800xi32, #tpu.memory_space<hbm>> -> memref<6400xi32, #tpu.memory_space<hbm>>
      tpu.wait_dma2 semaphore(%run_scoped3A : memref<!tpu.dma_semaphore, #tpu.memory_space<semaphore_mem>>) src(%dma_wait3A_1251 : memref<6400xi32, #tpu.memory_space<hbm>>) dst(%arg11 : memref<6400xi32, #tpu.memory_space<vmem>>)
      tpu.yield
    }) : () -> ()
    %dma_start3A_942 = arith.constant 0 : i32
    %dma_start3A_943 = tpu.memref_slice %arg6[%dma_start3A_942] : memref<1000000xf32, #tpu.memory_space<vmem_shared>> -> memref<1000000xf32, #tpu.memory_space<vmem_shared>>
    tpu.enqueue_indirect_dma source(%dma_start3A_943 : memref<1000000xf32, #tpu.memory_space<vmem_shared>>) target(%arg13 : memref<6400xf32, #tpu.memory_space<vmem>>) offsets(%arg11 : memref<6400xi32, #tpu.memory_space<vmem>>) semaphore(%arg20 : memref<!tpu.dma_semaphore, #tpu.memory_space<semaphore_mem>>)
    %add3A_944 = arith.constant 0 : i32
    %add3A_945 = vector.broadcast %add3A_944 : i32 to vector<16xi32>
    %add3A_946 = arith.addi %iota3A, %add3A_945 : vector<16xi32>
    %mul3A_947 = arith.constant 200 : i32
    %mul3A_948 = vector.broadcast %mul3A_947 : i32 to vector<16xi32>
    %mul3A_949 = arith.muli %add3A_946, %mul3A_948 : vector<16xi32>
    %broadcast_in_dim3A_950 = arith.constant 0.000000e+00 : f32
    %broadcast_in_dim3A_951 = vector.broadcast %broadcast_in_dim3A_950 : f32 to vector<16xf32>
    %scan3A_952 = arith.constant 0 : i32
    %scan3A_953 = arith.constant 25 : i32
    %scan3A_954 = arith.addi %scan3A_952, %scan3A_953 : i32
    %scan3A_955 = arith.constant 1 : i32
    %scan3A_956 = scf.for %scan3A_1248 = %scan3A_952 to %scan3A_954 step %scan3A_955 iter_args(%scan3A_1249 = %broadcast_in_dim3A_951) -> (vector<16xf32>)  : i32 {
      %mul3A_1250 = arith.constant 8 : i32
      %mul3A_1251 = arith.muli %scan3A_1248, %mul3A_1250 : i32
      %add3A_1252 = arith.constant 0 : i32
      %add3A_1253 = arith.addi %mul3A_1251, %add3A_1252 : i32
      %add3A_1254 = vector.broadcast %add3A_1253 : i32 to vector<16xi32>
      %add3A_1255 = arith.addi %mul3A_949, %add3A_1254 : vector<16xi32>
      %gather3A = tpu.vector_load_idx %arg12[%add3A_1255] : memref<6400xf32, #tpu.memory_space<vmem>>[vector<16xi32>], vector<16xf32>,
      %add3A_1256 = arith.addf %scan3A_1249, %gather3A : vector<16xf32>
      %add3A_1257 = arith.constant 1 : i32
      %add3A_1258 = arith.addi %mul3A_1251, %add3A_1257 : i32
      %add3A_1259 = vector.broadcast %add3A_1258 : i32 to vector<16xi32>
      %add3A_1260 = arith.addi %mul3A_949, %add3A_1259 : vector<16xi32>
      %gather3A_1261 = tpu.vector_load_idx %arg12[%add3A_1260] : memref<6400xf32, #tpu.memory_space<vmem>>[vector<16xi32>], vector<16xf32>,
      %add3A_1262 = arith.addf %add3A_1256, %gather3A_1261 : vector<16xf32>
      %add3A_1263 = arith.constant 2 : i32
      %add3A_1264 = arith.addi %mul3A_1251, %add3A_1263 : i32
      %add3A_1265 = vector.broadcast %add3A_1264 : i32 to vector<16xi32>
      %add3A_1266 = arith.addi %mul3A_949, %add3A_1265 : vector<16xi32>
      %gather3A_1267 = tpu.vector_load_idx %arg12[%add3A_1266] : memref<6400xf32, #tpu.memory_space<vmem>>[vector<16xi32>], vector<16xf32>,
      %add3A_1268 = arith.addf %add3A_1262, %gather3A_1267 : vector<16xf32>
      %add3A_1269 = arith.constant 3 : i32
      %add3A_1270 = arith.addi %mul3A_1251, %add3A_1269 : i32
      %add3A_1271 = vector.broadcast %add3A_1270 : i32 to vector<16xi32>
      %add3A_1272 = arith.addi %mul3A_949, %add3A_1271 : vector<16xi32>
      %gather3A_1273 = tpu.vector_load_idx %arg12[%add3A_1272] : memref<6400xf32, #tpu.memory_space<vmem>>[vector<16xi32>], vector<16xf32>,
      %add3A_1274 = arith.addf %add3A_1268, %gather3A_1273 : vector<16xf32>
      %add3A_1275 = arith.constant 4 : i32
      %add3A_1276 = arith.addi %mul3A_1251, %add3A_1275 : i32
      %add3A_1277 = vector.broadcast %add3A_1276 : i32 to vector<16xi32>
      %add3A_1278 = arith.addi %mul3A_949, %add3A_1277 : vector<16xi32>
      %gather3A_1279 = tpu.vector_load_idx %arg12[%add3A_1278] : memref<6400xf32, #tpu.memory_space<vmem>>[vector<16xi32>], vector<16xf32>,
      %add3A_1280 = arith.addf %add3A_1274, %gather3A_1279 : vector<16xf32>
      %add3A_1281 = arith.constant 5 : i32
      %add3A_1282 = arith.addi %mul3A_1251, %add3A_1281 : i32
      %add3A_1283 = vector.broadcast %add3A_1282 : i32 to vector<16xi32>
      %add3A_1284 = arith.addi %mul3A_949, %add3A_1283 : vector<16xi32>
      %gather3A_1285 = tpu.vector_load_idx %arg12[%add3A_1284] : memref<6400xf32, #tpu.memory_space<vmem>>[vector<16xi32>], vector<16xf32>,
      %add3A_1286 = arith.addf %add3A_1280, %gather3A_1285 : vector<16xf32>
      %add3A_1287 = arith.constant 6 : i32
      %add3A_1288 = arith.addi %mul3A_1251, %add3A_1287 : i32
      %add3A_1289 = vector.broadcast %add3A_1288 : i32 to vector<16xi32>
      %add3A_1290 = arith.addi %mul3A_949, %add3A_1289 : vector<16xi32>
      %gather3A_1291 = tpu.vector_load_idx %arg12[%add3A_1290] : memref<6400xf32, #tpu.memory_space<vmem>>[vector<16xi32>], vector<16xf32>,
      %add3A_1292 = arith.addf %add3A_1286, %gather3A_1291 : vector<16xf32>
      %add3A_1293 = arith.constant 7 : i32
      %add3A_1294 = arith.addi %mul3A_1251, %add3A_1293 : i32
      %add3A_1295 = vector.broadcast %add3A_1294 : i32 to vector<16xi32>
      %add3A_1296 = arith.addi %mul3A_949, %add3A_1295 : vector<16xi32>
      %gather3A_1297 = tpu.vector_load_idx %arg12[%add3A_1296] : memref<6400xf32, #tpu.memory_space<vmem>>[vector<16xi32>], vector<16xf32>,
      %add3A_1298 = arith.addf %add3A_1292, %gather3A_1297 : vector<16xf32>
      scf.yield %add3A_1298 : vector<16xf32>
    }
    %scan3A_957 = arith.constant 25 : i32
    %add3A_958 = arith.addf %scan3A_956, %get3A_6 : vector<16xf32>
    %abs3A_959 = math.absf %add3A_958 : vector<16xf32>
    %neg3A_960 = arith.constant 0.000000e+00 : f32
    %neg3A_961 = vector.broadcast %neg3A_960 : f32 to vector<16xf32>
    %neg3A_962 = arith.subf %neg3A_961, %abs3A_959 : vector<16xf32>
    %exp3A_963 = math.exp %neg3A_962 : vector<16xf32>
    %ge3A_964 = arith.constant 0.000000e+00 : f32
    %ge3A_965 = vector.broadcast %ge3A_964 : f32 to vector<16xf32>
    %ge3A_966 = arith.cmpf oge, %add3A_958, %ge3A_965 : vector<16xf32>
    %add3A_967 = arith.constant 1.000000e+00 : f32
    %add3A_968 = vector.broadcast %add3A_967 : f32 to vector<16xf32>
    %add3A_969 = arith.addf %add3A_968, %exp3A_963 : vector<16xf32>
    %div3A_970 = arith.constant 1.000000e+00 : f32
    %div3A_971 = vector.broadcast %div3A_970 : f32 to vector<16xf32>
    %div3A_972 = arith.divf %div3A_971, %add3A_969 : vector<16xf32>
    %add3A_973 = arith.constant 1.000000e+00 : f32
    %add3A_974 = vector.broadcast %add3A_973 : f32 to vector<16xf32>
    %add3A_975 = arith.addf %add3A_974, %exp3A_963 : vector<16xf32>
    %div3A_976 = arith.divf %exp3A_963, %add3A_975 : vector<16xf32>
    %select_n3A_977 = arith.select %ge3A_966, %div3A_972, %div3A_976 : vector<16xi1>, vector<16xf32>
    %swap3A_978 = arith.constant 384 : index
    %swap3A_979 = tpu.vector_load %arg14[%swap3A_978] {strides = array<i32>} : memref<512xf32, #tpu.memory_space<vmem>>, vector<16xf32>,
    tpu.vector_store %arg14[%swap3A_978], %select_n3A_977 {strides = array<i32>} : memref<512xf32, #tpu.memory_space<vmem>>, vector<16xf32>,
    %add3A_980 = arith.constant 16 : i32
    %add3A_981 = vector.broadcast %add3A_980 : i32 to vector<16xi32>
    %add3A_982 = arith.addi %iota3A, %add3A_981 : vector<16xi32>
    %mul3A_983 = arith.constant 200 : i32
    %mul3A_984 = vector.broadcast %mul3A_983 : i32 to vector<16xi32>
    %mul3A_985 = arith.muli %add3A_982, %mul3A_984 : vector<16xi32>
    %broadcast_in_dim3A_986 = arith.constant 0.000000e+00 : f32
    %broadcast_in_dim3A_987 = vector.broadcast %broadcast_in_dim3A_986 : f32 to vector<16xf32>
    %scan3A_988 = arith.constant 0 : i32
    %scan3A_989 = arith.constant 25 : i32
    %scan3A_990 = arith.addi %scan3A_988, %scan3A_989 : i32
    %scan3A_991 = arith.constant 1 : i32
    %scan3A_992 = scf.for %scan3A_1248 = %scan3A_988 to %scan3A_990 step %scan3A_991 iter_args(%scan3A_1249 = %broadcast_in_dim3A_987) -> (vector<16xf32>)  : i32 {
      %mul3A_1250 = arith.constant 8 : i32
      %mul3A_1251 = arith.muli %scan3A_1248, %mul3A_1250 : i32
      %add3A_1252 = arith.constant 0 : i32
      %add3A_1253 = arith.addi %mul3A_1251, %add3A_1252 : i32
      %add3A_1254 = vector.broadcast %add3A_1253 : i32 to vector<16xi32>
      %add3A_1255 = arith.addi %mul3A_985, %add3A_1254 : vector<16xi32>
      %gather3A = tpu.vector_load_idx %arg12[%add3A_1255] : memref<6400xf32, #tpu.memory_space<vmem>>[vector<16xi32>], vector<16xf32>,
      %add3A_1256 = arith.addf %scan3A_1249, %gather3A : vector<16xf32>
      %add3A_1257 = arith.constant 1 : i32
      %add3A_1258 = arith.addi %mul3A_1251, %add3A_1257 : i32
      %add3A_1259 = vector.broadcast %add3A_1258 : i32 to vector<16xi32>
      %add3A_1260 = arith.addi %mul3A_985, %add3A_1259 : vector<16xi32>
      %gather3A_1261 = tpu.vector_load_idx %arg12[%add3A_1260] : memref<6400xf32, #tpu.memory_space<vmem>>[vector<16xi32>], vector<16xf32>,
      %add3A_1262 = arith.addf %add3A_1256, %gather3A_1261 : vector<16xf32>
      %add3A_1263 = arith.constant 2 : i32
      %add3A_1264 = arith.addi %mul3A_1251, %add3A_1263 : i32
      %add3A_1265 = vector.broadcast %add3A_1264 : i32 to vector<16xi32>
      %add3A_1266 = arith.addi %mul3A_985, %add3A_1265 : vector<16xi32>
      %gather3A_1267 = tpu.vector_load_idx %arg12[%add3A_1266] : memref<6400xf32, #tpu.memory_space<vmem>>[vector<16xi32>], vector<16xf32>,
      %add3A_1268 = arith.addf %add3A_1262, %gather3A_1267 : vector<16xf32>
      %add3A_1269 = arith.constant 3 : i32
      %add3A_1270 = arith.addi %mul3A_1251, %add3A_1269 : i32
      %add3A_1271 = vector.broadcast %add3A_1270 : i32 to vector<16xi32>
      %add3A_1272 = arith.addi %mul3A_985, %add3A_1271 : vector<16xi32>
      %gather3A_1273 = tpu.vector_load_idx %arg12[%add3A_1272] : memref<6400xf32, #tpu.memory_space<vmem>>[vector<16xi32>], vector<16xf32>,
      %add3A_1274 = arith.addf %add3A_1268, %gather3A_1273 : vector<16xf32>
      %add3A_1275 = arith.constant 4 : i32
      %add3A_1276 = arith.addi %mul3A_1251, %add3A_1275 : i32
      %add3A_1277 = vector.broadcast %add3A_1276 : i32 to vector<16xi32>
      %add3A_1278 = arith.addi %mul3A_985, %add3A_1277 : vector<16xi32>
      %gather3A_1279 = tpu.vector_load_idx %arg12[%add3A_1278] : memref<6400xf32, #tpu.memory_space<vmem>>[vector<16xi32>], vector<16xf32>,
      %add3A_1280 = arith.addf %add3A_1274, %gather3A_1279 : vector<16xf32>
      %add3A_1281 = arith.constant 5 : i32
      %add3A_1282 = arith.addi %mul3A_1251, %add3A_1281 : i32
      %add3A_1283 = vector.broadcast %add3A_1282 : i32 to vector<16xi32>
      %add3A_1284 = arith.addi %mul3A_985, %add3A_1283 : vector<16xi32>
      %gather3A_1285 = tpu.vector_load_idx %arg12[%add3A_1284] : memref<6400xf32, #tpu.memory_space<vmem>>[vector<16xi32>], vector<16xf32>,
      %add3A_1286 = arith.addf %add3A_1280, %gather3A_1285 : vector<16xf32>
      %add3A_1287 = arith.constant 6 : i32
      %add3A_1288 = arith.addi %mul3A_1251, %add3A_1287 : i32
      %add3A_1289 = vector.broadcast %add3A_1288 : i32 to vector<16xi32>
      %add3A_1290 = arith.addi %mul3A_985, %add3A_1289 : vector<16xi32>
      %gather3A_1291 = tpu.vector_load_idx %arg12[%add3A_1290] : memref<6400xf32, #tpu.memory_space<vmem>>[vector<16xi32>], vector<16xf32>,
      %add3A_1292 = arith.addf %add3A_1286, %gather3A_1291 : vector<16xf32>
      %add3A_1293 = arith.constant 7 : i32
      %add3A_1294 = arith.addi %mul3A_1251, %add3A_1293 : i32
      %add3A_1295 = vector.broadcast %add3A_1294 : i32 to vector<16xi32>
      %add3A_1296 = arith.addi %mul3A_985, %add3A_1295 : vector<16xi32>
      %gather3A_1297 = tpu.vector_load_idx %arg12[%add3A_1296] : memref<6400xf32, #tpu.memory_space<vmem>>[vector<16xi32>], vector<16xf32>,
      %add3A_1298 = arith.addf %add3A_1292, %gather3A_1297 : vector<16xf32>
      scf.yield %add3A_1298 : vector<16xf32>
    }
    %scan3A_993 = arith.constant 25 : i32
    %add3A_994 = arith.addf %scan3A_992, %get3A_6 : vector<16xf32>
    %abs3A_995 = math.absf %add3A_994 : vector<16xf32>
    %neg3A_996 = arith.constant 0.000000e+00 : f32
    %neg3A_997 = vector.broadcast %neg3A_996 : f32 to vector<16xf32>
    %neg3A_998 = arith.subf %neg3A_997, %abs3A_995 : vector<16xf32>
    %exp3A_999 = math.exp %neg3A_998 : vector<16xf32>
    %ge3A_1000 = arith.constant 0.000000e+00 : f32
    %ge3A_1001 = vector.broadcast %ge3A_1000 : f32 to vector<16xf32>
    %ge3A_1002 = arith.cmpf oge, %add3A_994, %ge3A_1001 : vector<16xf32>
    %add3A_1003 = arith.constant 1.000000e+00 : f32
    %add3A_1004 = vector.broadcast %add3A_1003 : f32 to vector<16xf32>
    %add3A_1005 = arith.addf %add3A_1004, %exp3A_999 : vector<16xf32>
    %div3A_1006 = arith.constant 1.000000e+00 : f32
    %div3A_1007 = vector.broadcast %div3A_1006 : f32 to vector<16xf32>
    %div3A_1008 = arith.divf %div3A_1007, %add3A_1005 : vector<16xf32>
    %add3A_1009 = arith.constant 1.000000e+00 : f32
    %add3A_1010 = vector.broadcast %add3A_1009 : f32 to vector<16xf32>
    %add3A_1011 = arith.addf %add3A_1010, %exp3A_999 : vector<16xf32>
    %div3A_1012 = arith.divf %exp3A_999, %add3A_1011 : vector<16xf32>
    %select_n3A_1013 = arith.select %ge3A_1002, %div3A_1008, %div3A_1012 : vector<16xi1>, vector<16xf32>
    %swap3A_1014 = arith.constant 400 : index
    %swap3A_1015 = tpu.vector_load %arg14[%swap3A_1014] {strides = array<i32>} : memref<512xf32, #tpu.memory_space<vmem>>, vector<16xf32>,
    tpu.vector_store %arg14[%swap3A_1014], %select_n3A_1013 {strides = array<i32>} : memref<512xf32, #tpu.memory_space<vmem>>, vector<16xf32>,
    %dma_wait3A_1016 = arith.constant 0 : i32
    %dma_wait3A_1017 = tpu.memref_slice %arg6[%dma_wait3A_1016] : memref<1000000xf32, #tpu.memory_space<vmem_shared>> -> memref<1000000xf32, #tpu.memory_space<vmem_shared>>
    tpu.wait_indirect_dma semaphore(%arg20 : memref<!tpu.dma_semaphore, #tpu.memory_space<semaphore_mem>>) src(%dma_wait3A_1017 : memref<1000000xf32, #tpu.memory_space<vmem_shared>>) dst(%arg13 : memref<6400xf32, #tpu.memory_space<vmem>>)
    %add3A_1018 = arith.constant 89600 : i32
    %add3A_1019 = arith.addi %mul3A_8, %add3A_1018 : i32
    "tpu.region"() ({
      %run_scoped3A = tpu.sem_alloc : memref<!tpu.dma_semaphore, #tpu.memory_space<semaphore_mem>>
      %dma_start3A_1248 = tpu.memref_slice %arg2[%add3A_1019] : memref<3276800xi32, #tpu.memory_space<hbm>> -> memref<6400xi32, #tpu.memory_space<hbm>>
      %dma_start3A_1249 = tpu.memref_slice %arg2[%add3A_1019] : memref<3276800xi32, #tpu.memory_space<hbm>> -> memref<6400xi32, #tpu.memory_space<hbm>>
      tpu.enqueue_dma source(%dma_start3A_1249 : memref<6400xi32, #tpu.memory_space<hbm>>) target(%arg10 : memref<6400xi32, #tpu.memory_space<vmem>>) target_semaphore(%run_scoped3A : memref<!tpu.dma_semaphore, #tpu.memory_space<semaphore_mem>>)
      %dma_wait3A_1250 = tpu.memref_slice %arg2[%add3A_1019] : memref<3276800xi32, #tpu.memory_space<hbm>> -> memref<6400xi32, #tpu.memory_space<hbm>>
      %dma_wait3A_1251 = tpu.memref_slice %arg2[%add3A_1019] : memref<3276800xi32, #tpu.memory_space<hbm>> -> memref<6400xi32, #tpu.memory_space<hbm>>
      tpu.wait_dma2 semaphore(%run_scoped3A : memref<!tpu.dma_semaphore, #tpu.memory_space<semaphore_mem>>) src(%dma_wait3A_1251 : memref<6400xi32, #tpu.memory_space<hbm>>) dst(%arg10 : memref<6400xi32, #tpu.memory_space<vmem>>)
      tpu.yield
    }) : () -> ()
    %dma_start3A_1020 = arith.constant 0 : i32
    %dma_start3A_1021 = tpu.memref_slice %arg6[%dma_start3A_1020] : memref<1000000xf32, #tpu.memory_space<vmem_shared>> -> memref<1000000xf32, #tpu.memory_space<vmem_shared>>
    tpu.enqueue_indirect_dma source(%dma_start3A_1021 : memref<1000000xf32, #tpu.memory_space<vmem_shared>>) target(%arg12 : memref<6400xf32, #tpu.memory_space<vmem>>) offsets(%arg10 : memref<6400xi32, #tpu.memory_space<vmem>>) semaphore(%arg19 : memref<!tpu.dma_semaphore, #tpu.memory_space<semaphore_mem>>)
    %add3A_1022 = arith.constant 0 : i32
    %add3A_1023 = vector.broadcast %add3A_1022 : i32 to vector<16xi32>
    %add3A_1024 = arith.addi %iota3A, %add3A_1023 : vector<16xi32>
    %mul3A_1025 = arith.constant 200 : i32
    %mul3A_1026 = vector.broadcast %mul3A_1025 : i32 to vector<16xi32>
    %mul3A_1027 = arith.muli %add3A_1024, %mul3A_1026 : vector<16xi32>
    %broadcast_in_dim3A_1028 = arith.constant 0.000000e+00 : f32
    %broadcast_in_dim3A_1029 = vector.broadcast %broadcast_in_dim3A_1028 : f32 to vector<16xf32>
    %scan3A_1030 = arith.constant 0 : i32
    %scan3A_1031 = arith.constant 25 : i32
    %scan3A_1032 = arith.addi %scan3A_1030, %scan3A_1031 : i32
    %scan3A_1033 = arith.constant 1 : i32
    %scan3A_1034 = scf.for %scan3A_1248 = %scan3A_1030 to %scan3A_1032 step %scan3A_1033 iter_args(%scan3A_1249 = %broadcast_in_dim3A_1029) -> (vector<16xf32>)  : i32 {
      %mul3A_1250 = arith.constant 8 : i32
      %mul3A_1251 = arith.muli %scan3A_1248, %mul3A_1250 : i32
      %add3A_1252 = arith.constant 0 : i32
      %add3A_1253 = arith.addi %mul3A_1251, %add3A_1252 : i32
      %add3A_1254 = vector.broadcast %add3A_1253 : i32 to vector<16xi32>
      %add3A_1255 = arith.addi %mul3A_1027, %add3A_1254 : vector<16xi32>
      %gather3A = tpu.vector_load_idx %arg13[%add3A_1255] : memref<6400xf32, #tpu.memory_space<vmem>>[vector<16xi32>], vector<16xf32>,
      %add3A_1256 = arith.addf %scan3A_1249, %gather3A : vector<16xf32>
      %add3A_1257 = arith.constant 1 : i32
      %add3A_1258 = arith.addi %mul3A_1251, %add3A_1257 : i32
      %add3A_1259 = vector.broadcast %add3A_1258 : i32 to vector<16xi32>
      %add3A_1260 = arith.addi %mul3A_1027, %add3A_1259 : vector<16xi32>
      %gather3A_1261 = tpu.vector_load_idx %arg13[%add3A_1260] : memref<6400xf32, #tpu.memory_space<vmem>>[vector<16xi32>], vector<16xf32>,
      %add3A_1262 = arith.addf %add3A_1256, %gather3A_1261 : vector<16xf32>
      %add3A_1263 = arith.constant 2 : i32
      %add3A_1264 = arith.addi %mul3A_1251, %add3A_1263 : i32
      %add3A_1265 = vector.broadcast %add3A_1264 : i32 to vector<16xi32>
      %add3A_1266 = arith.addi %mul3A_1027, %add3A_1265 : vector<16xi32>
      %gather3A_1267 = tpu.vector_load_idx %arg13[%add3A_1266] : memref<6400xf32, #tpu.memory_space<vmem>>[vector<16xi32>], vector<16xf32>,
      %add3A_1268 = arith.addf %add3A_1262, %gather3A_1267 : vector<16xf32>
      %add3A_1269 = arith.constant 3 : i32
      %add3A_1270 = arith.addi %mul3A_1251, %add3A_1269 : i32
      %add3A_1271 = vector.broadcast %add3A_1270 : i32 to vector<16xi32>
      %add3A_1272 = arith.addi %mul3A_1027, %add3A_1271 : vector<16xi32>
      %gather3A_1273 = tpu.vector_load_idx %arg13[%add3A_1272] : memref<6400xf32, #tpu.memory_space<vmem>>[vector<16xi32>], vector<16xf32>,
      %add3A_1274 = arith.addf %add3A_1268, %gather3A_1273 : vector<16xf32>
      %add3A_1275 = arith.constant 4 : i32
      %add3A_1276 = arith.addi %mul3A_1251, %add3A_1275 : i32
      %add3A_1277 = vector.broadcast %add3A_1276 : i32 to vector<16xi32>
      %add3A_1278 = arith.addi %mul3A_1027, %add3A_1277 : vector<16xi32>
      %gather3A_1279 = tpu.vector_load_idx %arg13[%add3A_1278] : memref<6400xf32, #tpu.memory_space<vmem>>[vector<16xi32>], vector<16xf32>,
      %add3A_1280 = arith.addf %add3A_1274, %gather3A_1279 : vector<16xf32>
      %add3A_1281 = arith.constant 5 : i32
      %add3A_1282 = arith.addi %mul3A_1251, %add3A_1281 : i32
      %add3A_1283 = vector.broadcast %add3A_1282 : i32 to vector<16xi32>
      %add3A_1284 = arith.addi %mul3A_1027, %add3A_1283 : vector<16xi32>
      %gather3A_1285 = tpu.vector_load_idx %arg13[%add3A_1284] : memref<6400xf32, #tpu.memory_space<vmem>>[vector<16xi32>], vector<16xf32>,
      %add3A_1286 = arith.addf %add3A_1280, %gather3A_1285 : vector<16xf32>
      %add3A_1287 = arith.constant 6 : i32
      %add3A_1288 = arith.addi %mul3A_1251, %add3A_1287 : i32
      %add3A_1289 = vector.broadcast %add3A_1288 : i32 to vector<16xi32>
      %add3A_1290 = arith.addi %mul3A_1027, %add3A_1289 : vector<16xi32>
      %gather3A_1291 = tpu.vector_load_idx %arg13[%add3A_1290] : memref<6400xf32, #tpu.memory_space<vmem>>[vector<16xi32>], vector<16xf32>,
      %add3A_1292 = arith.addf %add3A_1286, %gather3A_1291 : vector<16xf32>
      %add3A_1293 = arith.constant 7 : i32
      %add3A_1294 = arith.addi %mul3A_1251, %add3A_1293 : i32
      %add3A_1295 = vector.broadcast %add3A_1294 : i32 to vector<16xi32>
      %add3A_1296 = arith.addi %mul3A_1027, %add3A_1295 : vector<16xi32>
      %gather3A_1297 = tpu.vector_load_idx %arg13[%add3A_1296] : memref<6400xf32, #tpu.memory_space<vmem>>[vector<16xi32>], vector<16xf32>,
      %add3A_1298 = arith.addf %add3A_1292, %gather3A_1297 : vector<16xf32>
      scf.yield %add3A_1298 : vector<16xf32>
    }
    %scan3A_1035 = arith.constant 25 : i32
    %add3A_1036 = arith.addf %scan3A_1034, %get3A_6 : vector<16xf32>
    %abs3A_1037 = math.absf %add3A_1036 : vector<16xf32>
    %neg3A_1038 = arith.constant 0.000000e+00 : f32
    %neg3A_1039 = vector.broadcast %neg3A_1038 : f32 to vector<16xf32>
    %neg3A_1040 = arith.subf %neg3A_1039, %abs3A_1037 : vector<16xf32>
    %exp3A_1041 = math.exp %neg3A_1040 : vector<16xf32>
    %ge3A_1042 = arith.constant 0.000000e+00 : f32
    %ge3A_1043 = vector.broadcast %ge3A_1042 : f32 to vector<16xf32>
    %ge3A_1044 = arith.cmpf oge, %add3A_1036, %ge3A_1043 : vector<16xf32>
    %add3A_1045 = arith.constant 1.000000e+00 : f32
    %add3A_1046 = vector.broadcast %add3A_1045 : f32 to vector<16xf32>
    %add3A_1047 = arith.addf %add3A_1046, %exp3A_1041 : vector<16xf32>
    %div3A_1048 = arith.constant 1.000000e+00 : f32
    %div3A_1049 = vector.broadcast %div3A_1048 : f32 to vector<16xf32>
    %div3A_1050 = arith.divf %div3A_1049, %add3A_1047 : vector<16xf32>
    %add3A_1051 = arith.constant 1.000000e+00 : f32
    %add3A_1052 = vector.broadcast %add3A_1051 : f32 to vector<16xf32>
    %add3A_1053 = arith.addf %add3A_1052, %exp3A_1041 : vector<16xf32>
    %div3A_1054 = arith.divf %exp3A_1041, %add3A_1053 : vector<16xf32>
    %select_n3A_1055 = arith.select %ge3A_1044, %div3A_1050, %div3A_1054 : vector<16xi1>, vector<16xf32>
    %swap3A_1056 = arith.constant 416 : index
    %swap3A_1057 = tpu.vector_load %arg14[%swap3A_1056] {strides = array<i32>} : memref<512xf32, #tpu.memory_space<vmem>>, vector<16xf32>,
    tpu.vector_store %arg14[%swap3A_1056], %select_n3A_1055 {strides = array<i32>} : memref<512xf32, #tpu.memory_space<vmem>>, vector<16xf32>,
    %add3A_1058 = arith.constant 16 : i32
    %add3A_1059 = vector.broadcast %add3A_1058 : i32 to vector<16xi32>
    %add3A_1060 = arith.addi %iota3A, %add3A_1059 : vector<16xi32>
    %mul3A_1061 = arith.constant 200 : i32
    %mul3A_1062 = vector.broadcast %mul3A_1061 : i32 to vector<16xi32>
    %mul3A_1063 = arith.muli %add3A_1060, %mul3A_1062 : vector<16xi32>
    %broadcast_in_dim3A_1064 = arith.constant 0.000000e+00 : f32
    %broadcast_in_dim3A_1065 = vector.broadcast %broadcast_in_dim3A_1064 : f32 to vector<16xf32>
    %scan3A_1066 = arith.constant 0 : i32
    %scan3A_1067 = arith.constant 25 : i32
    %scan3A_1068 = arith.addi %scan3A_1066, %scan3A_1067 : i32
    %scan3A_1069 = arith.constant 1 : i32
    %scan3A_1070 = scf.for %scan3A_1248 = %scan3A_1066 to %scan3A_1068 step %scan3A_1069 iter_args(%scan3A_1249 = %broadcast_in_dim3A_1065) -> (vector<16xf32>)  : i32 {
      %mul3A_1250 = arith.constant 8 : i32
      %mul3A_1251 = arith.muli %scan3A_1248, %mul3A_1250 : i32
      %add3A_1252 = arith.constant 0 : i32
      %add3A_1253 = arith.addi %mul3A_1251, %add3A_1252 : i32
      %add3A_1254 = vector.broadcast %add3A_1253 : i32 to vector<16xi32>
      %add3A_1255 = arith.addi %mul3A_1063, %add3A_1254 : vector<16xi32>
      %gather3A = tpu.vector_load_idx %arg13[%add3A_1255] : memref<6400xf32, #tpu.memory_space<vmem>>[vector<16xi32>], vector<16xf32>,
      %add3A_1256 = arith.addf %scan3A_1249, %gather3A : vector<16xf32>
      %add3A_1257 = arith.constant 1 : i32
      %add3A_1258 = arith.addi %mul3A_1251, %add3A_1257 : i32
      %add3A_1259 = vector.broadcast %add3A_1258 : i32 to vector<16xi32>
      %add3A_1260 = arith.addi %mul3A_1063, %add3A_1259 : vector<16xi32>
      %gather3A_1261 = tpu.vector_load_idx %arg13[%add3A_1260] : memref<6400xf32, #tpu.memory_space<vmem>>[vector<16xi32>], vector<16xf32>,
      %add3A_1262 = arith.addf %add3A_1256, %gather3A_1261 : vector<16xf32>
      %add3A_1263 = arith.constant 2 : i32
      %add3A_1264 = arith.addi %mul3A_1251, %add3A_1263 : i32
      %add3A_1265 = vector.broadcast %add3A_1264 : i32 to vector<16xi32>
      %add3A_1266 = arith.addi %mul3A_1063, %add3A_1265 : vector<16xi32>
      %gather3A_1267 = tpu.vector_load_idx %arg13[%add3A_1266] : memref<6400xf32, #tpu.memory_space<vmem>>[vector<16xi32>], vector<16xf32>,
      %add3A_1268 = arith.addf %add3A_1262, %gather3A_1267 : vector<16xf32>
      %add3A_1269 = arith.constant 3 : i32
      %add3A_1270 = arith.addi %mul3A_1251, %add3A_1269 : i32
      %add3A_1271 = vector.broadcast %add3A_1270 : i32 to vector<16xi32>
      %add3A_1272 = arith.addi %mul3A_1063, %add3A_1271 : vector<16xi32>
      %gather3A_1273 = tpu.vector_load_idx %arg13[%add3A_1272] : memref<6400xf32, #tpu.memory_space<vmem>>[vector<16xi32>], vector<16xf32>,
      %add3A_1274 = arith.addf %add3A_1268, %gather3A_1273 : vector<16xf32>
      %add3A_1275 = arith.constant 4 : i32
      %add3A_1276 = arith.addi %mul3A_1251, %add3A_1275 : i32
      %add3A_1277 = vector.broadcast %add3A_1276 : i32 to vector<16xi32>
      %add3A_1278 = arith.addi %mul3A_1063, %add3A_1277 : vector<16xi32>
      %gather3A_1279 = tpu.vector_load_idx %arg13[%add3A_1278] : memref<6400xf32, #tpu.memory_space<vmem>>[vector<16xi32>], vector<16xf32>,
      %add3A_1280 = arith.addf %add3A_1274, %gather3A_1279 : vector<16xf32>
      %add3A_1281 = arith.constant 5 : i32
      %add3A_1282 = arith.addi %mul3A_1251, %add3A_1281 : i32
      %add3A_1283 = vector.broadcast %add3A_1282 : i32 to vector<16xi32>
      %add3A_1284 = arith.addi %mul3A_1063, %add3A_1283 : vector<16xi32>
      %gather3A_1285 = tpu.vector_load_idx %arg13[%add3A_1284] : memref<6400xf32, #tpu.memory_space<vmem>>[vector<16xi32>], vector<16xf32>,
      %add3A_1286 = arith.addf %add3A_1280, %gather3A_1285 : vector<16xf32>
      %add3A_1287 = arith.constant 6 : i32
      %add3A_1288 = arith.addi %mul3A_1251, %add3A_1287 : i32
      %add3A_1289 = vector.broadcast %add3A_1288 : i32 to vector<16xi32>
      %add3A_1290 = arith.addi %mul3A_1063, %add3A_1289 : vector<16xi32>
      %gather3A_1291 = tpu.vector_load_idx %arg13[%add3A_1290] : memref<6400xf32, #tpu.memory_space<vmem>>[vector<16xi32>], vector<16xf32>,
      %add3A_1292 = arith.addf %add3A_1286, %gather3A_1291 : vector<16xf32>
      %add3A_1293 = arith.constant 7 : i32
      %add3A_1294 = arith.addi %mul3A_1251, %add3A_1293 : i32
      %add3A_1295 = vector.broadcast %add3A_1294 : i32 to vector<16xi32>
      %add3A_1296 = arith.addi %mul3A_1063, %add3A_1295 : vector<16xi32>
      %gather3A_1297 = tpu.vector_load_idx %arg13[%add3A_1296] : memref<6400xf32, #tpu.memory_space<vmem>>[vector<16xi32>], vector<16xf32>,
      %add3A_1298 = arith.addf %add3A_1292, %gather3A_1297 : vector<16xf32>
      scf.yield %add3A_1298 : vector<16xf32>
    }
    %scan3A_1071 = arith.constant 25 : i32
    %add3A_1072 = arith.addf %scan3A_1070, %get3A_6 : vector<16xf32>
    %abs3A_1073 = math.absf %add3A_1072 : vector<16xf32>
    %neg3A_1074 = arith.constant 0.000000e+00 : f32
    %neg3A_1075 = vector.broadcast %neg3A_1074 : f32 to vector<16xf32>
    %neg3A_1076 = arith.subf %neg3A_1075, %abs3A_1073 : vector<16xf32>
    %exp3A_1077 = math.exp %neg3A_1076 : vector<16xf32>
    %ge3A_1078 = arith.constant 0.000000e+00 : f32
    %ge3A_1079 = vector.broadcast %ge3A_1078 : f32 to vector<16xf32>
    %ge3A_1080 = arith.cmpf oge, %add3A_1072, %ge3A_1079 : vector<16xf32>
    %add3A_1081 = arith.constant 1.000000e+00 : f32
    %add3A_1082 = vector.broadcast %add3A_1081 : f32 to vector<16xf32>
    %add3A_1083 = arith.addf %add3A_1082, %exp3A_1077 : vector<16xf32>
    %div3A_1084 = arith.constant 1.000000e+00 : f32
    %div3A_1085 = vector.broadcast %div3A_1084 : f32 to vector<16xf32>
    %div3A_1086 = arith.divf %div3A_1085, %add3A_1083 : vector<16xf32>
    %add3A_1087 = arith.constant 1.000000e+00 : f32
    %add3A_1088 = vector.broadcast %add3A_1087 : f32 to vector<16xf32>
    %add3A_1089 = arith.addf %add3A_1088, %exp3A_1077 : vector<16xf32>
    %div3A_1090 = arith.divf %exp3A_1077, %add3A_1089 : vector<16xf32>
    %select_n3A_1091 = arith.select %ge3A_1080, %div3A_1086, %div3A_1090 : vector<16xi1>, vector<16xf32>
    %swap3A_1092 = arith.constant 432 : index
    %swap3A_1093 = tpu.vector_load %arg14[%swap3A_1092] {strides = array<i32>} : memref<512xf32, #tpu.memory_space<vmem>>, vector<16xf32>,
    tpu.vector_store %arg14[%swap3A_1092], %select_n3A_1091 {strides = array<i32>} : memref<512xf32, #tpu.memory_space<vmem>>, vector<16xf32>,
    %dma_wait3A_1094 = arith.constant 0 : i32
    %dma_wait3A_1095 = tpu.memref_slice %arg6[%dma_wait3A_1094] : memref<1000000xf32, #tpu.memory_space<vmem_shared>> -> memref<1000000xf32, #tpu.memory_space<vmem_shared>>
    tpu.wait_indirect_dma semaphore(%arg19 : memref<!tpu.dma_semaphore, #tpu.memory_space<semaphore_mem>>) src(%dma_wait3A_1095 : memref<1000000xf32, #tpu.memory_space<vmem_shared>>) dst(%arg12 : memref<6400xf32, #tpu.memory_space<vmem>>)
    %add3A_1096 = arith.constant 96000 : i32
    %add3A_1097 = arith.addi %mul3A_8, %add3A_1096 : i32
    "tpu.region"() ({
      %run_scoped3A = tpu.sem_alloc : memref<!tpu.dma_semaphore, #tpu.memory_space<semaphore_mem>>
      %dma_start3A_1248 = tpu.memref_slice %arg2[%add3A_1097] : memref<3276800xi32, #tpu.memory_space<hbm>> -> memref<6400xi32, #tpu.memory_space<hbm>>
      %dma_start3A_1249 = tpu.memref_slice %arg2[%add3A_1097] : memref<3276800xi32, #tpu.memory_space<hbm>> -> memref<6400xi32, #tpu.memory_space<hbm>>
      tpu.enqueue_dma source(%dma_start3A_1249 : memref<6400xi32, #tpu.memory_space<hbm>>) target(%arg11 : memref<6400xi32, #tpu.memory_space<vmem>>) target_semaphore(%run_scoped3A : memref<!tpu.dma_semaphore, #tpu.memory_space<semaphore_mem>>)
      %dma_wait3A_1250 = tpu.memref_slice %arg2[%add3A_1097] : memref<3276800xi32, #tpu.memory_space<hbm>> -> memref<6400xi32, #tpu.memory_space<hbm>>
      %dma_wait3A_1251 = tpu.memref_slice %arg2[%add3A_1097] : memref<3276800xi32, #tpu.memory_space<hbm>> -> memref<6400xi32, #tpu.memory_space<hbm>>
      tpu.wait_dma2 semaphore(%run_scoped3A : memref<!tpu.dma_semaphore, #tpu.memory_space<semaphore_mem>>) src(%dma_wait3A_1251 : memref<6400xi32, #tpu.memory_space<hbm>>) dst(%arg11 : memref<6400xi32, #tpu.memory_space<vmem>>)
      tpu.yield
    }) : () -> ()
    %dma_start3A_1098 = arith.constant 0 : i32
    %dma_start3A_1099 = tpu.memref_slice %arg6[%dma_start3A_1098] : memref<1000000xf32, #tpu.memory_space<vmem_shared>> -> memref<1000000xf32, #tpu.memory_space<vmem_shared>>
    tpu.enqueue_indirect_dma source(%dma_start3A_1099 : memref<1000000xf32, #tpu.memory_space<vmem_shared>>) target(%arg13 : memref<6400xf32, #tpu.memory_space<vmem>>) offsets(%arg11 : memref<6400xi32, #tpu.memory_space<vmem>>) semaphore(%arg20 : memref<!tpu.dma_semaphore, #tpu.memory_space<semaphore_mem>>)
    %add3A_1100 = arith.constant 0 : i32
    %add3A_1101 = vector.broadcast %add3A_1100 : i32 to vector<16xi32>
    %add3A_1102 = arith.addi %iota3A, %add3A_1101 : vector<16xi32>
    %mul3A_1103 = arith.constant 200 : i32
    %mul3A_1104 = vector.broadcast %mul3A_1103 : i32 to vector<16xi32>
    %mul3A_1105 = arith.muli %add3A_1102, %mul3A_1104 : vector<16xi32>
    %broadcast_in_dim3A_1106 = arith.constant 0.000000e+00 : f32
    %broadcast_in_dim3A_1107 = vector.broadcast %broadcast_in_dim3A_1106 : f32 to vector<16xf32>
    %scan3A_1108 = arith.constant 0 : i32
    %scan3A_1109 = arith.constant 25 : i32
    %scan3A_1110 = arith.addi %scan3A_1108, %scan3A_1109 : i32
    %scan3A_1111 = arith.constant 1 : i32
    %scan3A_1112 = scf.for %scan3A_1248 = %scan3A_1108 to %scan3A_1110 step %scan3A_1111 iter_args(%scan3A_1249 = %broadcast_in_dim3A_1107) -> (vector<16xf32>)  : i32 {
      %mul3A_1250 = arith.constant 8 : i32
      %mul3A_1251 = arith.muli %scan3A_1248, %mul3A_1250 : i32
      %add3A_1252 = arith.constant 0 : i32
      %add3A_1253 = arith.addi %mul3A_1251, %add3A_1252 : i32
      %add3A_1254 = vector.broadcast %add3A_1253 : i32 to vector<16xi32>
      %add3A_1255 = arith.addi %mul3A_1105, %add3A_1254 : vector<16xi32>
      %gather3A = tpu.vector_load_idx %arg12[%add3A_1255] : memref<6400xf32, #tpu.memory_space<vmem>>[vector<16xi32>], vector<16xf32>,
      %add3A_1256 = arith.addf %scan3A_1249, %gather3A : vector<16xf32>
      %add3A_1257 = arith.constant 1 : i32
      %add3A_1258 = arith.addi %mul3A_1251, %add3A_1257 : i32
      %add3A_1259 = vector.broadcast %add3A_1258 : i32 to vector<16xi32>
      %add3A_1260 = arith.addi %mul3A_1105, %add3A_1259 : vector<16xi32>
      %gather3A_1261 = tpu.vector_load_idx %arg12[%add3A_1260] : memref<6400xf32, #tpu.memory_space<vmem>>[vector<16xi32>], vector<16xf32>,
      %add3A_1262 = arith.addf %add3A_1256, %gather3A_1261 : vector<16xf32>
      %add3A_1263 = arith.constant 2 : i32
      %add3A_1264 = arith.addi %mul3A_1251, %add3A_1263 : i32
      %add3A_1265 = vector.broadcast %add3A_1264 : i32 to vector<16xi32>
      %add3A_1266 = arith.addi %mul3A_1105, %add3A_1265 : vector<16xi32>
      %gather3A_1267 = tpu.vector_load_idx %arg12[%add3A_1266] : memref<6400xf32, #tpu.memory_space<vmem>>[vector<16xi32>], vector<16xf32>,
      %add3A_1268 = arith.addf %add3A_1262, %gather3A_1267 : vector<16xf32>
      %add3A_1269 = arith.constant 3 : i32
      %add3A_1270 = arith.addi %mul3A_1251, %add3A_1269 : i32
      %add3A_1271 = vector.broadcast %add3A_1270 : i32 to vector<16xi32>
      %add3A_1272 = arith.addi %mul3A_1105, %add3A_1271 : vector<16xi32>
      %gather3A_1273 = tpu.vector_load_idx %arg12[%add3A_1272] : memref<6400xf32, #tpu.memory_space<vmem>>[vector<16xi32>], vector<16xf32>,
      %add3A_1274 = arith.addf %add3A_1268, %gather3A_1273 : vector<16xf32>
      %add3A_1275 = arith.constant 4 : i32
      %add3A_1276 = arith.addi %mul3A_1251, %add3A_1275 : i32
      %add3A_1277 = vector.broadcast %add3A_1276 : i32 to vector<16xi32>
      %add3A_1278 = arith.addi %mul3A_1105, %add3A_1277 : vector<16xi32>
      %gather3A_1279 = tpu.vector_load_idx %arg12[%add3A_1278] : memref<6400xf32, #tpu.memory_space<vmem>>[vector<16xi32>], vector<16xf32>,
      %add3A_1280 = arith.addf %add3A_1274, %gather3A_1279 : vector<16xf32>
      %add3A_1281 = arith.constant 5 : i32
      %add3A_1282 = arith.addi %mul3A_1251, %add3A_1281 : i32
      %add3A_1283 = vector.broadcast %add3A_1282 : i32 to vector<16xi32>
      %add3A_1284 = arith.addi %mul3A_1105, %add3A_1283 : vector<16xi32>
      %gather3A_1285 = tpu.vector_load_idx %arg12[%add3A_1284] : memref<6400xf32, #tpu.memory_space<vmem>>[vector<16xi32>], vector<16xf32>,
      %add3A_1286 = arith.addf %add3A_1280, %gather3A_1285 : vector<16xf32>
      %add3A_1287 = arith.constant 6 : i32
      %add3A_1288 = arith.addi %mul3A_1251, %add3A_1287 : i32
      %add3A_1289 = vector.broadcast %add3A_1288 : i32 to vector<16xi32>
      %add3A_1290 = arith.addi %mul3A_1105, %add3A_1289 : vector<16xi32>
      %gather3A_1291 = tpu.vector_load_idx %arg12[%add3A_1290] : memref<6400xf32, #tpu.memory_space<vmem>>[vector<16xi32>], vector<16xf32>,
      %add3A_1292 = arith.addf %add3A_1286, %gather3A_1291 : vector<16xf32>
      %add3A_1293 = arith.constant 7 : i32
      %add3A_1294 = arith.addi %mul3A_1251, %add3A_1293 : i32
      %add3A_1295 = vector.broadcast %add3A_1294 : i32 to vector<16xi32>
      %add3A_1296 = arith.addi %mul3A_1105, %add3A_1295 : vector<16xi32>
      %gather3A_1297 = tpu.vector_load_idx %arg12[%add3A_1296] : memref<6400xf32, #tpu.memory_space<vmem>>[vector<16xi32>], vector<16xf32>,
      %add3A_1298 = arith.addf %add3A_1292, %gather3A_1297 : vector<16xf32>
      scf.yield %add3A_1298 : vector<16xf32>
    }
    %scan3A_1113 = arith.constant 25 : i32
    %add3A_1114 = arith.addf %scan3A_1112, %get3A_6 : vector<16xf32>
    %abs3A_1115 = math.absf %add3A_1114 : vector<16xf32>
    %neg3A_1116 = arith.constant 0.000000e+00 : f32
    %neg3A_1117 = vector.broadcast %neg3A_1116 : f32 to vector<16xf32>
    %neg3A_1118 = arith.subf %neg3A_1117, %abs3A_1115 : vector<16xf32>
    %exp3A_1119 = math.exp %neg3A_1118 : vector<16xf32>
    %ge3A_1120 = arith.constant 0.000000e+00 : f32
    %ge3A_1121 = vector.broadcast %ge3A_1120 : f32 to vector<16xf32>
    %ge3A_1122 = arith.cmpf oge, %add3A_1114, %ge3A_1121 : vector<16xf32>
    %add3A_1123 = arith.constant 1.000000e+00 : f32
    %add3A_1124 = vector.broadcast %add3A_1123 : f32 to vector<16xf32>
    %add3A_1125 = arith.addf %add3A_1124, %exp3A_1119 : vector<16xf32>
    %div3A_1126 = arith.constant 1.000000e+00 : f32
    %div3A_1127 = vector.broadcast %div3A_1126 : f32 to vector<16xf32>
    %div3A_1128 = arith.divf %div3A_1127, %add3A_1125 : vector<16xf32>
    %add3A_1129 = arith.constant 1.000000e+00 : f32
    %add3A_1130 = vector.broadcast %add3A_1129 : f32 to vector<16xf32>
    %add3A_1131 = arith.addf %add3A_1130, %exp3A_1119 : vector<16xf32>
    %div3A_1132 = arith.divf %exp3A_1119, %add3A_1131 : vector<16xf32>
    %select_n3A_1133 = arith.select %ge3A_1122, %div3A_1128, %div3A_1132 : vector<16xi1>, vector<16xf32>
    %swap3A_1134 = arith.constant 448 : index
    %swap3A_1135 = tpu.vector_load %arg14[%swap3A_1134] {strides = array<i32>} : memref<512xf32, #tpu.memory_space<vmem>>, vector<16xf32>,
    tpu.vector_store %arg14[%swap3A_1134], %select_n3A_1133 {strides = array<i32>} : memref<512xf32, #tpu.memory_space<vmem>>, vector<16xf32>,
    %add3A_1136 = arith.constant 16 : i32
    %add3A_1137 = vector.broadcast %add3A_1136 : i32 to vector<16xi32>
    %add3A_1138 = arith.addi %iota3A, %add3A_1137 : vector<16xi32>
    %mul3A_1139 = arith.constant 200 : i32
    %mul3A_1140 = vector.broadcast %mul3A_1139 : i32 to vector<16xi32>
    %mul3A_1141 = arith.muli %add3A_1138, %mul3A_1140 : vector<16xi32>
    %broadcast_in_dim3A_1142 = arith.constant 0.000000e+00 : f32
    %broadcast_in_dim3A_1143 = vector.broadcast %broadcast_in_dim3A_1142 : f32 to vector<16xf32>
    %scan3A_1144 = arith.constant 0 : i32
    %scan3A_1145 = arith.constant 25 : i32
    %scan3A_1146 = arith.addi %scan3A_1144, %scan3A_1145 : i32
    %scan3A_1147 = arith.constant 1 : i32
    %scan3A_1148 = scf.for %scan3A_1248 = %scan3A_1144 to %scan3A_1146 step %scan3A_1147 iter_args(%scan3A_1249 = %broadcast_in_dim3A_1143) -> (vector<16xf32>)  : i32 {
      %mul3A_1250 = arith.constant 8 : i32
      %mul3A_1251 = arith.muli %scan3A_1248, %mul3A_1250 : i32
      %add3A_1252 = arith.constant 0 : i32
      %add3A_1253 = arith.addi %mul3A_1251, %add3A_1252 : i32
      %add3A_1254 = vector.broadcast %add3A_1253 : i32 to vector<16xi32>
      %add3A_1255 = arith.addi %mul3A_1141, %add3A_1254 : vector<16xi32>
      %gather3A = tpu.vector_load_idx %arg12[%add3A_1255] : memref<6400xf32, #tpu.memory_space<vmem>>[vector<16xi32>], vector<16xf32>,
      %add3A_1256 = arith.addf %scan3A_1249, %gather3A : vector<16xf32>
      %add3A_1257 = arith.constant 1 : i32
      %add3A_1258 = arith.addi %mul3A_1251, %add3A_1257 : i32
      %add3A_1259 = vector.broadcast %add3A_1258 : i32 to vector<16xi32>
      %add3A_1260 = arith.addi %mul3A_1141, %add3A_1259 : vector<16xi32>
      %gather3A_1261 = tpu.vector_load_idx %arg12[%add3A_1260] : memref<6400xf32, #tpu.memory_space<vmem>>[vector<16xi32>], vector<16xf32>,
      %add3A_1262 = arith.addf %add3A_1256, %gather3A_1261 : vector<16xf32>
      %add3A_1263 = arith.constant 2 : i32
      %add3A_1264 = arith.addi %mul3A_1251, %add3A_1263 : i32
      %add3A_1265 = vector.broadcast %add3A_1264 : i32 to vector<16xi32>
      %add3A_1266 = arith.addi %mul3A_1141, %add3A_1265 : vector<16xi32>
      %gather3A_1267 = tpu.vector_load_idx %arg12[%add3A_1266] : memref<6400xf32, #tpu.memory_space<vmem>>[vector<16xi32>], vector<16xf32>,
      %add3A_1268 = arith.addf %add3A_1262, %gather3A_1267 : vector<16xf32>
      %add3A_1269 = arith.constant 3 : i32
      %add3A_1270 = arith.addi %mul3A_1251, %add3A_1269 : i32
      %add3A_1271 = vector.broadcast %add3A_1270 : i32 to vector<16xi32>
      %add3A_1272 = arith.addi %mul3A_1141, %add3A_1271 : vector<16xi32>
      %gather3A_1273 = tpu.vector_load_idx %arg12[%add3A_1272] : memref<6400xf32, #tpu.memory_space<vmem>>[vector<16xi32>], vector<16xf32>,
      %add3A_1274 = arith.addf %add3A_1268, %gather3A_1273 : vector<16xf32>
      %add3A_1275 = arith.constant 4 : i32
      %add3A_1276 = arith.addi %mul3A_1251, %add3A_1275 : i32
      %add3A_1277 = vector.broadcast %add3A_1276 : i32 to vector<16xi32>
      %add3A_1278 = arith.addi %mul3A_1141, %add3A_1277 : vector<16xi32>
      %gather3A_1279 = tpu.vector_load_idx %arg12[%add3A_1278] : memref<6400xf32, #tpu.memory_space<vmem>>[vector<16xi32>], vector<16xf32>,
      %add3A_1280 = arith.addf %add3A_1274, %gather3A_1279 : vector<16xf32>
      %add3A_1281 = arith.constant 5 : i32
      %add3A_1282 = arith.addi %mul3A_1251, %add3A_1281 : i32
      %add3A_1283 = vector.broadcast %add3A_1282 : i32 to vector<16xi32>
      %add3A_1284 = arith.addi %mul3A_1141, %add3A_1283 : vector<16xi32>
      %gather3A_1285 = tpu.vector_load_idx %arg12[%add3A_1284] : memref<6400xf32, #tpu.memory_space<vmem>>[vector<16xi32>], vector<16xf32>,
      %add3A_1286 = arith.addf %add3A_1280, %gather3A_1285 : vector<16xf32>
      %add3A_1287 = arith.constant 6 : i32
      %add3A_1288 = arith.addi %mul3A_1251, %add3A_1287 : i32
      %add3A_1289 = vector.broadcast %add3A_1288 : i32 to vector<16xi32>
      %add3A_1290 = arith.addi %mul3A_1141, %add3A_1289 : vector<16xi32>
      %gather3A_1291 = tpu.vector_load_idx %arg12[%add3A_1290] : memref<6400xf32, #tpu.memory_space<vmem>>[vector<16xi32>], vector<16xf32>,
      %add3A_1292 = arith.addf %add3A_1286, %gather3A_1291 : vector<16xf32>
      %add3A_1293 = arith.constant 7 : i32
      %add3A_1294 = arith.addi %mul3A_1251, %add3A_1293 : i32
      %add3A_1295 = vector.broadcast %add3A_1294 : i32 to vector<16xi32>
      %add3A_1296 = arith.addi %mul3A_1141, %add3A_1295 : vector<16xi32>
      %gather3A_1297 = tpu.vector_load_idx %arg12[%add3A_1296] : memref<6400xf32, #tpu.memory_space<vmem>>[vector<16xi32>], vector<16xf32>,
      %add3A_1298 = arith.addf %add3A_1292, %gather3A_1297 : vector<16xf32>
      scf.yield %add3A_1298 : vector<16xf32>
    }
    %scan3A_1149 = arith.constant 25 : i32
    %add3A_1150 = arith.addf %scan3A_1148, %get3A_6 : vector<16xf32>
    %abs3A_1151 = math.absf %add3A_1150 : vector<16xf32>
    %neg3A_1152 = arith.constant 0.000000e+00 : f32
    %neg3A_1153 = vector.broadcast %neg3A_1152 : f32 to vector<16xf32>
    %neg3A_1154 = arith.subf %neg3A_1153, %abs3A_1151 : vector<16xf32>
    %exp3A_1155 = math.exp %neg3A_1154 : vector<16xf32>
    %ge3A_1156 = arith.constant 0.000000e+00 : f32
    %ge3A_1157 = vector.broadcast %ge3A_1156 : f32 to vector<16xf32>
    %ge3A_1158 = arith.cmpf oge, %add3A_1150, %ge3A_1157 : vector<16xf32>
    %add3A_1159 = arith.constant 1.000000e+00 : f32
    %add3A_1160 = vector.broadcast %add3A_1159 : f32 to vector<16xf32>
    %add3A_1161 = arith.addf %add3A_1160, %exp3A_1155 : vector<16xf32>
    %div3A_1162 = arith.constant 1.000000e+00 : f32
    %div3A_1163 = vector.broadcast %div3A_1162 : f32 to vector<16xf32>
    %div3A_1164 = arith.divf %div3A_1163, %add3A_1161 : vector<16xf32>
    %add3A_1165 = arith.constant 1.000000e+00 : f32
    %add3A_1166 = vector.broadcast %add3A_1165 : f32 to vector<16xf32>
    %add3A_1167 = arith.addf %add3A_1166, %exp3A_1155 : vector<16xf32>
    %div3A_1168 = arith.divf %exp3A_1155, %add3A_1167 : vector<16xf32>
    %select_n3A_1169 = arith.select %ge3A_1158, %div3A_1164, %div3A_1168 : vector<16xi1>, vector<16xf32>
    %swap3A_1170 = arith.constant 464 : index
    %swap3A_1171 = tpu.vector_load %arg14[%swap3A_1170] {strides = array<i32>} : memref<512xf32, #tpu.memory_space<vmem>>, vector<16xf32>,
    tpu.vector_store %arg14[%swap3A_1170], %select_n3A_1169 {strides = array<i32>} : memref<512xf32, #tpu.memory_space<vmem>>, vector<16xf32>,
    %dma_wait3A_1172 = arith.constant 0 : i32
    %dma_wait3A_1173 = tpu.memref_slice %arg6[%dma_wait3A_1172] : memref<1000000xf32, #tpu.memory_space<vmem_shared>> -> memref<1000000xf32, #tpu.memory_space<vmem_shared>>
    tpu.wait_indirect_dma semaphore(%arg20 : memref<!tpu.dma_semaphore, #tpu.memory_space<semaphore_mem>>) src(%dma_wait3A_1173 : memref<1000000xf32, #tpu.memory_space<vmem_shared>>) dst(%arg13 : memref<6400xf32, #tpu.memory_space<vmem>>)
    %add3A_1174 = arith.constant 0 : i32
    %add3A_1175 = vector.broadcast %add3A_1174 : i32 to vector<16xi32>
    %add3A_1176 = arith.addi %iota3A, %add3A_1175 : vector<16xi32>
    %mul3A_1177 = arith.constant 200 : i32
    %mul3A_1178 = vector.broadcast %mul3A_1177 : i32 to vector<16xi32>
    %mul3A_1179 = arith.muli %add3A_1176, %mul3A_1178 : vector<16xi32>
    %broadcast_in_dim3A_1180 = arith.constant 0.000000e+00 : f32
    %broadcast_in_dim3A_1181 = vector.broadcast %broadcast_in_dim3A_1180 : f32 to vector<16xf32>
    %scan3A_1182 = arith.constant 0 : i32
    %scan3A_1183 = arith.constant 25 : i32
    %scan3A_1184 = arith.addi %scan3A_1182, %scan3A_1183 : i32
    %scan3A_1185 = arith.constant 1 : i32
    %scan3A_1186 = scf.for %scan3A_1248 = %scan3A_1182 to %scan3A_1184 step %scan3A_1185 iter_args(%scan3A_1249 = %broadcast_in_dim3A_1181) -> (vector<16xf32>)  : i32 {
      %mul3A_1250 = arith.constant 8 : i32
      %mul3A_1251 = arith.muli %scan3A_1248, %mul3A_1250 : i32
      %add3A_1252 = arith.constant 0 : i32
      %add3A_1253 = arith.addi %mul3A_1251, %add3A_1252 : i32
      %add3A_1254 = vector.broadcast %add3A_1253 : i32 to vector<16xi32>
      %add3A_1255 = arith.addi %mul3A_1179, %add3A_1254 : vector<16xi32>
      %gather3A = tpu.vector_load_idx %arg13[%add3A_1255] : memref<6400xf32, #tpu.memory_space<vmem>>[vector<16xi32>], vector<16xf32>,
      %add3A_1256 = arith.addf %scan3A_1249, %gather3A : vector<16xf32>
      %add3A_1257 = arith.constant 1 : i32
      %add3A_1258 = arith.addi %mul3A_1251, %add3A_1257 : i32
      %add3A_1259 = vector.broadcast %add3A_1258 : i32 to vector<16xi32>
      %add3A_1260 = arith.addi %mul3A_1179, %add3A_1259 : vector<16xi32>
      %gather3A_1261 = tpu.vector_load_idx %arg13[%add3A_1260] : memref<6400xf32, #tpu.memory_space<vmem>>[vector<16xi32>], vector<16xf32>,
      %add3A_1262 = arith.addf %add3A_1256, %gather3A_1261 : vector<16xf32>
      %add3A_1263 = arith.constant 2 : i32
      %add3A_1264 = arith.addi %mul3A_1251, %add3A_1263 : i32
      %add3A_1265 = vector.broadcast %add3A_1264 : i32 to vector<16xi32>
      %add3A_1266 = arith.addi %mul3A_1179, %add3A_1265 : vector<16xi32>
      %gather3A_1267 = tpu.vector_load_idx %arg13[%add3A_1266] : memref<6400xf32, #tpu.memory_space<vmem>>[vector<16xi32>], vector<16xf32>,
      %add3A_1268 = arith.addf %add3A_1262, %gather3A_1267 : vector<16xf32>
      %add3A_1269 = arith.constant 3 : i32
      %add3A_1270 = arith.addi %mul3A_1251, %add3A_1269 : i32
      %add3A_1271 = vector.broadcast %add3A_1270 : i32 to vector<16xi32>
      %add3A_1272 = arith.addi %mul3A_1179, %add3A_1271 : vector<16xi32>
      %gather3A_1273 = tpu.vector_load_idx %arg13[%add3A_1272] : memref<6400xf32, #tpu.memory_space<vmem>>[vector<16xi32>], vector<16xf32>,
      %add3A_1274 = arith.addf %add3A_1268, %gather3A_1273 : vector<16xf32>
      %add3A_1275 = arith.constant 4 : i32
      %add3A_1276 = arith.addi %mul3A_1251, %add3A_1275 : i32
      %add3A_1277 = vector.broadcast %add3A_1276 : i32 to vector<16xi32>
      %add3A_1278 = arith.addi %mul3A_1179, %add3A_1277 : vector<16xi32>
      %gather3A_1279 = tpu.vector_load_idx %arg13[%add3A_1278] : memref<6400xf32, #tpu.memory_space<vmem>>[vector<16xi32>], vector<16xf32>,
      %add3A_1280 = arith.addf %add3A_1274, %gather3A_1279 : vector<16xf32>
      %add3A_1281 = arith.constant 5 : i32
      %add3A_1282 = arith.addi %mul3A_1251, %add3A_1281 : i32
      %add3A_1283 = vector.broadcast %add3A_1282 : i32 to vector<16xi32>
      %add3A_1284 = arith.addi %mul3A_1179, %add3A_1283 : vector<16xi32>
      %gather3A_1285 = tpu.vector_load_idx %arg13[%add3A_1284] : memref<6400xf32, #tpu.memory_space<vmem>>[vector<16xi32>], vector<16xf32>,
      %add3A_1286 = arith.addf %add3A_1280, %gather3A_1285 : vector<16xf32>
      %add3A_1287 = arith.constant 6 : i32
      %add3A_1288 = arith.addi %mul3A_1251, %add3A_1287 : i32
      %add3A_1289 = vector.broadcast %add3A_1288 : i32 to vector<16xi32>
      %add3A_1290 = arith.addi %mul3A_1179, %add3A_1289 : vector<16xi32>
      %gather3A_1291 = tpu.vector_load_idx %arg13[%add3A_1290] : memref<6400xf32, #tpu.memory_space<vmem>>[vector<16xi32>], vector<16xf32>,
      %add3A_1292 = arith.addf %add3A_1286, %gather3A_1291 : vector<16xf32>
      %add3A_1293 = arith.constant 7 : i32
      %add3A_1294 = arith.addi %mul3A_1251, %add3A_1293 : i32
      %add3A_1295 = vector.broadcast %add3A_1294 : i32 to vector<16xi32>
      %add3A_1296 = arith.addi %mul3A_1179, %add3A_1295 : vector<16xi32>
      %gather3A_1297 = tpu.vector_load_idx %arg13[%add3A_1296] : memref<6400xf32, #tpu.memory_space<vmem>>[vector<16xi32>], vector<16xf32>,
      %add3A_1298 = arith.addf %add3A_1292, %gather3A_1297 : vector<16xf32>
      scf.yield %add3A_1298 : vector<16xf32>
    }
    %scan3A_1187 = arith.constant 25 : i32
    %add3A_1188 = arith.addf %scan3A_1186, %get3A_6 : vector<16xf32>
    %abs3A_1189 = math.absf %add3A_1188 : vector<16xf32>
    %neg3A_1190 = arith.constant 0.000000e+00 : f32
    %neg3A_1191 = vector.broadcast %neg3A_1190 : f32 to vector<16xf32>
    %neg3A_1192 = arith.subf %neg3A_1191, %abs3A_1189 : vector<16xf32>
    %exp3A_1193 = math.exp %neg3A_1192 : vector<16xf32>
    %ge3A_1194 = arith.constant 0.000000e+00 : f32
    %ge3A_1195 = vector.broadcast %ge3A_1194 : f32 to vector<16xf32>
    %ge3A_1196 = arith.cmpf oge, %add3A_1188, %ge3A_1195 : vector<16xf32>
    %add3A_1197 = arith.constant 1.000000e+00 : f32
    %add3A_1198 = vector.broadcast %add3A_1197 : f32 to vector<16xf32>
    %add3A_1199 = arith.addf %add3A_1198, %exp3A_1193 : vector<16xf32>
    %div3A_1200 = arith.constant 1.000000e+00 : f32
    %div3A_1201 = vector.broadcast %div3A_1200 : f32 to vector<16xf32>
    %div3A_1202 = arith.divf %div3A_1201, %add3A_1199 : vector<16xf32>
    %add3A_1203 = arith.constant 1.000000e+00 : f32
    %add3A_1204 = vector.broadcast %add3A_1203 : f32 to vector<16xf32>
    %add3A_1205 = arith.addf %add3A_1204, %exp3A_1193 : vector<16xf32>
    %div3A_1206 = arith.divf %exp3A_1193, %add3A_1205 : vector<16xf32>
    %select_n3A_1207 = arith.select %ge3A_1196, %div3A_1202, %div3A_1206 : vector<16xi1>, vector<16xf32>
    %swap3A_1208 = arith.constant 480 : index
    %swap3A_1209 = tpu.vector_load %arg14[%swap3A_1208] {strides = array<i32>} : memref<512xf32, #tpu.memory_space<vmem>>, vector<16xf32>,
    tpu.vector_store %arg14[%swap3A_1208], %select_n3A_1207 {strides = array<i32>} : memref<512xf32, #tpu.memory_space<vmem>>, vector<16xf32>,
    %add3A_1210 = arith.constant 16 : i32
    %add3A_1211 = vector.broadcast %add3A_1210 : i32 to vector<16xi32>
    %add3A_1212 = arith.addi %iota3A, %add3A_1211 : vector<16xi32>
    %mul3A_1213 = arith.constant 200 : i32
    %mul3A_1214 = vector.broadcast %mul3A_1213 : i32 to vector<16xi32>
    %mul3A_1215 = arith.muli %add3A_1212, %mul3A_1214 : vector<16xi32>
    %broadcast_in_dim3A_1216 = arith.constant 0.000000e+00 : f32
    %broadcast_in_dim3A_1217 = vector.broadcast %broadcast_in_dim3A_1216 : f32 to vector<16xf32>
    %scan3A_1218 = arith.constant 0 : i32
    %scan3A_1219 = arith.constant 25 : i32
    %scan3A_1220 = arith.addi %scan3A_1218, %scan3A_1219 : i32
    %scan3A_1221 = arith.constant 1 : i32
    %scan3A_1222 = scf.for %scan3A_1248 = %scan3A_1218 to %scan3A_1220 step %scan3A_1221 iter_args(%scan3A_1249 = %broadcast_in_dim3A_1217) -> (vector<16xf32>)  : i32 {
      %mul3A_1250 = arith.constant 8 : i32
      %mul3A_1251 = arith.muli %scan3A_1248, %mul3A_1250 : i32
      %add3A_1252 = arith.constant 0 : i32
      %add3A_1253 = arith.addi %mul3A_1251, %add3A_1252 : i32
      %add3A_1254 = vector.broadcast %add3A_1253 : i32 to vector<16xi32>
      %add3A_1255 = arith.addi %mul3A_1215, %add3A_1254 : vector<16xi32>
      %gather3A = tpu.vector_load_idx %arg13[%add3A_1255] : memref<6400xf32, #tpu.memory_space<vmem>>[vector<16xi32>], vector<16xf32>,
      %add3A_1256 = arith.addf %scan3A_1249, %gather3A : vector<16xf32>
      %add3A_1257 = arith.constant 1 : i32
      %add3A_1258 = arith.addi %mul3A_1251, %add3A_1257 : i32
      %add3A_1259 = vector.broadcast %add3A_1258 : i32 to vector<16xi32>
      %add3A_1260 = arith.addi %mul3A_1215, %add3A_1259 : vector<16xi32>
      %gather3A_1261 = tpu.vector_load_idx %arg13[%add3A_1260] : memref<6400xf32, #tpu.memory_space<vmem>>[vector<16xi32>], vector<16xf32>,
      %add3A_1262 = arith.addf %add3A_1256, %gather3A_1261 : vector<16xf32>
      %add3A_1263 = arith.constant 2 : i32
      %add3A_1264 = arith.addi %mul3A_1251, %add3A_1263 : i32
      %add3A_1265 = vector.broadcast %add3A_1264 : i32 to vector<16xi32>
      %add3A_1266 = arith.addi %mul3A_1215, %add3A_1265 : vector<16xi32>
      %gather3A_1267 = tpu.vector_load_idx %arg13[%add3A_1266] : memref<6400xf32, #tpu.memory_space<vmem>>[vector<16xi32>], vector<16xf32>,
      %add3A_1268 = arith.addf %add3A_1262, %gather3A_1267 : vector<16xf32>
      %add3A_1269 = arith.constant 3 : i32
      %add3A_1270 = arith.addi %mul3A_1251, %add3A_1269 : i32
      %add3A_1271 = vector.broadcast %add3A_1270 : i32 to vector<16xi32>
      %add3A_1272 = arith.addi %mul3A_1215, %add3A_1271 : vector<16xi32>
      %gather3A_1273 = tpu.vector_load_idx %arg13[%add3A_1272] : memref<6400xf32, #tpu.memory_space<vmem>>[vector<16xi32>], vector<16xf32>,
      %add3A_1274 = arith.addf %add3A_1268, %gather3A_1273 : vector<16xf32>
      %add3A_1275 = arith.constant 4 : i32
      %add3A_1276 = arith.addi %mul3A_1251, %add3A_1275 : i32
      %add3A_1277 = vector.broadcast %add3A_1276 : i32 to vector<16xi32>
      %add3A_1278 = arith.addi %mul3A_1215, %add3A_1277 : vector<16xi32>
      %gather3A_1279 = tpu.vector_load_idx %arg13[%add3A_1278] : memref<6400xf32, #tpu.memory_space<vmem>>[vector<16xi32>], vector<16xf32>,
      %add3A_1280 = arith.addf %add3A_1274, %gather3A_1279 : vector<16xf32>
      %add3A_1281 = arith.constant 5 : i32
      %add3A_1282 = arith.addi %mul3A_1251, %add3A_1281 : i32
      %add3A_1283 = vector.broadcast %add3A_1282 : i32 to vector<16xi32>
      %add3A_1284 = arith.addi %mul3A_1215, %add3A_1283 : vector<16xi32>
      %gather3A_1285 = tpu.vector_load_idx %arg13[%add3A_1284] : memref<6400xf32, #tpu.memory_space<vmem>>[vector<16xi32>], vector<16xf32>,
      %add3A_1286 = arith.addf %add3A_1280, %gather3A_1285 : vector<16xf32>
      %add3A_1287 = arith.constant 6 : i32
      %add3A_1288 = arith.addi %mul3A_1251, %add3A_1287 : i32
      %add3A_1289 = vector.broadcast %add3A_1288 : i32 to vector<16xi32>
      %add3A_1290 = arith.addi %mul3A_1215, %add3A_1289 : vector<16xi32>
      %gather3A_1291 = tpu.vector_load_idx %arg13[%add3A_1290] : memref<6400xf32, #tpu.memory_space<vmem>>[vector<16xi32>], vector<16xf32>,
      %add3A_1292 = arith.addf %add3A_1286, %gather3A_1291 : vector<16xf32>
      %add3A_1293 = arith.constant 7 : i32
      %add3A_1294 = arith.addi %mul3A_1251, %add3A_1293 : i32
      %add3A_1295 = vector.broadcast %add3A_1294 : i32 to vector<16xi32>
      %add3A_1296 = arith.addi %mul3A_1215, %add3A_1295 : vector<16xi32>
      %gather3A_1297 = tpu.vector_load_idx %arg13[%add3A_1296] : memref<6400xf32, #tpu.memory_space<vmem>>[vector<16xi32>], vector<16xf32>,
      %add3A_1298 = arith.addf %add3A_1292, %gather3A_1297 : vector<16xf32>
      scf.yield %add3A_1298 : vector<16xf32>
    }
    %scan3A_1223 = arith.constant 25 : i32
    %add3A_1224 = arith.addf %scan3A_1222, %get3A_6 : vector<16xf32>
    %abs3A_1225 = math.absf %add3A_1224 : vector<16xf32>
    %neg3A_1226 = arith.constant 0.000000e+00 : f32
    %neg3A_1227 = vector.broadcast %neg3A_1226 : f32 to vector<16xf32>
    %neg3A_1228 = arith.subf %neg3A_1227, %abs3A_1225 : vector<16xf32>
    %exp3A_1229 = math.exp %neg3A_1228 : vector<16xf32>
    %ge3A_1230 = arith.constant 0.000000e+00 : f32
    %ge3A_1231 = vector.broadcast %ge3A_1230 : f32 to vector<16xf32>
    %ge3A_1232 = arith.cmpf oge, %add3A_1224, %ge3A_1231 : vector<16xf32>
    %add3A_1233 = arith.constant 1.000000e+00 : f32
    %add3A_1234 = vector.broadcast %add3A_1233 : f32 to vector<16xf32>
    %add3A_1235 = arith.addf %add3A_1234, %exp3A_1229 : vector<16xf32>
    %div3A_1236 = arith.constant 1.000000e+00 : f32
    %div3A_1237 = vector.broadcast %div3A_1236 : f32 to vector<16xf32>
    %div3A_1238 = arith.divf %div3A_1237, %add3A_1235 : vector<16xf32>
    %add3A_1239 = arith.constant 1.000000e+00 : f32
    %add3A_1240 = vector.broadcast %add3A_1239 : f32 to vector<16xf32>
    %add3A_1241 = arith.addf %add3A_1240, %exp3A_1229 : vector<16xf32>
    %div3A_1242 = arith.divf %exp3A_1229, %add3A_1241 : vector<16xf32>
    %select_n3A_1243 = arith.select %ge3A_1232, %div3A_1238, %div3A_1242 : vector<16xi1>, vector<16xf32>
    %swap3A_1244 = arith.constant 496 : index
    %swap3A_1245 = tpu.vector_load %arg14[%swap3A_1244] {strides = array<i32>} : memref<512xf32, #tpu.memory_space<vmem>>, vector<16xf32>,
    tpu.vector_store %arg14[%swap3A_1244], %select_n3A_1243 {strides = array<i32>} : memref<512xf32, #tpu.memory_space<vmem>>, vector<16xf32>,
    %mul3A_1246 = arith.constant 512 : i32
    %mul3A_1247 = arith.muli %add3A, %mul3A_1246 : i32
    "tpu.region"() ({
      %run_scoped3A = tpu.sem_alloc : memref<!tpu.dma_semaphore, #tpu.memory_space<semaphore_mem>>
      %dma_start3A_1248 = tpu.memref_slice %arg5[%mul3A_1247] : memref<16384xf32, #tpu.memory_space<hbm>> -> memref<512xf32, #tpu.memory_space<hbm>>
      %dma_start3A_1249 = tpu.memref_slice %arg5[%mul3A_1247] : memref<16384xf32, #tpu.memory_space<hbm>> -> memref<512xf32, #tpu.memory_space<hbm>>
      tpu.enqueue_dma source(%arg14 : memref<512xf32, #tpu.memory_space<vmem>>) target(%dma_start3A_1249 : memref<512xf32, #tpu.memory_space<hbm>>) target_semaphore(%run_scoped3A : memref<!tpu.dma_semaphore, #tpu.memory_space<semaphore_mem>>)
      %dma_wait3A_1250 = tpu.memref_slice %arg5[%mul3A_1247] : memref<16384xf32, #tpu.memory_space<hbm>> -> memref<512xf32, #tpu.memory_space<hbm>>
      %dma_wait3A_1251 = tpu.memref_slice %arg5[%mul3A_1247] : memref<16384xf32, #tpu.memory_space<hbm>> -> memref<512xf32, #tpu.memory_space<hbm>>
      tpu.wait_dma2 semaphore(%run_scoped3A : memref<!tpu.dma_semaphore, #tpu.memory_space<semaphore_mem>>) src(%arg14 : memref<512xf32, #tpu.memory_space<vmem>>) dst(%dma_wait3A_1251 : memref<512xf32, #tpu.memory_space<hbm>>)
      tpu.yield
    }) : () -> ()
    return
  }
}

</mosaic_0001>

<sc_bundles>
// kernel: kernel.3.cloned.1.call-start
scs
__scs_entry_jumppad:
0x0: {  	(pc) =	sbr.rel $0x88, $3  }
0x1: {  	(tag) =	ssettag $0x0;
	lr =	simm.s32 $0x1  }
0x2: {  	[smem:$0x3F9E] =	sst lr;
	_ =	strace $0xD0000000  }
0x3: {  	_ = 	snop  }
0x4: {  	_ = 	snop  }
0x5: {  	_ = 	snop  }
0x6: {  	_ = 	snop  }
0x7: {  	_ = 	snop  }
__scs_overlays_trampoline_lowered:
0x8: {  	[smem:$0x3FAD] =	sst s0  }
0x9: {  	[smem:$0x3FAE] =	sst s1  }
0xa: {  	[smem:$0x3FAF] =	sst s2  }
0xb: {  	[smem:$0x3FB0] =	sst s3  }
0xc: {  	[smem:$0x3FB1] =	sst s4  }
0xd: {  	[smem:$0x3FB2] =	sst s5  }
0xe: {  	[smem:$0x3FB3] =	sst s6  }
0xf: {  	[smem:$0x3FB4] =	sst s7  }
0x10: {  	[smem:$0x3FB5] =	sst s8  }
0x11: {  	[smem:$0x3FB6] =	sst s9;
	s0 =	simm.s32 @!p0 $0x0  }
0x12: {  	s1 =	sld [smem:$0x3F9C];
	s0 =	simm.s32 @p0 $0x1  }
0x13: {  	[smem:$0x3FB7] =	sst s0;
	s0 =	simm.s32 @!p1 $0x0  }
0x14: {  	s2 =	sld [smem:$0x3F9B];
	s0 =	simm.s32 @p1 $0x1  }
0x15: {  	[smem:$0x3FB8] =	sst s0;
	s0 =	simm.s32 @!p2 $0x0  }
0x16: {  	s3 =	sld [smem:$0x3FDB];
	s0 =	simm.s32 @p2 $0x1  }
0x17: {  	s4 =	simm.s32 $0x1BF5;
	[smem:$0x3FBA] =	sst s0  }
0x18: {  	s0 =	sld [smem:$0x3F9D];
	_ =	swait.ge [sflag:s4], $0x0  }
0x19: {  	s7 =	sld [smem:$0x3F9E]  }
0x1a: {  	s8 =	sadd.s32 $0xFFFFE003, lr  }
0x1b: {  	s9 =	sadd.s32 $0xFFFFFEF7, lr;
	s5 =	simm.s32 $0xFFFFFFFF;
	p2 =	slt.u32 s8, $0xFFFFF086  }
0x1c: {  	p1 =	slt.u32 s9, $0xF7A;
	s5 =	simm.s32 @!p2 $0x0  }
0x1d: {  	s5 =	simm.s32 @p1 $0x1;
	p0 =	seq.s32 s7, s2  }
0x1e: {  	s7 =	smul.u32 @!p0 $0xF7A, s2;
	p2 =	seq.s32 @!p0 s5, $0x0  }
0x1f: {  	s9 =	smul.u32 $0xF7A, s1;
	s8 =	simm.s32 @!p0 $0x1BF5;
	p2 =	por !p2, p0  }
0x20: {  	[sflag:s8] =	ssyncset.s32 @!p0 $0xFFFFF086;
	s6 =	sadd.s32 @!p0 s3, s7;
	s7 =	simm.s32 @!p0 $0x108  }
0x21: {  	s3 =	sadd.s32 s3, s9;
	s6 =	sadd.s32 @!p0 $0x88, s6;
	s7 =	simm.s32 @p2 $0x1082  }
0x22: {  	[simem:s7], [sflag:s8] =	dma.local @!p0 [hbm:s6], $0xF7A  }
0x23: {  	s9 =	sor.u32 $0xD0000000, s2;
	s6 =	simm.s32 $0x108;
	_ =	swait.ge @!p0 [sflag:s8], $0x0  }
0x24: {  	s3 =	sadd.s32 $0x88, s3;
	s6 =	simm.s32 @!p1 $0x1082;
	[sflag:s4] =	ssyncset.s32 $0xFFFFF086  }
0x25: {  	[simem:s6], [sflag:s4] =	dma.local [hbm:s3], $0xF7A  }
0x26: {  	[smem:$0x3F9E] =	sst s1;
	(tag) =	ssettag s2;
	_ =	strace s9  }
0x27: {  	s1 =	sld [smem:$0x3FAE]  }
0x28: {  	s2 =	sld [smem:$0x3FAF]  }
0x29: {  	s4 =	sld [smem:$0x3FB1]  }
0x2a: {  	p0 =	seq.s32 s5, $0x0;
	s5 =	sld [smem:$0x3FB2]  }
0x2b: {  	s6 =	sld [smem:$0x3FB3]  }
0x2c: {  	s7 =	sld [smem:$0x3FB4]  }
0x2d: {  	s3 =	simm.s32 $0x108;
	s8 =	sld [smem:$0x3FB5]  }
0x2e: {  	s3 =	simm.s32 @!p0 $0x1082;
	s9 =	sld [smem:$0x3FB6]  }
0x2f: {  	lr =	sadd.s32 s0, s3;
	s0 =	sld [smem:$0x3FAD]  }
0x30: {  	s3 =	sld [smem:$0x3FB0]  }
0x31: {  	[smem:$0x3FB9] =	sst s10  }
0x32: {  	s10 =	sld [smem:$0x3FB7];
	_ =	sdelay $0x3  }
0x33: {  	p0 =	seq.s32 s10, $0x1;
	s10 =	sld [smem:$0x3FB9];
	_ =	sdelay $0x3  }
0x34: {  	[smem:$0x3FB9] =	sst s10  }
0x35: {  	s10 =	sld [smem:$0x3FB8];
	_ =	sdelay $0x3  }
0x36: {  	p1 =	seq.s32 s10, $0x1;
	s10 =	sld [smem:$0x3FB9];
	_ =	sdelay $0x3  }
0x37: {  	[smem:$0x3FB9] =	sst s10  }
0x38: {  	s10 =	sld [smem:$0x3FBA]  }
0x39: {  	_ = 	snop;
	(pc) =	sbr.ind lr, $3  }
0x3a: {  	_ = 	snop  }
0x3b: {  	_ = 	snop  }
0x3c: {  	p2 =	seq.s32 s10, $0x1;
	s10 =	sld [smem:$0x3FB9]  }
0x3d: {  	_ =	shalt  }
0x3e: {  	_ =	shalt  }
0x3f: {  	_ =	shalt  }
0x40: {  	_ =	shalt  }
0x41: {  	_ =	shalt  }
0x42: {  	_ =	shalt  }
0x43: {  	_ =	shalt  }
0x44: {  	_ =	shalt  }
0x45: {  	_ =	shalt  }
0x46: {  	_ =	shalt  }
0x47: {  	_ =	shalt  }
0x48: {  	_ =	shalt  }
0x49: {  	_ =	shalt  }
0x4a: {  	_ =	shalt  }
0x4b: {  	_ =	shalt  }
0x4c: {  	_ =	shalt  }
0x4d: {  	_ =	shalt  }
0x4e: {  	_ =	shalt  }
0x4f: {  	_ =	shalt  }
0x50: {  	_ =	shalt  }
0x51: {  	_ =	shalt  }
0x52: {  	_ =	shalt  }
0x53: {  	_ =	shalt  }
0x54: {  	_ =	shalt  }
0x55: {  	_ =	shalt  }
0x56: {  	_ =	shalt  }
0x57: {  	_ =	shalt  }
0x58: {  	_ =	shalt  }
0x59: {  	_ =	shalt  }
0x5a: {  	_ =	shalt  }
0x5b: {  	_ =	shalt  }
0x5c: {  	_ =	shalt  }
0x5d: {  	_ =	shalt  }
0x5e: {  	_ =	shalt  }
0x5f: {  	_ =	shalt  }
0x60: {  	_ =	shalt  }
0x61: {  	_ =	shalt  }
0x62: {  	_ =	shalt  }
0x63: {  	_ =	shalt  }
0x64: {  	_ =	shalt  }
0x65: {  	_ =	shalt  }
0x66: {  	_ =	shalt  }
0x67: {  	_ =	shalt  }
0x68: {  	_ =	shalt  }
0x69: {  	_ =	shalt  }
0x6a: {  	_ =	shalt  }
0x6b: {  	_ =	shalt  }
0x6c: {  	_ =	shalt  }
0x6d: {  	_ =	shalt  }
0x6e: {  	_ =	shalt  }
0x6f: {  	_ =	shalt  }
0x70: {  	_ =	shalt  }
0x71: {  	_ =	shalt  }
0x72: {  	_ =	shalt  }
0x73: {  	_ =	shalt  }
0x74: {  	_ =	shalt  }
0x75: {  	_ =	shalt  }
0x76: {  	_ =	shalt  }
0x77: {  	_ =	shalt  }
0x78: {  	_ =	shalt  }
0x79: {  	_ =	shalt  }
0x7a: {  	_ =	shalt  }
0x7b: {  	_ =	shalt  }
0x7c: {  	_ =	shalt  }
0x7d: {  	_ =	shalt  }
0x7e: {  	_ =	shalt  }
0x7f: {  	_ =	shalt  }
0x80: {  	_ =	shalt  }
0x81: {  	_ =	shalt  }
0x82: {  	_ =	shalt  }
0x83: {  	_ =	shalt  }
0x84: {  	_ =	shalt  }
0x85: {  	_ =	shalt  }
0x86: {  	_ =	shalt  }
0x87: {  	_ =	shalt  }
.Lfunc_end0:
.L_simem_size_0:
called_computation_lowered:
.L_overlay_start_0:
0x88: {  	s2 =	sld [smem:$0x3FD9]  }
0x89: {  	s3 =	sld [smem:$0x3FFE];
	_ =	sdelay $0x1  }
0x8a: {  	s1 =	srdreg.scid  }
0x8b: {  	s0 =	sand.u32 $0x1, s1  }
0x8c: {  	s17 =	sshll.u32 s0, $0xA;
	s2 =	sadd.s32 s3, s2  }
0x8d: {  	s2 =	sadd.s32 s2, s17  }
0x8e: {  	[smem:$0x3FC5] =	sst s2  }
0x8f: {  	_ = 	snop  }
0x90: {  	s2 =	sld [smem:$0x3FC8]  }
0x91: {  	s18 =	sld [smem:$0x3FD0];
	(tm) =	ssettm $0x1  }
0x92: {  	s4 =	sld [smem:$0x3FFB];
	_ =	sdelay $0x3  }
0x93: {  	_ =	strace s4  }
0x94: {  	s4 =	sld [smem:$0x3FFC];
	_ =	sdelay $0x3  }
0x95: {  	_ =	strace s4  }
0x96: {  	s4 =	sld [smem:$0x3FFD];
	_ =	sdelay $0x3  }
0x97: {  	_ =	strace s4  }
0x98: {  	_ =	strace $0x8FFFFFFF  }
0x99: {  	s19 =	sld [smem:$0x3FDB];
	_ =	sdelay $0x1  }
0x9a: {  	s5 =	simm.s32 $_scs_section_size  }
0x9b: {  	s6 =	simm.s32 $_size__tile_overlayer_lowered;
	s7 =	simm.s32 $_tile_overlayer_lowered  }
0x9c: {  	s22 =	simm.s32 $0x1BFF;
	s21 =	sshll.u32 s7, $0x1;
	s4 =	sadd.s32 s5, s19  }
0x9d: {  	s8 =	simm.s32 $0x0;
	s20 =	sshll.u32 s6, $0x1;
	s6 =	sadd.s32 s21, s4  }
0x9e: {  	[timem:s8], [sflag:s22] =	dma.local [hbm:s6], s20  }
0x9f: {  	_ =	swait.ge [sflag:s22], s20  }
0xa0: {  	s5 =	ssub.s32 $0x0, s20;
	[sflag:s22] =	ssyncset.done $0x0  }
0xa1: {  	[sflag:s22] =	ssyncadd.s32 s5;
	_ =	sdelay $0x1  }
0xa2: {  	s23 =	simm.s32 $0x1B8B  }
0xa3: {  	_ =	swait.ge [sflag:s23], $0x1  }
0xa4: {  	[sflag:s23] =	ssyncset.done $0x0  }
0xa5: {  	s25 =	simm.s32 $0x1B8E;
	s24 =	sld [smem:$0x3FFE];
	[sflag:s23] =	ssyncadd.s32 $0xFFFFFFFF  }
0xa6: {  	s26 =	simm.s32 $execute0_lowered;
	[smem:$0x3FD2] =	sst s25  }
0xa7: {  	s6 =	sshll.u32 s26, $0x1;
	_ =	strace $0x80000046;
	[dreg:$0x1] =	wrdreg $0xFFFFFFFF  }
0xa8: {  	s28 =	simm.s32 $_size_execute0_lowered;
	s4 =	sadd.s32 s4, s6;
	[dreg:$0x0] =	wrdreg $0x0  }
0xa9: {  	s6 =	sshll.u32 s28, $0x1;
	[dreg:$0x2] =	wrdreg s4  }
0xaa: {  	[dreg:$0x3] =	wrdreg s6  }
0xab: {  	[dreg:$0x4] =	wrdreg $0xC0  }
0xac: {  	_ =	task [dreg:s8], $0x5FFFF  }
0xad: {  	[dreg:$0x1] =	wrdreg $0xFFFFFFFF  }
0xae: {  	[dreg:$0x0] =	wrdreg $0x60  }
0xaf: {  	[dreg:$0x2] =	wrdreg s24  }
0xb0: {  	[dreg:$0x3] =	wrdreg s2  }
0xb1: {  	[dreg:$0x4] =	wrdreg s18  }
0xb2: {  	[dreg:$0x5] =	wrdreg $0x0  }
0xb3: {  	[dreg:$0x6] =	wrdreg $0x9  }
0xb4: {  	_ =	task.clear_ibuf [dreg:s8], $0x7FFFF;
	_ =	strace $0x90000046  }
0xb5: {  	s29 =	simm.s32 $0x9;
	_ =	strace $0x80000048  }
0xb6: {  	_ =	swait.ge [sflag:s29], $0x1  }
0xb7: {  	[sflag:s29] =	ssyncadd.s32 $0xFFFFFFFF  }
0xb8: {  	_ =	strace $0x90000048  }
0xb9: {  	_ =	sfence  }
0xba: {  	s30 =	sld [smem:$0x0];
	_ =	sdelay $0x2  }
0xbb: {  	s31 =	sshll.u32 s1, $0xD;
	s1 =	sshrl.u32 s1, $0x2  }
0xbc: {  	s3 =	sand.u32 $0x4000, s31;
	s1 =	sadd.s32 s1, s30  }
0xbd: {  	s0 =	sor.u32 s3, s0;
	s1 =	sshll.u32 s1, $0x11  }
0xbe: {  	s0 =	sor.u32 s1, s0  }
0xbf: {  	s0 =	sadd.s32 $0x8F2B, s0  }
0xc0: {  	[sflag:s0] =	ssyncadd.remote.s32 $0x1  }
0xc1: {  	_ =	sfence.sel $0xFFFF  }
0xc2: {  	[dreg:$0x0] =	wrdreg $0xFFFFFFFF;
	(pc) =	sbr.abs _section_cstart, $3  }
0xc3: {  	[dreg:$0x1] =	wrdreg $0xFFFFFFFF  }
0xc4: {  	_ =	task.clear_ibuf [dreg:s8], $0x2FFFF;
	_ =	strace $0x9FFFFFFF  }
0xc5: {  	(tm) =	ssettm $0x7FFFFFFF  }
tec
execute0_lowered:
.L_overlay_start_1:
0x0: {  	(tag) =	ssettag $0x1  }
0x1: {  	s0 =	rddreg [dreg:$0x0]  }
0x2: {  	s1 =	srdreg.scid;
	s5 =	rddreg [dreg:$0x2]  }
0x3: {  	s2 =	stileid.u32;
	s3 =	rddreg [dreg:$0x3];
	s4 =	simm.s32 $0x0  }
0x4: {  	s28 =	simm.s32 $0xF428;
	s29 =	simm.s32 $0x1900;
	s30 =	simm.s32 $0x12628  }
0x5: {  	s31 =	simm.s32 $0x1;
	s1 =	sand.u32 $0x1, s1;
	s2 =	sshll.u32 s2, $0x1  }
0x6: {  	[smem:$0x7FF] =	sst s4;
	s2 =	sor.u32 s1, s2;
	s1 =	ssub.s32 $0x2, s1  }
0x7: {  	_ =	strace $0x80000047;
	s6 =	smul.u32 $0x19000, s2;
	s7 =	sshrl.u32 s1, $0x1  }
0x8: {  	s26 =	sshll.u32 s2, $0x6;
	s2 =	simm.s32 $0x10D28;
	s24 =	ssub.s32 s1, s7  }
0x9: {  	s22 =	sadd.s32 s5, s26;
	s1 =	simm.s32 $0x2;
	s6 =	sshrl.u32 s6, $0x3  }
0xa: {  	s26 =	simm.s32 $0x0;
	s6 =	sadd.s32 s6, s0;
	s0 =	sadd.s32 $0x64400, s0  }
0xb: {  	s23 =	smax.u32 s24, $0x1;
	[dreg:$0x5] =	wrdreg s0;
	s25 =	sadd.s32 $0x400, s6  }
0xc: {  	s7 =	sadd.s32 $0x720, s6;
	s8 =	sadd.s32 $0xA40, s6;
	s9 =	sadd.s32 $0xD60, s6  }
0xd: {  	s10 =	sadd.s32 $0x1080, s6;
	s11 =	sadd.s32 $0x13A0, s6;
	s12 =	sadd.s32 $0x16C0, s6  }
0xe: {  	v0 =	vlaneseq.u32;
	s13 =	sadd.s32 $0x19E0, s6;
	s14 =	sadd.s32 $0x1D00, s6;
	s15 =	sadd.s32 $0x2020, s6  }
0xf: {  	v0 =	vmul.u32 $0xC8, v0;
	s16 =	sadd.s32 $0x2340, s6;
	s17 =	sadd.s32 $0x2660, s6;
	s18 =	sadd.s32 $0x2980, s6  }
0x10: {  	s19 =	sadd.s32 $0x2CA0, s6;
	s20 =	sadd.s32 $0x2FC0, s6;
	s21 =	sadd.s32 $0x32E0, s6  }
0x11: {  	v1 =	vadd.s32 $0xC80, v0;
	s0 =	simm.s32 $0x13F28;
	[dreg:$0x6] =	wrdreg s25;
	s25 =	simm.s32 $0x3  }
.LBB2_1:
0x12: {  	s5 =	rddreg [dreg:$0x1];
	s6 =	simm.s32 $0x15A28  }
0x13: {  	[tilespmem:s6], [sflag:$0x3] =	stream.linear.gather [hbm4b:s5+s4], $0x10, $0x38;
	[tilespmem:$0x15A48] =	vst v63  }
0x14: {  	_ =	swait.ge [sflag:s25], $0x10  }
0x15: {  	[sflag:s25] =	ssyncset.done $0x0  }
0x16: {  	s24 =	simm.s32 $0x15A38;
	s6 =	rddreg [dreg:$0x5];
	[sflag:s25] =	ssyncadd.s32 $0xFFFFFFF0  }
0x17: {  	[tilespmem:s24], [sflag:$0x3] =	stream.linear.gather [hbm4b:s6+s4], $0x10, $0x38;
	[tilespmem:$0x15A48] =	vst v63  }
0x18: {  	_ =	swait.ge [sflag:s25], $0x10  }
0x19: {  	[sflag:s25] =	ssyncset.done $0x0  }
0x1a: {  	[sflag:s25] =	ssyncadd.s32 $0xFFFFFFF0  }
0x1b: {  	v2 =	vld [tilespmem:$0x15A38];
	[bflag:$0x0] =	sbarrier.arrive $0xFFFF  }
0x1c: {  	s24 =	rddreg [dreg:$0x6]  }
0x1d: {  	[tilespmem:s28], [sflag:$0x3] =	stream.linear.gather [hbm4b:s24+s4], $0x1900, $0x38;
	[tilespmem:$0x15A48] =	vst v63  }
0x1e: {  	_ =	swait.ge [sflag:s25], $0x1900  }
0x1f: {  	[sflag:s25] =	ssyncset.done $0x0  }
0x20: {  	[sflag:s25] =	ssyncadd.s32 $0xFFFFE700  }
0x21: {  	[tilespmem:s30], [sflag:$0x1] =	stream.indirect.gather [spmem:s3], $0x1, s28, s29, $0xb8;
	[tilespmem:$0x15A48] =	vst v63  }
0x22: {  	_ =	swait.ge [sflag:s31], $0x1900  }
0x23: {  	[sflag:s31] =	ssyncset.done $0x0  }
0x24: {  	s6 =	simm.s32 $0x0;
	[sflag:s31] =	ssyncadd.s32 $0xFFFFE700  }
0x25: {  	v3 =	vadd.s32 s6, v0;
	[tilespmem:s2], [sflag:$0x3] =	stream.linear.gather [hbm4b:s7+s4], $0x1900, $0x38;
	[tilespmem:$0x15A48] =	vst v63  }
0x26: {  	s24 =	simm.s32 $0x1;
	_ =	swait.ge [sflag:s25], $0x1900  }
0x27: {  	v4 =	vadd.s32 s24, v0;
	[sflag:s25] =	ssyncset.done $0x0  }
0x28: {  	s6 =	simm.s32 $0x2;
	[sflag:s25] =	ssyncadd.s32 $0xFFFFE700  }
0x29: {  	[tilespmem:s0], [sflag:$0x2] =	stream.indirect.gather [spmem:s3], $0x1, s2, s29, $0xb8;
	[tilespmem:$0x15A48] =	vst v63  }
0x2a: {  	v5 =	vadd.s32 s6, v0;
	s24 =	simm.s32 $0x3;
	v3 =	vld.idx.msk [tilespmem:v3+s30+$0x0], $0xffff  }
0x2b: {  	s6 =	simm.s32 $0x4;
	v6 =	vadd.s32 s24, v0  }
0x2c: {  	v7 =	vadd.s32 s6, v0;
	v4 =	vld.idx.msk [tilespmem:v4+s30+$0x0], $0xffff;
	_ =	sdelay $0x1  }
0x2d: {  	v8 =	vimm.f32 $0.0e+00;
	s24 =	simm.s32 $0x5  }
0x2e: {  	v10 =	vadd.s32 s24, v0;
	v9 =	vld.idx.msk [tilespmem:v5+s30+$0x0], $0xffff;
	v5 =	vadd.f32 v3, v8  }
0x2f: {  	s6 =	simm.s32 $0x6;
	v3 =	vld.idx.msk [tilespmem:v6+s30+$0x0], $0xffff  }
0x30: {  	v6 =	vadd.f32 v4, v5;
	v4 =	vld.idx.msk [tilespmem:v7+s30+$0x0], $0xffff;
	v7 =	vadd.s32 s6, v0  }
0x31: {  	s5 =	simm.s32 $0x7  }
0x32: {  	v5 =	vadd.s32 s5, v0  }
0x33: {  	s24 =	simm.s32 $0xF;
	s6 =	simm.s32 $0x8;
	s5 =	simm.s32 $0x17;
	v8 =	vadd.f32 v9, v6;
	v6 =	vld.idx.msk [tilespmem:v10+s30+$0x0], $0xffff  }
.LBB2_2:
0x34: {  	p0 =	sne.s32 s5, $0xC7;
	v9 =	vadd.s32 s6, v0  }
0x35: {  	s6 =	sadd.s32 $0xFFFFFFFA, s24;
	v3 =	vadd.f32 v3, v8;
	v7 =	vld.idx.msk [tilespmem:v7+s30+$0x0], $0xffff  }
0x36: {  	v8 =	vadd.s32 s6, v0  }
0x37: {  	s6 =	sadd.s32 $0xFFFFFFFB, s24;
	v3 =	vadd.f32 v4, v3;
	v4 =	vld.idx.msk [tilespmem:v5+s30+$0x0], $0xffff  }
0x38: {  	v5 =	vadd.s32 s6, v0  }
0x39: {  	s6 =	sadd.s32 $0xFFFFFFFC, s24;
	v9 =	vld.idx.msk [tilespmem:v9+s30+$0x0], $0xffff;
	v3 =	vadd.f32 v6, v3  }
0x3a: {  	v6 =	vadd.s32 s6, v0  }
0x3b: {  	s6 =	sadd.s32 $0xFFFFFFFD, s24;
	v8 =	vld.idx.msk [tilespmem:v8+s30+$0x0], $0xffff;
	v3 =	vadd.f32 v7, v3  }
0x3c: {  	v10 =	vadd.s32 s6, v0  }
0x3d: {  	s6 =	sadd.s32 $0xFFFFFFFE, s24;
	v11 =	vld.idx.msk [tilespmem:v5+s30+$0x0], $0xffff;
	v3 =	vadd.f32 v4, v3  }
0x3e: {  	v12 =	vadd.s32 s6, v0  }
.Ltmp0:
0x3f: {  	s6 =	sadd.s32 $0xFFFFFFFF, s24;
	v4 =	vadd.f32 v9, v3;
	v3 =	vld.idx.msk [tilespmem:v6+s30+$0x0], $0xffff;
	(pc) =	sbr.rel @p0 .LBB2_2-.Ltmp0, $4  }
0x40: {  	v7 =	vadd.s32 s6, v0  }
0x41: {  	v6 =	vadd.f32 v8, v4;
	v4 =	vld.idx.msk [tilespmem:v10+s30+$0x0], $0xffff  }
0x42: {  	v5 =	vadd.s32 s24, v0;
	s24 =	smov.u32 s5  }
0x43: {  	s5 =	sadd.s32 $0x8, s5;
	s6 =	sadd.s32 $0xFFFFFFF9, s24;
	v8 =	vadd.f32 v11, v6;
	v6 =	vld.idx.msk [tilespmem:v12+s30+$0x0], $0xffff  }
0x44: {  	_ =	sdelay $0x2  }
0x45: {  	v9 =	vadd.s32 s6, v0;
	v3 =	vadd.f32 v3, v8  }
0x46: {  	s5 =	sadd.s32 $0xFFFFFFFA, s24;
	v7 =	vld.idx.msk [tilespmem:v7+s30+$0x0], $0xffff  }
0x47: {  	v8 =	vadd.s32 s5, v0;
	v3 =	vadd.f32 v4, v3  }
0x48: {  	s6 =	sadd.s32 $0xFFFFFFFB, s24;
	v4 =	vld.idx.msk [tilespmem:v5+s30+$0x0], $0xffff  }
0x49: {  	v5 =	vadd.s32 s6, v0;
	v3 =	vadd.f32 v6, v3  }
0x4a: {  	s6 =	sadd.s32 $0xFFFFFFFC, s24;
	v6 =	vld.idx.msk [tilespmem:v9+s30+$0x0], $0xffff  }
0x4b: {  	v9 =	vadd.s32 s6, v0;
	v3 =	vadd.f32 v7, v3  }
0x4c: {  	s6 =	sadd.s32 $0xFFFFFFFD, s24;
	v7 =	vld.idx.msk [tilespmem:v8+s30+$0x0], $0xffff  }
0x4d: {  	v8 =	vadd.s32 s6, v0;
	v3 =	vadd.f32 v4, v3  }
0x4e: {  	s6 =	sadd.s32 $0xFFFFFFFE, s24;
	v4 =	vld.idx.msk [tilespmem:v5+s30+$0x0], $0xffff  }
0x4f: {  	v5 =	vadd.s32 s6, v0;
	v3 =	vadd.f32 v6, v3  }
0x50: {  	s6 =	sadd.s32 $0xFFFFFFFF, s24;
	v6 =	vld.idx.msk [tilespmem:v9+s30+$0x0], $0xffff  }
0x51: {  	v9 =	vadd.s32 s6, v0;
	v3 =	vadd.f32 v7, v3  }
0x52: {  	v7 =	vld.idx.msk [tilespmem:v8+s30+$0x0], $0xffff  }
0x53: {  	v8 =	vadd.s32 s24, v0;
	v3 =	vadd.f32 v4, v3  }
0x54: {  	v4 =	vld.idx.msk [tilespmem:v5+s30+$0x0], $0xffff  }
0x55: {  	v3 =	vadd.f32 v6, v3  }
0x56: {  	v5 =	vld.idx.msk [tilespmem:v9+s30+$0x0], $0xffff  }
0x57: {  	v3 =	vadd.f32 v7, v3  }
0x58: {  	v6 =	vld.idx.msk [tilespmem:v8+s30+$0x0], $0xffff  }
0x59: {  	v3 =	vadd.f32 v4, v3;
	_ =	sdelay $0x1  }
0x5a: {  	v3 =	vadd.f32 v5, v3;
	_ =	sdelay $0x1  }
0x5b: {  	v3 =	vadd.f32 v6, v3;
	_ =	sdelay $0x1  }
0x5c: {  	v3 =	vadd.f32 v3, v2;
	_ =	sdelay $0x1  }
0x5d: {  	v4 =	vand.u32 $0x7FFFFFFF, v3  }
0x5e: {  	v4 =	vsub.f32 $0.0e+00, v4;
	_ =	sdelay $0x1  }
0x5f: {  	v4 =	vmul.f32 $1.442695020e+00, v4;
	_ =	sdelay $0x1  }
0x60: {  	(erf) = vpow2.f32 v4;
	_ =	sdelay $0x8  }
0x61: {  	v4 =	vpop (erf)  }
0x62: {  	v5 =	vadd.f32 $1.000000000e+00, v4;
	_ =	sdelay $0x1  }
0x63: {  	(erf) = vrcp.f32 v5;
	_ =	sdelay $0x7  }
0x64: {  	s6 =	simm.s32 $0x0  }
0x65: {  	v6 =	vadd.s32 s6, v1;
	v5 =	vpop (erf)  }
0x66: {  	s24 =	simm.s32 $0x1;
	v4 =	vmul.f32 v5, v4  }
0x67: {  	vm0 =	vge.f32 v3, $0.0e+00;
	v3 =	vadd.s32 s24, v1  }
0x68: {  	v4 =	vsel vm0, v5, v4  }
0x69: {  	s6 =	simm.s32 $0x2;
	[tilespmem:$0x15828] =	vst v4  }
0x6a: {  	v4 =	vadd.s32 s6, v1;
	v5 =	vld.idx.msk [tilespmem:v6+s30+$0x0], $0xffff  }
0x6b: {  	s24 =	simm.s32 $0x3  }
0x6c: {  	v6 =	vadd.s32 s24, v1;
	v7 =	vld.idx.msk [tilespmem:v3+s30+$0x0], $0xffff  }
0x6d: {  	s6 =	simm.s32 $0x4  }
0x6e: {  	v8 =	vadd.s32 s6, v1;
	s24 =	simm.s32 $0x5;
	v3 =	vimm.f32 $0.0e+00  }
0x6f: {  	v10 =	vadd.s32 s24, v1;
	v9 =	vld.idx.msk [tilespmem:v4+s30+$0x0], $0xffff;
	v4 =	vadd.f32 v5, v3  }
0x70: {  	s6 =	simm.s32 $0x6  }
0x71: {  	v3 =	vld.idx.msk [tilespmem:v6+s30+$0x0], $0xffff;
	v6 =	vadd.f32 v7, v4;
	v7 =	vadd.s32 s6, v1  }
0x72: {  	s5 =	simm.s32 $0x7  }
0x73: {  	v5 =	vadd.s32 s5, v1;
	v4 =	vld.idx.msk [tilespmem:v8+s30+$0x0], $0xffff  }
0x74: {  	s24 =	simm.s32 $0xF;
	s5 =	simm.s32 $0x17;
	s6 =	simm.s32 $0x8;
	v8 =	vadd.f32 v9, v6;
	v6 =	vld.idx.msk [tilespmem:v10+s30+$0x0], $0xffff  }
.LBB2_4:
0x75: {  	p0 =	sne.s32 s5, $0xC7;
	v9 =	vadd.s32 s6, v1  }
0x76: {  	s6 =	sadd.s32 $0xFFFFFFFA, s24;
	v3 =	vadd.f32 v3, v8;
	v7 =	vld.idx.msk [tilespmem:v7+s30+$0x0], $0xffff  }
0x77: {  	v8 =	vadd.s32 s6, v1  }
0x78: {  	s6 =	sadd.s32 $0xFFFFFFFB, s24;
	v3 =	vadd.f32 v4, v3;
	v4 =	vld.idx.msk [tilespmem:v5+s30+$0x0], $0xffff  }
0x79: {  	v5 =	vadd.s32 s6, v1  }
0x7a: {  	s6 =	sadd.s32 $0xFFFFFFFC, s24;
	v9 =	vld.idx.msk [tilespmem:v9+s30+$0x0], $0xffff;
	v3 =	vadd.f32 v6, v3  }
0x7b: {  	v6 =	vadd.s32 s6, v1  }
0x7c: {  	s6 =	sadd.s32 $0xFFFFFFFD, s24;
	v8 =	vld.idx.msk [tilespmem:v8+s30+$0x0], $0xffff;
	v3 =	vadd.f32 v7, v3  }
0x7d: {  	v10 =	vadd.s32 s6, v1  }
0x7e: {  	s6 =	sadd.s32 $0xFFFFFFFE, s24;
	v11 =	vld.idx.msk [tilespmem:v5+s30+$0x0], $0xffff;
	v3 =	vadd.f32 v4, v3  }
0x7f: {  	v12 =	vadd.s32 s6, v1  }
.Ltmp1:
0x80: {  	s6 =	sadd.s32 $0xFFFFFFFF, s24;
	v4 =	vadd.f32 v9, v3;
	v3 =	vld.idx.msk [tilespmem:v6+s30+$0x0], $0xffff;
	(pc) =	sbr.rel @p0 .LBB2_4-.Ltmp1, $4  }
0x81: {  	v7 =	vadd.s32 s6, v1  }
0x82: {  	v6 =	vadd.f32 v8, v4;
	v4 =	vld.idx.msk [tilespmem:v10+s30+$0x0], $0xffff  }
0x83: {  	v5 =	vadd.s32 s24, v1;
	s24 =	smov.u32 s5  }
0x84: {  	s5 =	sadd.s32 $0x8, s5;
	s6 =	sadd.s32 $0xFFFFFFF9, s24;
	v8 =	vadd.f32 v11, v6;
	v6 =	vld.idx.msk [tilespmem:v12+s30+$0x0], $0xffff  }
0x85: {  	_ =	sdelay $0x2  }
0x86: {  	v9 =	vadd.s32 s6, v1;
	v3 =	vadd.f32 v3, v8  }
0x87: {  	s5 =	sadd.s32 $0xFFFFFFFA, s24;
	v7 =	vld.idx.msk [tilespmem:v7+s30+$0x0], $0xffff  }
0x88: {  	v8 =	vadd.s32 s5, v1;
	v3 =	vadd.f32 v4, v3  }
0x89: {  	s6 =	sadd.s32 $0xFFFFFFFB, s24;
	v4 =	vld.idx.msk [tilespmem:v5+s30+$0x0], $0xffff  }
0x8a: {  	v5 =	vadd.s32 s6, v1;
	v3 =	vadd.f32 v6, v3  }
0x8b: {  	s6 =	sadd.s32 $0xFFFFFFFC, s24;
	v6 =	vld.idx.msk [tilespmem:v9+s30+$0x0], $0xffff  }
0x8c: {  	v9 =	vadd.s32 s6, v1;
	v3 =	vadd.f32 v7, v3  }
0x8d: {  	s6 =	sadd.s32 $0xFFFFFFFD, s24;
	v7 =	vld.idx.msk [tilespmem:v8+s30+$0x0], $0xffff  }
0x8e: {  	v8 =	vadd.s32 s6, v1;
	v3 =	vadd.f32 v4, v3  }
0x8f: {  	s6 =	sadd.s32 $0xFFFFFFFE, s24;
	v4 =	vld.idx.msk [tilespmem:v5+s30+$0x0], $0xffff  }
0x90: {  	v5 =	vadd.s32 s6, v1;
	v3 =	vadd.f32 v6, v3  }
0x91: {  	s6 =	sadd.s32 $0xFFFFFFFF, s24;
	v6 =	vld.idx.msk [tilespmem:v9+s30+$0x0], $0xffff  }
0x92: {  	v9 =	vadd.s32 s6, v1;
	v3 =	vadd.f32 v7, v3  }
0x93: {  	v7 =	vld.idx.msk [tilespmem:v8+s30+$0x0], $0xffff  }
0x94: {  	v8 =	vadd.s32 s24, v1;
	v3 =	vadd.f32 v4, v3  }
0x95: {  	v4 =	vld.idx.msk [tilespmem:v5+s30+$0x0], $0xffff  }
0x96: {  	v3 =	vadd.f32 v6, v3  }
0x97: {  	v5 =	vld.idx.msk [tilespmem:v9+s30+$0x0], $0xffff  }
0x98: {  	v3 =	vadd.f32 v7, v3  }
0x99: {  	v6 =	vld.idx.msk [tilespmem:v8+s30+$0x0], $0xffff  }
0x9a: {  	v3 =	vadd.f32 v4, v3;
	_ =	sdelay $0x1  }
0x9b: {  	v3 =	vadd.f32 v5, v3;
	_ =	sdelay $0x1  }
0x9c: {  	v3 =	vadd.f32 v6, v3;
	_ =	sdelay $0x1  }
0x9d: {  	v3 =	vadd.f32 v3, v2;
	_ =	sdelay $0x1  }
0x9e: {  	v4 =	vand.u32 $0x7FFFFFFF, v3  }
0x9f: {  	v4 =	vsub.f32 $0.0e+00, v4;
	_ =	sdelay $0x1  }
0xa0: {  	v4 =	vmul.f32 $1.442695020e+00, v4;
	_ =	sdelay $0x1  }
0xa1: {  	(erf) = vpow2.f32 v4;
	_ =	sdelay $0x8  }
0xa2: {  	v4 =	vpop (erf)  }
0xa3: {  	v5 =	vadd.f32 $1.000000000e+00, v4;
	_ =	sdelay $0x1  }
0xa4: {  	(erf) = vrcp.f32 v5;
	_ =	sdelay $0x8  }
0xa5: {  	v5 =	vpop (erf)  }
0xa6: {  	v4 =	vmul.f32 v5, v4  }
0xa7: {  	vm0 =	vge.f32 v3, $0.0e+00  }
0xa8: {  	v3 =	vsel vm0, v5, v4  }
0xa9: {  	[tilespmem:$0x15838] =	vst v3  }
0xaa: {  	_ =	swait.ge [sflag:s1], $0x1900  }
0xab: {  	[sflag:s1] =	ssyncset.done $0x0  }
0xac: {  	s6 =	simm.s32 $0x0;
	[sflag:s1] =	ssyncadd.s32 $0xFFFFE700  }
0xad: {  	v3 =	vadd.s32 s6, v0;
	[tilespmem:s28], [sflag:$0x3] =	stream.linear.gather [hbm4b:s8+s4], $0x1900, $0x38;
	[tilespmem:$0x15A48] =	vst v63  }
0xae: {  	s24 =	simm.s32 $0x1;
	_ =	swait.ge [sflag:s25], $0x1900  }
0xaf: {  	v4 =	vadd.s32 s24, v0;
	[sflag:s25] =	ssyncset.done $0x0  }
0xb0: {  	s6 =	simm.s32 $0x2;
	[sflag:s25] =	ssyncadd.s32 $0xFFFFE700  }
0xb1: {  	[tilespmem:s30], [sflag:$0x1] =	stream.indirect.gather [spmem:s3], $0x1, s28, s29, $0xb8;
	[tilespmem:$0x15A48] =	vst v63  }
0xb2: {  	s24 =	simm.s32 $0x3;
	v5 =	vadd.s32 s6, v0;
	v3 =	vld.idx.msk [tilespmem:v3+s0+$0x0], $0xffff  }
0xb3: {  	v6 =	vadd.s32 s24, v0;
	s6 =	simm.s32 $0x4  }
0xb4: {  	v7 =	vadd.s32 s6, v0;
	v4 =	vld.idx.msk [tilespmem:v4+s0+$0x0], $0xffff;
	_ =	sdelay $0x1  }
0xb5: {  	v8 =	vimm.f32 $0.0e+00;
	s24 =	simm.s32 $0x5  }
0xb6: {  	v10 =	vadd.s32 s24, v0;
	v9 =	vld.idx.msk [tilespmem:v5+s0+$0x0], $0xffff;
	v5 =	vadd.f32 v3, v8  }
0xb7: {  	s6 =	simm.s32 $0x6;
	v3 =	vld.idx.msk [tilespmem:v6+s0+$0x0], $0xffff  }
0xb8: {  	v6 =	vadd.f32 v4, v5;
	v4 =	vld.idx.msk [tilespmem:v7+s0+$0x0], $0xffff;
	v7 =	vadd.s32 s6, v0  }
0xb9: {  	s5 =	simm.s32 $0x7  }
0xba: {  	v5 =	vadd.s32 s5, v0  }
0xbb: {  	s24 =	simm.s32 $0xF;
	s6 =	simm.s32 $0x8;
	s5 =	simm.s32 $0x17;
	v8 =	vadd.f32 v9, v6;
	v6 =	vld.idx.msk [tilespmem:v10+s0+$0x0], $0xffff  }
.LBB2_6:
0xbc: {  	p0 =	sne.s32 s5, $0xC7;
	v9 =	vadd.s32 s6, v0  }
0xbd: {  	s6 =	sadd.s32 $0xFFFFFFFA, s24;
	v3 =	vadd.f32 v3, v8;
	v7 =	vld.idx.msk [tilespmem:v7+s0+$0x0], $0xffff  }
0xbe: {  	v8 =	vadd.s32 s6, v0  }
0xbf: {  	s6 =	sadd.s32 $0xFFFFFFFB, s24;
	v3 =	vadd.f32 v4, v3;
	v4 =	vld.idx.msk [tilespmem:v5+s0+$0x0], $0xffff  }
0xc0: {  	v5 =	vadd.s32 s6, v0  }
0xc1: {  	s6 =	sadd.s32 $0xFFFFFFFC, s24;
	v9 =	vld.idx.msk [tilespmem:v9+s0+$0x0], $0xffff;
	v3 =	vadd.f32 v6, v3  }
0xc2: {  	v6 =	vadd.s32 s6, v0  }
0xc3: {  	s6 =	sadd.s32 $0xFFFFFFFD, s24;
	v8 =	vld.idx.msk [tilespmem:v8+s0+$0x0], $0xffff;
	v3 =	vadd.f32 v7, v3  }
0xc4: {  	v10 =	vadd.s32 s6, v0  }
0xc5: {  	s6 =	sadd.s32 $0xFFFFFFFE, s24;
	v11 =	vld.idx.msk [tilespmem:v5+s0+$0x0], $0xffff;
	v3 =	vadd.f32 v4, v3  }
0xc6: {  	v12 =	vadd.s32 s6, v0  }
.Ltmp2:
0xc7: {  	s6 =	sadd.s32 $0xFFFFFFFF, s24;
	v4 =	vadd.f32 v9, v3;
	v3 =	vld.idx.msk [tilespmem:v6+s0+$0x0], $0xffff;
	(pc) =	sbr.rel @p0 .LBB2_6-.Ltmp2, $4  }
0xc8: {  	v7 =	vadd.s32 s6, v0  }
0xc9: {  	v6 =	vadd.f32 v8, v4;
	v4 =	vld.idx.msk [tilespmem:v10+s0+$0x0], $0xffff  }
0xca: {  	v5 =	vadd.s32 s24, v0;
	s24 =	smov.u32 s5  }
0xcb: {  	s5 =	sadd.s32 $0x8, s5;
	s6 =	sadd.s32 $0xFFFFFFF9, s24;
	v8 =	vadd.f32 v11, v6;
	v6 =	vld.idx.msk [tilespmem:v12+s0+$0x0], $0xffff  }
0xcc: {  	_ =	sdelay $0x2  }
0xcd: {  	v9 =	vadd.s32 s6, v0;
	v3 =	vadd.f32 v3, v8  }
0xce: {  	s5 =	sadd.s32 $0xFFFFFFFA, s24;
	v7 =	vld.idx.msk [tilespmem:v7+s0+$0x0], $0xffff  }
0xcf: {  	v8 =	vadd.s32 s5, v0;
	v3 =	vadd.f32 v4, v3  }
0xd0: {  	s6 =	sadd.s32 $0xFFFFFFFB, s24;
	v4 =	vld.idx.msk [tilespmem:v5+s0+$0x0], $0xffff  }
0xd1: {  	v5 =	vadd.s32 s6, v0;
	v3 =	vadd.f32 v6, v3  }
0xd2: {  	s6 =	sadd.s32 $0xFFFFFFFC, s24;
	v6 =	vld.idx.msk [tilespmem:v9+s0+$0x0], $0xffff  }
0xd3: {  	v9 =	vadd.s32 s6, v0;
	v3 =	vadd.f32 v7, v3  }
0xd4: {  	s6 =	sadd.s32 $0xFFFFFFFD, s24;
	v7 =	vld.idx.msk [tilespmem:v8+s0+$0x0], $0xffff  }
0xd5: {  	v8 =	vadd.s32 s6, v0;
	v3 =	vadd.f32 v4, v3  }
0xd6: {  	s6 =	sadd.s32 $0xFFFFFFFE, s24;
	v4 =	vld.idx.msk [tilespmem:v5+s0+$0x0], $0xffff  }
0xd7: {  	v5 =	vadd.s32 s6, v0;
	v3 =	vadd.f32 v6, v3  }
0xd8: {  	s6 =	sadd.s32 $0xFFFFFFFF, s24;
	v6 =	vld.idx.msk [tilespmem:v9+s0+$0x0], $0xffff  }
0xd9: {  	v9 =	vadd.s32 s6, v0;
	v3 =	vadd.f32 v7, v3  }
0xda: {  	v7 =	vld.idx.msk [tilespmem:v8+s0+$0x0], $0xffff  }
0xdb: {  	v8 =	vadd.s32 s24, v0;
	v3 =	vadd.f32 v4, v3  }
0xdc: {  	v4 =	vld.idx.msk [tilespmem:v5+s0+$0x0], $0xffff  }
0xdd: {  	v3 =	vadd.f32 v6, v3  }
0xde: {  	v5 =	vld.idx.msk [tilespmem:v9+s0+$0x0], $0xffff  }
0xdf: {  	v3 =	vadd.f32 v7, v3  }
0xe0: {  	v6 =	vld.idx.msk [tilespmem:v8+s0+$0x0], $0xffff  }
0xe1: {  	v3 =	vadd.f32 v4, v3;
	_ =	sdelay $0x1  }
0xe2: {  	v3 =	vadd.f32 v5, v3;
	_ =	sdelay $0x1  }
0xe3: {  	v3 =	vadd.f32 v6, v3;
	_ =	sdelay $0x1  }
0xe4: {  	v3 =	vadd.f32 v3, v2;
	_ =	sdelay $0x1  }
0xe5: {  	v4 =	vand.u32 $0x7FFFFFFF, v3  }
0xe6: {  	v4 =	vsub.f32 $0.0e+00, v4;
	_ =	sdelay $0x1  }
0xe7: {  	v4 =	vmul.f32 $1.442695020e+00, v4;
	_ =	sdelay $0x1  }
0xe8: {  	(erf) = vpow2.f32 v4;
	_ =	sdelay $0x8  }
0xe9: {  	v4 =	vpop (erf)  }
0xea: {  	v5 =	vadd.f32 $1.000000000e+00, v4;
	_ =	sdelay $0x1  }
0xeb: {  	(erf) = vrcp.f32 v5;
	_ =	sdelay $0x7  }
0xec: {  	s6 =	simm.s32 $0x0  }
0xed: {  	v6 =	vadd.s32 s6, v1;
	v5 =	vpop (erf)  }
0xee: {  	s24 =	simm.s32 $0x1;
	v4 =	vmul.f32 v5, v4  }
0xef: {  	vm0 =	vge.f32 v3, $0.0e+00;
	v3 =	vadd.s32 s24, v1  }
0xf0: {  	v4 =	vsel vm0, v5, v4  }
0xf1: {  	s6 =	simm.s32 $0x2;
	[tilespmem:$0x15848] =	vst v4  }
0xf2: {  	v4 =	vadd.s32 s6, v1;
	v5 =	vld.idx.msk [tilespmem:v6+s0+$0x0], $0xffff  }
0xf3: {  	s24 =	simm.s32 $0x3  }
0xf4: {  	v6 =	vadd.s32 s24, v1;
	v7 =	vld.idx.msk [tilespmem:v3+s0+$0x0], $0xffff  }
0xf5: {  	s6 =	simm.s32 $0x4  }
0xf6: {  	v8 =	vadd.s32 s6, v1;
	s24 =	simm.s32 $0x5;
	v3 =	vimm.f32 $0.0e+00  }
0xf7: {  	v10 =	vadd.s32 s24, v1;
	v9 =	vld.idx.msk [tilespmem:v4+s0+$0x0], $0xffff;
	v4 =	vadd.f32 v5, v3  }
0xf8: {  	s6 =	simm.s32 $0x6  }
0xf9: {  	v3 =	vld.idx.msk [tilespmem:v6+s0+$0x0], $0xffff;
	v6 =	vadd.f32 v7, v4;
	v7 =	vadd.s32 s6, v1  }
0xfa: {  	s5 =	simm.s32 $0x7  }
0xfb: {  	v5 =	vadd.s32 s5, v1;
	v4 =	vld.idx.msk [tilespmem:v8+s0+$0x0], $0xffff  }
0xfc: {  	s24 =	simm.s32 $0xF;
	s5 =	simm.s32 $0x17;
	s6 =	simm.s32 $0x8;
	v8 =	vadd.f32 v9, v6;
	v6 =	vld.idx.msk [tilespmem:v10+s0+$0x0], $0xffff  }
.LBB2_8:
0xfd: {  	p0 =	sne.s32 s5, $0xC7;
	v9 =	vadd.s32 s6, v1  }
0xfe: {  	s6 =	sadd.s32 $0xFFFFFFFA, s24;
	v3 =	vadd.f32 v3, v8;
	v7 =	vld.idx.msk [tilespmem:v7+s0+$0x0], $0xffff  }
0xff: {  	v8 =	vadd.s32 s6, v1  }
0x100: {  	s6 =	sadd.s32 $0xFFFFFFFB, s24;
	v3 =	vadd.f32 v4, v3;
	v4 =	vld.idx.msk [tilespmem:v5+s0+$0x0], $0xffff  }
0x101: {  	v5 =	vadd.s32 s6, v1  }
0x102: {  	s6 =	sadd.s32 $0xFFFFFFFC, s24;
	v9 =	vld.idx.msk [tilespmem:v9+s0+$0x0], $0xffff;
	v3 =	vadd.f32 v6, v3  }
0x103: {  	v6 =	vadd.s32 s6, v1  }
0x104: {  	s6 =	sadd.s32 $0xFFFFFFFD, s24;
	v8 =	vld.idx.msk [tilespmem:v8+s0+$0x0], $0xffff;
	v3 =	vadd.f32 v7, v3  }
0x105: {  	v10 =	vadd.s32 s6, v1  }
0x106: {  	s6 =	sadd.s32 $0xFFFFFFFE, s24;
	v11 =	vld.idx.msk [tilespmem:v5+s0+$0x0], $0xffff;
	v3 =	vadd.f32 v4, v3  }
0x107: {  	v12 =	vadd.s32 s6, v1  }
.Ltmp3:
0x108: {  	s6 =	sadd.s32 $0xFFFFFFFF, s24;
	v4 =	vadd.f32 v9, v3;
	v3 =	vld.idx.msk [tilespmem:v6+s0+$0x0], $0xffff;
	(pc) =	sbr.rel @p0 .LBB2_8-.Ltmp3, $4  }
0x109: {  	v7 =	vadd.s32 s6, v1  }
0x10a: {  	v6 =	vadd.f32 v8, v4;
	v4 =	vld.idx.msk [tilespmem:v10+s0+$0x0], $0xffff  }
0x10b: {  	v5 =	vadd.s32 s24, v1;
	s24 =	smov.u32 s5  }
0x10c: {  	s5 =	sadd.s32 $0x8, s5;
	s6 =	sadd.s32 $0xFFFFFFF9, s24;
	v8 =	vadd.f32 v11, v6;
	v6 =	vld.idx.msk [tilespmem:v12+s0+$0x0], $0xffff  }
0x10d: {  	_ =	sdelay $0x2  }
0x10e: {  	v9 =	vadd.s32 s6, v1;
	v3 =	vadd.f32 v3, v8  }
0x10f: {  	s5 =	sadd.s32 $0xFFFFFFFA, s24;
	v7 =	vld.idx.msk [tilespmem:v7+s0+$0x0], $0xffff  }
0x110: {  	v8 =	vadd.s32 s5, v1;
	v3 =	vadd.f32 v4, v3  }
0x111: {  	s6 =	sadd.s32 $0xFFFFFFFB, s24;
	v4 =	vld.idx.msk [tilespmem:v5+s0+$0x0], $0xffff  }
0x112: {  	v5 =	vadd.s32 s6, v1;
	v3 =	vadd.f32 v6, v3  }
0x113: {  	s6 =	sadd.s32 $0xFFFFFFFC, s24;
	v6 =	vld.idx.msk [tilespmem:v9+s0+$0x0], $0xffff  }
0x114: {  	v9 =	vadd.s32 s6, v1;
	v3 =	vadd.f32 v7, v3  }
0x115: {  	s6 =	sadd.s32 $0xFFFFFFFD, s24;
	v7 =	vld.idx.msk [tilespmem:v8+s0+$0x0], $0xffff  }
0x116: {  	v8 =	vadd.s32 s6, v1;
	v3 =	vadd.f32 v4, v3  }
0x117: {  	s6 =	sadd.s32 $0xFFFFFFFE, s24;
	v4 =	vld.idx.msk [tilespmem:v5+s0+$0x0], $0xffff  }
0x118: {  	v5 =	vadd.s32 s6, v1;
	v3 =	vadd.f32 v6, v3  }
0x119: {  	s6 =	sadd.s32 $0xFFFFFFFF, s24;
	v6 =	vld.idx.msk [tilespmem:v9+s0+$0x0], $0xffff  }
0x11a: {  	v9 =	vadd.s32 s6, v1;
	v3 =	vadd.f32 v7, v3  }
0x11b: {  	v7 =	vld.idx.msk [tilespmem:v8+s0+$0x0], $0xffff  }
0x11c: {  	v8 =	vadd.s32 s24, v1;
	v3 =	vadd.f32 v4, v3  }
0x11d: {  	v4 =	vld.idx.msk [tilespmem:v5+s0+$0x0], $0xffff  }
0x11e: {  	v3 =	vadd.f32 v6, v3  }
0x11f: {  	v5 =	vld.idx.msk [tilespmem:v9+s0+$0x0], $0xffff  }
0x120: {  	v3 =	vadd.f32 v7, v3  }
0x121: {  	v6 =	vld.idx.msk [tilespmem:v8+s0+$0x0], $0xffff  }
0x122: {  	v3 =	vadd.f32 v4, v3;
	_ =	sdelay $0x1  }
0x123: {  	v3 =	vadd.f32 v5, v3;
	_ =	sdelay $0x1  }
0x124: {  	v3 =	vadd.f32 v6, v3;
	_ =	sdelay $0x1  }
0x125: {  	v3 =	vadd.f32 v3, v2;
	_ =	sdelay $0x1  }
0x126: {  	v4 =	vand.u32 $0x7FFFFFFF, v3  }
0x127: {  	v4 =	vsub.f32 $0.0e+00, v4;
	_ =	sdelay $0x1  }
0x128: {  	v4 =	vmul.f32 $1.442695020e+00, v4;
	_ =	sdelay $0x1  }
0x129: {  	(erf) = vpow2.f32 v4;
	_ =	sdelay $0x8  }
0x12a: {  	v4 =	vpop (erf)  }
0x12b: {  	v5 =	vadd.f32 $1.000000000e+00, v4;
	_ =	sdelay $0x1  }
0x12c: {  	(erf) = vrcp.f32 v5;
	_ =	sdelay $0x8  }
0x12d: {  	v5 =	vpop (erf)  }
0x12e: {  	v4 =	vmul.f32 v5, v4  }
0x12f: {  	vm0 =	vge.f32 v3, $0.0e+00  }
0x130: {  	v3 =	vsel vm0, v5, v4  }
0x131: {  	[tilespmem:$0x15858] =	vst v3  }
0x132: {  	_ =	swait.ge [sflag:s31], $0x1900  }
0x133: {  	[sflag:s31] =	ssyncset.done $0x0  }
0x134: {  	s6 =	simm.s32 $0x0;
	[sflag:s31] =	ssyncadd.s32 $0xFFFFE700  }
0x135: {  	v3 =	vadd.s32 s6, v0;
	[tilespmem:s2], [sflag:$0x3] =	stream.linear.gather [hbm4b:s9+s4], $0x1900, $0x38;
	[tilespmem:$0x15A48] =	vst v63  }
0x136: {  	s24 =	simm.s32 $0x1;
	_ =	swait.ge [sflag:s25], $0x1900  }
0x137: {  	v4 =	vadd.s32 s24, v0;
	[sflag:s25] =	ssyncset.done $0x0  }
0x138: {  	s6 =	simm.s32 $0x2;
	[sflag:s25] =	ssyncadd.s32 $0xFFFFE700  }
0x139: {  	[tilespmem:s0], [sflag:$0x2] =	stream.indirect.gather [spmem:s3], $0x1, s2, s29, $0xb8;
	[tilespmem:$0x15A48] =	vst v63  }
0x13a: {  	s24 =	simm.s32 $0x3;
	v5 =	vadd.s32 s6, v0;
	v3 =	vld.idx.msk [tilespmem:v3+s30+$0x0], $0xffff  }
0x13b: {  	v6 =	vadd.s32 s24, v0;
	s6 =	simm.s32 $0x4  }
0x13c: {  	v7 =	vadd.s32 s6, v0;
	v4 =	vld.idx.msk [tilespmem:v4+s30+$0x0], $0xffff;
	_ =	sdelay $0x1  }
0x13d: {  	v8 =	vimm.f32 $0.0e+00;
	s24 =	simm.s32 $0x5  }
0x13e: {  	v10 =	vadd.s32 s24, v0;
	v9 =	vld.idx.msk [tilespmem:v5+s30+$0x0], $0xffff;
	v5 =	vadd.f32 v3, v8  }
0x13f: {  	s6 =	simm.s32 $0x6;
	v3 =	vld.idx.msk [tilespmem:v6+s30+$0x0], $0xffff  }
0x140: {  	v6 =	vadd.f32 v4, v5;
	v4 =	vld.idx.msk [tilespmem:v7+s30+$0x0], $0xffff;
	v7 =	vadd.s32 s6, v0  }
0x141: {  	s5 =	simm.s32 $0x7  }
0x142: {  	v5 =	vadd.s32 s5, v0  }
0x143: {  	s24 =	simm.s32 $0xF;
	s6 =	simm.s32 $0x8;
	s5 =	simm.s32 $0x17;
	v8 =	vadd.f32 v9, v6;
	v6 =	vld.idx.msk [tilespmem:v10+s30+$0x0], $0xffff  }
.LBB2_10:
0x144: {  	p0 =	sne.s32 s5, $0xC7;
	v9 =	vadd.s32 s6, v0  }
0x145: {  	s6 =	sadd.s32 $0xFFFFFFFA, s24;
	v3 =	vadd.f32 v3, v8;
	v7 =	vld.idx.msk [tilespmem:v7+s30+$0x0], $0xffff  }
0x146: {  	v8 =	vadd.s32 s6, v0  }
0x147: {  	s6 =	sadd.s32 $0xFFFFFFFB, s24;
	v3 =	vadd.f32 v4, v3;
	v4 =	vld.idx.msk [tilespmem:v5+s30+$0x0], $0xffff  }
0x148: {  	v5 =	vadd.s32 s6, v0  }
0x149: {  	s6 =	sadd.s32 $0xFFFFFFFC, s24;
	v9 =	vld.idx.msk [tilespmem:v9+s30+$0x0], $0xffff;
	v3 =	vadd.f32 v6, v3  }
0x14a: {  	v6 =	vadd.s32 s6, v0  }
0x14b: {  	s6 =	sadd.s32 $0xFFFFFFFD, s24;
	v8 =	vld.idx.msk [tilespmem:v8+s30+$0x0], $0xffff;
	v3 =	vadd.f32 v7, v3  }
0x14c: {  	v10 =	vadd.s32 s6, v0  }
0x14d: {  	s6 =	sadd.s32 $0xFFFFFFFE, s24;
	v11 =	vld.idx.msk [tilespmem:v5+s30+$0x0], $0xffff;
	v3 =	vadd.f32 v4, v3  }
0x14e: {  	v12 =	vadd.s32 s6, v0  }
.Ltmp4:
0x14f: {  	s6 =	sadd.s32 $0xFFFFFFFF, s24;
	v4 =	vadd.f32 v9, v3;
	v3 =	vld.idx.msk [tilespmem:v6+s30+$0x0], $0xffff;
	(pc) =	sbr.rel @p0 .LBB2_10-.Ltmp4, $4  }
0x150: {  	v7 =	vadd.s32 s6, v0  }
0x151: {  	v6 =	vadd.f32 v8, v4;
	v4 =	vld.idx.msk [tilespmem:v10+s30+$0x0], $0xffff  }
0x152: {  	v5 =	vadd.s32 s24, v0;
	s24 =	smov.u32 s5  }
0x153: {  	s5 =	sadd.s32 $0x8, s5;
	s6 =	sadd.s32 $0xFFFFFFF9, s24;
	v8 =	vadd.f32 v11, v6;
	v6 =	vld.idx.msk [tilespmem:v12+s30+$0x0], $0xffff  }
0x154: {  	_ =	sdelay $0x2  }
0x155: {  	v9 =	vadd.s32 s6, v0;
	v3 =	vadd.f32 v3, v8  }
0x156: {  	s5 =	sadd.s32 $0xFFFFFFFA, s24;
	v7 =	vld.idx.msk [tilespmem:v7+s30+$0x0], $0xffff  }
0x157: {  	v8 =	vadd.s32 s5, v0;
	v3 =	vadd.f32 v4, v3  }
0x158: {  	s6 =	sadd.s32 $0xFFFFFFFB, s24;
	v4 =	vld.idx.msk [tilespmem:v5+s30+$0x0], $0xffff  }
0x159: {  	v5 =	vadd.s32 s6, v0;
	v3 =	vadd.f32 v6, v3  }
0x15a: {  	s6 =	sadd.s32 $0xFFFFFFFC, s24;
	v6 =	vld.idx.msk [tilespmem:v9+s30+$0x0], $0xffff  }
0x15b: {  	v9 =	vadd.s32 s6, v0;
	v3 =	vadd.f32 v7, v3  }
0x15c: {  	s6 =	sadd.s32 $0xFFFFFFFD, s24;
	v7 =	vld.idx.msk [tilespmem:v8+s30+$0x0], $0xffff  }
0x15d: {  	v8 =	vadd.s32 s6, v0;
	v3 =	vadd.f32 v4, v3  }
0x15e: {  	s6 =	sadd.s32 $0xFFFFFFFE, s24;
	v4 =	vld.idx.msk [tilespmem:v5+s30+$0x0], $0xffff  }
0x15f: {  	v5 =	vadd.s32 s6, v0;
	v3 =	vadd.f32 v6, v3  }
0x160: {  	s6 =	sadd.s32 $0xFFFFFFFF, s24;
	v6 =	vld.idx.msk [tilespmem:v9+s30+$0x0], $0xffff  }
0x161: {  	v9 =	vadd.s32 s6, v0;
	v3 =	vadd.f32 v7, v3  }
0x162: {  	v7 =	vld.idx.msk [tilespmem:v8+s30+$0x0], $0xffff  }
0x163: {  	v8 =	vadd.s32 s24, v0;
	v3 =	vadd.f32 v4, v3  }
0x164: {  	v4 =	vld.idx.msk [tilespmem:v5+s30+$0x0], $0xffff  }
0x165: {  	v3 =	vadd.f32 v6, v3  }
0x166: {  	v5 =	vld.idx.msk [tilespmem:v9+s30+$0x0], $0xffff  }
0x167: {  	v3 =	vadd.f32 v7, v3  }
0x168: {  	v6 =	vld.idx.msk [tilespmem:v8+s30+$0x0], $0xffff  }
0x169: {  	v3 =	vadd.f32 v4, v3;
	_ =	sdelay $0x1  }
0x16a: {  	v3 =	vadd.f32 v5, v3;
	_ =	sdelay $0x1  }
0x16b: {  	v3 =	vadd.f32 v6, v3;
	_ =	sdelay $0x1  }
0x16c: {  	v3 =	vadd.f32 v3, v2;
	_ =	sdelay $0x1  }
0x16d: {  	v4 =	vand.u32 $0x7FFFFFFF, v3  }
0x16e: {  	v4 =	vsub.f32 $0.0e+00, v4;
	_ =	sdelay $0x1  }
0x16f: {  	v4 =	vmul.f32 $1.442695020e+00, v4;
	_ =	sdelay $0x1  }
0x170: {  	(erf) = vpow2.f32 v4;
	_ =	sdelay $0x8  }
0x171: {  	v4 =	vpop (erf)  }
0x172: {  	v5 =	vadd.f32 $1.000000000e+00, v4;
	_ =	sdelay $0x1  }
0x173: {  	(erf) = vrcp.f32 v5;
	_ =	sdelay $0x7  }
0x174: {  	s6 =	simm.s32 $0x0  }
0x175: {  	v6 =	vadd.s32 s6, v1;
	v5 =	vpop (erf)  }
0x176: {  	s24 =	simm.s32 $0x1;
	v4 =	vmul.f32 v5, v4  }
0x177: {  	vm0 =	vge.f32 v3, $0.0e+00;
	v3 =	vadd.s32 s24, v1  }
0x178: {  	v4 =	vsel vm0, v5, v4  }
0x179: {  	s6 =	simm.s32 $0x2;
	[tilespmem:$0x15868] =	vst v4  }
0x17a: {  	v4 =	vadd.s32 s6, v1;
	v5 =	vld.idx.msk [tilespmem:v6+s30+$0x0], $0xffff  }
0x17b: {  	s24 =	simm.s32 $0x3  }
0x17c: {  	v6 =	vadd.s32 s24, v1;
	v7 =	vld.idx.msk [tilespmem:v3+s30+$0x0], $0xffff  }
0x17d: {  	s6 =	simm.s32 $0x4  }
0x17e: {  	v8 =	vadd.s32 s6, v1;
	s24 =	simm.s32 $0x5;
	v3 =	vimm.f32 $0.0e+00  }
0x17f: {  	v10 =	vadd.s32 s24, v1;
	v9 =	vld.idx.msk [tilespmem:v4+s30+$0x0], $0xffff;
	v4 =	vadd.f32 v5, v3  }
0x180: {  	s6 =	simm.s32 $0x6  }
0x181: {  	v3 =	vld.idx.msk [tilespmem:v6+s30+$0x0], $0xffff;
	v6 =	vadd.f32 v7, v4;
	v7 =	vadd.s32 s6, v1  }
0x182: {  	s5 =	simm.s32 $0x7  }
0x183: {  	v5 =	vadd.s32 s5, v1;
	v4 =	vld.idx.msk [tilespmem:v8+s30+$0x0], $0xffff  }
0x184: {  	s24 =	simm.s32 $0xF;
	s5 =	simm.s32 $0x17;
	s6 =	simm.s32 $0x8;
	v8 =	vadd.f32 v9, v6;
	v6 =	vld.idx.msk [tilespmem:v10+s30+$0x0], $0xffff  }
.LBB2_12:
0x185: {  	p0 =	sne.s32 s5, $0xC7;
	v9 =	vadd.s32 s6, v1  }
0x186: {  	s6 =	sadd.s32 $0xFFFFFFFA, s24;
	v3 =	vadd.f32 v3, v8;
	v7 =	vld.idx.msk [tilespmem:v7+s30+$0x0], $0xffff  }
0x187: {  	v8 =	vadd.s32 s6, v1  }
0x188: {  	s6 =	sadd.s32 $0xFFFFFFFB, s24;
	v3 =	vadd.f32 v4, v3;
	v4 =	vld.idx.msk [tilespmem:v5+s30+$0x0], $0xffff  }
0x189: {  	v5 =	vadd.s32 s6, v1  }
0x18a: {  	s6 =	sadd.s32 $0xFFFFFFFC, s24;
	v9 =	vld.idx.msk [tilespmem:v9+s30+$0x0], $0xffff;
	v3 =	vadd.f32 v6, v3  }
0x18b: {  	v6 =	vadd.s32 s6, v1  }
0x18c: {  	s6 =	sadd.s32 $0xFFFFFFFD, s24;
	v8 =	vld.idx.msk [tilespmem:v8+s30+$0x0], $0xffff;
	v3 =	vadd.f32 v7, v3  }
0x18d: {  	v10 =	vadd.s32 s6, v1  }
0x18e: {  	s6 =	sadd.s32 $0xFFFFFFFE, s24;
	v11 =	vld.idx.msk [tilespmem:v5+s30+$0x0], $0xffff;
	v3 =	vadd.f32 v4, v3  }
0x18f: {  	v12 =	vadd.s32 s6, v1  }
.Ltmp5:
0x190: {  	s6 =	sadd.s32 $0xFFFFFFFF, s24;
	v4 =	vadd.f32 v9, v3;
	v3 =	vld.idx.msk [tilespmem:v6+s30+$0x0], $0xffff;
	(pc) =	sbr.rel @p0 .LBB2_12-.Ltmp5, $4  }
0x191: {  	v7 =	vadd.s32 s6, v1  }
0x192: {  	v6 =	vadd.f32 v8, v4;
	v4 =	vld.idx.msk [tilespmem:v10+s30+$0x0], $0xffff  }
0x193: {  	v5 =	vadd.s32 s24, v1;
	s24 =	smov.u32 s5  }
0x194: {  	s5 =	sadd.s32 $0x8, s5;
	s6 =	sadd.s32 $0xFFFFFFF9, s24;
	v8 =	vadd.f32 v11, v6;
	v6 =	vld.idx.msk [tilespmem:v12+s30+$0x0], $0xffff  }
0x195: {  	_ =	sdelay $0x2  }
0x196: {  	v9 =	vadd.s32 s6, v1;
	v3 =	vadd.f32 v3, v8  }
0x197: {  	s5 =	sadd.s32 $0xFFFFFFFA, s24;
	v7 =	vld.idx.msk [tilespmem:v7+s30+$0x0], $0xffff  }
0x198: {  	v8 =	vadd.s32 s5, v1;
	v3 =	vadd.f32 v4, v3  }
0x199: {  	s6 =	sadd.s32 $0xFFFFFFFB, s24;
	v4 =	vld.idx.msk [tilespmem:v5+s30+$0x0], $0xffff  }
0x19a: {  	v5 =	vadd.s32 s6, v1;
	v3 =	vadd.f32 v6, v3  }
0x19b: {  	s6 =	sadd.s32 $0xFFFFFFFC, s24;
	v6 =	vld.idx.msk [tilespmem:v9+s30+$0x0], $0xffff  }
0x19c: {  	v9 =	vadd.s32 s6, v1;
	v3 =	vadd.f32 v7, v3  }
0x19d: {  	s6 =	sadd.s32 $0xFFFFFFFD, s24;
	v7 =	vld.idx.msk [tilespmem:v8+s30+$0x0], $0xffff  }
0x19e: {  	v8 =	vadd.s32 s6, v1;
	v3 =	vadd.f32 v4, v3  }
0x19f: {  	s6 =	sadd.s32 $0xFFFFFFFE, s24;
	v4 =	vld.idx.msk [tilespmem:v5+s30+$0x0], $0xffff  }
0x1a0: {  	v5 =	vadd.s32 s6, v1;
	v3 =	vadd.f32 v6, v3  }
0x1a1: {  	s6 =	sadd.s32 $0xFFFFFFFF, s24;
	v6 =	vld.idx.msk [tilespmem:v9+s30+$0x0], $0xffff  }
0x1a2: {  	v9 =	vadd.s32 s6, v1;
	v3 =	vadd.f32 v7, v3  }
0x1a3: {  	v7 =	vld.idx.msk [tilespmem:v8+s30+$0x0], $0xffff  }
0x1a4: {  	v8 =	vadd.s32 s24, v1;
	v3 =	vadd.f32 v4, v3  }
0x1a5: {  	v4 =	vld.idx.msk [tilespmem:v5+s30+$0x0], $0xffff  }
0x1a6: {  	v3 =	vadd.f32 v6, v3  }
0x1a7: {  	v5 =	vld.idx.msk [tilespmem:v9+s30+$0x0], $0xffff  }
0x1a8: {  	v3 =	vadd.f32 v7, v3  }
0x1a9: {  	v6 =	vld.idx.msk [tilespmem:v8+s30+$0x0], $0xffff  }
0x1aa: {  	v3 =	vadd.f32 v4, v3;
	_ =	sdelay $0x1  }
0x1ab: {  	v3 =	vadd.f32 v5, v3;
	_ =	sdelay $0x1  }
0x1ac: {  	v3 =	vadd.f32 v6, v3;
	_ =	sdelay $0x1  }
0x1ad: {  	v3 =	vadd.f32 v3, v2;
	_ =	sdelay $0x1  }
0x1ae: {  	v4 =	vand.u32 $0x7FFFFFFF, v3  }
0x1af: {  	v4 =	vsub.f32 $0.0e+00, v4;
	_ =	sdelay $0x1  }
0x1b0: {  	v4 =	vmul.f32 $1.442695020e+00, v4;
	_ =	sdelay $0x1  }
0x1b1: {  	(erf) = vpow2.f32 v4;
	_ =	sdelay $0x8  }
0x1b2: {  	v4 =	vpop (erf)  }
0x1b3: {  	v5 =	vadd.f32 $1.000000000e+00, v4;
	_ =	sdelay $0x1  }
0x1b4: {  	(erf) = vrcp.f32 v5;
	_ =	sdelay $0x8  }
0x1b5: {  	v5 =	vpop (erf)  }
0x1b6: {  	v4 =	vmul.f32 v5, v4  }
0x1b7: {  	vm0 =	vge.f32 v3, $0.0e+00  }
0x1b8: {  	v3 =	vsel vm0, v5, v4  }
0x1b9: {  	[tilespmem:$0x15878] =	vst v3  }
0x1ba: {  	_ =	swait.ge [sflag:s1], $0x1900  }
0x1bb: {  	[sflag:s1] =	ssyncset.done $0x0  }
0x1bc: {  	s6 =	simm.s32 $0x0;
	[sflag:s1] =	ssyncadd.s32 $0xFFFFE700  }
0x1bd: {  	v3 =	vadd.s32 s6, v0;
	[tilespmem:s28], [sflag:$0x3] =	stream.linear.gather [hbm4b:s10+s4], $0x1900, $0x38;
	[tilespmem:$0x15A48] =	vst v63  }
0x1be: {  	s24 =	simm.s32 $0x1;
	_ =	swait.ge [sflag:s25], $0x1900  }
0x1bf: {  	v4 =	vadd.s32 s24, v0;
	[sflag:s25] =	ssyncset.done $0x0  }
0x1c0: {  	s6 =	simm.s32 $0x2;
	[sflag:s25] =	ssyncadd.s32 $0xFFFFE700  }
0x1c1: {  	[tilespmem:s30], [sflag:$0x1] =	stream.indirect.gather [spmem:s3], $0x1, s28, s29, $0xb8;
	[tilespmem:$0x15A48] =	vst v63  }
0x1c2: {  	s24 =	simm.s32 $0x3;
	v5 =	vadd.s32 s6, v0;
	v3 =	vld.idx.msk [tilespmem:v3+s0+$0x0], $0xffff  }
0x1c3: {  	v6 =	vadd.s32 s24, v0;
	s6 =	simm.s32 $0x4  }
0x1c4: {  	v7 =	vadd.s32 s6, v0;
	v4 =	vld.idx.msk [tilespmem:v4+s0+$0x0], $0xffff;
	_ =	sdelay $0x1  }
0x1c5: {  	v8 =	vimm.f32 $0.0e+00;
	s24 =	simm.s32 $0x5  }
0x1c6: {  	v10 =	vadd.s32 s24, v0;
	v9 =	vld.idx.msk [tilespmem:v5+s0+$0x0], $0xffff;
	v5 =	vadd.f32 v3, v8  }
0x1c7: {  	s6 =	simm.s32 $0x6;
	v3 =	vld.idx.msk [tilespmem:v6+s0+$0x0], $0xffff  }
0x1c8: {  	v6 =	vadd.f32 v4, v5;
	v4 =	vld.idx.msk [tilespmem:v7+s0+$0x0], $0xffff;
	v7 =	vadd.s32 s6, v0  }
0x1c9: {  	s5 =	simm.s32 $0x7  }
0x1ca: {  	v5 =	vadd.s32 s5, v0  }
0x1cb: {  	s24 =	simm.s32 $0xF;
	s6 =	simm.s32 $0x8;
	s5 =	simm.s32 $0x17;
	v8 =	vadd.f32 v9, v6;
	v6 =	vld.idx.msk [tilespmem:v10+s0+$0x0], $0xffff  }
.LBB2_14:
0x1cc: {  	p0 =	sne.s32 s5, $0xC7;
	v9 =	vadd.s32 s6, v0  }
0x1cd: {  	s6 =	sadd.s32 $0xFFFFFFFA, s24;
	v3 =	vadd.f32 v3, v8;
	v7 =	vld.idx.msk [tilespmem:v7+s0+$0x0], $0xffff  }
0x1ce: {  	v8 =	vadd.s32 s6, v0  }
0x1cf: {  	s6 =	sadd.s32 $0xFFFFFFFB, s24;
	v3 =	vadd.f32 v4, v3;
	v4 =	vld.idx.msk [tilespmem:v5+s0+$0x0], $0xffff  }
0x1d0: {  	v5 =	vadd.s32 s6, v0  }
0x1d1: {  	s6 =	sadd.s32 $0xFFFFFFFC, s24;
	v9 =	vld.idx.msk [tilespmem:v9+s0+$0x0], $0xffff;
	v3 =	vadd.f32 v6, v3  }
0x1d2: {  	v6 =	vadd.s32 s6, v0  }
0x1d3: {  	s6 =	sadd.s32 $0xFFFFFFFD, s24;
	v8 =	vld.idx.msk [tilespmem:v8+s0+$0x0], $0xffff;
	v3 =	vadd.f32 v7, v3  }
0x1d4: {  	v10 =	vadd.s32 s6, v0  }
0x1d5: {  	s6 =	sadd.s32 $0xFFFFFFFE, s24;
	v11 =	vld.idx.msk [tilespmem:v5+s0+$0x0], $0xffff;
	v3 =	vadd.f32 v4, v3  }
0x1d6: {  	v12 =	vadd.s32 s6, v0  }
.Ltmp6:
0x1d7: {  	s6 =	sadd.s32 $0xFFFFFFFF, s24;
	v4 =	vadd.f32 v9, v3;
	v3 =	vld.idx.msk [tilespmem:v6+s0+$0x0], $0xffff;
	(pc) =	sbr.rel @p0 .LBB2_14-.Ltmp6, $4  }
0x1d8: {  	v7 =	vadd.s32 s6, v0  }
0x1d9: {  	v6 =	vadd.f32 v8, v4;
	v4 =	vld.idx.msk [tilespmem:v10+s0+$0x0], $0xffff  }
0x1da: {  	v5 =	vadd.s32 s24, v0;
	s24 =	smov.u32 s5  }
0x1db: {  	s5 =	sadd.s32 $0x8, s5;
	s6 =	sadd.s32 $0xFFFFFFF9, s24;
	v8 =	vadd.f32 v11, v6;
	v6 =	vld.idx.msk [tilespmem:v12+s0+$0x0], $0xffff  }
0x1dc: {  	_ =	sdelay $0x2  }
0x1dd: {  	v9 =	vadd.s32 s6, v0;
	v3 =	vadd.f32 v3, v8  }
0x1de: {  	s5 =	sadd.s32 $0xFFFFFFFA, s24;
	v7 =	vld.idx.msk [tilespmem:v7+s0+$0x0], $0xffff  }
0x1df: {  	v8 =	vadd.s32 s5, v0;
	v3 =	vadd.f32 v4, v3  }
0x1e0: {  	s6 =	sadd.s32 $0xFFFFFFFB, s24;
	v4 =	vld.idx.msk [tilespmem:v5+s0+$0x0], $0xffff  }
0x1e1: {  	v5 =	vadd.s32 s6, v0;
	v3 =	vadd.f32 v6, v3  }
0x1e2: {  	s6 =	sadd.s32 $0xFFFFFFFC, s24;
	v6 =	vld.idx.msk [tilespmem:v9+s0+$0x0], $0xffff  }
0x1e3: {  	v9 =	vadd.s32 s6, v0;
	v3 =	vadd.f32 v7, v3  }
0x1e4: {  	s6 =	sadd.s32 $0xFFFFFFFD, s24;
	v7 =	vld.idx.msk [tilespmem:v8+s0+$0x0], $0xffff  }
0x1e5: {  	v8 =	vadd.s32 s6, v0;
	v3 =	vadd.f32 v4, v3  }
0x1e6: {  	s6 =	sadd.s32 $0xFFFFFFFE, s24;
	v4 =	vld.idx.msk [tilespmem:v5+s0+$0x0], $0xffff  }
0x1e7: {  	v5 =	vadd.s32 s6, v0;
	v3 =	vadd.f32 v6, v3  }
0x1e8: {  	s6 =	sadd.s32 $0xFFFFFFFF, s24;
	v6 =	vld.idx.msk [tilespmem:v9+s0+$0x0], $0xffff  }
0x1e9: {  	v9 =	vadd.s32 s6, v0;
	v3 =	vadd.f32 v7, v3  }
0x1ea: {  	v7 =	vld.idx.msk [tilespmem:v8+s0+$0x0], $0xffff  }
0x1eb: {  	v8 =	vadd.s32 s24, v0;
	v3 =	vadd.f32 v4, v3  }
0x1ec: {  	v4 =	vld.idx.msk [tilespmem:v5+s0+$0x0], $0xffff  }
0x1ed: {  	v3 =	vadd.f32 v6, v3  }
0x1ee: {  	v5 =	vld.idx.msk [tilespmem:v9+s0+$0x0], $0xffff  }
0x1ef: {  	v3 =	vadd.f32 v7, v3  }
0x1f0: {  	v6 =	vld.idx.msk [tilespmem:v8+s0+$0x0], $0xffff  }
0x1f1: {  	v3 =	vadd.f32 v4, v3;
	_ =	sdelay $0x1  }
0x1f2: {  	v3 =	vadd.f32 v5, v3;
	_ =	sdelay $0x1  }
0x1f3: {  	v3 =	vadd.f32 v6, v3;
	_ =	sdelay $0x1  }
0x1f4: {  	v3 =	vadd.f32 v3, v2;
	_ =	sdelay $0x1  }
0x1f5: {  	v4 =	vand.u32 $0x7FFFFFFF, v3  }
0x1f6: {  	v4 =	vsub.f32 $0.0e+00, v4;
	_ =	sdelay $0x1  }
0x1f7: {  	v4 =	vmul.f32 $1.442695020e+00, v4;
	_ =	sdelay $0x1  }
0x1f8: {  	(erf) = vpow2.f32 v4;
	_ =	sdelay $0x8  }
0x1f9: {  	v4 =	vpop (erf)  }
0x1fa: {  	v5 =	vadd.f32 $1.000000000e+00, v4;
	_ =	sdelay $0x1  }
0x1fb: {  	(erf) = vrcp.f32 v5;
	_ =	sdelay $0x7  }
0x1fc: {  	s6 =	simm.s32 $0x0  }
0x1fd: {  	v6 =	vadd.s32 s6, v1;
	v5 =	vpop (erf)  }
0x1fe: {  	s24 =	simm.s32 $0x1;
	v4 =	vmul.f32 v5, v4  }
0x1ff: {  	vm0 =	vge.f32 v3, $0.0e+00;
	v3 =	vadd.s32 s24, v1  }
0x200: {  	v4 =	vsel vm0, v5, v4  }
0x201: {  	s6 =	simm.s32 $0x2;
	[tilespmem:$0x15888] =	vst v4  }
0x202: {  	v4 =	vadd.s32 s6, v1;
	v5 =	vld.idx.msk [tilespmem:v6+s0+$0x0], $0xffff  }
0x203: {  	s24 =	simm.s32 $0x3  }
0x204: {  	v6 =	vadd.s32 s24, v1;
	v7 =	vld.idx.msk [tilespmem:v3+s0+$0x0], $0xffff  }
0x205: {  	s6 =	simm.s32 $0x4  }
0x206: {  	v8 =	vadd.s32 s6, v1;
	s24 =	simm.s32 $0x5;
	v3 =	vimm.f32 $0.0e+00  }
0x207: {  	v10 =	vadd.s32 s24, v1;
	v9 =	vld.idx.msk [tilespmem:v4+s0+$0x0], $0xffff;
	v4 =	vadd.f32 v5, v3  }
0x208: {  	s6 =	simm.s32 $0x6  }
0x209: {  	v3 =	vld.idx.msk [tilespmem:v6+s0+$0x0], $0xffff;
	v6 =	vadd.f32 v7, v4;
	v7 =	vadd.s32 s6, v1  }
0x20a: {  	s5 =	simm.s32 $0x7  }
0x20b: {  	v5 =	vadd.s32 s5, v1;
	v4 =	vld.idx.msk [tilespmem:v8+s0+$0x0], $0xffff  }
0x20c: {  	s24 =	simm.s32 $0xF;
	s5 =	simm.s32 $0x17;
	s6 =	simm.s32 $0x8;
	v8 =	vadd.f32 v9, v6;
	v6 =	vld.idx.msk [tilespmem:v10+s0+$0x0], $0xffff  }
.LBB2_16:
0x20d: {  	p0 =	sne.s32 s5, $0xC7;
	v9 =	vadd.s32 s6, v1  }
0x20e: {  	s6 =	sadd.s32 $0xFFFFFFFA, s24;
	v3 =	vadd.f32 v3, v8;
	v7 =	vld.idx.msk [tilespmem:v7+s0+$0x0], $0xffff  }
0x20f: {  	v8 =	vadd.s32 s6, v1  }
0x210: {  	s6 =	sadd.s32 $0xFFFFFFFB, s24;
	v3 =	vadd.f32 v4, v3;
	v4 =	vld.idx.msk [tilespmem:v5+s0+$0x0], $0xffff  }
0x211: {  	v5 =	vadd.s32 s6, v1  }
0x212: {  	s6 =	sadd.s32 $0xFFFFFFFC, s24;
	v9 =	vld.idx.msk [tilespmem:v9+s0+$0x0], $0xffff;
	v3 =	vadd.f32 v6, v3  }
0x213: {  	v6 =	vadd.s32 s6, v1  }
0x214: {  	s6 =	sadd.s32 $0xFFFFFFFD, s24;
	v8 =	vld.idx.msk [tilespmem:v8+s0+$0x0], $0xffff;
	v3 =	vadd.f32 v7, v3  }
0x215: {  	v10 =	vadd.s32 s6, v1  }
0x216: {  	s6 =	sadd.s32 $0xFFFFFFFE, s24;
	v11 =	vld.idx.msk [tilespmem:v5+s0+$0x0], $0xffff;
	v3 =	vadd.f32 v4, v3  }
0x217: {  	v12 =	vadd.s32 s6, v1  }
.Ltmp7:
0x218: {  	s6 =	sadd.s32 $0xFFFFFFFF, s24;
	v4 =	vadd.f32 v9, v3;
	v3 =	vld.idx.msk [tilespmem:v6+s0+$0x0], $0xffff;
	(pc) =	sbr.rel @p0 .LBB2_16-.Ltmp7, $4  }
0x219: {  	v7 =	vadd.s32 s6, v1  }
0x21a: {  	v6 =	vadd.f32 v8, v4;
	v4 =	vld.idx.msk [tilespmem:v10+s0+$0x0], $0xffff  }
0x21b: {  	v5 =	vadd.s32 s24, v1;
	s24 =	smov.u32 s5  }
0x21c: {  	s5 =	sadd.s32 $0x8, s5;
	s6 =	sadd.s32 $0xFFFFFFF9, s24;
	v8 =	vadd.f32 v11, v6;
	v6 =	vld.idx.msk [tilespmem:v12+s0+$0x0], $0xffff  }
0x21d: {  	_ =	sdelay $0x2  }
0x21e: {  	v9 =	vadd.s32 s6, v1;
	v3 =	vadd.f32 v3, v8  }
0x21f: {  	s5 =	sadd.s32 $0xFFFFFFFA, s24;
	v7 =	vld.idx.msk [tilespmem:v7+s0+$0x0], $0xffff  }
0x220: {  	v8 =	vadd.s32 s5, v1;
	v3 =	vadd.f32 v4, v3  }
0x221: {  	s6 =	sadd.s32 $0xFFFFFFFB, s24;
	v4 =	vld.idx.msk [tilespmem:v5+s0+$0x0], $0xffff  }
0x222: {  	v5 =	vadd.s32 s6, v1;
	v3 =	vadd.f32 v6, v3  }
0x223: {  	s6 =	sadd.s32 $0xFFFFFFFC, s24;
	v6 =	vld.idx.msk [tilespmem:v9+s0+$0x0], $0xffff  }
0x224: {  	v9 =	vadd.s32 s6, v1;
	v3 =	vadd.f32 v7, v3  }
0x225: {  	s6 =	sadd.s32 $0xFFFFFFFD, s24;
	v7 =	vld.idx.msk [tilespmem:v8+s0+$0x0], $0xffff  }
0x226: {  	v8 =	vadd.s32 s6, v1;
	v3 =	vadd.f32 v4, v3  }
0x227: {  	s6 =	sadd.s32 $0xFFFFFFFE, s24;
	v4 =	vld.idx.msk [tilespmem:v5+s0+$0x0], $0xffff  }
0x228: {  	v5 =	vadd.s32 s6, v1;
	v3 =	vadd.f32 v6, v3  }
0x229: {  	s6 =	sadd.s32 $0xFFFFFFFF, s24;
	v6 =	vld.idx.msk [tilespmem:v9+s0+$0x0], $0xffff  }
0x22a: {  	v9 =	vadd.s32 s6, v1;
	v3 =	vadd.f32 v7, v3  }
0x22b: {  	v7 =	vld.idx.msk [tilespmem:v8+s0+$0x0], $0xffff  }
0x22c: {  	v8 =	vadd.s32 s24, v1;
	v3 =	vadd.f32 v4, v3  }
0x22d: {  	v4 =	vld.idx.msk [tilespmem:v5+s0+$0x0], $0xffff  }
0x22e: {  	v3 =	vadd.f32 v6, v3  }
0x22f: {  	v5 =	vld.idx.msk [tilespmem:v9+s0+$0x0], $0xffff  }
0x230: {  	v3 =	vadd.f32 v7, v3  }
0x231: {  	v6 =	vld.idx.msk [tilespmem:v8+s0+$0x0], $0xffff  }
0x232: {  	v3 =	vadd.f32 v4, v3;
	_ =	sdelay $0x1  }
0x233: {  	v3 =	vadd.f32 v5, v3;
	_ =	sdelay $0x1  }
0x234: {  	v3 =	vadd.f32 v6, v3;
	_ =	sdelay $0x1  }
0x235: {  	v3 =	vadd.f32 v3, v2;
	_ =	sdelay $0x1  }
0x236: {  	v4 =	vand.u32 $0x7FFFFFFF, v3  }
0x237: {  	v4 =	vsub.f32 $0.0e+00, v4;
	_ =	sdelay $0x1  }
0x238: {  	v4 =	vmul.f32 $1.442695020e+00, v4;
	_ =	sdelay $0x1  }
0x239: {  	(erf) = vpow2.f32 v4;
	_ =	sdelay $0x8  }
0x23a: {  	v4 =	vpop (erf)  }
0x23b: {  	v5 =	vadd.f32 $1.000000000e+00, v4;
	_ =	sdelay $0x1  }
0x23c: {  	(erf) = vrcp.f32 v5;
	_ =	sdelay $0x8  }
0x23d: {  	v5 =	vpop (erf)  }
0x23e: {  	v4 =	vmul.f32 v5, v4  }
0x23f: {  	vm0 =	vge.f32 v3, $0.0e+00  }
0x240: {  	v3 =	vsel vm0, v5, v4  }
0x241: {  	[tilespmem:$0x15898] =	vst v3  }
0x242: {  	_ =	swait.ge [sflag:s31], $0x1900  }
0x243: {  	[sflag:s31] =	ssyncset.done $0x0  }
0x244: {  	s6 =	simm.s32 $0x0;
	[sflag:s31] =	ssyncadd.s32 $0xFFFFE700  }
0x245: {  	v3 =	vadd.s32 s6, v0;
	[tilespmem:s2], [sflag:$0x3] =	stream.linear.gather [hbm4b:s11+s4], $0x1900, $0x38;
	[tilespmem:$0x15A48] =	vst v63  }
0x246: {  	s24 =	simm.s32 $0x1;
	_ =	swait.ge [sflag:s25], $0x1900  }
0x247: {  	v4 =	vadd.s32 s24, v0;
	[sflag:s25] =	ssyncset.done $0x0  }
0x248: {  	s6 =	simm.s32 $0x2;
	[sflag:s25] =	ssyncadd.s32 $0xFFFFE700  }
0x249: {  	[tilespmem:s0], [sflag:$0x2] =	stream.indirect.gather [spmem:s3], $0x1, s2, s29, $0xb8;
	[tilespmem:$0x15A48] =	vst v63  }
0x24a: {  	s24 =	simm.s32 $0x3;
	v5 =	vadd.s32 s6, v0;
	v3 =	vld.idx.msk [tilespmem:v3+s30+$0x0], $0xffff  }
0x24b: {  	v6 =	vadd.s32 s24, v0;
	s6 =	simm.s32 $0x4  }
0x24c: {  	v7 =	vadd.s32 s6, v0;
	v4 =	vld.idx.msk [tilespmem:v4+s30+$0x0], $0xffff;
	_ =	sdelay $0x1  }
0x24d: {  	v8 =	vimm.f32 $0.0e+00;
	s24 =	simm.s32 $0x5  }
0x24e: {  	v10 =	vadd.s32 s24, v0;
	v9 =	vld.idx.msk [tilespmem:v5+s30+$0x0], $0xffff;
	v5 =	vadd.f32 v3, v8  }
0x24f: {  	s6 =	simm.s32 $0x6;
	v3 =	vld.idx.msk [tilespmem:v6+s30+$0x0], $0xffff  }
0x250: {  	v6 =	vadd.f32 v4, v5;
	v4 =	vld.idx.msk [tilespmem:v7+s30+$0x0], $0xffff;
	v7 =	vadd.s32 s6, v0  }
0x251: {  	s5 =	simm.s32 $0x7  }
0x252: {  	v5 =	vadd.s32 s5, v0  }
0x253: {  	s24 =	simm.s32 $0xF;
	s6 =	simm.s32 $0x8;
	s5 =	simm.s32 $0x17;
	v8 =	vadd.f32 v9, v6;
	v6 =	vld.idx.msk [tilespmem:v10+s30+$0x0], $0xffff  }
.LBB2_18:
0x254: {  	p0 =	sne.s32 s5, $0xC7;
	v9 =	vadd.s32 s6, v0  }
0x255: {  	s6 =	sadd.s32 $0xFFFFFFFA, s24;
	v3 =	vadd.f32 v3, v8;
	v7 =	vld.idx.msk [tilespmem:v7+s30+$0x0], $0xffff  }
0x256: {  	v8 =	vadd.s32 s6, v0  }
0x257: {  	s6 =	sadd.s32 $0xFFFFFFFB, s24;
	v3 =	vadd.f32 v4, v3;
	v4 =	vld.idx.msk [tilespmem:v5+s30+$0x0], $0xffff  }
0x258: {  	v5 =	vadd.s32 s6, v0  }
0x259: {  	s6 =	sadd.s32 $0xFFFFFFFC, s24;
	v9 =	vld.idx.msk [tilespmem:v9+s30+$0x0], $0xffff;
	v3 =	vadd.f32 v6, v3  }
0x25a: {  	v6 =	vadd.s32 s6, v0  }
0x25b: {  	s6 =	sadd.s32 $0xFFFFFFFD, s24;
	v8 =	vld.idx.msk [tilespmem:v8+s30+$0x0], $0xffff;
	v3 =	vadd.f32 v7, v3  }
0x25c: {  	v10 =	vadd.s32 s6, v0  }
0x25d: {  	s6 =	sadd.s32 $0xFFFFFFFE, s24;
	v11 =	vld.idx.msk [tilespmem:v5+s30+$0x0], $0xffff;
	v3 =	vadd.f32 v4, v3  }
0x25e: {  	v12 =	vadd.s32 s6, v0  }
.Ltmp8:
0x25f: {  	s6 =	sadd.s32 $0xFFFFFFFF, s24;
	v4 =	vadd.f32 v9, v3;
	v3 =	vld.idx.msk [tilespmem:v6+s30+$0x0], $0xffff;
	(pc) =	sbr.rel @p0 .LBB2_18-.Ltmp8, $4  }
0x260: {  	v7 =	vadd.s32 s6, v0  }
0x261: {  	v6 =	vadd.f32 v8, v4;
	v4 =	vld.idx.msk [tilespmem:v10+s30+$0x0], $0xffff  }
0x262: {  	v5 =	vadd.s32 s24, v0;
	s24 =	smov.u32 s5  }
0x263: {  	s5 =	sadd.s32 $0x8, s5;
	s6 =	sadd.s32 $0xFFFFFFF9, s24;
	v8 =	vadd.f32 v11, v6;
	v6 =	vld.idx.msk [tilespmem:v12+s30+$0x0], $0xffff  }
0x264: {  	_ =	sdelay $0x2  }
0x265: {  	v9 =	vadd.s32 s6, v0;
	v3 =	vadd.f32 v3, v8  }
0x266: {  	s5 =	sadd.s32 $0xFFFFFFFA, s24;
	v7 =	vld.idx.msk [tilespmem:v7+s30+$0x0], $0xffff  }
0x267: {  	v8 =	vadd.s32 s5, v0;
	v3 =	vadd.f32 v4, v3  }
0x268: {  	s6 =	sadd.s32 $0xFFFFFFFB, s24;
	v4 =	vld.idx.msk [tilespmem:v5+s30+$0x0], $0xffff  }
0x269: {  	v5 =	vadd.s32 s6, v0;
	v3 =	vadd.f32 v6, v3  }
0x26a: {  	s6 =	sadd.s32 $0xFFFFFFFC, s24;
	v6 =	vld.idx.msk [tilespmem:v9+s30+$0x0], $0xffff  }
0x26b: {  	v9 =	vadd.s32 s6, v0;
	v3 =	vadd.f32 v7, v3  }
0x26c: {  	s6 =	sadd.s32 $0xFFFFFFFD, s24;
	v7 =	vld.idx.msk [tilespmem:v8+s30+$0x0], $0xffff  }
0x26d: {  	v8 =	vadd.s32 s6, v0;
	v3 =	vadd.f32 v4, v3  }
0x26e: {  	s6 =	sadd.s32 $0xFFFFFFFE, s24;
	v4 =	vld.idx.msk [tilespmem:v5+s30+$0x0], $0xffff  }
0x26f: {  	v5 =	vadd.s32 s6, v0;
	v3 =	vadd.f32 v6, v3  }
0x270: {  	s6 =	sadd.s32 $0xFFFFFFFF, s24;
	v6 =	vld.idx.msk [tilespmem:v9+s30+$0x0], $0xffff  }
0x271: {  	v9 =	vadd.s32 s6, v0;
	v3 =	vadd.f32 v7, v3  }
0x272: {  	v7 =	vld.idx.msk [tilespmem:v8+s30+$0x0], $0xffff  }
0x273: {  	v8 =	vadd.s32 s24, v0;
	v3 =	vadd.f32 v4, v3  }
0x274: {  	v4 =	vld.idx.msk [tilespmem:v5+s30+$0x0], $0xffff  }
0x275: {  	v3 =	vadd.f32 v6, v3  }
0x276: {  	v5 =	vld.idx.msk [tilespmem:v9+s30+$0x0], $0xffff  }
0x277: {  	v3 =	vadd.f32 v7, v3  }
0x278: {  	v6 =	vld.idx.msk [tilespmem:v8+s30+$0x0], $0xffff  }
0x279: {  	v3 =	vadd.f32 v4, v3;
	_ =	sdelay $0x1  }
0x27a: {  	v3 =	vadd.f32 v5, v3;
	_ =	sdelay $0x1  }
0x27b: {  	v3 =	vadd.f32 v6, v3;
	_ =	sdelay $0x1  }
0x27c: {  	v3 =	vadd.f32 v3, v2;
	_ =	sdelay $0x1  }
0x27d: {  	v4 =	vand.u32 $0x7FFFFFFF, v3  }
0x27e: {  	v4 =	vsub.f32 $0.0e+00, v4;
	_ =	sdelay $0x1  }
0x27f: {  	v4 =	vmul.f32 $1.442695020e+00, v4;
	_ =	sdelay $0x1  }
0x280: {  	(erf) = vpow2.f32 v4;
	_ =	sdelay $0x8  }
0x281: {  	v4 =	vpop (erf)  }
0x282: {  	v5 =	vadd.f32 $1.000000000e+00, v4;
	_ =	sdelay $0x1  }
0x283: {  	(erf) = vrcp.f32 v5;
	_ =	sdelay $0x7  }
0x284: {  	s6 =	simm.s32 $0x0  }
0x285: {  	v6 =	vadd.s32 s6, v1;
	v5 =	vpop (erf)  }
0x286: {  	s24 =	simm.s32 $0x1;
	v4 =	vmul.f32 v5, v4  }
0x287: {  	vm0 =	vge.f32 v3, $0.0e+00;
	v3 =	vadd.s32 s24, v1  }
0x288: {  	v4 =	vsel vm0, v5, v4  }
0x289: {  	s6 =	simm.s32 $0x2;
	[tilespmem:$0x158A8] =	vst v4  }
0x28a: {  	v4 =	vadd.s32 s6, v1;
	v5 =	vld.idx.msk [tilespmem:v6+s30+$0x0], $0xffff  }
0x28b: {  	s24 =	simm.s32 $0x3  }
0x28c: {  	v6 =	vadd.s32 s24, v1;
	v7 =	vld.idx.msk [tilespmem:v3+s30+$0x0], $0xffff  }
0x28d: {  	s6 =	simm.s32 $0x4  }
0x28e: {  	v8 =	vadd.s32 s6, v1;
	s24 =	simm.s32 $0x5;
	v3 =	vimm.f32 $0.0e+00  }
0x28f: {  	v10 =	vadd.s32 s24, v1;
	v9 =	vld.idx.msk [tilespmem:v4+s30+$0x0], $0xffff;
	v4 =	vadd.f32 v5, v3  }
0x290: {  	s6 =	simm.s32 $0x6  }
0x291: {  	v3 =	vld.idx.msk [tilespmem:v6+s30+$0x0], $0xffff;
	v6 =	vadd.f32 v7, v4;
	v7 =	vadd.s32 s6, v1  }
0x292: {  	s5 =	simm.s32 $0x7  }
0x293: {  	v5 =	vadd.s32 s5, v1;
	v4 =	vld.idx.msk [tilespmem:v8+s30+$0x0], $0xffff  }
0x294: {  	s24 =	simm.s32 $0xF;
	s5 =	simm.s32 $0x17;
	s6 =	simm.s32 $0x8;
	v8 =	vadd.f32 v9, v6;
	v6 =	vld.idx.msk [tilespmem:v10+s30+$0x0], $0xffff  }
.LBB2_20:
0x295: {  	p0 =	sne.s32 s5, $0xC7;
	v9 =	vadd.s32 s6, v1  }
0x296: {  	s6 =	sadd.s32 $0xFFFFFFFA, s24;
	v3 =	vadd.f32 v3, v8;
	v7 =	vld.idx.msk [tilespmem:v7+s30+$0x0], $0xffff  }
0x297: {  	v8 =	vadd.s32 s6, v1  }
0x298: {  	s6 =	sadd.s32 $0xFFFFFFFB, s24;
	v3 =	vadd.f32 v4, v3;
	v4 =	vld.idx.msk [tilespmem:v5+s30+$0x0], $0xffff  }
0x299: {  	v5 =	vadd.s32 s6, v1  }
0x29a: {  	s6 =	sadd.s32 $0xFFFFFFFC, s24;
	v9 =	vld.idx.msk [tilespmem:v9+s30+$0x0], $0xffff;
	v3 =	vadd.f32 v6, v3  }
0x29b: {  	v6 =	vadd.s32 s6, v1  }
0x29c: {  	s6 =	sadd.s32 $0xFFFFFFFD, s24;
	v8 =	vld.idx.msk [tilespmem:v8+s30+$0x0], $0xffff;
	v3 =	vadd.f32 v7, v3  }
0x29d: {  	v10 =	vadd.s32 s6, v1  }
0x29e: {  	s6 =	sadd.s32 $0xFFFFFFFE, s24;
	v11 =	vld.idx.msk [tilespmem:v5+s30+$0x0], $0xffff;
	v3 =	vadd.f32 v4, v3  }
0x29f: {  	v12 =	vadd.s32 s6, v1  }
.Ltmp9:
0x2a0: {  	s6 =	sadd.s32 $0xFFFFFFFF, s24;
	v4 =	vadd.f32 v9, v3;
	v3 =	vld.idx.msk [tilespmem:v6+s30+$0x0], $0xffff;
	(pc) =	sbr.rel @p0 .LBB2_20-.Ltmp9, $4  }
0x2a1: {  	v7 =	vadd.s32 s6, v1  }
0x2a2: {  	v6 =	vadd.f32 v8, v4;
	v4 =	vld.idx.msk [tilespmem:v10+s30+$0x0], $0xffff  }
0x2a3: {  	v5 =	vadd.s32 s24, v1;
	s24 =	smov.u32 s5  }
0x2a4: {  	s5 =	sadd.s32 $0x8, s5;
	s6 =	sadd.s32 $0xFFFFFFF9, s24;
	v8 =	vadd.f32 v11, v6;
	v6 =	vld.idx.msk [tilespmem:v12+s30+$0x0], $0xffff  }
0x2a5: {  	_ =	sdelay $0x2  }
0x2a6: {  	v9 =	vadd.s32 s6, v1;
	v3 =	vadd.f32 v3, v8  }
0x2a7: {  	s5 =	sadd.s32 $0xFFFFFFFA, s24;
	v7 =	vld.idx.msk [tilespmem:v7+s30+$0x0], $0xffff  }
0x2a8: {  	v8 =	vadd.s32 s5, v1;
	v3 =	vadd.f32 v4, v3  }
0x2a9: {  	s6 =	sadd.s32 $0xFFFFFFFB, s24;
	v4 =	vld.idx.msk [tilespmem:v5+s30+$0x0], $0xffff  }
0x2aa: {  	v5 =	vadd.s32 s6, v1;
	v3 =	vadd.f32 v6, v3  }
0x2ab: {  	s6 =	sadd.s32 $0xFFFFFFFC, s24;
	v6 =	vld.idx.msk [tilespmem:v9+s30+$0x0], $0xffff  }
0x2ac: {  	v9 =	vadd.s32 s6, v1;
	v3 =	vadd.f32 v7, v3  }
0x2ad: {  	s6 =	sadd.s32 $0xFFFFFFFD, s24;
	v7 =	vld.idx.msk [tilespmem:v8+s30+$0x0], $0xffff  }
0x2ae: {  	v8 =	vadd.s32 s6, v1;
	v3 =	vadd.f32 v4, v3  }
0x2af: {  	s6 =	sadd.s32 $0xFFFFFFFE, s24;
	v4 =	vld.idx.msk [tilespmem:v5+s30+$0x0], $0xffff  }
0x2b0: {  	v5 =	vadd.s32 s6, v1;
	v3 =	vadd.f32 v6, v3  }
0x2b1: {  	s6 =	sadd.s32 $0xFFFFFFFF, s24;
	v6 =	vld.idx.msk [tilespmem:v9+s30+$0x0], $0xffff  }
0x2b2: {  	v9 =	vadd.s32 s6, v1;
	v3 =	vadd.f32 v7, v3  }
0x2b3: {  	v7 =	vld.idx.msk [tilespmem:v8+s30+$0x0], $0xffff  }
0x2b4: {  	v8 =	vadd.s32 s24, v1;
	v3 =	vadd.f32 v4, v3  }
0x2b5: {  	v4 =	vld.idx.msk [tilespmem:v5+s30+$0x0], $0xffff  }
0x2b6: {  	v3 =	vadd.f32 v6, v3  }
0x2b7: {  	v5 =	vld.idx.msk [tilespmem:v9+s30+$0x0], $0xffff  }
0x2b8: {  	v3 =	vadd.f32 v7, v3  }
0x2b9: {  	v6 =	vld.idx.msk [tilespmem:v8+s30+$0x0], $0xffff  }
0x2ba: {  	v3 =	vadd.f32 v4, v3;
	_ =	sdelay $0x1  }
0x2bb: {  	v3 =	vadd.f32 v5, v3;
	_ =	sdelay $0x1  }
0x2bc: {  	v3 =	vadd.f32 v6, v3;
	_ =	sdelay $0x1  }
0x2bd: {  	v3 =	vadd.f32 v3, v2;
	_ =	sdelay $0x1  }
0x2be: {  	v4 =	vand.u32 $0x7FFFFFFF, v3  }
0x2bf: {  	v4 =	vsub.f32 $0.0e+00, v4;
	_ =	sdelay $0x1  }
0x2c0: {  	v4 =	vmul.f32 $1.442695020e+00, v4;
	_ =	sdelay $0x1  }
0x2c1: {  	(erf) = vpow2.f32 v4;
	_ =	sdelay $0x8  }
0x2c2: {  	v4 =	vpop (erf)  }
0x2c3: {  	v5 =	vadd.f32 $1.000000000e+00, v4;
	_ =	sdelay $0x1  }
0x2c4: {  	(erf) = vrcp.f32 v5;
	_ =	sdelay $0x8  }
0x2c5: {  	v5 =	vpop (erf)  }
0x2c6: {  	v4 =	vmul.f32 v5, v4  }
0x2c7: {  	vm0 =	vge.f32 v3, $0.0e+00  }
0x2c8: {  	v3 =	vsel vm0, v5, v4  }
0x2c9: {  	[tilespmem:$0x158B8] =	vst v3  }
0x2ca: {  	_ =	swait.ge [sflag:s1], $0x1900  }
0x2cb: {  	[sflag:s1] =	ssyncset.done $0x0  }
0x2cc: {  	s6 =	simm.s32 $0x0;
	[sflag:s1] =	ssyncadd.s32 $0xFFFFE700  }
0x2cd: {  	v3 =	vadd.s32 s6, v0;
	[tilespmem:s28], [sflag:$0x3] =	stream.linear.gather [hbm4b:s12+s4], $0x1900, $0x38;
	[tilespmem:$0x15A48] =	vst v63  }
0x2ce: {  	s24 =	simm.s32 $0x1;
	_ =	swait.ge [sflag:s25], $0x1900  }
0x2cf: {  	v4 =	vadd.s32 s24, v0;
	[sflag:s25] =	ssyncset.done $0x0  }
0x2d0: {  	s6 =	simm.s32 $0x2;
	[sflag:s25] =	ssyncadd.s32 $0xFFFFE700  }
0x2d1: {  	[tilespmem:s30], [sflag:$0x1] =	stream.indirect.gather [spmem:s3], $0x1, s28, s29, $0xb8;
	[tilespmem:$0x15A48] =	vst v63  }
0x2d2: {  	s24 =	simm.s32 $0x3;
	v5 =	vadd.s32 s6, v0;
	v3 =	vld.idx.msk [tilespmem:v3+s0+$0x0], $0xffff  }
0x2d3: {  	v6 =	vadd.s32 s24, v0;
	s6 =	simm.s32 $0x4  }
0x2d4: {  	v7 =	vadd.s32 s6, v0;
	v4 =	vld.idx.msk [tilespmem:v4+s0+$0x0], $0xffff;
	_ =	sdelay $0x1  }
0x2d5: {  	v8 =	vimm.f32 $0.0e+00;
	s24 =	simm.s32 $0x5  }
0x2d6: {  	v10 =	vadd.s32 s24, v0;
	v9 =	vld.idx.msk [tilespmem:v5+s0+$0x0], $0xffff;
	v5 =	vadd.f32 v3, v8  }
0x2d7: {  	s6 =	simm.s32 $0x6;
	v3 =	vld.idx.msk [tilespmem:v6+s0+$0x0], $0xffff  }
0x2d8: {  	v6 =	vadd.f32 v4, v5;
	v4 =	vld.idx.msk [tilespmem:v7+s0+$0x0], $0xffff;
	v7 =	vadd.s32 s6, v0  }
0x2d9: {  	s5 =	simm.s32 $0x7  }
0x2da: {  	v5 =	vadd.s32 s5, v0  }
0x2db: {  	s24 =	simm.s32 $0xF;
	s6 =	simm.s32 $0x8;
	s5 =	simm.s32 $0x17;
	v8 =	vadd.f32 v9, v6;
	v6 =	vld.idx.msk [tilespmem:v10+s0+$0x0], $0xffff  }
.LBB2_22:
0x2dc: {  	p0 =	sne.s32 s5, $0xC7;
	v9 =	vadd.s32 s6, v0  }
0x2dd: {  	s6 =	sadd.s32 $0xFFFFFFFA, s24;
	v3 =	vadd.f32 v3, v8;
	v7 =	vld.idx.msk [tilespmem:v7+s0+$0x0], $0xffff  }
0x2de: {  	v8 =	vadd.s32 s6, v0  }
0x2df: {  	s6 =	sadd.s32 $0xFFFFFFFB, s24;
	v3 =	vadd.f32 v4, v3;
	v4 =	vld.idx.msk [tilespmem:v5+s0+$0x0], $0xffff  }
0x2e0: {  	v5 =	vadd.s32 s6, v0  }
0x2e1: {  	s6 =	sadd.s32 $0xFFFFFFFC, s24;
	v9 =	vld.idx.msk [tilespmem:v9+s0+$0x0], $0xffff;
	v3 =	vadd.f32 v6, v3  }
0x2e2: {  	v6 =	vadd.s32 s6, v0  }
0x2e3: {  	s6 =	sadd.s32 $0xFFFFFFFD, s24;
	v8 =	vld.idx.msk [tilespmem:v8+s0+$0x0], $0xffff;
	v3 =	vadd.f32 v7, v3  }
0x2e4: {  	v10 =	vadd.s32 s6, v0  }
0x2e5: {  	s6 =	sadd.s32 $0xFFFFFFFE, s24;
	v11 =	vld.idx.msk [tilespmem:v5+s0+$0x0], $0xffff;
	v3 =	vadd.f32 v4, v3  }
0x2e6: {  	v12 =	vadd.s32 s6, v0  }
.Ltmp10:
0x2e7: {  	s6 =	sadd.s32 $0xFFFFFFFF, s24;
	v4 =	vadd.f32 v9, v3;
	v3 =	vld.idx.msk [tilespmem:v6+s0+$0x0], $0xffff;
	(pc) =	sbr.rel @p0 .LBB2_22-.Ltmp10, $4  }
0x2e8: {  	v7 =	vadd.s32 s6, v0  }
0x2e9: {  	v6 =	vadd.f32 v8, v4;
	v4 =	vld.idx.msk [tilespmem:v10+s0+$0x0], $0xffff  }
0x2ea: {  	v5 =	vadd.s32 s24, v0;
	s24 =	smov.u32 s5  }
0x2eb: {  	s5 =	sadd.s32 $0x8, s5;
	s6 =	sadd.s32 $0xFFFFFFF9, s24;
	v8 =	vadd.f32 v11, v6;
	v6 =	vld.idx.msk [tilespmem:v12+s0+$0x0], $0xffff  }
0x2ec: {  	_ =	sdelay $0x2  }
0x2ed: {  	v9 =	vadd.s32 s6, v0;
	v3 =	vadd.f32 v3, v8  }
0x2ee: {  	s5 =	sadd.s32 $0xFFFFFFFA, s24;
	v7 =	vld.idx.msk [tilespmem:v7+s0+$0x0], $0xffff  }
0x2ef: {  	v8 =	vadd.s32 s5, v0;
	v3 =	vadd.f32 v4, v3  }
0x2f0: {  	s6 =	sadd.s32 $0xFFFFFFFB, s24;
	v4 =	vld.idx.msk [tilespmem:v5+s0+$0x0], $0xffff  }
0x2f1: {  	v5 =	vadd.s32 s6, v0;
	v3 =	vadd.f32 v6, v3  }
0x2f2: {  	s6 =	sadd.s32 $0xFFFFFFFC, s24;
	v6 =	vld.idx.msk [tilespmem:v9+s0+$0x0], $0xffff  }
0x2f3: {  	v9 =	vadd.s32 s6, v0;
	v3 =	vadd.f32 v7, v3  }
0x2f4: {  	s6 =	sadd.s32 $0xFFFFFFFD, s24;
	v7 =	vld.idx.msk [tilespmem:v8+s0+$0x0], $0xffff  }
0x2f5: {  	v8 =	vadd.s32 s6, v0;
	v3 =	vadd.f32 v4, v3  }
0x2f6: {  	s6 =	sadd.s32 $0xFFFFFFFE, s24;
	v4 =	vld.idx.msk [tilespmem:v5+s0+$0x0], $0xffff  }
0x2f7: {  	v5 =	vadd.s32 s6, v0;
	v3 =	vadd.f32 v6, v3  }
0x2f8: {  	s6 =	sadd.s32 $0xFFFFFFFF, s24;
	v6 =	vld.idx.msk [tilespmem:v9+s0+$0x0], $0xffff  }
0x2f9: {  	v9 =	vadd.s32 s6, v0;
	v3 =	vadd.f32 v7, v3  }
0x2fa: {  	v7 =	vld.idx.msk [tilespmem:v8+s0+$0x0], $0xffff  }
0x2fb: {  	v8 =	vadd.s32 s24, v0;
	v3 =	vadd.f32 v4, v3  }
0x2fc: {  	v4 =	vld.idx.msk [tilespmem:v5+s0+$0x0], $0xffff  }
0x2fd: {  	v3 =	vadd.f32 v6, v3  }
0x2fe: {  	v5 =	vld.idx.msk [tilespmem:v9+s0+$0x0], $0xffff  }
0x2ff: {  	v3 =	vadd.f32 v7, v3  }
0x300: {  	v6 =	vld.idx.msk [tilespmem:v8+s0+$0x0], $0xffff  }
0x301: {  	v3 =	vadd.f32 v4, v3;
	_ =	sdelay $0x1  }
0x302: {  	v3 =	vadd.f32 v5, v3;
	_ =	sdelay $0x1  }
0x303: {  	v3 =	vadd.f32 v6, v3;
	_ =	sdelay $0x1  }
0x304: {  	v3 =	vadd.f32 v3, v2;
	_ =	sdelay $0x1  }
0x305: {  	v4 =	vand.u32 $0x7FFFFFFF, v3  }
0x306: {  	v4 =	vsub.f32 $0.0e+00, v4;
	_ =	sdelay $0x1  }
0x307: {  	v4 =	vmul.f32 $1.442695020e+00, v4;
	_ =	sdelay $0x1  }
0x308: {  	(erf) = vpow2.f32 v4;
	_ =	sdelay $0x8  }
0x309: {  	v4 =	vpop (erf)  }
0x30a: {  	v5 =	vadd.f32 $1.000000000e+00, v4;
	_ =	sdelay $0x1  }
0x30b: {  	(erf) = vrcp.f32 v5;
	_ =	sdelay $0x7  }
0x30c: {  	s6 =	simm.s32 $0x0  }
0x30d: {  	v6 =	vadd.s32 s6, v1;
	v5 =	vpop (erf)  }
0x30e: {  	s24 =	simm.s32 $0x1;
	v4 =	vmul.f32 v5, v4  }
0x30f: {  	vm0 =	vge.f32 v3, $0.0e+00;
	v3 =	vadd.s32 s24, v1  }
0x310: {  	v4 =	vsel vm0, v5, v4  }
0x311: {  	s6 =	simm.s32 $0x2;
	[tilespmem:$0x158C8] =	vst v4  }
0x312: {  	v4 =	vadd.s32 s6, v1;
	v5 =	vld.idx.msk [tilespmem:v6+s0+$0x0], $0xffff  }
0x313: {  	s24 =	simm.s32 $0x3  }
0x314: {  	v6 =	vadd.s32 s24, v1;
	v7 =	vld.idx.msk [tilespmem:v3+s0+$0x0], $0xffff  }
0x315: {  	s6 =	simm.s32 $0x4  }
0x316: {  	v8 =	vadd.s32 s6, v1;
	s24 =	simm.s32 $0x5;
	v3 =	vimm.f32 $0.0e+00  }
0x317: {  	v10 =	vadd.s32 s24, v1;
	v9 =	vld.idx.msk [tilespmem:v4+s0+$0x0], $0xffff;
	v4 =	vadd.f32 v5, v3  }
0x318: {  	s6 =	simm.s32 $0x6  }
0x319: {  	v3 =	vld.idx.msk [tilespmem:v6+s0+$0x0], $0xffff;
	v6 =	vadd.f32 v7, v4;
	v7 =	vadd.s32 s6, v1  }
0x31a: {  	s5 =	simm.s32 $0x7  }
0x31b: {  	v5 =	vadd.s32 s5, v1;
	v4 =	vld.idx.msk [tilespmem:v8+s0+$0x0], $0xffff  }
0x31c: {  	s24 =	simm.s32 $0xF;
	s5 =	simm.s32 $0x17;
	s6 =	simm.s32 $0x8;
	v8 =	vadd.f32 v9, v6;
	v6 =	vld.idx.msk [tilespmem:v10+s0+$0x0], $0xffff  }
.LBB2_24:
0x31d: {  	p0 =	sne.s32 s5, $0xC7;
	v9 =	vadd.s32 s6, v1  }
0x31e: {  	s6 =	sadd.s32 $0xFFFFFFFA, s24;
	v3 =	vadd.f32 v3, v8;
	v7 =	vld.idx.msk [tilespmem:v7+s0+$0x0], $0xffff  }
0x31f: {  	v8 =	vadd.s32 s6, v1  }
0x320: {  	s6 =	sadd.s32 $0xFFFFFFFB, s24;
	v3 =	vadd.f32 v4, v3;
	v4 =	vld.idx.msk [tilespmem:v5+s0+$0x0], $0xffff  }
0x321: {  	v5 =	vadd.s32 s6, v1  }
0x322: {  	s6 =	sadd.s32 $0xFFFFFFFC, s24;
	v9 =	vld.idx.msk [tilespmem:v9+s0+$0x0], $0xffff;
	v3 =	vadd.f32 v6, v3  }
0x323: {  	v6 =	vadd.s32 s6, v1  }
0x324: {  	s6 =	sadd.s32 $0xFFFFFFFD, s24;
	v8 =	vld.idx.msk [tilespmem:v8+s0+$0x0], $0xffff;
	v3 =	vadd.f32 v7, v3  }
0x325: {  	v10 =	vadd.s32 s6, v1  }
0x326: {  	s6 =	sadd.s32 $0xFFFFFFFE, s24;
	v11 =	vld.idx.msk [tilespmem:v5+s0+$0x0], $0xffff;
	v3 =	vadd.f32 v4, v3  }
0x327: {  	v12 =	vadd.s32 s6, v1  }
.Ltmp11:
0x328: {  	s6 =	sadd.s32 $0xFFFFFFFF, s24;
	v4 =	vadd.f32 v9, v3;
	v3 =	vld.idx.msk [tilespmem:v6+s0+$0x0], $0xffff;
	(pc) =	sbr.rel @p0 .LBB2_24-.Ltmp11, $4  }
0x329: {  	v7 =	vadd.s32 s6, v1  }
0x32a: {  	v6 =	vadd.f32 v8, v4;
	v4 =	vld.idx.msk [tilespmem:v10+s0+$0x0], $0xffff  }
0x32b: {  	v5 =	vadd.s32 s24, v1;
	s24 =	smov.u32 s5  }
0x32c: {  	s5 =	sadd.s32 $0x8, s5;
	s6 =	sadd.s32 $0xFFFFFFF9, s24;
	v8 =	vadd.f32 v11, v6;
	v6 =	vld.idx.msk [tilespmem:v12+s0+$0x0], $0xffff  }
0x32d: {  	_ =	sdelay $0x2  }
0x32e: {  	v9 =	vadd.s32 s6, v1;
	v3 =	vadd.f32 v3, v8  }
0x32f: {  	s5 =	sadd.s32 $0xFFFFFFFA, s24;
	v7 =	vld.idx.msk [tilespmem:v7+s0+$0x0], $0xffff  }
0x330: {  	v8 =	vadd.s32 s5, v1;
	v3 =	vadd.f32 v4, v3  }
0x331: {  	s6 =	sadd.s32 $0xFFFFFFFB, s24;
	v4 =	vld.idx.msk [tilespmem:v5+s0+$0x0], $0xffff  }
0x332: {  	v5 =	vadd.s32 s6, v1;
	v3 =	vadd.f32 v6, v3  }
0x333: {  	s6 =	sadd.s32 $0xFFFFFFFC, s24;
	v6 =	vld.idx.msk [tilespmem:v9+s0+$0x0], $0xffff  }
0x334: {  	v9 =	vadd.s32 s6, v1;
	v3 =	vadd.f32 v7, v3  }
0x335: {  	s6 =	sadd.s32 $0xFFFFFFFD, s24;
	v7 =	vld.idx.msk [tilespmem:v8+s0+$0x0], $0xffff  }
0x336: {  	v8 =	vadd.s32 s6, v1;
	v3 =	vadd.f32 v4, v3  }
0x337: {  	s6 =	sadd.s32 $0xFFFFFFFE, s24;
	v4 =	vld.idx.msk [tilespmem:v5+s0+$0x0], $0xffff  }
0x338: {  	v5 =	vadd.s32 s6, v1;
	v3 =	vadd.f32 v6, v3  }
0x339: {  	s6 =	sadd.s32 $0xFFFFFFFF, s24;
	v6 =	vld.idx.msk [tilespmem:v9+s0+$0x0], $0xffff  }
0x33a: {  	v9 =	vadd.s32 s6, v1;
	v3 =	vadd.f32 v7, v3  }
0x33b: {  	v7 =	vld.idx.msk [tilespmem:v8+s0+$0x0], $0xffff  }
0x33c: {  	v8 =	vadd.s32 s24, v1;
	v3 =	vadd.f32 v4, v3  }
0x33d: {  	v4 =	vld.idx.msk [tilespmem:v5+s0+$0x0], $0xffff  }
0x33e: {  	v3 =	vadd.f32 v6, v3  }
0x33f: {  	v5 =	vld.idx.msk [tilespmem:v9+s0+$0x0], $0xffff  }
0x340: {  	v3 =	vadd.f32 v7, v3  }
0x341: {  	v6 =	vld.idx.msk [tilespmem:v8+s0+$0x0], $0xffff  }
0x342: {  	v3 =	vadd.f32 v4, v3;
	_ =	sdelay $0x1  }
0x343: {  	v3 =	vadd.f32 v5, v3;
	_ =	sdelay $0x1  }
0x344: {  	v3 =	vadd.f32 v6, v3;
	_ =	sdelay $0x1  }
0x345: {  	v3 =	vadd.f32 v3, v2;
	_ =	sdelay $0x1  }
0x346: {  	v4 =	vand.u32 $0x7FFFFFFF, v3  }
0x347: {  	v4 =	vsub.f32 $0.0e+00, v4;
	_ =	sdelay $0x1  }
0x348: {  	v4 =	vmul.f32 $1.442695020e+00, v4;
	_ =	sdelay $0x1  }
0x349: {  	(erf) = vpow2.f32 v4;
	_ =	sdelay $0x8  }
0x34a: {  	v4 =	vpop (erf)  }
0x34b: {  	v5 =	vadd.f32 $1.000000000e+00, v4;
	_ =	sdelay $0x1  }
0x34c: {  	(erf) = vrcp.f32 v5;
	_ =	sdelay $0x8  }
0x34d: {  	v5 =	vpop (erf)  }
0x34e: {  	v4 =	vmul.f32 v5, v4  }
0x34f: {  	vm0 =	vge.f32 v3, $0.0e+00  }
0x350: {  	v3 =	vsel vm0, v5, v4  }
0x351: {  	[tilespmem:$0x158D8] =	vst v3  }
0x352: {  	_ =	swait.ge [sflag:s31], $0x1900  }
0x353: {  	[sflag:s31] =	ssyncset.done $0x0  }
0x354: {  	s6 =	simm.s32 $0x0;
	[sflag:s31] =	ssyncadd.s32 $0xFFFFE700  }
0x355: {  	v3 =	vadd.s32 s6, v0;
	[tilespmem:s2], [sflag:$0x3] =	stream.linear.gather [hbm4b:s13+s4], $0x1900, $0x38;
	[tilespmem:$0x15A48] =	vst v63  }
0x356: {  	s24 =	simm.s32 $0x1;
	_ =	swait.ge [sflag:s25], $0x1900  }
0x357: {  	v4 =	vadd.s32 s24, v0;
	[sflag:s25] =	ssyncset.done $0x0  }
0x358: {  	s6 =	simm.s32 $0x2;
	[sflag:s25] =	ssyncadd.s32 $0xFFFFE700  }
0x359: {  	[tilespmem:s0], [sflag:$0x2] =	stream.indirect.gather [spmem:s3], $0x1, s2, s29, $0xb8;
	[tilespmem:$0x15A48] =	vst v63  }
0x35a: {  	s24 =	simm.s32 $0x3;
	v5 =	vadd.s32 s6, v0;
	v3 =	vld.idx.msk [tilespmem:v3+s30+$0x0], $0xffff  }
0x35b: {  	v6 =	vadd.s32 s24, v0;
	s6 =	simm.s32 $0x4  }
0x35c: {  	v7 =	vadd.s32 s6, v0;
	v4 =	vld.idx.msk [tilespmem:v4+s30+$0x0], $0xffff;
	_ =	sdelay $0x1  }
0x35d: {  	v8 =	vimm.f32 $0.0e+00;
	s24 =	simm.s32 $0x5  }
0x35e: {  	v10 =	vadd.s32 s24, v0;
	v9 =	vld.idx.msk [tilespmem:v5+s30+$0x0], $0xffff;
	v5 =	vadd.f32 v3, v8  }
0x35f: {  	s6 =	simm.s32 $0x6;
	v3 =	vld.idx.msk [tilespmem:v6+s30+$0x0], $0xffff  }
0x360: {  	v6 =	vadd.f32 v4, v5;
	v4 =	vld.idx.msk [tilespmem:v7+s30+$0x0], $0xffff;
	v7 =	vadd.s32 s6, v0  }
0x361: {  	s5 =	simm.s32 $0x7  }
0x362: {  	v5 =	vadd.s32 s5, v0  }
0x363: {  	s24 =	simm.s32 $0xF;
	s6 =	simm.s32 $0x8;
	s5 =	simm.s32 $0x17;
	v8 =	vadd.f32 v9, v6;
	v6 =	vld.idx.msk [tilespmem:v10+s30+$0x0], $0xffff  }
.LBB2_26:
0x364: {  	p0 =	sne.s32 s5, $0xC7;
	v9 =	vadd.s32 s6, v0  }
0x365: {  	s6 =	sadd.s32 $0xFFFFFFFA, s24;
	v3 =	vadd.f32 v3, v8;
	v7 =	vld.idx.msk [tilespmem:v7+s30+$0x0], $0xffff  }
0x366: {  	v8 =	vadd.s32 s6, v0  }
0x367: {  	s6 =	sadd.s32 $0xFFFFFFFB, s24;
	v3 =	vadd.f32 v4, v3;
	v4 =	vld.idx.msk [tilespmem:v5+s30+$0x0], $0xffff  }
0x368: {  	v5 =	vadd.s32 s6, v0  }
0x369: {  	s6 =	sadd.s32 $0xFFFFFFFC, s24;
	v9 =	vld.idx.msk [tilespmem:v9+s30+$0x0], $0xffff;
	v3 =	vadd.f32 v6, v3  }
0x36a: {  	v6 =	vadd.s32 s6, v0  }
0x36b: {  	s6 =	sadd.s32 $0xFFFFFFFD, s24;
	v8 =	vld.idx.msk [tilespmem:v8+s30+$0x0], $0xffff;
	v3 =	vadd.f32 v7, v3  }
0x36c: {  	v10 =	vadd.s32 s6, v0  }
0x36d: {  	s6 =	sadd.s32 $0xFFFFFFFE, s24;
	v11 =	vld.idx.msk [tilespmem:v5+s30+$0x0], $0xffff;
	v3 =	vadd.f32 v4, v3  }
0x36e: {  	v12 =	vadd.s32 s6, v0  }
.Ltmp12:
0x36f: {  	s6 =	sadd.s32 $0xFFFFFFFF, s24;
	v4 =	vadd.f32 v9, v3;
	v3 =	vld.idx.msk [tilespmem:v6+s30+$0x0], $0xffff;
	(pc) =	sbr.rel @p0 .LBB2_26-.Ltmp12, $4  }
0x370: {  	v7 =	vadd.s32 s6, v0  }
0x371: {  	v6 =	vadd.f32 v8, v4;
	v4 =	vld.idx.msk [tilespmem:v10+s30+$0x0], $0xffff  }
0x372: {  	v5 =	vadd.s32 s24, v0;
	s24 =	smov.u32 s5  }
0x373: {  	s5 =	sadd.s32 $0x8, s5;
	s6 =	sadd.s32 $0xFFFFFFF9, s24;
	v8 =	vadd.f32 v11, v6;
	v6 =	vld.idx.msk [tilespmem:v12+s30+$0x0], $0xffff  }
0x374: {  	_ =	sdelay $0x2  }
0x375: {  	v9 =	vadd.s32 s6, v0;
	v3 =	vadd.f32 v3, v8  }
0x376: {  	s5 =	sadd.s32 $0xFFFFFFFA, s24;
	v7 =	vld.idx.msk [tilespmem:v7+s30+$0x0], $0xffff  }
0x377: {  	v8 =	vadd.s32 s5, v0;
	v3 =	vadd.f32 v4, v3  }
0x378: {  	s6 =	sadd.s32 $0xFFFFFFFB, s24;
	v4 =	vld.idx.msk [tilespmem:v5+s30+$0x0], $0xffff  }
0x379: {  	v5 =	vadd.s32 s6, v0;
	v3 =	vadd.f32 v6, v3  }
0x37a: {  	s6 =	sadd.s32 $0xFFFFFFFC, s24;
	v6 =	vld.idx.msk [tilespmem:v9+s30+$0x0], $0xffff  }
0x37b: {  	v9 =	vadd.s32 s6, v0;
	v3 =	vadd.f32 v7, v3  }
0x37c: {  	s6 =	sadd.s32 $0xFFFFFFFD, s24;
	v7 =	vld.idx.msk [tilespmem:v8+s30+$0x0], $0xffff  }
0x37d: {  	v8 =	vadd.s32 s6, v0;
	v3 =	vadd.f32 v4, v3  }
0x37e: {  	s6 =	sadd.s32 $0xFFFFFFFE, s24;
	v4 =	vld.idx.msk [tilespmem:v5+s30+$0x0], $0xffff  }
0x37f: {  	v5 =	vadd.s32 s6, v0;
	v3 =	vadd.f32 v6, v3  }
0x380: {  	s6 =	sadd.s32 $0xFFFFFFFF, s24;
	v6 =	vld.idx.msk [tilespmem:v9+s30+$0x0], $0xffff  }
0x381: {  	v9 =	vadd.s32 s6, v0;
	v3 =	vadd.f32 v7, v3  }
0x382: {  	v7 =	vld.idx.msk [tilespmem:v8+s30+$0x0], $0xffff  }
0x383: {  	v8 =	vadd.s32 s24, v0;
	v3 =	vadd.f32 v4, v3  }
0x384: {  	v4 =	vld.idx.msk [tilespmem:v5+s30+$0x0], $0xffff  }
0x385: {  	v3 =	vadd.f32 v6, v3  }
0x386: {  	v5 =	vld.idx.msk [tilespmem:v9+s30+$0x0], $0xffff  }
0x387: {  	v3 =	vadd.f32 v7, v3  }
0x388: {  	v6 =	vld.idx.msk [tilespmem:v8+s30+$0x0], $0xffff  }
0x389: {  	v3 =	vadd.f32 v4, v3;
	_ =	sdelay $0x1  }
0x38a: {  	v3 =	vadd.f32 v5, v3;
	_ =	sdelay $0x1  }
0x38b: {  	v3 =	vadd.f32 v6, v3;
	_ =	sdelay $0x1  }
0x38c: {  	v3 =	vadd.f32 v3, v2;
	_ =	sdelay $0x1  }
0x38d: {  	v4 =	vand.u32 $0x7FFFFFFF, v3  }
0x38e: {  	v4 =	vsub.f32 $0.0e+00, v4;
	_ =	sdelay $0x1  }
0x38f: {  	v4 =	vmul.f32 $1.442695020e+00, v4;
	_ =	sdelay $0x1  }
0x390: {  	(erf) = vpow2.f32 v4;
	_ =	sdelay $0x8  }
0x391: {  	v4 =	vpop (erf)  }
0x392: {  	v5 =	vadd.f32 $1.000000000e+00, v4;
	_ =	sdelay $0x1  }
0x393: {  	(erf) = vrcp.f32 v5;
	_ =	sdelay $0x7  }
0x394: {  	s6 =	simm.s32 $0x0  }
0x395: {  	v6 =	vadd.s32 s6, v1;
	v5 =	vpop (erf)  }
0x396: {  	s24 =	simm.s32 $0x1;
	v4 =	vmul.f32 v5, v4  }
0x397: {  	vm0 =	vge.f32 v3, $0.0e+00;
	v3 =	vadd.s32 s24, v1  }
0x398: {  	v4 =	vsel vm0, v5, v4  }
0x399: {  	s6 =	simm.s32 $0x2;
	[tilespmem:$0x158E8] =	vst v4  }
0x39a: {  	v4 =	vadd.s32 s6, v1;
	v5 =	vld.idx.msk [tilespmem:v6+s30+$0x0], $0xffff  }
0x39b: {  	s24 =	simm.s32 $0x3  }
0x39c: {  	v6 =	vadd.s32 s24, v1;
	v7 =	vld.idx.msk [tilespmem:v3+s30+$0x0], $0xffff  }
0x39d: {  	s6 =	simm.s32 $0x4  }
0x39e: {  	v8 =	vadd.s32 s6, v1;
	s24 =	simm.s32 $0x5;
	v3 =	vimm.f32 $0.0e+00  }
0x39f: {  	v10 =	vadd.s32 s24, v1;
	v9 =	vld.idx.msk [tilespmem:v4+s30+$0x0], $0xffff;
	v4 =	vadd.f32 v5, v3  }
0x3a0: {  	s6 =	simm.s32 $0x6  }
0x3a1: {  	v3 =	vld.idx.msk [tilespmem:v6+s30+$0x0], $0xffff;
	v6 =	vadd.f32 v7, v4;
	v7 =	vadd.s32 s6, v1  }
0x3a2: {  	s5 =	simm.s32 $0x7  }
0x3a3: {  	v5 =	vadd.s32 s5, v1;
	v4 =	vld.idx.msk [tilespmem:v8+s30+$0x0], $0xffff  }
0x3a4: {  	s24 =	simm.s32 $0xF;
	s5 =	simm.s32 $0x17;
	s6 =	simm.s32 $0x8;
	v8 =	vadd.f32 v9, v6;
	v6 =	vld.idx.msk [tilespmem:v10+s30+$0x0], $0xffff  }
.LBB2_28:
0x3a5: {  	p0 =	sne.s32 s5, $0xC7;
	v9 =	vadd.s32 s6, v1  }
0x3a6: {  	s6 =	sadd.s32 $0xFFFFFFFA, s24;
	v3 =	vadd.f32 v3, v8;
	v7 =	vld.idx.msk [tilespmem:v7+s30+$0x0], $0xffff  }
0x3a7: {  	v8 =	vadd.s32 s6, v1  }
0x3a8: {  	s6 =	sadd.s32 $0xFFFFFFFB, s24;
	v3 =	vadd.f32 v4, v3;
	v4 =	vld.idx.msk [tilespmem:v5+s30+$0x0], $0xffff  }
0x3a9: {  	v5 =	vadd.s32 s6, v1  }
0x3aa: {  	s6 =	sadd.s32 $0xFFFFFFFC, s24;
	v9 =	vld.idx.msk [tilespmem:v9+s30+$0x0], $0xffff;
	v3 =	vadd.f32 v6, v3  }
0x3ab: {  	v6 =	vadd.s32 s6, v1  }
0x3ac: {  	s6 =	sadd.s32 $0xFFFFFFFD, s24;
	v8 =	vld.idx.msk [tilespmem:v8+s30+$0x0], $0xffff;
	v3 =	vadd.f32 v7, v3  }
0x3ad: {  	v10 =	vadd.s32 s6, v1  }
0x3ae: {  	s6 =	sadd.s32 $0xFFFFFFFE, s24;
	v11 =	vld.idx.msk [tilespmem:v5+s30+$0x0], $0xffff;
	v3 =	vadd.f32 v4, v3  }
0x3af: {  	v12 =	vadd.s32 s6, v1  }
.Ltmp13:
0x3b0: {  	s6 =	sadd.s32 $0xFFFFFFFF, s24;
	v4 =	vadd.f32 v9, v3;
	v3 =	vld.idx.msk [tilespmem:v6+s30+$0x0], $0xffff;
	(pc) =	sbr.rel @p0 .LBB2_28-.Ltmp13, $4  }
0x3b1: {  	v7 =	vadd.s32 s6, v1  }
0x3b2: {  	v6 =	vadd.f32 v8, v4;
	v4 =	vld.idx.msk [tilespmem:v10+s30+$0x0], $0xffff  }
0x3b3: {  	v5 =	vadd.s32 s24, v1;
	s24 =	smov.u32 s5  }
0x3b4: {  	s5 =	sadd.s32 $0x8, s5;
	s6 =	sadd.s32 $0xFFFFFFF9, s24;
	v8 =	vadd.f32 v11, v6;
	v6 =	vld.idx.msk [tilespmem:v12+s30+$0x0], $0xffff  }
0x3b5: {  	_ =	sdelay $0x2  }
0x3b6: {  	v9 =	vadd.s32 s6, v1;
	v3 =	vadd.f32 v3, v8  }
0x3b7: {  	s5 =	sadd.s32 $0xFFFFFFFA, s24;
	v7 =	vld.idx.msk [tilespmem:v7+s30+$0x0], $0xffff  }
0x3b8: {  	v8 =	vadd.s32 s5, v1;
	v3 =	vadd.f32 v4, v3  }
0x3b9: {  	s6 =	sadd.s32 $0xFFFFFFFB, s24;
	v4 =	vld.idx.msk [tilespmem:v5+s30+$0x0], $0xffff  }
0x3ba: {  	v5 =	vadd.s32 s6, v1;
	v3 =	vadd.f32 v6, v3  }
0x3bb: {  	s6 =	sadd.s32 $0xFFFFFFFC, s24;
	v6 =	vld.idx.msk [tilespmem:v9+s30+$0x0], $0xffff  }
0x3bc: {  	v9 =	vadd.s32 s6, v1;
	v3 =	vadd.f32 v7, v3  }
0x3bd: {  	s6 =	sadd.s32 $0xFFFFFFFD, s24;
	v7 =	vld.idx.msk [tilespmem:v8+s30+$0x0], $0xffff  }
0x3be: {  	v8 =	vadd.s32 s6, v1;
	v3 =	vadd.f32 v4, v3  }
0x3bf: {  	s6 =	sadd.s32 $0xFFFFFFFE, s24;
	v4 =	vld.idx.msk [tilespmem:v5+s30+$0x0], $0xffff  }
0x3c0: {  	v5 =	vadd.s32 s6, v1;
	v3 =	vadd.f32 v6, v3  }
0x3c1: {  	s6 =	sadd.s32 $0xFFFFFFFF, s24;
	v6 =	vld.idx.msk [tilespmem:v9+s30+$0x0], $0xffff  }
0x3c2: {  	v9 =	vadd.s32 s6, v1;
	v3 =	vadd.f32 v7, v3  }
0x3c3: {  	v7 =	vld.idx.msk [tilespmem:v8+s30+$0x0], $0xffff  }
0x3c4: {  	v8 =	vadd.s32 s24, v1;
	v3 =	vadd.f32 v4, v3  }
0x3c5: {  	v4 =	vld.idx.msk [tilespmem:v5+s30+$0x0], $0xffff  }
0x3c6: {  	v3 =	vadd.f32 v6, v3  }
0x3c7: {  	v5 =	vld.idx.msk [tilespmem:v9+s30+$0x0], $0xffff  }
0x3c8: {  	v3 =	vadd.f32 v7, v3  }
0x3c9: {  	v6 =	vld.idx.msk [tilespmem:v8+s30+$0x0], $0xffff  }
0x3ca: {  	v3 =	vadd.f32 v4, v3;
	_ =	sdelay $0x1  }
0x3cb: {  	v3 =	vadd.f32 v5, v3;
	_ =	sdelay $0x1  }
0x3cc: {  	v3 =	vadd.f32 v6, v3;
	_ =	sdelay $0x1  }
0x3cd: {  	v3 =	vadd.f32 v3, v2;
	_ =	sdelay $0x1  }
0x3ce: {  	v4 =	vand.u32 $0x7FFFFFFF, v3  }
0x3cf: {  	v4 =	vsub.f32 $0.0e+00, v4;
	_ =	sdelay $0x1  }
0x3d0: {  	v4 =	vmul.f32 $1.442695020e+00, v4;
	_ =	sdelay $0x1  }
0x3d1: {  	(erf) = vpow2.f32 v4;
	_ =	sdelay $0x8  }
0x3d2: {  	v4 =	vpop (erf)  }
0x3d3: {  	v5 =	vadd.f32 $1.000000000e+00, v4;
	_ =	sdelay $0x1  }
0x3d4: {  	(erf) = vrcp.f32 v5;
	_ =	sdelay $0x8  }
0x3d5: {  	v5 =	vpop (erf)  }
0x3d6: {  	v4 =	vmul.f32 v5, v4  }
0x3d7: {  	vm0 =	vge.f32 v3, $0.0e+00  }
0x3d8: {  	v3 =	vsel vm0, v5, v4  }
0x3d9: {  	[tilespmem:$0x158F8] =	vst v3  }
0x3da: {  	_ =	swait.ge [sflag:s1], $0x1900  }
0x3db: {  	[sflag:s1] =	ssyncset.done $0x0  }
0x3dc: {  	s6 =	simm.s32 $0x0;
	[sflag:s1] =	ssyncadd.s32 $0xFFFFE700  }
0x3dd: {  	v3 =	vadd.s32 s6, v0;
	[tilespmem:s28], [sflag:$0x3] =	stream.linear.gather [hbm4b:s14+s4], $0x1900, $0x38;
	[tilespmem:$0x15A48] =	vst v63  }
0x3de: {  	s24 =	simm.s32 $0x1;
	_ =	swait.ge [sflag:s25], $0x1900  }
0x3df: {  	v4 =	vadd.s32 s24, v0;
	[sflag:s25] =	ssyncset.done $0x0  }
0x3e0: {  	s6 =	simm.s32 $0x2;
	[sflag:s25] =	ssyncadd.s32 $0xFFFFE700  }
0x3e1: {  	[tilespmem:s30], [sflag:$0x1] =	stream.indirect.gather [spmem:s3], $0x1, s28, s29, $0xb8;
	[tilespmem:$0x15A48] =	vst v63  }
0x3e2: {  	s24 =	simm.s32 $0x3;
	v5 =	vadd.s32 s6, v0;
	v3 =	vld.idx.msk [tilespmem:v3+s0+$0x0], $0xffff  }
0x3e3: {  	v6 =	vadd.s32 s24, v0;
	s6 =	simm.s32 $0x4  }
0x3e4: {  	v7 =	vadd.s32 s6, v0;
	v4 =	vld.idx.msk [tilespmem:v4+s0+$0x0], $0xffff;
	_ =	sdelay $0x1  }
0x3e5: {  	v8 =	vimm.f32 $0.0e+00;
	s24 =	simm.s32 $0x5  }
0x3e6: {  	v10 =	vadd.s32 s24, v0;
	v9 =	vld.idx.msk [tilespmem:v5+s0+$0x0], $0xffff;
	v5 =	vadd.f32 v3, v8  }
0x3e7: {  	s6 =	simm.s32 $0x6;
	v3 =	vld.idx.msk [tilespmem:v6+s0+$0x0], $0xffff  }
0x3e8: {  	v6 =	vadd.f32 v4, v5;
	v4 =	vld.idx.msk [tilespmem:v7+s0+$0x0], $0xffff;
	v7 =	vadd.s32 s6, v0  }
0x3e9: {  	s5 =	simm.s32 $0x7  }
0x3ea: {  	v5 =	vadd.s32 s5, v0  }
0x3eb: {  	s24 =	simm.s32 $0xF;
	s6 =	simm.s32 $0x8;
	s5 =	simm.s32 $0x17;
	v8 =	vadd.f32 v9, v6;
	v6 =	vld.idx.msk [tilespmem:v10+s0+$0x0], $0xffff  }
.LBB2_30:
0x3ec: {  	p0 =	sne.s32 s5, $0xC7;
	v9 =	vadd.s32 s6, v0  }
0x3ed: {  	s6 =	sadd.s32 $0xFFFFFFFA, s24;
	v3 =	vadd.f32 v3, v8;
	v7 =	vld.idx.msk [tilespmem:v7+s0+$0x0], $0xffff  }
0x3ee: {  	v8 =	vadd.s32 s6, v0  }
0x3ef: {  	s6 =	sadd.s32 $0xFFFFFFFB, s24;
	v3 =	vadd.f32 v4, v3;
	v4 =	vld.idx.msk [tilespmem:v5+s0+$0x0], $0xffff  }
0x3f0: {  	v5 =	vadd.s32 s6, v0  }
0x3f1: {  	s6 =	sadd.s32 $0xFFFFFFFC, s24;
	v9 =	vld.idx.msk [tilespmem:v9+s0+$0x0], $0xffff;
	v3 =	vadd.f32 v6, v3  }
0x3f2: {  	v6 =	vadd.s32 s6, v0  }
0x3f3: {  	s6 =	sadd.s32 $0xFFFFFFFD, s24;
	v8 =	vld.idx.msk [tilespmem:v8+s0+$0x0], $0xffff;
	v3 =	vadd.f32 v7, v3  }
0x3f4: {  	v10 =	vadd.s32 s6, v0  }
0x3f5: {  	s6 =	sadd.s32 $0xFFFFFFFE, s24;
	v11 =	vld.idx.msk [tilespmem:v5+s0+$0x0], $0xffff;
	v3 =	vadd.f32 v4, v3  }
0x3f6: {  	v12 =	vadd.s32 s6, v0  }
.Ltmp14:
0x3f7: {  	s6 =	sadd.s32 $0xFFFFFFFF, s24;
	v4 =	vadd.f32 v9, v3;
	v3 =	vld.idx.msk [tilespmem:v6+s0+$0x0], $0xffff;
	(pc) =	sbr.rel @p0 .LBB2_30-.Ltmp14, $4  }
0x3f8: {  	v7 =	vadd.s32 s6, v0  }
0x3f9: {  	v6 =	vadd.f32 v8, v4;
	v4 =	vld.idx.msk [tilespmem:v10+s0+$0x0], $0xffff  }
0x3fa: {  	v5 =	vadd.s32 s24, v0;
	s24 =	smov.u32 s5  }
0x3fb: {  	s5 =	sadd.s32 $0x8, s5;
	s6 =	sadd.s32 $0xFFFFFFF9, s24;
	v8 =	vadd.f32 v11, v6;
	v6 =	vld.idx.msk [tilespmem:v12+s0+$0x0], $0xffff  }
0x3fc: {  	_ =	sdelay $0x2  }
0x3fd: {  	v9 =	vadd.s32 s6, v0;
	v3 =	vadd.f32 v3, v8  }
0x3fe: {  	s5 =	sadd.s32 $0xFFFFFFFA, s24;
	v7 =	vld.idx.msk [tilespmem:v7+s0+$0x0], $0xffff  }
0x3ff: {  	v8 =	vadd.s32 s5, v0;
	v3 =	vadd.f32 v4, v3  }
0x400: {  	s6 =	sadd.s32 $0xFFFFFFFB, s24;
	v4 =	vld.idx.msk [tilespmem:v5+s0+$0x0], $0xffff  }
0x401: {  	v5 =	vadd.s32 s6, v0;
	v3 =	vadd.f32 v6, v3  }
0x402: {  	s6 =	sadd.s32 $0xFFFFFFFC, s24;
	v6 =	vld.idx.msk [tilespmem:v9+s0+$0x0], $0xffff  }
0x403: {  	v9 =	vadd.s32 s6, v0;
	v3 =	vadd.f32 v7, v3  }
0x404: {  	s6 =	sadd.s32 $0xFFFFFFFD, s24;
	v7 =	vld.idx.msk [tilespmem:v8+s0+$0x0], $0xffff  }
0x405: {  	v8 =	vadd.s32 s6, v0;
	v3 =	vadd.f32 v4, v3  }
0x406: {  	s6 =	sadd.s32 $0xFFFFFFFE, s24;
	v4 =	vld.idx.msk [tilespmem:v5+s0+$0x0], $0xffff  }
0x407: {  	v5 =	vadd.s32 s6, v0;
	v3 =	vadd.f32 v6, v3  }
0x408: {  	s6 =	sadd.s32 $0xFFFFFFFF, s24;
	v6 =	vld.idx.msk [tilespmem:v9+s0+$0x0], $0xffff  }
0x409: {  	v9 =	vadd.s32 s6, v0;
	v3 =	vadd.f32 v7, v3  }
0x40a: {  	v7 =	vld.idx.msk [tilespmem:v8+s0+$0x0], $0xffff  }
0x40b: {  	v8 =	vadd.s32 s24, v0;
	v3 =	vadd.f32 v4, v3  }
0x40c: {  	v4 =	vld.idx.msk [tilespmem:v5+s0+$0x0], $0xffff  }
0x40d: {  	v3 =	vadd.f32 v6, v3  }
0x40e: {  	v5 =	vld.idx.msk [tilespmem:v9+s0+$0x0], $0xffff  }
0x40f: {  	v3 =	vadd.f32 v7, v3  }
0x410: {  	v6 =	vld.idx.msk [tilespmem:v8+s0+$0x0], $0xffff  }
0x411: {  	v3 =	vadd.f32 v4, v3;
	_ =	sdelay $0x1  }
0x412: {  	v3 =	vadd.f32 v5, v3;
	_ =	sdelay $0x1  }
0x413: {  	v3 =	vadd.f32 v6, v3;
	_ =	sdelay $0x1  }
0x414: {  	v3 =	vadd.f32 v3, v2;
	_ =	sdelay $0x1  }
0x415: {  	v4 =	vand.u32 $0x7FFFFFFF, v3  }
0x416: {  	v4 =	vsub.f32 $0.0e+00, v4;
	_ =	sdelay $0x1  }
0x417: {  	v4 =	vmul.f32 $1.442695020e+00, v4;
	_ =	sdelay $0x1  }
0x418: {  	(erf) = vpow2.f32 v4;
	_ =	sdelay $0x8  }
0x419: {  	v4 =	vpop (erf)  }
0x41a: {  	v5 =	vadd.f32 $1.000000000e+00, v4;
	_ =	sdelay $0x1  }
0x41b: {  	(erf) = vrcp.f32 v5;
	_ =	sdelay $0x7  }
0x41c: {  	s6 =	simm.s32 $0x0  }
0x41d: {  	v6 =	vadd.s32 s6, v1;
	v5 =	vpop (erf)  }
0x41e: {  	s24 =	simm.s32 $0x1;
	v4 =	vmul.f32 v5, v4  }
0x41f: {  	vm0 =	vge.f32 v3, $0.0e+00;
	v3 =	vadd.s32 s24, v1  }
0x420: {  	v4 =	vsel vm0, v5, v4  }
0x421: {  	s6 =	simm.s32 $0x2;
	[tilespmem:$0x15908] =	vst v4  }
0x422: {  	v4 =	vadd.s32 s6, v1;
	v5 =	vld.idx.msk [tilespmem:v6+s0+$0x0], $0xffff  }
0x423: {  	s24 =	simm.s32 $0x3  }
0x424: {  	v6 =	vadd.s32 s24, v1;
	v7 =	vld.idx.msk [tilespmem:v3+s0+$0x0], $0xffff  }
0x425: {  	s6 =	simm.s32 $0x4  }
0x426: {  	v8 =	vadd.s32 s6, v1;
	s24 =	simm.s32 $0x5;
	v3 =	vimm.f32 $0.0e+00  }
0x427: {  	v10 =	vadd.s32 s24, v1;
	v9 =	vld.idx.msk [tilespmem:v4+s0+$0x0], $0xffff;
	v4 =	vadd.f32 v5, v3  }
0x428: {  	s6 =	simm.s32 $0x6  }
0x429: {  	v3 =	vld.idx.msk [tilespmem:v6+s0+$0x0], $0xffff;
	v6 =	vadd.f32 v7, v4;
	v7 =	vadd.s32 s6, v1  }
0x42a: {  	s5 =	simm.s32 $0x7  }
0x42b: {  	v5 =	vadd.s32 s5, v1;
	v4 =	vld.idx.msk [tilespmem:v8+s0+$0x0], $0xffff  }
0x42c: {  	s24 =	simm.s32 $0xF;
	s5 =	simm.s32 $0x17;
	s6 =	simm.s32 $0x8;
	v8 =	vadd.f32 v9, v6;
	v6 =	vld.idx.msk [tilespmem:v10+s0+$0x0], $0xffff  }
.LBB2_32:
0x42d: {  	p0 =	sne.s32 s5, $0xC7;
	v9 =	vadd.s32 s6, v1  }
0x42e: {  	s6 =	sadd.s32 $0xFFFFFFFA, s24;
	v3 =	vadd.f32 v3, v8;
	v7 =	vld.idx.msk [tilespmem:v7+s0+$0x0], $0xffff  }
0x42f: {  	v8 =	vadd.s32 s6, v1  }
0x430: {  	s6 =	sadd.s32 $0xFFFFFFFB, s24;
	v3 =	vadd.f32 v4, v3;
	v4 =	vld.idx.msk [tilespmem:v5+s0+$0x0], $0xffff  }
0x431: {  	v5 =	vadd.s32 s6, v1  }
0x432: {  	s6 =	sadd.s32 $0xFFFFFFFC, s24;
	v9 =	vld.idx.msk [tilespmem:v9+s0+$0x0], $0xffff;
	v3 =	vadd.f32 v6, v3  }
0x433: {  	v6 =	vadd.s32 s6, v1  }
0x434: {  	s6 =	sadd.s32 $0xFFFFFFFD, s24;
	v8 =	vld.idx.msk [tilespmem:v8+s0+$0x0], $0xffff;
	v3 =	vadd.f32 v7, v3  }
0x435: {  	v10 =	vadd.s32 s6, v1  }
0x436: {  	s6 =	sadd.s32 $0xFFFFFFFE, s24;
	v11 =	vld.idx.msk [tilespmem:v5+s0+$0x0], $0xffff;
	v3 =	vadd.f32 v4, v3  }
0x437: {  	v12 =	vadd.s32 s6, v1  }
.Ltmp15:
0x438: {  	s6 =	sadd.s32 $0xFFFFFFFF, s24;
	v4 =	vadd.f32 v9, v3;
	v3 =	vld.idx.msk [tilespmem:v6+s0+$0x0], $0xffff;
	(pc) =	sbr.rel @p0 .LBB2_32-.Ltmp15, $4  }
0x439: {  	v7 =	vadd.s32 s6, v1  }
0x43a: {  	v6 =	vadd.f32 v8, v4;
	v4 =	vld.idx.msk [tilespmem:v10+s0+$0x0], $0xffff  }
0x43b: {  	v5 =	vadd.s32 s24, v1;
	s24 =	smov.u32 s5  }
0x43c: {  	s5 =	sadd.s32 $0x8, s5;
	s6 =	sadd.s32 $0xFFFFFFF9, s24;
	v8 =	vadd.f32 v11, v6;
	v6 =	vld.idx.msk [tilespmem:v12+s0+$0x0], $0xffff  }
0x43d: {  	_ =	sdelay $0x2  }
0x43e: {  	v9 =	vadd.s32 s6, v1;
	v3 =	vadd.f32 v3, v8  }
0x43f: {  	s5 =	sadd.s32 $0xFFFFFFFA, s24;
	v7 =	vld.idx.msk [tilespmem:v7+s0+$0x0], $0xffff  }
0x440: {  	v8 =	vadd.s32 s5, v1;
	v3 =	vadd.f32 v4, v3  }
0x441: {  	s6 =	sadd.s32 $0xFFFFFFFB, s24;
	v4 =	vld.idx.msk [tilespmem:v5+s0+$0x0], $0xffff  }
0x442: {  	v5 =	vadd.s32 s6, v1;
	v3 =	vadd.f32 v6, v3  }
0x443: {  	s6 =	sadd.s32 $0xFFFFFFFC, s24;
	v6 =	vld.idx.msk [tilespmem:v9+s0+$0x0], $0xffff  }
0x444: {  	v9 =	vadd.s32 s6, v1;
	v3 =	vadd.f32 v7, v3  }
0x445: {  	s6 =	sadd.s32 $0xFFFFFFFD, s24;
	v7 =	vld.idx.msk [tilespmem:v8+s0+$0x0], $0xffff  }
0x446: {  	v8 =	vadd.s32 s6, v1;
	v3 =	vadd.f32 v4, v3  }
0x447: {  	s6 =	sadd.s32 $0xFFFFFFFE, s24;
	v4 =	vld.idx.msk [tilespmem:v5+s0+$0x0], $0xffff  }
0x448: {  	v5 =	vadd.s32 s6, v1;
	v3 =	vadd.f32 v6, v3  }
0x449: {  	s6 =	sadd.s32 $0xFFFFFFFF, s24;
	v6 =	vld.idx.msk [tilespmem:v9+s0+$0x0], $0xffff  }
0x44a: {  	v9 =	vadd.s32 s6, v1;
	v3 =	vadd.f32 v7, v3  }
0x44b: {  	v7 =	vld.idx.msk [tilespmem:v8+s0+$0x0], $0xffff  }
0x44c: {  	v8 =	vadd.s32 s24, v1;
	v3 =	vadd.f32 v4, v3  }
0x44d: {  	v4 =	vld.idx.msk [tilespmem:v5+s0+$0x0], $0xffff  }
0x44e: {  	v3 =	vadd.f32 v6, v3  }
0x44f: {  	v5 =	vld.idx.msk [tilespmem:v9+s0+$0x0], $0xffff  }
0x450: {  	v3 =	vadd.f32 v7, v3  }
0x451: {  	v6 =	vld.idx.msk [tilespmem:v8+s0+$0x0], $0xffff  }
0x452: {  	v3 =	vadd.f32 v4, v3;
	_ =	sdelay $0x1  }
0x453: {  	v3 =	vadd.f32 v5, v3;
	_ =	sdelay $0x1  }
0x454: {  	v3 =	vadd.f32 v6, v3;
	_ =	sdelay $0x1  }
0x455: {  	v3 =	vadd.f32 v3, v2;
	_ =	sdelay $0x1  }
0x456: {  	v4 =	vand.u32 $0x7FFFFFFF, v3  }
0x457: {  	v4 =	vsub.f32 $0.0e+00, v4;
	_ =	sdelay $0x1  }
0x458: {  	v4 =	vmul.f32 $1.442695020e+00, v4;
	_ =	sdelay $0x1  }
0x459: {  	(erf) = vpow2.f32 v4;
	_ =	sdelay $0x8  }
0x45a: {  	v4 =	vpop (erf)  }
0x45b: {  	v5 =	vadd.f32 $1.000000000e+00, v4;
	_ =	sdelay $0x1  }
0x45c: {  	(erf) = vrcp.f32 v5;
	_ =	sdelay $0x8  }
0x45d: {  	v5 =	vpop (erf)  }
0x45e: {  	v4 =	vmul.f32 v5, v4  }
0x45f: {  	vm0 =	vge.f32 v3, $0.0e+00  }
0x460: {  	v3 =	vsel vm0, v5, v4  }
0x461: {  	[tilespmem:$0x15918] =	vst v3  }
0x462: {  	_ =	swait.ge [sflag:s31], $0x1900  }
0x463: {  	[sflag:s31] =	ssyncset.done $0x0  }
0x464: {  	s6 =	simm.s32 $0x0;
	[sflag:s31] =	ssyncadd.s32 $0xFFFFE700  }
0x465: {  	v3 =	vadd.s32 s6, v0;
	[tilespmem:s2], [sflag:$0x3] =	stream.linear.gather [hbm4b:s15+s4], $0x1900, $0x38;
	[tilespmem:$0x15A48] =	vst v63  }
0x466: {  	s24 =	simm.s32 $0x1;
	_ =	swait.ge [sflag:s25], $0x1900  }
0x467: {  	v4 =	vadd.s32 s24, v0;
	[sflag:s25] =	ssyncset.done $0x0  }
0x468: {  	s6 =	simm.s32 $0x2;
	[sflag:s25] =	ssyncadd.s32 $0xFFFFE700  }
0x469: {  	[tilespmem:s0], [sflag:$0x2] =	stream.indirect.gather [spmem:s3], $0x1, s2, s29, $0xb8;
	[tilespmem:$0x15A48] =	vst v63  }
0x46a: {  	s24 =	simm.s32 $0x3;
	v5 =	vadd.s32 s6, v0;
	v3 =	vld.idx.msk [tilespmem:v3+s30+$0x0], $0xffff  }
0x46b: {  	v6 =	vadd.s32 s24, v0;
	s6 =	simm.s32 $0x4  }
0x46c: {  	v7 =	vadd.s32 s6, v0;
	v4 =	vld.idx.msk [tilespmem:v4+s30+$0x0], $0xffff;
	_ =	sdelay $0x1  }
0x46d: {  	v8 =	vimm.f32 $0.0e+00;
	s24 =	simm.s32 $0x5  }
0x46e: {  	v10 =	vadd.s32 s24, v0;
	v9 =	vld.idx.msk [tilespmem:v5+s30+$0x0], $0xffff;
	v5 =	vadd.f32 v3, v8  }
0x46f: {  	s6 =	simm.s32 $0x6;
	v3 =	vld.idx.msk [tilespmem:v6+s30+$0x0], $0xffff  }
0x470: {  	v6 =	vadd.f32 v4, v5;
	v4 =	vld.idx.msk [tilespmem:v7+s30+$0x0], $0xffff;
	v7 =	vadd.s32 s6, v0  }
0x471: {  	s5 =	simm.s32 $0x7  }
0x472: {  	v5 =	vadd.s32 s5, v0  }
0x473: {  	s24 =	simm.s32 $0xF;
	s6 =	simm.s32 $0x8;
	s5 =	simm.s32 $0x17;
	v8 =	vadd.f32 v9, v6;
	v6 =	vld.idx.msk [tilespmem:v10+s30+$0x0], $0xffff  }
.LBB2_34:
0x474: {  	p0 =	sne.s32 s5, $0xC7;
	v9 =	vadd.s32 s6, v0  }
0x475: {  	s6 =	sadd.s32 $0xFFFFFFFA, s24;
	v3 =	vadd.f32 v3, v8;
	v7 =	vld.idx.msk [tilespmem:v7+s30+$0x0], $0xffff  }
0x476: {  	v8 =	vadd.s32 s6, v0  }
0x477: {  	s6 =	sadd.s32 $0xFFFFFFFB, s24;
	v3 =	vadd.f32 v4, v3;
	v4 =	vld.idx.msk [tilespmem:v5+s30+$0x0], $0xffff  }
0x478: {  	v5 =	vadd.s32 s6, v0  }
0x479: {  	s6 =	sadd.s32 $0xFFFFFFFC, s24;
	v9 =	vld.idx.msk [tilespmem:v9+s30+$0x0], $0xffff;
	v3 =	vadd.f32 v6, v3  }
0x47a: {  	v6 =	vadd.s32 s6, v0  }
0x47b: {  	s6 =	sadd.s32 $0xFFFFFFFD, s24;
	v8 =	vld.idx.msk [tilespmem:v8+s30+$0x0], $0xffff;
	v3 =	vadd.f32 v7, v3  }
0x47c: {  	v10 =	vadd.s32 s6, v0  }
0x47d: {  	s6 =	sadd.s32 $0xFFFFFFFE, s24;
	v11 =	vld.idx.msk [tilespmem:v5+s30+$0x0], $0xffff;
	v3 =	vadd.f32 v4, v3  }
0x47e: {  	v12 =	vadd.s32 s6, v0  }
.Ltmp16:
0x47f: {  	s6 =	sadd.s32 $0xFFFFFFFF, s24;
	v4 =	vadd.f32 v9, v3;
	v3 =	vld.idx.msk [tilespmem:v6+s30+$0x0], $0xffff;
	(pc) =	sbr.rel @p0 .LBB2_34-.Ltmp16, $4  }
0x480: {  	v7 =	vadd.s32 s6, v0  }
0x481: {  	v6 =	vadd.f32 v8, v4;
	v4 =	vld.idx.msk [tilespmem:v10+s30+$0x0], $0xffff  }
0x482: {  	v5 =	vadd.s32 s24, v0;
	s24 =	smov.u32 s5  }
0x483: {  	s5 =	sadd.s32 $0x8, s5;
	s6 =	sadd.s32 $0xFFFFFFF9, s24;
	v8 =	vadd.f32 v11, v6;
	v6 =	vld.idx.msk [tilespmem:v12+s30+$0x0], $0xffff  }
0x484: {  	_ =	sdelay $0x2  }
0x485: {  	v9 =	vadd.s32 s6, v0;
	v3 =	vadd.f32 v3, v8  }
0x486: {  	s5 =	sadd.s32 $0xFFFFFFFA, s24;
	v7 =	vld.idx.msk [tilespmem:v7+s30+$0x0], $0xffff  }
0x487: {  	v8 =	vadd.s32 s5, v0;
	v3 =	vadd.f32 v4, v3  }
0x488: {  	s6 =	sadd.s32 $0xFFFFFFFB, s24;
	v4 =	vld.idx.msk [tilespmem:v5+s30+$0x0], $0xffff  }
0x489: {  	v5 =	vadd.s32 s6, v0;
	v3 =	vadd.f32 v6, v3  }
0x48a: {  	s6 =	sadd.s32 $0xFFFFFFFC, s24;
	v6 =	vld.idx.msk [tilespmem:v9+s30+$0x0], $0xffff  }
0x48b: {  	v9 =	vadd.s32 s6, v0;
	v3 =	vadd.f32 v7, v3  }
0x48c: {  	s6 =	sadd.s32 $0xFFFFFFFD, s24;
	v7 =	vld.idx.msk [tilespmem:v8+s30+$0x0], $0xffff  }
0x48d: {  	v8 =	vadd.s32 s6, v0;
	v3 =	vadd.f32 v4, v3  }
0x48e: {  	s6 =	sadd.s32 $0xFFFFFFFE, s24;
	v4 =	vld.idx.msk [tilespmem:v5+s30+$0x0], $0xffff  }
0x48f: {  	v5 =	vadd.s32 s6, v0;
	v3 =	vadd.f32 v6, v3  }
0x490: {  	s6 =	sadd.s32 $0xFFFFFFFF, s24;
	v6 =	vld.idx.msk [tilespmem:v9+s30+$0x0], $0xffff  }
0x491: {  	v9 =	vadd.s32 s6, v0;
	v3 =	vadd.f32 v7, v3  }
0x492: {  	v7 =	vld.idx.msk [tilespmem:v8+s30+$0x0], $0xffff  }
0x493: {  	v8 =	vadd.s32 s24, v0;
	v3 =	vadd.f32 v4, v3  }
0x494: {  	v4 =	vld.idx.msk [tilespmem:v5+s30+$0x0], $0xffff  }
0x495: {  	v3 =	vadd.f32 v6, v3  }
0x496: {  	v5 =	vld.idx.msk [tilespmem:v9+s30+$0x0], $0xffff  }
0x497: {  	v3 =	vadd.f32 v7, v3  }
0x498: {  	v6 =	vld.idx.msk [tilespmem:v8+s30+$0x0], $0xffff  }
0x499: {  	v3 =	vadd.f32 v4, v3;
	_ =	sdelay $0x1  }
0x49a: {  	v3 =	vadd.f32 v5, v3;
	_ =	sdelay $0x1  }
0x49b: {  	v3 =	vadd.f32 v6, v3;
	_ =	sdelay $0x1  }
0x49c: {  	v3 =	vadd.f32 v3, v2;
	_ =	sdelay $0x1  }
0x49d: {  	v4 =	vand.u32 $0x7FFFFFFF, v3  }
0x49e: {  	v4 =	vsub.f32 $0.0e+00, v4;
	_ =	sdelay $0x1  }
0x49f: {  	v4 =	vmul.f32 $1.442695020e+00, v4;
	_ =	sdelay $0x1  }
0x4a0: {  	(erf) = vpow2.f32 v4;
	_ =	sdelay $0x8  }
0x4a1: {  	v4 =	vpop (erf)  }
0x4a2: {  	v5 =	vadd.f32 $1.000000000e+00, v4;
	_ =	sdelay $0x1  }
0x4a3: {  	(erf) = vrcp.f32 v5;
	_ =	sdelay $0x7  }
0x4a4: {  	s6 =	simm.s32 $0x0  }
0x4a5: {  	v6 =	vadd.s32 s6, v1;
	v5 =	vpop (erf)  }
0x4a6: {  	s24 =	simm.s32 $0x1;
	v4 =	vmul.f32 v5, v4  }
0x4a7: {  	vm0 =	vge.f32 v3, $0.0e+00;
	v3 =	vadd.s32 s24, v1  }
0x4a8: {  	v4 =	vsel vm0, v5, v4  }
0x4a9: {  	s6 =	simm.s32 $0x2;
	[tilespmem:$0x15928] =	vst v4  }
0x4aa: {  	v4 =	vadd.s32 s6, v1;
	v5 =	vld.idx.msk [tilespmem:v6+s30+$0x0], $0xffff  }
0x4ab: {  	s24 =	simm.s32 $0x3  }
0x4ac: {  	v6 =	vadd.s32 s24, v1;
	v7 =	vld.idx.msk [tilespmem:v3+s30+$0x0], $0xffff  }
0x4ad: {  	s6 =	simm.s32 $0x4  }
0x4ae: {  	v8 =	vadd.s32 s6, v1;
	s24 =	simm.s32 $0x5;
	v3 =	vimm.f32 $0.0e+00  }
0x4af: {  	v10 =	vadd.s32 s24, v1;
	v9 =	vld.idx.msk [tilespmem:v4+s30+$0x0], $0xffff;
	v4 =	vadd.f32 v5, v3  }
0x4b0: {  	s6 =	simm.s32 $0x6  }
0x4b1: {  	v3 =	vld.idx.msk [tilespmem:v6+s30+$0x0], $0xffff;
	v6 =	vadd.f32 v7, v4;
	v7 =	vadd.s32 s6, v1  }
0x4b2: {  	s5 =	simm.s32 $0x7  }
0x4b3: {  	v5 =	vadd.s32 s5, v1;
	v4 =	vld.idx.msk [tilespmem:v8+s30+$0x0], $0xffff  }
0x4b4: {  	s24 =	simm.s32 $0xF;
	s5 =	simm.s32 $0x17;
	s6 =	simm.s32 $0x8;
	v8 =	vadd.f32 v9, v6;
	v6 =	vld.idx.msk [tilespmem:v10+s30+$0x0], $0xffff  }
.LBB2_36:
0x4b5: {  	p0 =	sne.s32 s5, $0xC7;
	v9 =	vadd.s32 s6, v1  }
0x4b6: {  	s6 =	sadd.s32 $0xFFFFFFFA, s24;
	v3 =	vadd.f32 v3, v8;
	v7 =	vld.idx.msk [tilespmem:v7+s30+$0x0], $0xffff  }
0x4b7: {  	v8 =	vadd.s32 s6, v1  }
0x4b8: {  	s6 =	sadd.s32 $0xFFFFFFFB, s24;
	v3 =	vadd.f32 v4, v3;
	v4 =	vld.idx.msk [tilespmem:v5+s30+$0x0], $0xffff  }
0x4b9: {  	v5 =	vadd.s32 s6, v1  }
0x4ba: {  	s6 =	sadd.s32 $0xFFFFFFFC, s24;
	v9 =	vld.idx.msk [tilespmem:v9+s30+$0x0], $0xffff;
	v3 =	vadd.f32 v6, v3  }
0x4bb: {  	v6 =	vadd.s32 s6, v1  }
0x4bc: {  	s6 =	sadd.s32 $0xFFFFFFFD, s24;
	v8 =	vld.idx.msk [tilespmem:v8+s30+$0x0], $0xffff;
	v3 =	vadd.f32 v7, v3  }
0x4bd: {  	v10 =	vadd.s32 s6, v1  }
0x4be: {  	s6 =	sadd.s32 $0xFFFFFFFE, s24;
	v11 =	vld.idx.msk [tilespmem:v5+s30+$0x0], $0xffff;
	v3 =	vadd.f32 v4, v3  }
0x4bf: {  	v12 =	vadd.s32 s6, v1  }
.Ltmp17:
0x4c0: {  	s6 =	sadd.s32 $0xFFFFFFFF, s24;
	v4 =	vadd.f32 v9, v3;
	v3 =	vld.idx.msk [tilespmem:v6+s30+$0x0], $0xffff;
	(pc) =	sbr.rel @p0 .LBB2_36-.Ltmp17, $4  }
0x4c1: {  	v7 =	vadd.s32 s6, v1  }
0x4c2: {  	v6 =	vadd.f32 v8, v4;
	v4 =	vld.idx.msk [tilespmem:v10+s30+$0x0], $0xffff  }
0x4c3: {  	v5 =	vadd.s32 s24, v1;
	s24 =	smov.u32 s5  }
0x4c4: {  	s5 =	sadd.s32 $0x8, s5;
	s6 =	sadd.s32 $0xFFFFFFF9, s24;
	v8 =	vadd.f32 v11, v6;
	v6 =	vld.idx.msk [tilespmem:v12+s30+$0x0], $0xffff  }
0x4c5: {  	_ =	sdelay $0x2  }
0x4c6: {  	v9 =	vadd.s32 s6, v1;
	v3 =	vadd.f32 v3, v8  }
0x4c7: {  	s5 =	sadd.s32 $0xFFFFFFFA, s24;
	v7 =	vld.idx.msk [tilespmem:v7+s30+$0x0], $0xffff  }
0x4c8: {  	v8 =	vadd.s32 s5, v1;
	v3 =	vadd.f32 v4, v3  }
0x4c9: {  	s6 =	sadd.s32 $0xFFFFFFFB, s24;
	v4 =	vld.idx.msk [tilespmem:v5+s30+$0x0], $0xffff  }
0x4ca: {  	v5 =	vadd.s32 s6, v1;
	v3 =	vadd.f32 v6, v3  }
0x4cb: {  	s6 =	sadd.s32 $0xFFFFFFFC, s24;
	v6 =	vld.idx.msk [tilespmem:v9+s30+$0x0], $0xffff  }
0x4cc: {  	v9 =	vadd.s32 s6, v1;
	v3 =	vadd.f32 v7, v3  }
0x4cd: {  	s6 =	sadd.s32 $0xFFFFFFFD, s24;
	v7 =	vld.idx.msk [tilespmem:v8+s30+$0x0], $0xffff  }
0x4ce: {  	v8 =	vadd.s32 s6, v1;
	v3 =	vadd.f32 v4, v3  }
0x4cf: {  	s6 =	sadd.s32 $0xFFFFFFFE, s24;
	v4 =	vld.idx.msk [tilespmem:v5+s30+$0x0], $0xffff  }
0x4d0: {  	v5 =	vadd.s32 s6, v1;
	v3 =	vadd.f32 v6, v3  }
0x4d1: {  	s6 =	sadd.s32 $0xFFFFFFFF, s24;
	v6 =	vld.idx.msk [tilespmem:v9+s30+$0x0], $0xffff  }
0x4d2: {  	v9 =	vadd.s32 s6, v1;
	v3 =	vadd.f32 v7, v3  }
0x4d3: {  	v7 =	vld.idx.msk [tilespmem:v8+s30+$0x0], $0xffff  }
0x4d4: {  	v8 =	vadd.s32 s24, v1;
	v3 =	vadd.f32 v4, v3  }
0x4d5: {  	v4 =	vld.idx.msk [tilespmem:v5+s30+$0x0], $0xffff  }
0x4d6: {  	v3 =	vadd.f32 v6, v3  }
0x4d7: {  	v5 =	vld.idx.msk [tilespmem:v9+s30+$0x0], $0xffff  }
0x4d8: {  	v3 =	vadd.f32 v7, v3  }
0x4d9: {  	v6 =	vld.idx.msk [tilespmem:v8+s30+$0x0], $0xffff  }
0x4da: {  	v3 =	vadd.f32 v4, v3;
	_ =	sdelay $0x1  }
0x4db: {  	v3 =	vadd.f32 v5, v3;
	_ =	sdelay $0x1  }
0x4dc: {  	v3 =	vadd.f32 v6, v3;
	_ =	sdelay $0x1  }
0x4dd: {  	v3 =	vadd.f32 v3, v2;
	_ =	sdelay $0x1  }
0x4de: {  	v4 =	vand.u32 $0x7FFFFFFF, v3  }
0x4df: {  	v4 =	vsub.f32 $0.0e+00, v4;
	_ =	sdelay $0x1  }
0x4e0: {  	v4 =	vmul.f32 $1.442695020e+00, v4;
	_ =	sdelay $0x1  }
0x4e1: {  	(erf) = vpow2.f32 v4;
	_ =	sdelay $0x8  }
0x4e2: {  	v4 =	vpop (erf)  }
0x4e3: {  	v5 =	vadd.f32 $1.000000000e+00, v4;
	_ =	sdelay $0x1  }
0x4e4: {  	(erf) = vrcp.f32 v5;
	_ =	sdelay $0x8  }
0x4e5: {  	v5 =	vpop (erf)  }
0x4e6: {  	v4 =	vmul.f32 v5, v4  }
0x4e7: {  	vm0 =	vge.f32 v3, $0.0e+00  }
0x4e8: {  	v3 =	vsel vm0, v5, v4  }
0x4e9: {  	[tilespmem:$0x15938] =	vst v3  }
0x4ea: {  	_ =	swait.ge [sflag:s1], $0x1900  }
0x4eb: {  	[sflag:s1] =	ssyncset.done $0x0  }
0x4ec: {  	s6 =	simm.s32 $0x0;
	[sflag:s1] =	ssyncadd.s32 $0xFFFFE700  }
0x4ed: {  	v3 =	vadd.s32 s6, v0;
	[tilespmem:s28], [sflag:$0x3] =	stream.linear.gather [hbm4b:s16+s4], $0x1900, $0x38;
	[tilespmem:$0x15A48] =	vst v63  }
0x4ee: {  	s24 =	simm.s32 $0x1;
	_ =	swait.ge [sflag:s25], $0x1900  }
0x4ef: {  	v4 =	vadd.s32 s24, v0;
	[sflag:s25] =	ssyncset.done $0x0  }
0x4f0: {  	s6 =	simm.s32 $0x2;
	[sflag:s25] =	ssyncadd.s32 $0xFFFFE700  }
0x4f1: {  	[tilespmem:s30], [sflag:$0x1] =	stream.indirect.gather [spmem:s3], $0x1, s28, s29, $0xb8;
	[tilespmem:$0x15A48] =	vst v63  }
0x4f2: {  	s24 =	simm.s32 $0x3;
	v5 =	vadd.s32 s6, v0;
	v3 =	vld.idx.msk [tilespmem:v3+s0+$0x0], $0xffff  }
0x4f3: {  	v6 =	vadd.s32 s24, v0;
	s6 =	simm.s32 $0x4  }
0x4f4: {  	v7 =	vadd.s32 s6, v0;
	v4 =	vld.idx.msk [tilespmem:v4+s0+$0x0], $0xffff;
	_ =	sdelay $0x1  }
0x4f5: {  	v8 =	vimm.f32 $0.0e+00;
	s24 =	simm.s32 $0x5  }
0x4f6: {  	v10 =	vadd.s32 s24, v0;
	v9 =	vld.idx.msk [tilespmem:v5+s0+$0x0], $0xffff;
	v5 =	vadd.f32 v3, v8  }
0x4f7: {  	s6 =	simm.s32 $0x6;
	v3 =	vld.idx.msk [tilespmem:v6+s0+$0x0], $0xffff  }
0x4f8: {  	v6 =	vadd.f32 v4, v5;
	v4 =	vld.idx.msk [tilespmem:v7+s0+$0x0], $0xffff;
	v7 =	vadd.s32 s6, v0  }
0x4f9: {  	s5 =	simm.s32 $0x7  }
0x4fa: {  	v5 =	vadd.s32 s5, v0  }
0x4fb: {  	s24 =	simm.s32 $0xF;
	s6 =	simm.s32 $0x8;
	s5 =	simm.s32 $0x17;
	v8 =	vadd.f32 v9, v6;
	v6 =	vld.idx.msk [tilespmem:v10+s0+$0x0], $0xffff  }
.LBB2_38:
0x4fc: {  	p0 =	sne.s32 s5, $0xC7;
	v9 =	vadd.s32 s6, v0  }
0x4fd: {  	s6 =	sadd.s32 $0xFFFFFFFA, s24;
	v3 =	vadd.f32 v3, v8;
	v7 =	vld.idx.msk [tilespmem:v7+s0+$0x0], $0xffff  }
0x4fe: {  	v8 =	vadd.s32 s6, v0  }
0x4ff: {  	s6 =	sadd.s32 $0xFFFFFFFB, s24;
	v3 =	vadd.f32 v4, v3;
	v4 =	vld.idx.msk [tilespmem:v5+s0+$0x0], $0xffff  }
0x500: {  	v5 =	vadd.s32 s6, v0  }
0x501: {  	s6 =	sadd.s32 $0xFFFFFFFC, s24;
	v9 =	vld.idx.msk [tilespmem:v9+s0+$0x0], $0xffff;
	v3 =	vadd.f32 v6, v3  }
0x502: {  	v6 =	vadd.s32 s6, v0  }
0x503: {  	s6 =	sadd.s32 $0xFFFFFFFD, s24;
	v8 =	vld.idx.msk [tilespmem:v8+s0+$0x0], $0xffff;
	v3 =	vadd.f32 v7, v3  }
0x504: {  	v10 =	vadd.s32 s6, v0  }
0x505: {  	s6 =	sadd.s32 $0xFFFFFFFE, s24;
	v11 =	vld.idx.msk [tilespmem:v5+s0+$0x0], $0xffff;
	v3 =	vadd.f32 v4, v3  }
0x506: {  	v12 =	vadd.s32 s6, v0  }
.Ltmp18:
0x507: {  	s6 =	sadd.s32 $0xFFFFFFFF, s24;
	v4 =	vadd.f32 v9, v3;
	v3 =	vld.idx.msk [tilespmem:v6+s0+$0x0], $0xffff;
	(pc) =	sbr.rel @p0 .LBB2_38-.Ltmp18, $4  }
0x508: {  	v7 =	vadd.s32 s6, v0  }
0x509: {  	v6 =	vadd.f32 v8, v4;
	v4 =	vld.idx.msk [tilespmem:v10+s0+$0x0], $0xffff  }
0x50a: {  	v5 =	vadd.s32 s24, v0;
	s24 =	smov.u32 s5  }
0x50b: {  	s5 =	sadd.s32 $0x8, s5;
	s6 =	sadd.s32 $0xFFFFFFF9, s24;
	v8 =	vadd.f32 v11, v6;
	v6 =	vld.idx.msk [tilespmem:v12+s0+$0x0], $0xffff  }
0x50c: {  	_ =	sdelay $0x2  }
0x50d: {  	v9 =	vadd.s32 s6, v0;
	v3 =	vadd.f32 v3, v8  }
0x50e: {  	s5 =	sadd.s32 $0xFFFFFFFA, s24;
	v7 =	vld.idx.msk [tilespmem:v7+s0+$0x0], $0xffff  }
0x50f: {  	v8 =	vadd.s32 s5, v0;
	v3 =	vadd.f32 v4, v3  }
0x510: {  	s6 =	sadd.s32 $0xFFFFFFFB, s24;
	v4 =	vld.idx.msk [tilespmem:v5+s0+$0x0], $0xffff  }
0x511: {  	v5 =	vadd.s32 s6, v0;
	v3 =	vadd.f32 v6, v3  }
0x512: {  	s6 =	sadd.s32 $0xFFFFFFFC, s24;
	v6 =	vld.idx.msk [tilespmem:v9+s0+$0x0], $0xffff  }
0x513: {  	v9 =	vadd.s32 s6, v0;
	v3 =	vadd.f32 v7, v3  }
0x514: {  	s6 =	sadd.s32 $0xFFFFFFFD, s24;
	v7 =	vld.idx.msk [tilespmem:v8+s0+$0x0], $0xffff  }
0x515: {  	v8 =	vadd.s32 s6, v0;
	v3 =	vadd.f32 v4, v3  }
0x516: {  	s6 =	sadd.s32 $0xFFFFFFFE, s24;
	v4 =	vld.idx.msk [tilespmem:v5+s0+$0x0], $0xffff  }
0x517: {  	v5 =	vadd.s32 s6, v0;
	v3 =	vadd.f32 v6, v3  }
0x518: {  	s6 =	sadd.s32 $0xFFFFFFFF, s24;
	v6 =	vld.idx.msk [tilespmem:v9+s0+$0x0], $0xffff  }
0x519: {  	v9 =	vadd.s32 s6, v0;
	v3 =	vadd.f32 v7, v3  }
0x51a: {  	v7 =	vld.idx.msk [tilespmem:v8+s0+$0x0], $0xffff  }
0x51b: {  	v8 =	vadd.s32 s24, v0;
	v3 =	vadd.f32 v4, v3  }
0x51c: {  	v4 =	vld.idx.msk [tilespmem:v5+s0+$0x0], $0xffff  }
0x51d: {  	v3 =	vadd.f32 v6, v3  }
0x51e: {  	v5 =	vld.idx.msk [tilespmem:v9+s0+$0x0], $0xffff  }
0x51f: {  	v3 =	vadd.f32 v7, v3  }
0x520: {  	v6 =	vld.idx.msk [tilespmem:v8+s0+$0x0], $0xffff  }
0x521: {  	v3 =	vadd.f32 v4, v3;
	_ =	sdelay $0x1  }
0x522: {  	v3 =	vadd.f32 v5, v3;
	_ =	sdelay $0x1  }
0x523: {  	v3 =	vadd.f32 v6, v3;
	_ =	sdelay $0x1  }
0x524: {  	v3 =	vadd.f32 v3, v2;
	_ =	sdelay $0x1  }
0x525: {  	v4 =	vand.u32 $0x7FFFFFFF, v3  }
0x526: {  	v4 =	vsub.f32 $0.0e+00, v4;
	_ =	sdelay $0x1  }
0x527: {  	v4 =	vmul.f32 $1.442695020e+00, v4;
	_ =	sdelay $0x1  }
0x528: {  	(erf) = vpow2.f32 v4;
	_ =	sdelay $0x8  }
0x529: {  	v4 =	vpop (erf)  }
0x52a: {  	v5 =	vadd.f32 $1.000000000e+00, v4;
	_ =	sdelay $0x1  }
0x52b: {  	(erf) = vrcp.f32 v5;
	_ =	sdelay $0x7  }
0x52c: {  	s6 =	simm.s32 $0x0  }
0x52d: {  	v6 =	vadd.s32 s6, v1;
	v5 =	vpop (erf)  }
0x52e: {  	s24 =	simm.s32 $0x1;
	v4 =	vmul.f32 v5, v4  }
0x52f: {  	vm0 =	vge.f32 v3, $0.0e+00;
	v3 =	vadd.s32 s24, v1  }
0x530: {  	v4 =	vsel vm0, v5, v4  }
0x531: {  	s6 =	simm.s32 $0x2;
	[tilespmem:$0x15948] =	vst v4  }
0x532: {  	v4 =	vadd.s32 s6, v1;
	v5 =	vld.idx.msk [tilespmem:v6+s0+$0x0], $0xffff  }
0x533: {  	s24 =	simm.s32 $0x3  }
0x534: {  	v6 =	vadd.s32 s24, v1;
	v7 =	vld.idx.msk [tilespmem:v3+s0+$0x0], $0xffff  }
0x535: {  	s6 =	simm.s32 $0x4  }
0x536: {  	v8 =	vadd.s32 s6, v1;
	s24 =	simm.s32 $0x5;
	v3 =	vimm.f32 $0.0e+00  }
0x537: {  	v10 =	vadd.s32 s24, v1;
	v9 =	vld.idx.msk [tilespmem:v4+s0+$0x0], $0xffff;
	v4 =	vadd.f32 v5, v3  }
0x538: {  	s6 =	simm.s32 $0x6  }
0x539: {  	v3 =	vld.idx.msk [tilespmem:v6+s0+$0x0], $0xffff;
	v6 =	vadd.f32 v7, v4;
	v7 =	vadd.s32 s6, v1  }
0x53a: {  	s5 =	simm.s32 $0x7  }
0x53b: {  	v5 =	vadd.s32 s5, v1;
	v4 =	vld.idx.msk [tilespmem:v8+s0+$0x0], $0xffff  }
0x53c: {  	s24 =	simm.s32 $0xF;
	s5 =	simm.s32 $0x17;
	s6 =	simm.s32 $0x8;
	v8 =	vadd.f32 v9, v6;
	v6 =	vld.idx.msk [tilespmem:v10+s0+$0x0], $0xffff  }
.LBB2_40:
0x53d: {  	p0 =	sne.s32 s5, $0xC7;
	v9 =	vadd.s32 s6, v1  }
0x53e: {  	s6 =	sadd.s32 $0xFFFFFFFA, s24;
	v3 =	vadd.f32 v3, v8;
	v7 =	vld.idx.msk [tilespmem:v7+s0+$0x0], $0xffff  }
0x53f: {  	v8 =	vadd.s32 s6, v1  }
0x540: {  	s6 =	sadd.s32 $0xFFFFFFFB, s24;
	v3 =	vadd.f32 v4, v3;
	v4 =	vld.idx.msk [tilespmem:v5+s0+$0x0], $0xffff  }
0x541: {  	v5 =	vadd.s32 s6, v1  }
0x542: {  	s6 =	sadd.s32 $0xFFFFFFFC, s24;
	v9 =	vld.idx.msk [tilespmem:v9+s0+$0x0], $0xffff;
	v3 =	vadd.f32 v6, v3  }
0x543: {  	v6 =	vadd.s32 s6, v1  }
0x544: {  	s6 =	sadd.s32 $0xFFFFFFFD, s24;
	v8 =	vld.idx.msk [tilespmem:v8+s0+$0x0], $0xffff;
	v3 =	vadd.f32 v7, v3  }
0x545: {  	v10 =	vadd.s32 s6, v1  }
0x546: {  	s6 =	sadd.s32 $0xFFFFFFFE, s24;
	v11 =	vld.idx.msk [tilespmem:v5+s0+$0x0], $0xffff;
	v3 =	vadd.f32 v4, v3  }
0x547: {  	v12 =	vadd.s32 s6, v1  }
.Ltmp19:
0x548: {  	s6 =	sadd.s32 $0xFFFFFFFF, s24;
	v4 =	vadd.f32 v9, v3;
	v3 =	vld.idx.msk [tilespmem:v6+s0+$0x0], $0xffff;
	(pc) =	sbr.rel @p0 .LBB2_40-.Ltmp19, $4  }
0x549: {  	v7 =	vadd.s32 s6, v1  }
0x54a: {  	v6 =	vadd.f32 v8, v4;
	v4 =	vld.idx.msk [tilespmem:v10+s0+$0x0], $0xffff  }
0x54b: {  	v5 =	vadd.s32 s24, v1;
	s24 =	smov.u32 s5  }
0x54c: {  	s5 =	sadd.s32 $0x8, s5;
	s6 =	sadd.s32 $0xFFFFFFF9, s24;
	v8 =	vadd.f32 v11, v6;
	v6 =	vld.idx.msk [tilespmem:v12+s0+$0x0], $0xffff  }
0x54d: {  	_ =	sdelay $0x2  }
0x54e: {  	v9 =	vadd.s32 s6, v1;
	v3 =	vadd.f32 v3, v8  }
0x54f: {  	s5 =	sadd.s32 $0xFFFFFFFA, s24;
	v7 =	vld.idx.msk [tilespmem:v7+s0+$0x0], $0xffff  }
0x550: {  	v8 =	vadd.s32 s5, v1;
	v3 =	vadd.f32 v4, v3  }
0x551: {  	s6 =	sadd.s32 $0xFFFFFFFB, s24;
	v4 =	vld.idx.msk [tilespmem:v5+s0+$0x0], $0xffff  }
0x552: {  	v5 =	vadd.s32 s6, v1;
	v3 =	vadd.f32 v6, v3  }
0x553: {  	s6 =	sadd.s32 $0xFFFFFFFC, s24;
	v6 =	vld.idx.msk [tilespmem:v9+s0+$0x0], $0xffff  }
0x554: {  	v9 =	vadd.s32 s6, v1;
	v3 =	vadd.f32 v7, v3  }
0x555: {  	s6 =	sadd.s32 $0xFFFFFFFD, s24;
	v7 =	vld.idx.msk [tilespmem:v8+s0+$0x0], $0xffff  }
0x556: {  	v8 =	vadd.s32 s6, v1;
	v3 =	vadd.f32 v4, v3  }
0x557: {  	s6 =	sadd.s32 $0xFFFFFFFE, s24;
	v4 =	vld.idx.msk [tilespmem:v5+s0+$0x0], $0xffff  }
0x558: {  	v5 =	vadd.s32 s6, v1;
	v3 =	vadd.f32 v6, v3  }
0x559: {  	s6 =	sadd.s32 $0xFFFFFFFF, s24;
	v6 =	vld.idx.msk [tilespmem:v9+s0+$0x0], $0xffff  }
0x55a: {  	v9 =	vadd.s32 s6, v1;
	v3 =	vadd.f32 v7, v3  }
0x55b: {  	v7 =	vld.idx.msk [tilespmem:v8+s0+$0x0], $0xffff  }
0x55c: {  	v8 =	vadd.s32 s24, v1;
	v3 =	vadd.f32 v4, v3  }
0x55d: {  	v4 =	vld.idx.msk [tilespmem:v5+s0+$0x0], $0xffff  }
0x55e: {  	v3 =	vadd.f32 v6, v3  }
0x55f: {  	v5 =	vld.idx.msk [tilespmem:v9+s0+$0x0], $0xffff  }
0x560: {  	v3 =	vadd.f32 v7, v3  }
0x561: {  	v6 =	vld.idx.msk [tilespmem:v8+s0+$0x0], $0xffff  }
0x562: {  	v3 =	vadd.f32 v4, v3;
	_ =	sdelay $0x1  }
0x563: {  	v3 =	vadd.f32 v5, v3;
	_ =	sdelay $0x1  }
0x564: {  	v3 =	vadd.f32 v6, v3;
	_ =	sdelay $0x1  }
0x565: {  	v3 =	vadd.f32 v3, v2;
	_ =	sdelay $0x1  }
0x566: {  	v4 =	vand.u32 $0x7FFFFFFF, v3  }
0x567: {  	v4 =	vsub.f32 $0.0e+00, v4;
	_ =	sdelay $0x1  }
0x568: {  	v4 =	vmul.f32 $1.442695020e+00, v4;
	_ =	sdelay $0x1  }
0x569: {  	(erf) = vpow2.f32 v4;
	_ =	sdelay $0x8  }
0x56a: {  	v4 =	vpop (erf)  }
0x56b: {  	v5 =	vadd.f32 $1.000000000e+00, v4;
	_ =	sdelay $0x1  }
0x56c: {  	(erf) = vrcp.f32 v5;
	_ =	sdelay $0x8  }
0x56d: {  	v5 =	vpop (erf)  }
0x56e: {  	v4 =	vmul.f32 v5, v4  }
0x56f: {  	vm0 =	vge.f32 v3, $0.0e+00  }
0x570: {  	v3 =	vsel vm0, v5, v4  }
0x571: {  	[tilespmem:$0x15958] =	vst v3  }
0x572: {  	_ =	swait.ge [sflag:s31], $0x1900  }
0x573: {  	[sflag:s31] =	ssyncset.done $0x0  }
0x574: {  	s6 =	simm.s32 $0x0;
	[sflag:s31] =	ssyncadd.s32 $0xFFFFE700  }
0x575: {  	v3 =	vadd.s32 s6, v0;
	[tilespmem:s2], [sflag:$0x3] =	stream.linear.gather [hbm4b:s17+s4], $0x1900, $0x38;
	[tilespmem:$0x15A48] =	vst v63  }
0x576: {  	s24 =	simm.s32 $0x1;
	_ =	swait.ge [sflag:s25], $0x1900  }
0x577: {  	v4 =	vadd.s32 s24, v0;
	[sflag:s25] =	ssyncset.done $0x0  }
0x578: {  	s6 =	simm.s32 $0x2;
	[sflag:s25] =	ssyncadd.s32 $0xFFFFE700  }
0x579: {  	[tilespmem:s0], [sflag:$0x2] =	stream.indirect.gather [spmem:s3], $0x1, s2, s29, $0xb8;
	[tilespmem:$0x15A48] =	vst v63  }
0x57a: {  	s24 =	simm.s32 $0x3;
	v5 =	vadd.s32 s6, v0;
	v3 =	vld.idx.msk [tilespmem:v3+s30+$0x0], $0xffff  }
0x57b: {  	v6 =	vadd.s32 s24, v0;
	s6 =	simm.s32 $0x4  }
0x57c: {  	v7 =	vadd.s32 s6, v0;
	v4 =	vld.idx.msk [tilespmem:v4+s30+$0x0], $0xffff;
	_ =	sdelay $0x1  }
0x57d: {  	v8 =	vimm.f32 $0.0e+00;
	s24 =	simm.s32 $0x5  }
0x57e: {  	v10 =	vadd.s32 s24, v0;
	v9 =	vld.idx.msk [tilespmem:v5+s30+$0x0], $0xffff;
	v5 =	vadd.f32 v3, v8  }
0x57f: {  	s6 =	simm.s32 $0x6;
	v3 =	vld.idx.msk [tilespmem:v6+s30+$0x0], $0xffff  }
0x580: {  	v6 =	vadd.f32 v4, v5;
	v4 =	vld.idx.msk [tilespmem:v7+s30+$0x0], $0xffff;
	v7 =	vadd.s32 s6, v0  }
0x581: {  	s5 =	simm.s32 $0x7  }
0x582: {  	v5 =	vadd.s32 s5, v0  }
0x583: {  	s24 =	simm.s32 $0xF;
	s6 =	simm.s32 $0x8;
	s5 =	simm.s32 $0x17;
	v8 =	vadd.f32 v9, v6;
	v6 =	vld.idx.msk [tilespmem:v10+s30+$0x0], $0xffff  }
.LBB2_42:
0x584: {  	p0 =	sne.s32 s5, $0xC7;
	v9 =	vadd.s32 s6, v0  }
0x585: {  	s6 =	sadd.s32 $0xFFFFFFFA, s24;
	v3 =	vadd.f32 v3, v8;
	v7 =	vld.idx.msk [tilespmem:v7+s30+$0x0], $0xffff  }
0x586: {  	v8 =	vadd.s32 s6, v0  }
0x587: {  	s6 =	sadd.s32 $0xFFFFFFFB, s24;
	v3 =	vadd.f32 v4, v3;
	v4 =	vld.idx.msk [tilespmem:v5+s30+$0x0], $0xffff  }
0x588: {  	v5 =	vadd.s32 s6, v0  }
0x589: {  	s6 =	sadd.s32 $0xFFFFFFFC, s24;
	v9 =	vld.idx.msk [tilespmem:v9+s30+$0x0], $0xffff;
	v3 =	vadd.f32 v6, v3  }
0x58a: {  	v6 =	vadd.s32 s6, v0  }
0x58b: {  	s6 =	sadd.s32 $0xFFFFFFFD, s24;
	v8 =	vld.idx.msk [tilespmem:v8+s30+$0x0], $0xffff;
	v3 =	vadd.f32 v7, v3  }
0x58c: {  	v10 =	vadd.s32 s6, v0  }
0x58d: {  	s6 =	sadd.s32 $0xFFFFFFFE, s24;
	v11 =	vld.idx.msk [tilespmem:v5+s30+$0x0], $0xffff;
	v3 =	vadd.f32 v4, v3  }
0x58e: {  	v12 =	vadd.s32 s6, v0  }
.Ltmp20:
0x58f: {  	s6 =	sadd.s32 $0xFFFFFFFF, s24;
	v4 =	vadd.f32 v9, v3;
	v3 =	vld.idx.msk [tilespmem:v6+s30+$0x0], $0xffff;
	(pc) =	sbr.rel @p0 .LBB2_42-.Ltmp20, $4  }
0x590: {  	v7 =	vadd.s32 s6, v0  }
0x591: {  	v6 =	vadd.f32 v8, v4;
	v4 =	vld.idx.msk [tilespmem:v10+s30+$0x0], $0xffff  }
0x592: {  	v5 =	vadd.s32 s24, v0;
	s24 =	smov.u32 s5  }
0x593: {  	s5 =	sadd.s32 $0x8, s5;
	s6 =	sadd.s32 $0xFFFFFFF9, s24;
	v8 =	vadd.f32 v11, v6;
	v6 =	vld.idx.msk [tilespmem:v12+s30+$0x0], $0xffff  }
0x594: {  	_ =	sdelay $0x2  }
0x595: {  	v9 =	vadd.s32 s6, v0;
	v3 =	vadd.f32 v3, v8  }
0x596: {  	s5 =	sadd.s32 $0xFFFFFFFA, s24;
	v7 =	vld.idx.msk [tilespmem:v7+s30+$0x0], $0xffff  }
0x597: {  	v8 =	vadd.s32 s5, v0;
	v3 =	vadd.f32 v4, v3  }
0x598: {  	s6 =	sadd.s32 $0xFFFFFFFB, s24;
	v4 =	vld.idx.msk [tilespmem:v5+s30+$0x0], $0xffff  }
0x599: {  	v5 =	vadd.s32 s6, v0;
	v3 =	vadd.f32 v6, v3  }
0x59a: {  	s6 =	sadd.s32 $0xFFFFFFFC, s24;
	v6 =	vld.idx.msk [tilespmem:v9+s30+$0x0], $0xffff  }
0x59b: {  	v9 =	vadd.s32 s6, v0;
	v3 =	vadd.f32 v7, v3  }
0x59c: {  	s6 =	sadd.s32 $0xFFFFFFFD, s24;
	v7 =	vld.idx.msk [tilespmem:v8+s30+$0x0], $0xffff  }
0x59d: {  	v8 =	vadd.s32 s6, v0;
	v3 =	vadd.f32 v4, v3  }
0x59e: {  	s6 =	sadd.s32 $0xFFFFFFFE, s24;
	v4 =	vld.idx.msk [tilespmem:v5+s30+$0x0], $0xffff  }
0x59f: {  	v5 =	vadd.s32 s6, v0;
	v3 =	vadd.f32 v6, v3  }
0x5a0: {  	s6 =	sadd.s32 $0xFFFFFFFF, s24;
	v6 =	vld.idx.msk [tilespmem:v9+s30+$0x0], $0xffff  }
0x5a1: {  	v9 =	vadd.s32 s6, v0;
	v3 =	vadd.f32 v7, v3  }
0x5a2: {  	v7 =	vld.idx.msk [tilespmem:v8+s30+$0x0], $0xffff  }
0x5a3: {  	v8 =	vadd.s32 s24, v0;
	v3 =	vadd.f32 v4, v3  }
0x5a4: {  	v4 =	vld.idx.msk [tilespmem:v5+s30+$0x0], $0xffff  }
0x5a5: {  	v3 =	vadd.f32 v6, v3  }
0x5a6: {  	v5 =	vld.idx.msk [tilespmem:v9+s30+$0x0], $0xffff  }
0x5a7: {  	v3 =	vadd.f32 v7, v3  }
0x5a8: {  	v6 =	vld.idx.msk [tilespmem:v8+s30+$0x0], $0xffff  }
0x5a9: {  	v3 =	vadd.f32 v4, v3;
	_ =	sdelay $0x1  }
0x5aa: {  	v3 =	vadd.f32 v5, v3;
	_ =	sdelay $0x1  }
0x5ab: {  	v3 =	vadd.f32 v6, v3;
	_ =	sdelay $0x1  }
0x5ac: {  	v3 =	vadd.f32 v3, v2;
	_ =	sdelay $0x1  }
0x5ad: {  	v4 =	vand.u32 $0x7FFFFFFF, v3  }
0x5ae: {  	v4 =	vsub.f32 $0.0e+00, v4;
	_ =	sdelay $0x1  }
0x5af: {  	v4 =	vmul.f32 $1.442695020e+00, v4;
	_ =	sdelay $0x1  }
0x5b0: {  	(erf) = vpow2.f32 v4;
	_ =	sdelay $0x8  }
0x5b1: {  	v4 =	vpop (erf)  }
0x5b2: {  	v5 =	vadd.f32 $1.000000000e+00, v4;
	_ =	sdelay $0x1  }
0x5b3: {  	(erf) = vrcp.f32 v5;
	_ =	sdelay $0x7  }
0x5b4: {  	s6 =	simm.s32 $0x0  }
0x5b5: {  	v6 =	vadd.s32 s6, v1;
	v5 =	vpop (erf)  }
0x5b6: {  	s24 =	simm.s32 $0x1;
	v4 =	vmul.f32 v5, v4  }
0x5b7: {  	vm0 =	vge.f32 v3, $0.0e+00;
	v3 =	vadd.s32 s24, v1  }
0x5b8: {  	v4 =	vsel vm0, v5, v4  }
0x5b9: {  	s6 =	simm.s32 $0x2;
	[tilespmem:$0x15968] =	vst v4  }
0x5ba: {  	v4 =	vadd.s32 s6, v1;
	v5 =	vld.idx.msk [tilespmem:v6+s30+$0x0], $0xffff  }
0x5bb: {  	s24 =	simm.s32 $0x3  }
0x5bc: {  	v6 =	vadd.s32 s24, v1;
	v7 =	vld.idx.msk [tilespmem:v3+s30+$0x0], $0xffff  }
0x5bd: {  	s6 =	simm.s32 $0x4  }
0x5be: {  	v8 =	vadd.s32 s6, v1;
	s24 =	simm.s32 $0x5;
	v3 =	vimm.f32 $0.0e+00  }
0x5bf: {  	v10 =	vadd.s32 s24, v1;
	v9 =	vld.idx.msk [tilespmem:v4+s30+$0x0], $0xffff;
	v4 =	vadd.f32 v5, v3  }
0x5c0: {  	s6 =	simm.s32 $0x6  }
0x5c1: {  	v3 =	vld.idx.msk [tilespmem:v6+s30+$0x0], $0xffff;
	v6 =	vadd.f32 v7, v4;
	v7 =	vadd.s32 s6, v1  }
0x5c2: {  	s5 =	simm.s32 $0x7  }
0x5c3: {  	v5 =	vadd.s32 s5, v1;
	v4 =	vld.idx.msk [tilespmem:v8+s30+$0x0], $0xffff  }
0x5c4: {  	s24 =	simm.s32 $0xF;
	s5 =	simm.s32 $0x17;
	s6 =	simm.s32 $0x8;
	v8 =	vadd.f32 v9, v6;
	v6 =	vld.idx.msk [tilespmem:v10+s30+$0x0], $0xffff  }
.LBB2_44:
0x5c5: {  	p0 =	sne.s32 s5, $0xC7;
	v9 =	vadd.s32 s6, v1  }
0x5c6: {  	s6 =	sadd.s32 $0xFFFFFFFA, s24;
	v3 =	vadd.f32 v3, v8;
	v7 =	vld.idx.msk [tilespmem:v7+s30+$0x0], $0xffff  }
0x5c7: {  	v8 =	vadd.s32 s6, v1  }
0x5c8: {  	s6 =	sadd.s32 $0xFFFFFFFB, s24;
	v3 =	vadd.f32 v4, v3;
	v4 =	vld.idx.msk [tilespmem:v5+s30+$0x0], $0xffff  }
0x5c9: {  	v5 =	vadd.s32 s6, v1  }
0x5ca: {  	s6 =	sadd.s32 $0xFFFFFFFC, s24;
	v9 =	vld.idx.msk [tilespmem:v9+s30+$0x0], $0xffff;
	v3 =	vadd.f32 v6, v3  }
0x5cb: {  	v6 =	vadd.s32 s6, v1  }
0x5cc: {  	s6 =	sadd.s32 $0xFFFFFFFD, s24;
	v8 =	vld.idx.msk [tilespmem:v8+s30+$0x0], $0xffff;
	v3 =	vadd.f32 v7, v3  }
0x5cd: {  	v10 =	vadd.s32 s6, v1  }
0x5ce: {  	s6 =	sadd.s32 $0xFFFFFFFE, s24;
	v11 =	vld.idx.msk [tilespmem:v5+s30+$0x0], $0xffff;
	v3 =	vadd.f32 v4, v3  }
0x5cf: {  	v12 =	vadd.s32 s6, v1  }
.Ltmp21:
0x5d0: {  	s6 =	sadd.s32 $0xFFFFFFFF, s24;
	v4 =	vadd.f32 v9, v3;
	v3 =	vld.idx.msk [tilespmem:v6+s30+$0x0], $0xffff;
	(pc) =	sbr.rel @p0 .LBB2_44-.Ltmp21, $4  }
0x5d1: {  	v7 =	vadd.s32 s6, v1  }
0x5d2: {  	v6 =	vadd.f32 v8, v4;
	v4 =	vld.idx.msk [tilespmem:v10+s30+$0x0], $0xffff  }
0x5d3: {  	v5 =	vadd.s32 s24, v1;
	s24 =	smov.u32 s5  }
0x5d4: {  	s5 =	sadd.s32 $0x8, s5;
	s6 =	sadd.s32 $0xFFFFFFF9, s24;
	v8 =	vadd.f32 v11, v6;
	v6 =	vld.idx.msk [tilespmem:v12+s30+$0x0], $0xffff  }
0x5d5: {  	_ =	sdelay $0x2  }
0x5d6: {  	v9 =	vadd.s32 s6, v1;
	v3 =	vadd.f32 v3, v8  }
0x5d7: {  	s5 =	sadd.s32 $0xFFFFFFFA, s24;
	v7 =	vld.idx.msk [tilespmem:v7+s30+$0x0], $0xffff  }
0x5d8: {  	v8 =	vadd.s32 s5, v1;
	v3 =	vadd.f32 v4, v3  }
0x5d9: {  	s6 =	sadd.s32 $0xFFFFFFFB, s24;
	v4 =	vld.idx.msk [tilespmem:v5+s30+$0x0], $0xffff  }
0x5da: {  	v5 =	vadd.s32 s6, v1;
	v3 =	vadd.f32 v6, v3  }
0x5db: {  	s6 =	sadd.s32 $0xFFFFFFFC, s24;
	v6 =	vld.idx.msk [tilespmem:v9+s30+$0x0], $0xffff  }
0x5dc: {  	v9 =	vadd.s32 s6, v1;
	v3 =	vadd.f32 v7, v3  }
0x5dd: {  	s6 =	sadd.s32 $0xFFFFFFFD, s24;
	v7 =	vld.idx.msk [tilespmem:v8+s30+$0x0], $0xffff  }
0x5de: {  	v8 =	vadd.s32 s6, v1;
	v3 =	vadd.f32 v4, v3  }
0x5df: {  	s6 =	sadd.s32 $0xFFFFFFFE, s24;
	v4 =	vld.idx.msk [tilespmem:v5+s30+$0x0], $0xffff  }
0x5e0: {  	v5 =	vadd.s32 s6, v1;
	v3 =	vadd.f32 v6, v3  }
0x5e1: {  	s6 =	sadd.s32 $0xFFFFFFFF, s24;
	v6 =	vld.idx.msk [tilespmem:v9+s30+$0x0], $0xffff  }
0x5e2: {  	v9 =	vadd.s32 s6, v1;
	v3 =	vadd.f32 v7, v3  }
0x5e3: {  	v7 =	vld.idx.msk [tilespmem:v8+s30+$0x0], $0xffff  }
0x5e4: {  	v8 =	vadd.s32 s24, v1;
	v3 =	vadd.f32 v4, v3  }
0x5e5: {  	v4 =	vld.idx.msk [tilespmem:v5+s30+$0x0], $0xffff  }
0x5e6: {  	v3 =	vadd.f32 v6, v3  }
0x5e7: {  	v5 =	vld.idx.msk [tilespmem:v9+s30+$0x0], $0xffff  }
0x5e8: {  	v3 =	vadd.f32 v7, v3  }
0x5e9: {  	v6 =	vld.idx.msk [tilespmem:v8+s30+$0x0], $0xffff  }
0x5ea: {  	v3 =	vadd.f32 v4, v3;
	_ =	sdelay $0x1  }
0x5eb: {  	v3 =	vadd.f32 v5, v3;
	_ =	sdelay $0x1  }
0x5ec: {  	v3 =	vadd.f32 v6, v3;
	_ =	sdelay $0x1  }
0x5ed: {  	v3 =	vadd.f32 v3, v2;
	_ =	sdelay $0x1  }
0x5ee: {  	v4 =	vand.u32 $0x7FFFFFFF, v3  }
0x5ef: {  	v4 =	vsub.f32 $0.0e+00, v4;
	_ =	sdelay $0x1  }
0x5f0: {  	v4 =	vmul.f32 $1.442695020e+00, v4;
	_ =	sdelay $0x1  }
0x5f1: {  	(erf) = vpow2.f32 v4;
	_ =	sdelay $0x8  }
0x5f2: {  	v4 =	vpop (erf)  }
0x5f3: {  	v5 =	vadd.f32 $1.000000000e+00, v4;
	_ =	sdelay $0x1  }
0x5f4: {  	(erf) = vrcp.f32 v5;
	_ =	sdelay $0x8  }
0x5f5: {  	v5 =	vpop (erf)  }
0x5f6: {  	v4 =	vmul.f32 v5, v4  }
0x5f7: {  	vm0 =	vge.f32 v3, $0.0e+00  }
0x5f8: {  	v3 =	vsel vm0, v5, v4  }
0x5f9: {  	[tilespmem:$0x15978] =	vst v3  }
0x5fa: {  	_ =	swait.ge [sflag:s1], $0x1900  }
0x5fb: {  	[sflag:s1] =	ssyncset.done $0x0  }
0x5fc: {  	s6 =	simm.s32 $0x0;
	[sflag:s1] =	ssyncadd.s32 $0xFFFFE700  }
0x5fd: {  	v3 =	vadd.s32 s6, v0;
	[tilespmem:s28], [sflag:$0x3] =	stream.linear.gather [hbm4b:s18+s4], $0x1900, $0x38;
	[tilespmem:$0x15A48] =	vst v63  }
0x5fe: {  	s24 =	simm.s32 $0x1;
	_ =	swait.ge [sflag:s25], $0x1900  }
0x5ff: {  	v4 =	vadd.s32 s24, v0;
	[sflag:s25] =	ssyncset.done $0x0  }
0x600: {  	s6 =	simm.s32 $0x2;
	[sflag:s25] =	ssyncadd.s32 $0xFFFFE700  }
0x601: {  	[tilespmem:s30], [sflag:$0x1] =	stream.indirect.gather [spmem:s3], $0x1, s28, s29, $0xb8;
	[tilespmem:$0x15A48] =	vst v63  }
0x602: {  	s24 =	simm.s32 $0x3;
	v5 =	vadd.s32 s6, v0;
	v3 =	vld.idx.msk [tilespmem:v3+s0+$0x0], $0xffff  }
0x603: {  	v6 =	vadd.s32 s24, v0;
	s6 =	simm.s32 $0x4  }
0x604: {  	v7 =	vadd.s32 s6, v0;
	v4 =	vld.idx.msk [tilespmem:v4+s0+$0x0], $0xffff;
	_ =	sdelay $0x1  }
0x605: {  	v8 =	vimm.f32 $0.0e+00;
	s24 =	simm.s32 $0x5  }
0x606: {  	v10 =	vadd.s32 s24, v0;
	v9 =	vld.idx.msk [tilespmem:v5+s0+$0x0], $0xffff;
	v5 =	vadd.f32 v3, v8  }
0x607: {  	s6 =	simm.s32 $0x6;
	v3 =	vld.idx.msk [tilespmem:v6+s0+$0x0], $0xffff  }
0x608: {  	v6 =	vadd.f32 v4, v5;
	v4 =	vld.idx.msk [tilespmem:v7+s0+$0x0], $0xffff;
	v7 =	vadd.s32 s6, v0  }
0x609: {  	s5 =	simm.s32 $0x7  }
0x60a: {  	v5 =	vadd.s32 s5, v0  }
0x60b: {  	s24 =	simm.s32 $0xF;
	s6 =	simm.s32 $0x8;
	s5 =	simm.s32 $0x17;
	v8 =	vadd.f32 v9, v6;
	v6 =	vld.idx.msk [tilespmem:v10+s0+$0x0], $0xffff  }
.LBB2_46:
0x60c: {  	p0 =	sne.s32 s5, $0xC7;
	v9 =	vadd.s32 s6, v0  }
0x60d: {  	s6 =	sadd.s32 $0xFFFFFFFA, s24;
	v3 =	vadd.f32 v3, v8;
	v7 =	vld.idx.msk [tilespmem:v7+s0+$0x0], $0xffff  }
0x60e: {  	v8 =	vadd.s32 s6, v0  }
0x60f: {  	s6 =	sadd.s32 $0xFFFFFFFB, s24;
	v3 =	vadd.f32 v4, v3;
	v4 =	vld.idx.msk [tilespmem:v5+s0+$0x0], $0xffff  }
0x610: {  	v5 =	vadd.s32 s6, v0  }
0x611: {  	s6 =	sadd.s32 $0xFFFFFFFC, s24;
	v9 =	vld.idx.msk [tilespmem:v9+s0+$0x0], $0xffff;
	v3 =	vadd.f32 v6, v3  }
0x612: {  	v6 =	vadd.s32 s6, v0  }
0x613: {  	s6 =	sadd.s32 $0xFFFFFFFD, s24;
	v8 =	vld.idx.msk [tilespmem:v8+s0+$0x0], $0xffff;
	v3 =	vadd.f32 v7, v3  }
0x614: {  	v10 =	vadd.s32 s6, v0  }
0x615: {  	s6 =	sadd.s32 $0xFFFFFFFE, s24;
	v11 =	vld.idx.msk [tilespmem:v5+s0+$0x0], $0xffff;
	v3 =	vadd.f32 v4, v3  }
0x616: {  	v12 =	vadd.s32 s6, v0  }
.Ltmp22:
0x617: {  	s6 =	sadd.s32 $0xFFFFFFFF, s24;
	v4 =	vadd.f32 v9, v3;
	v3 =	vld.idx.msk [tilespmem:v6+s0+$0x0], $0xffff;
	(pc) =	sbr.rel @p0 .LBB2_46-.Ltmp22, $4  }
0x618: {  	v7 =	vadd.s32 s6, v0  }
0x619: {  	v6 =	vadd.f32 v8, v4;
	v4 =	vld.idx.msk [tilespmem:v10+s0+$0x0], $0xffff  }
0x61a: {  	v5 =	vadd.s32 s24, v0;
	s24 =	smov.u32 s5  }
0x61b: {  	s5 =	sadd.s32 $0x8, s5;
	s6 =	sadd.s32 $0xFFFFFFF9, s24;
	v8 =	vadd.f32 v11, v6;
	v6 =	vld.idx.msk [tilespmem:v12+s0+$0x0], $0xffff  }
0x61c: {  	_ =	sdelay $0x2  }
0x61d: {  	v9 =	vadd.s32 s6, v0;
	v3 =	vadd.f32 v3, v8  }
0x61e: {  	s5 =	sadd.s32 $0xFFFFFFFA, s24;
	v7 =	vld.idx.msk [tilespmem:v7+s0+$0x0], $0xffff  }
0x61f: {  	v8 =	vadd.s32 s5, v0;
	v3 =	vadd.f32 v4, v3  }
0x620: {  	s6 =	sadd.s32 $0xFFFFFFFB, s24;
	v4 =	vld.idx.msk [tilespmem:v5+s0+$0x0], $0xffff  }
0x621: {  	v5 =	vadd.s32 s6, v0;
	v3 =	vadd.f32 v6, v3  }
0x622: {  	s6 =	sadd.s32 $0xFFFFFFFC, s24;
	v6 =	vld.idx.msk [tilespmem:v9+s0+$0x0], $0xffff  }
0x623: {  	v9 =	vadd.s32 s6, v0;
	v3 =	vadd.f32 v7, v3  }
0x624: {  	s6 =	sadd.s32 $0xFFFFFFFD, s24;
	v7 =	vld.idx.msk [tilespmem:v8+s0+$0x0], $0xffff  }
0x625: {  	v8 =	vadd.s32 s6, v0;
	v3 =	vadd.f32 v4, v3  }
0x626: {  	s6 =	sadd.s32 $0xFFFFFFFE, s24;
	v4 =	vld.idx.msk [tilespmem:v5+s0+$0x0], $0xffff  }
0x627: {  	v5 =	vadd.s32 s6, v0;
	v3 =	vadd.f32 v6, v3  }
0x628: {  	s6 =	sadd.s32 $0xFFFFFFFF, s24;
	v6 =	vld.idx.msk [tilespmem:v9+s0+$0x0], $0xffff  }
0x629: {  	v9 =	vadd.s32 s6, v0;
	v3 =	vadd.f32 v7, v3  }
0x62a: {  	v7 =	vld.idx.msk [tilespmem:v8+s0+$0x0], $0xffff  }
0x62b: {  	v8 =	vadd.s32 s24, v0;
	v3 =	vadd.f32 v4, v3  }
0x62c: {  	v4 =	vld.idx.msk [tilespmem:v5+s0+$0x0], $0xffff  }
0x62d: {  	v3 =	vadd.f32 v6, v3  }
0x62e: {  	v5 =	vld.idx.msk [tilespmem:v9+s0+$0x0], $0xffff  }
0x62f: {  	v3 =	vadd.f32 v7, v3  }
0x630: {  	v6 =	vld.idx.msk [tilespmem:v8+s0+$0x0], $0xffff  }
0x631: {  	v3 =	vadd.f32 v4, v3;
	_ =	sdelay $0x1  }
0x632: {  	v3 =	vadd.f32 v5, v3;
	_ =	sdelay $0x1  }
0x633: {  	v3 =	vadd.f32 v6, v3;
	_ =	sdelay $0x1  }
0x634: {  	v3 =	vadd.f32 v3, v2;
	_ =	sdelay $0x1  }
0x635: {  	v4 =	vand.u32 $0x7FFFFFFF, v3  }
0x636: {  	v4 =	vsub.f32 $0.0e+00, v4;
	_ =	sdelay $0x1  }
0x637: {  	v4 =	vmul.f32 $1.442695020e+00, v4;
	_ =	sdelay $0x1  }
0x638: {  	(erf) = vpow2.f32 v4;
	_ =	sdelay $0x8  }
0x639: {  	v4 =	vpop (erf)  }
0x63a: {  	v5 =	vadd.f32 $1.000000000e+00, v4;
	_ =	sdelay $0x1  }
0x63b: {  	(erf) = vrcp.f32 v5;
	_ =	sdelay $0x7  }
0x63c: {  	s6 =	simm.s32 $0x0  }
0x63d: {  	v6 =	vadd.s32 s6, v1;
	v5 =	vpop (erf)  }
0x63e: {  	s24 =	simm.s32 $0x1;
	v4 =	vmul.f32 v5, v4  }
0x63f: {  	vm0 =	vge.f32 v3, $0.0e+00;
	v3 =	vadd.s32 s24, v1  }
0x640: {  	v4 =	vsel vm0, v5, v4  }
0x641: {  	s6 =	simm.s32 $0x2;
	[tilespmem:$0x15988] =	vst v4  }
0x642: {  	v4 =	vadd.s32 s6, v1;
	v5 =	vld.idx.msk [tilespmem:v6+s0+$0x0], $0xffff  }
0x643: {  	s24 =	simm.s32 $0x3  }
0x644: {  	v6 =	vadd.s32 s24, v1;
	v7 =	vld.idx.msk [tilespmem:v3+s0+$0x0], $0xffff  }
0x645: {  	s6 =	simm.s32 $0x4  }
0x646: {  	v8 =	vadd.s32 s6, v1;
	s24 =	simm.s32 $0x5;
	v3 =	vimm.f32 $0.0e+00  }
0x647: {  	v10 =	vadd.s32 s24, v1;
	v9 =	vld.idx.msk [tilespmem:v4+s0+$0x0], $0xffff;
	v4 =	vadd.f32 v5, v3  }
0x648: {  	s6 =	simm.s32 $0x6  }
0x649: {  	v3 =	vld.idx.msk [tilespmem:v6+s0+$0x0], $0xffff;
	v6 =	vadd.f32 v7, v4;
	v7 =	vadd.s32 s6, v1  }
0x64a: {  	s5 =	simm.s32 $0x7  }
0x64b: {  	v5 =	vadd.s32 s5, v1;
	v4 =	vld.idx.msk [tilespmem:v8+s0+$0x0], $0xffff  }
0x64c: {  	s24 =	simm.s32 $0xF;
	s5 =	simm.s32 $0x17;
	s6 =	simm.s32 $0x8;
	v8 =	vadd.f32 v9, v6;
	v6 =	vld.idx.msk [tilespmem:v10+s0+$0x0], $0xffff  }
.LBB2_48:
0x64d: {  	p0 =	sne.s32 s5, $0xC7;
	v9 =	vadd.s32 s6, v1  }
0x64e: {  	s6 =	sadd.s32 $0xFFFFFFFA, s24;
	v3 =	vadd.f32 v3, v8;
	v7 =	vld.idx.msk [tilespmem:v7+s0+$0x0], $0xffff  }
0x64f: {  	v8 =	vadd.s32 s6, v1  }
0x650: {  	s6 =	sadd.s32 $0xFFFFFFFB, s24;
	v3 =	vadd.f32 v4, v3;
	v4 =	vld.idx.msk [tilespmem:v5+s0+$0x0], $0xffff  }
0x651: {  	v5 =	vadd.s32 s6, v1  }
0x652: {  	s6 =	sadd.s32 $0xFFFFFFFC, s24;
	v9 =	vld.idx.msk [tilespmem:v9+s0+$0x0], $0xffff;
	v3 =	vadd.f32 v6, v3  }
0x653: {  	v6 =	vadd.s32 s6, v1  }
0x654: {  	s6 =	sadd.s32 $0xFFFFFFFD, s24;
	v8 =	vld.idx.msk [tilespmem:v8+s0+$0x0], $0xffff;
	v3 =	vadd.f32 v7, v3  }
0x655: {  	v10 =	vadd.s32 s6, v1  }
0x656: {  	s6 =	sadd.s32 $0xFFFFFFFE, s24;
	v11 =	vld.idx.msk [tilespmem:v5+s0+$0x0], $0xffff;
	v3 =	vadd.f32 v4, v3  }
0x657: {  	v12 =	vadd.s32 s6, v1  }
.Ltmp23:
0x658: {  	s6 =	sadd.s32 $0xFFFFFFFF, s24;
	v4 =	vadd.f32 v9, v3;
	v3 =	vld.idx.msk [tilespmem:v6+s0+$0x0], $0xffff;
	(pc) =	sbr.rel @p0 .LBB2_48-.Ltmp23, $4  }
0x659: {  	v7 =	vadd.s32 s6, v1  }
0x65a: {  	v6 =	vadd.f32 v8, v4;
	v4 =	vld.idx.msk [tilespmem:v10+s0+$0x0], $0xffff  }
0x65b: {  	v5 =	vadd.s32 s24, v1;
	s24 =	smov.u32 s5  }
0x65c: {  	s5 =	sadd.s32 $0x8, s5;
	s6 =	sadd.s32 $0xFFFFFFF9, s24;
	v8 =	vadd.f32 v11, v6;
	v6 =	vld.idx.msk [tilespmem:v12+s0+$0x0], $0xffff  }
0x65d: {  	_ =	sdelay $0x2  }
0x65e: {  	v9 =	vadd.s32 s6, v1;
	v3 =	vadd.f32 v3, v8  }
0x65f: {  	s5 =	sadd.s32 $0xFFFFFFFA, s24;
	v7 =	vld.idx.msk [tilespmem:v7+s0+$0x0], $0xffff  }
0x660: {  	v8 =	vadd.s32 s5, v1;
	v3 =	vadd.f32 v4, v3  }
0x661: {  	s6 =	sadd.s32 $0xFFFFFFFB, s24;
	v4 =	vld.idx.msk [tilespmem:v5+s0+$0x0], $0xffff  }
0x662: {  	v5 =	vadd.s32 s6, v1;
	v3 =	vadd.f32 v6, v3  }
0x663: {  	s6 =	sadd.s32 $0xFFFFFFFC, s24;
	v6 =	vld.idx.msk [tilespmem:v9+s0+$0x0], $0xffff  }
0x664: {  	v9 =	vadd.s32 s6, v1;
	v3 =	vadd.f32 v7, v3  }
0x665: {  	s6 =	sadd.s32 $0xFFFFFFFD, s24;
	v7 =	vld.idx.msk [tilespmem:v8+s0+$0x0], $0xffff  }
0x666: {  	v8 =	vadd.s32 s6, v1;
	v3 =	vadd.f32 v4, v3  }
0x667: {  	s6 =	sadd.s32 $0xFFFFFFFE, s24;
	v4 =	vld.idx.msk [tilespmem:v5+s0+$0x0], $0xffff  }
0x668: {  	v5 =	vadd.s32 s6, v1;
	v3 =	vadd.f32 v6, v3  }
0x669: {  	s6 =	sadd.s32 $0xFFFFFFFF, s24;
	v6 =	vld.idx.msk [tilespmem:v9+s0+$0x0], $0xffff  }
0x66a: {  	v9 =	vadd.s32 s6, v1;
	v3 =	vadd.f32 v7, v3  }
0x66b: {  	v7 =	vld.idx.msk [tilespmem:v8+s0+$0x0], $0xffff  }
0x66c: {  	v8 =	vadd.s32 s24, v1;
	v3 =	vadd.f32 v4, v3  }
0x66d: {  	v4 =	vld.idx.msk [tilespmem:v5+s0+$0x0], $0xffff  }
0x66e: {  	v3 =	vadd.f32 v6, v3  }
0x66f: {  	v5 =	vld.idx.msk [tilespmem:v9+s0+$0x0], $0xffff  }
0x670: {  	v3 =	vadd.f32 v7, v3  }
0x671: {  	v6 =	vld.idx.msk [tilespmem:v8+s0+$0x0], $0xffff  }
0x672: {  	v3 =	vadd.f32 v4, v3;
	_ =	sdelay $0x1  }
0x673: {  	v3 =	vadd.f32 v5, v3;
	_ =	sdelay $0x1  }
0x674: {  	v3 =	vadd.f32 v6, v3;
	_ =	sdelay $0x1  }
0x675: {  	v3 =	vadd.f32 v3, v2;
	_ =	sdelay $0x1  }
0x676: {  	v4 =	vand.u32 $0x7FFFFFFF, v3  }
0x677: {  	v4 =	vsub.f32 $0.0e+00, v4;
	_ =	sdelay $0x1  }
0x678: {  	v4 =	vmul.f32 $1.442695020e+00, v4;
	_ =	sdelay $0x1  }
0x679: {  	(erf) = vpow2.f32 v4;
	_ =	sdelay $0x8  }
0x67a: {  	v4 =	vpop (erf)  }
0x67b: {  	v5 =	vadd.f32 $1.000000000e+00, v4;
	_ =	sdelay $0x1  }
0x67c: {  	(erf) = vrcp.f32 v5;
	_ =	sdelay $0x8  }
0x67d: {  	v5 =	vpop (erf)  }
0x67e: {  	v4 =	vmul.f32 v5, v4  }
0x67f: {  	vm0 =	vge.f32 v3, $0.0e+00  }
0x680: {  	v3 =	vsel vm0, v5, v4  }
0x681: {  	[tilespmem:$0x15998] =	vst v3  }
0x682: {  	_ =	swait.ge [sflag:s31], $0x1900  }
0x683: {  	[sflag:s31] =	ssyncset.done $0x0  }
0x684: {  	s6 =	simm.s32 $0x0;
	[sflag:s31] =	ssyncadd.s32 $0xFFFFE700  }
0x685: {  	v3 =	vadd.s32 s6, v0;
	[tilespmem:s2], [sflag:$0x3] =	stream.linear.gather [hbm4b:s19+s4], $0x1900, $0x38;
	[tilespmem:$0x15A48] =	vst v63  }
0x686: {  	s24 =	simm.s32 $0x1;
	_ =	swait.ge [sflag:s25], $0x1900  }
0x687: {  	v4 =	vadd.s32 s24, v0;
	[sflag:s25] =	ssyncset.done $0x0  }
0x688: {  	s6 =	simm.s32 $0x2;
	[sflag:s25] =	ssyncadd.s32 $0xFFFFE700  }
0x689: {  	[tilespmem:s0], [sflag:$0x2] =	stream.indirect.gather [spmem:s3], $0x1, s2, s29, $0xb8;
	[tilespmem:$0x15A48] =	vst v63  }
0x68a: {  	s24 =	simm.s32 $0x3;
	v5 =	vadd.s32 s6, v0;
	v3 =	vld.idx.msk [tilespmem:v3+s30+$0x0], $0xffff  }
0x68b: {  	v6 =	vadd.s32 s24, v0;
	s6 =	simm.s32 $0x4  }
0x68c: {  	v7 =	vadd.s32 s6, v0;
	v4 =	vld.idx.msk [tilespmem:v4+s30+$0x0], $0xffff;
	_ =	sdelay $0x1  }
0x68d: {  	v8 =	vimm.f32 $0.0e+00;
	s24 =	simm.s32 $0x5  }
0x68e: {  	v10 =	vadd.s32 s24, v0;
	v9 =	vld.idx.msk [tilespmem:v5+s30+$0x0], $0xffff;
	v5 =	vadd.f32 v3, v8  }
0x68f: {  	s6 =	simm.s32 $0x6;
	v3 =	vld.idx.msk [tilespmem:v6+s30+$0x0], $0xffff  }
0x690: {  	v6 =	vadd.f32 v4, v5;
	v4 =	vld.idx.msk [tilespmem:v7+s30+$0x0], $0xffff;
	v7 =	vadd.s32 s6, v0  }
0x691: {  	s5 =	simm.s32 $0x7  }
0x692: {  	v5 =	vadd.s32 s5, v0  }
0x693: {  	s24 =	simm.s32 $0xF;
	s6 =	simm.s32 $0x8;
	s5 =	simm.s32 $0x17;
	v8 =	vadd.f32 v9, v6;
	v6 =	vld.idx.msk [tilespmem:v10+s30+$0x0], $0xffff  }
.LBB2_50:
0x694: {  	p0 =	sne.s32 s5, $0xC7;
	v9 =	vadd.s32 s6, v0  }
0x695: {  	s6 =	sadd.s32 $0xFFFFFFFA, s24;
	v3 =	vadd.f32 v3, v8;
	v7 =	vld.idx.msk [tilespmem:v7+s30+$0x0], $0xffff  }
0x696: {  	v8 =	vadd.s32 s6, v0  }
0x697: {  	s6 =	sadd.s32 $0xFFFFFFFB, s24;
	v3 =	vadd.f32 v4, v3;
	v4 =	vld.idx.msk [tilespmem:v5+s30+$0x0], $0xffff  }
0x698: {  	v5 =	vadd.s32 s6, v0  }
0x699: {  	s6 =	sadd.s32 $0xFFFFFFFC, s24;
	v9 =	vld.idx.msk [tilespmem:v9+s30+$0x0], $0xffff;
	v3 =	vadd.f32 v6, v3  }
0x69a: {  	v6 =	vadd.s32 s6, v0  }
0x69b: {  	s6 =	sadd.s32 $0xFFFFFFFD, s24;
	v8 =	vld.idx.msk [tilespmem:v8+s30+$0x0], $0xffff;
	v3 =	vadd.f32 v7, v3  }
0x69c: {  	v10 =	vadd.s32 s6, v0  }
0x69d: {  	s6 =	sadd.s32 $0xFFFFFFFE, s24;
	v11 =	vld.idx.msk [tilespmem:v5+s30+$0x0], $0xffff;
	v3 =	vadd.f32 v4, v3  }
0x69e: {  	v12 =	vadd.s32 s6, v0  }
.Ltmp24:
0x69f: {  	s6 =	sadd.s32 $0xFFFFFFFF, s24;
	v4 =	vadd.f32 v9, v3;
	v3 =	vld.idx.msk [tilespmem:v6+s30+$0x0], $0xffff;
	(pc) =	sbr.rel @p0 .LBB2_50-.Ltmp24, $4  }
0x6a0: {  	v7 =	vadd.s32 s6, v0  }
0x6a1: {  	v6 =	vadd.f32 v8, v4;
	v4 =	vld.idx.msk [tilespmem:v10+s30+$0x0], $0xffff  }
0x6a2: {  	v5 =	vadd.s32 s24, v0;
	s24 =	smov.u32 s5  }
0x6a3: {  	s5 =	sadd.s32 $0x8, s5;
	s6 =	sadd.s32 $0xFFFFFFF9, s24;
	v8 =	vadd.f32 v11, v6;
	v6 =	vld.idx.msk [tilespmem:v12+s30+$0x0], $0xffff  }
0x6a4: {  	_ =	sdelay $0x2  }
0x6a5: {  	v9 =	vadd.s32 s6, v0;
	v3 =	vadd.f32 v3, v8  }
0x6a6: {  	s5 =	sadd.s32 $0xFFFFFFFA, s24;
	v7 =	vld.idx.msk [tilespmem:v7+s30+$0x0], $0xffff  }
0x6a7: {  	v8 =	vadd.s32 s5, v0;
	v3 =	vadd.f32 v4, v3  }
0x6a8: {  	s6 =	sadd.s32 $0xFFFFFFFB, s24;
	v4 =	vld.idx.msk [tilespmem:v5+s30+$0x0], $0xffff  }
0x6a9: {  	v5 =	vadd.s32 s6, v0;
	v3 =	vadd.f32 v6, v3  }
0x6aa: {  	s6 =	sadd.s32 $0xFFFFFFFC, s24;
	v6 =	vld.idx.msk [tilespmem:v9+s30+$0x0], $0xffff  }
0x6ab: {  	v9 =	vadd.s32 s6, v0;
	v3 =	vadd.f32 v7, v3  }
0x6ac: {  	s6 =	sadd.s32 $0xFFFFFFFD, s24;
	v7 =	vld.idx.msk [tilespmem:v8+s30+$0x0], $0xffff  }
0x6ad: {  	v8 =	vadd.s32 s6, v0;
	v3 =	vadd.f32 v4, v3  }
0x6ae: {  	s6 =	sadd.s32 $0xFFFFFFFE, s24;
	v4 =	vld.idx.msk [tilespmem:v5+s30+$0x0], $0xffff  }
0x6af: {  	v5 =	vadd.s32 s6, v0;
	v3 =	vadd.f32 v6, v3  }
0x6b0: {  	s6 =	sadd.s32 $0xFFFFFFFF, s24;
	v6 =	vld.idx.msk [tilespmem:v9+s30+$0x0], $0xffff  }
0x6b1: {  	v9 =	vadd.s32 s6, v0;
	v3 =	vadd.f32 v7, v3  }
0x6b2: {  	v7 =	vld.idx.msk [tilespmem:v8+s30+$0x0], $0xffff  }
0x6b3: {  	v8 =	vadd.s32 s24, v0;
	v3 =	vadd.f32 v4, v3  }
0x6b4: {  	v4 =	vld.idx.msk [tilespmem:v5+s30+$0x0], $0xffff  }
0x6b5: {  	v3 =	vadd.f32 v6, v3  }
0x6b6: {  	v5 =	vld.idx.msk [tilespmem:v9+s30+$0x0], $0xffff  }
0x6b7: {  	v3 =	vadd.f32 v7, v3  }
0x6b8: {  	v6 =	vld.idx.msk [tilespmem:v8+s30+$0x0], $0xffff  }
0x6b9: {  	v3 =	vadd.f32 v4, v3;
	_ =	sdelay $0x1  }
0x6ba: {  	v3 =	vadd.f32 v5, v3;
	_ =	sdelay $0x1  }
0x6bb: {  	v3 =	vadd.f32 v6, v3;
	_ =	sdelay $0x1  }
0x6bc: {  	v3 =	vadd.f32 v3, v2;
	_ =	sdelay $0x1  }
0x6bd: {  	v4 =	vand.u32 $0x7FFFFFFF, v3  }
0x6be: {  	v4 =	vsub.f32 $0.0e+00, v4;
	_ =	sdelay $0x1  }
0x6bf: {  	v4 =	vmul.f32 $1.442695020e+00, v4;
	_ =	sdelay $0x1  }
0x6c0: {  	(erf) = vpow2.f32 v4;
	_ =	sdelay $0x8  }
0x6c1: {  	v4 =	vpop (erf)  }
0x6c2: {  	v5 =	vadd.f32 $1.000000000e+00, v4;
	_ =	sdelay $0x1  }
0x6c3: {  	(erf) = vrcp.f32 v5;
	_ =	sdelay $0x7  }
0x6c4: {  	s6 =	simm.s32 $0x0  }
0x6c5: {  	v6 =	vadd.s32 s6, v1;
	v5 =	vpop (erf)  }
0x6c6: {  	s24 =	simm.s32 $0x1;
	v4 =	vmul.f32 v5, v4  }
0x6c7: {  	vm0 =	vge.f32 v3, $0.0e+00;
	v3 =	vadd.s32 s24, v1  }
0x6c8: {  	v4 =	vsel vm0, v5, v4  }
0x6c9: {  	s6 =	simm.s32 $0x2;
	[tilespmem:$0x159A8] =	vst v4  }
0x6ca: {  	v4 =	vadd.s32 s6, v1;
	v5 =	vld.idx.msk [tilespmem:v6+s30+$0x0], $0xffff  }
0x6cb: {  	s24 =	simm.s32 $0x3  }
0x6cc: {  	v6 =	vadd.s32 s24, v1;
	v7 =	vld.idx.msk [tilespmem:v3+s30+$0x0], $0xffff  }
0x6cd: {  	s6 =	simm.s32 $0x4  }
0x6ce: {  	v8 =	vadd.s32 s6, v1;
	s24 =	simm.s32 $0x5;
	v3 =	vimm.f32 $0.0e+00  }
0x6cf: {  	v10 =	vadd.s32 s24, v1;
	v9 =	vld.idx.msk [tilespmem:v4+s30+$0x0], $0xffff;
	v4 =	vadd.f32 v5, v3  }
0x6d0: {  	s6 =	simm.s32 $0x6  }
0x6d1: {  	v3 =	vld.idx.msk [tilespmem:v6+s30+$0x0], $0xffff;
	v6 =	vadd.f32 v7, v4;
	v7 =	vadd.s32 s6, v1  }
0x6d2: {  	s5 =	simm.s32 $0x7  }
0x6d3: {  	v5 =	vadd.s32 s5, v1;
	v4 =	vld.idx.msk [tilespmem:v8+s30+$0x0], $0xffff  }
0x6d4: {  	s24 =	simm.s32 $0xF;
	s5 =	simm.s32 $0x17;
	s6 =	simm.s32 $0x8;
	v8 =	vadd.f32 v9, v6;
	v6 =	vld.idx.msk [tilespmem:v10+s30+$0x0], $0xffff  }
.LBB2_52:
0x6d5: {  	p0 =	sne.s32 s5, $0xC7;
	v9 =	vadd.s32 s6, v1  }
0x6d6: {  	s6 =	sadd.s32 $0xFFFFFFFA, s24;
	v3 =	vadd.f32 v3, v8;
	v7 =	vld.idx.msk [tilespmem:v7+s30+$0x0], $0xffff  }
0x6d7: {  	v8 =	vadd.s32 s6, v1  }
0x6d8: {  	s6 =	sadd.s32 $0xFFFFFFFB, s24;
	v3 =	vadd.f32 v4, v3;
	v4 =	vld.idx.msk [tilespmem:v5+s30+$0x0], $0xffff  }
0x6d9: {  	v5 =	vadd.s32 s6, v1  }
0x6da: {  	s6 =	sadd.s32 $0xFFFFFFFC, s24;
	v9 =	vld.idx.msk [tilespmem:v9+s30+$0x0], $0xffff;
	v3 =	vadd.f32 v6, v3  }
0x6db: {  	v6 =	vadd.s32 s6, v1  }
0x6dc: {  	s6 =	sadd.s32 $0xFFFFFFFD, s24;
	v8 =	vld.idx.msk [tilespmem:v8+s30+$0x0], $0xffff;
	v3 =	vadd.f32 v7, v3  }
0x6dd: {  	v10 =	vadd.s32 s6, v1  }
0x6de: {  	s6 =	sadd.s32 $0xFFFFFFFE, s24;
	v11 =	vld.idx.msk [tilespmem:v5+s30+$0x0], $0xffff;
	v3 =	vadd.f32 v4, v3  }
0x6df: {  	v12 =	vadd.s32 s6, v1  }
.Ltmp25:
0x6e0: {  	s6 =	sadd.s32 $0xFFFFFFFF, s24;
	v4 =	vadd.f32 v9, v3;
	v3 =	vld.idx.msk [tilespmem:v6+s30+$0x0], $0xffff;
	(pc) =	sbr.rel @p0 .LBB2_52-.Ltmp25, $4  }
0x6e1: {  	v7 =	vadd.s32 s6, v1  }
0x6e2: {  	v6 =	vadd.f32 v8, v4;
	v4 =	vld.idx.msk [tilespmem:v10+s30+$0x0], $0xffff  }
0x6e3: {  	v5 =	vadd.s32 s24, v1;
	s24 =	smov.u32 s5  }
0x6e4: {  	s5 =	sadd.s32 $0x8, s5;
	s6 =	sadd.s32 $0xFFFFFFF9, s24;
	v8 =	vadd.f32 v11, v6;
	v6 =	vld.idx.msk [tilespmem:v12+s30+$0x0], $0xffff  }
0x6e5: {  	_ =	sdelay $0x2  }
0x6e6: {  	v9 =	vadd.s32 s6, v1;
	v3 =	vadd.f32 v3, v8  }
0x6e7: {  	s5 =	sadd.s32 $0xFFFFFFFA, s24;
	v7 =	vld.idx.msk [tilespmem:v7+s30+$0x0], $0xffff  }
0x6e8: {  	v8 =	vadd.s32 s5, v1;
	v3 =	vadd.f32 v4, v3  }
0x6e9: {  	s6 =	sadd.s32 $0xFFFFFFFB, s24;
	v4 =	vld.idx.msk [tilespmem:v5+s30+$0x0], $0xffff  }
0x6ea: {  	v5 =	vadd.s32 s6, v1;
	v3 =	vadd.f32 v6, v3  }
0x6eb: {  	s6 =	sadd.s32 $0xFFFFFFFC, s24;
	v6 =	vld.idx.msk [tilespmem:v9+s30+$0x0], $0xffff  }
0x6ec: {  	v9 =	vadd.s32 s6, v1;
	v3 =	vadd.f32 v7, v3  }
0x6ed: {  	s6 =	sadd.s32 $0xFFFFFFFD, s24;
	v7 =	vld.idx.msk [tilespmem:v8+s30+$0x0], $0xffff  }
0x6ee: {  	v8 =	vadd.s32 s6, v1;
	v3 =	vadd.f32 v4, v3  }
0x6ef: {  	s6 =	sadd.s32 $0xFFFFFFFE, s24;
	v4 =	vld.idx.msk [tilespmem:v5+s30+$0x0], $0xffff  }
0x6f0: {  	v5 =	vadd.s32 s6, v1;
	v3 =	vadd.f32 v6, v3  }
0x6f1: {  	s6 =	sadd.s32 $0xFFFFFFFF, s24;
	v6 =	vld.idx.msk [tilespmem:v9+s30+$0x0], $0xffff  }
0x6f2: {  	v9 =	vadd.s32 s6, v1;
	v3 =	vadd.f32 v7, v3  }
0x6f3: {  	v7 =	vld.idx.msk [tilespmem:v8+s30+$0x0], $0xffff  }
0x6f4: {  	v8 =	vadd.s32 s24, v1;
	v3 =	vadd.f32 v4, v3  }
0x6f5: {  	v4 =	vld.idx.msk [tilespmem:v5+s30+$0x0], $0xffff  }
0x6f6: {  	v3 =	vadd.f32 v6, v3  }
0x6f7: {  	v5 =	vld.idx.msk [tilespmem:v9+s30+$0x0], $0xffff  }
0x6f8: {  	v3 =	vadd.f32 v7, v3  }
0x6f9: {  	v6 =	vld.idx.msk [tilespmem:v8+s30+$0x0], $0xffff  }
0x6fa: {  	v3 =	vadd.f32 v4, v3;
	_ =	sdelay $0x1  }
0x6fb: {  	v3 =	vadd.f32 v5, v3;
	_ =	sdelay $0x1  }
0x6fc: {  	v3 =	vadd.f32 v6, v3;
	_ =	sdelay $0x1  }
0x6fd: {  	v3 =	vadd.f32 v3, v2;
	_ =	sdelay $0x1  }
0x6fe: {  	v4 =	vand.u32 $0x7FFFFFFF, v3  }
0x6ff: {  	v4 =	vsub.f32 $0.0e+00, v4;
	_ =	sdelay $0x1  }
0x700: {  	v4 =	vmul.f32 $1.442695020e+00, v4;
	_ =	sdelay $0x1  }
0x701: {  	(erf) = vpow2.f32 v4;
	_ =	sdelay $0x8  }
0x702: {  	v4 =	vpop (erf)  }
0x703: {  	v5 =	vadd.f32 $1.000000000e+00, v4;
	_ =	sdelay $0x1  }
0x704: {  	(erf) = vrcp.f32 v5;
	_ =	sdelay $0x8  }
0x705: {  	v5 =	vpop (erf)  }
0x706: {  	v4 =	vmul.f32 v5, v4  }
0x707: {  	vm0 =	vge.f32 v3, $0.0e+00  }
0x708: {  	v3 =	vsel vm0, v5, v4  }
0x709: {  	[tilespmem:$0x159B8] =	vst v3  }
0x70a: {  	_ =	swait.ge [sflag:s1], $0x1900  }
0x70b: {  	[sflag:s1] =	ssyncset.done $0x0  }
0x70c: {  	s6 =	simm.s32 $0x0;
	[sflag:s1] =	ssyncadd.s32 $0xFFFFE700  }
0x70d: {  	v3 =	vadd.s32 s6, v0;
	[tilespmem:s28], [sflag:$0x3] =	stream.linear.gather [hbm4b:s20+s4], $0x1900, $0x38;
	[tilespmem:$0x15A48] =	vst v63  }
0x70e: {  	s24 =	simm.s32 $0x1;
	_ =	swait.ge [sflag:s25], $0x1900  }
0x70f: {  	v4 =	vadd.s32 s24, v0;
	[sflag:s25] =	ssyncset.done $0x0  }
0x710: {  	s6 =	simm.s32 $0x2;
	[sflag:s25] =	ssyncadd.s32 $0xFFFFE700  }
0x711: {  	[tilespmem:s30], [sflag:$0x1] =	stream.indirect.gather [spmem:s3], $0x1, s28, s29, $0xb8;
	[tilespmem:$0x15A48] =	vst v63  }
0x712: {  	s24 =	simm.s32 $0x3;
	v5 =	vadd.s32 s6, v0;
	v3 =	vld.idx.msk [tilespmem:v3+s0+$0x0], $0xffff  }
0x713: {  	v6 =	vadd.s32 s24, v0;
	s6 =	simm.s32 $0x4  }
0x714: {  	v7 =	vadd.s32 s6, v0;
	v4 =	vld.idx.msk [tilespmem:v4+s0+$0x0], $0xffff;
	_ =	sdelay $0x1  }
0x715: {  	v8 =	vimm.f32 $0.0e+00;
	s24 =	simm.s32 $0x5  }
0x716: {  	v10 =	vadd.s32 s24, v0;
	v9 =	vld.idx.msk [tilespmem:v5+s0+$0x0], $0xffff;
	v5 =	vadd.f32 v3, v8  }
0x717: {  	s6 =	simm.s32 $0x6;
	v3 =	vld.idx.msk [tilespmem:v6+s0+$0x0], $0xffff  }
0x718: {  	v6 =	vadd.f32 v4, v5;
	v4 =	vld.idx.msk [tilespmem:v7+s0+$0x0], $0xffff;
	v7 =	vadd.s32 s6, v0  }
0x719: {  	s5 =	simm.s32 $0x7  }
0x71a: {  	v5 =	vadd.s32 s5, v0  }
0x71b: {  	s24 =	simm.s32 $0xF;
	s6 =	simm.s32 $0x8;
	s5 =	simm.s32 $0x17;
	v8 =	vadd.f32 v9, v6;
	v6 =	vld.idx.msk [tilespmem:v10+s0+$0x0], $0xffff  }
.LBB2_54:
0x71c: {  	p0 =	sne.s32 s5, $0xC7;
	v9 =	vadd.s32 s6, v0  }
0x71d: {  	s6 =	sadd.s32 $0xFFFFFFFA, s24;
	v3 =	vadd.f32 v3, v8;
	v7 =	vld.idx.msk [tilespmem:v7+s0+$0x0], $0xffff  }
0x71e: {  	v8 =	vadd.s32 s6, v0  }
0x71f: {  	s6 =	sadd.s32 $0xFFFFFFFB, s24;
	v3 =	vadd.f32 v4, v3;
	v4 =	vld.idx.msk [tilespmem:v5+s0+$0x0], $0xffff  }
0x720: {  	v5 =	vadd.s32 s6, v0  }
0x721: {  	s6 =	sadd.s32 $0xFFFFFFFC, s24;
	v9 =	vld.idx.msk [tilespmem:v9+s0+$0x0], $0xffff;
	v3 =	vadd.f32 v6, v3  }
0x722: {  	v6 =	vadd.s32 s6, v0  }
0x723: {  	s6 =	sadd.s32 $0xFFFFFFFD, s24;
	v8 =	vld.idx.msk [tilespmem:v8+s0+$0x0], $0xffff;
	v3 =	vadd.f32 v7, v3  }
0x724: {  	v10 =	vadd.s32 s6, v0  }
0x725: {  	s6 =	sadd.s32 $0xFFFFFFFE, s24;
	v11 =	vld.idx.msk [tilespmem:v5+s0+$0x0], $0xffff;
	v3 =	vadd.f32 v4, v3  }
0x726: {  	v12 =	vadd.s32 s6, v0  }
.Ltmp26:
0x727: {  	s6 =	sadd.s32 $0xFFFFFFFF, s24;
	v4 =	vadd.f32 v9, v3;
	v3 =	vld.idx.msk [tilespmem:v6+s0+$0x0], $0xffff;
	(pc) =	sbr.rel @p0 .LBB2_54-.Ltmp26, $4  }
0x728: {  	v7 =	vadd.s32 s6, v0  }
0x729: {  	v6 =	vadd.f32 v8, v4;
	v4 =	vld.idx.msk [tilespmem:v10+s0+$0x0], $0xffff  }
0x72a: {  	v5 =	vadd.s32 s24, v0;
	s24 =	smov.u32 s5  }
0x72b: {  	s5 =	sadd.s32 $0x8, s5;
	s6 =	sadd.s32 $0xFFFFFFF9, s24;
	v8 =	vadd.f32 v11, v6;
	v6 =	vld.idx.msk [tilespmem:v12+s0+$0x0], $0xffff  }
0x72c: {  	_ =	sdelay $0x2  }
0x72d: {  	v9 =	vadd.s32 s6, v0;
	v3 =	vadd.f32 v3, v8  }
0x72e: {  	s5 =	sadd.s32 $0xFFFFFFFA, s24;
	v7 =	vld.idx.msk [tilespmem:v7+s0+$0x0], $0xffff  }
0x72f: {  	v8 =	vadd.s32 s5, v0;
	v3 =	vadd.f32 v4, v3  }
0x730: {  	s6 =	sadd.s32 $0xFFFFFFFB, s24;
	v4 =	vld.idx.msk [tilespmem:v5+s0+$0x0], $0xffff  }
0x731: {  	v5 =	vadd.s32 s6, v0;
	v3 =	vadd.f32 v6, v3  }
0x732: {  	s6 =	sadd.s32 $0xFFFFFFFC, s24;
	v6 =	vld.idx.msk [tilespmem:v9+s0+$0x0], $0xffff  }
0x733: {  	v9 =	vadd.s32 s6, v0;
	v3 =	vadd.f32 v7, v3  }
0x734: {  	s6 =	sadd.s32 $0xFFFFFFFD, s24;
	v7 =	vld.idx.msk [tilespmem:v8+s0+$0x0], $0xffff  }
0x735: {  	v8 =	vadd.s32 s6, v0;
	v3 =	vadd.f32 v4, v3  }
0x736: {  	s6 =	sadd.s32 $0xFFFFFFFE, s24;
	v4 =	vld.idx.msk [tilespmem:v5+s0+$0x0], $0xffff  }
0x737: {  	v5 =	vadd.s32 s6, v0;
	v3 =	vadd.f32 v6, v3  }
0x738: {  	s6 =	sadd.s32 $0xFFFFFFFF, s24;
	v6 =	vld.idx.msk [tilespmem:v9+s0+$0x0], $0xffff  }
0x739: {  	v9 =	vadd.s32 s6, v0;
	v3 =	vadd.f32 v7, v3  }
0x73a: {  	v7 =	vld.idx.msk [tilespmem:v8+s0+$0x0], $0xffff  }
0x73b: {  	v8 =	vadd.s32 s24, v0;
	v3 =	vadd.f32 v4, v3  }
0x73c: {  	v4 =	vld.idx.msk [tilespmem:v5+s0+$0x0], $0xffff  }
0x73d: {  	v3 =	vadd.f32 v6, v3  }
0x73e: {  	v5 =	vld.idx.msk [tilespmem:v9+s0+$0x0], $0xffff  }
0x73f: {  	v3 =	vadd.f32 v7, v3  }
0x740: {  	v6 =	vld.idx.msk [tilespmem:v8+s0+$0x0], $0xffff  }
0x741: {  	v3 =	vadd.f32 v4, v3;
	_ =	sdelay $0x1  }
0x742: {  	v3 =	vadd.f32 v5, v3;
	_ =	sdelay $0x1  }
0x743: {  	v3 =	vadd.f32 v6, v3;
	_ =	sdelay $0x1  }
0x744: {  	v3 =	vadd.f32 v3, v2;
	_ =	sdelay $0x1  }
0x745: {  	v4 =	vand.u32 $0x7FFFFFFF, v3  }
0x746: {  	v4 =	vsub.f32 $0.0e+00, v4;
	_ =	sdelay $0x1  }
0x747: {  	v4 =	vmul.f32 $1.442695020e+00, v4;
	_ =	sdelay $0x1  }
0x748: {  	(erf) = vpow2.f32 v4;
	_ =	sdelay $0x8  }
0x749: {  	v4 =	vpop (erf)  }
0x74a: {  	v5 =	vadd.f32 $1.000000000e+00, v4;
	_ =	sdelay $0x1  }
0x74b: {  	(erf) = vrcp.f32 v5;
	_ =	sdelay $0x7  }
0x74c: {  	s6 =	simm.s32 $0x0  }
0x74d: {  	v6 =	vadd.s32 s6, v1;
	v5 =	vpop (erf)  }
0x74e: {  	s24 =	simm.s32 $0x1;
	v4 =	vmul.f32 v5, v4  }
0x74f: {  	vm0 =	vge.f32 v3, $0.0e+00;
	v3 =	vadd.s32 s24, v1  }
0x750: {  	v4 =	vsel vm0, v5, v4  }
0x751: {  	s6 =	simm.s32 $0x2;
	[tilespmem:$0x159C8] =	vst v4  }
0x752: {  	v4 =	vadd.s32 s6, v1;
	v5 =	vld.idx.msk [tilespmem:v6+s0+$0x0], $0xffff  }
0x753: {  	s24 =	simm.s32 $0x3  }
0x754: {  	v6 =	vadd.s32 s24, v1;
	v7 =	vld.idx.msk [tilespmem:v3+s0+$0x0], $0xffff  }
0x755: {  	s6 =	simm.s32 $0x4  }
0x756: {  	v8 =	vadd.s32 s6, v1;
	s24 =	simm.s32 $0x5;
	v3 =	vimm.f32 $0.0e+00  }
0x757: {  	v10 =	vadd.s32 s24, v1;
	v9 =	vld.idx.msk [tilespmem:v4+s0+$0x0], $0xffff;
	v4 =	vadd.f32 v5, v3  }
0x758: {  	s6 =	simm.s32 $0x6  }
0x759: {  	v3 =	vld.idx.msk [tilespmem:v6+s0+$0x0], $0xffff;
	v6 =	vadd.f32 v7, v4;
	v7 =	vadd.s32 s6, v1  }
0x75a: {  	s5 =	simm.s32 $0x7  }
0x75b: {  	v5 =	vadd.s32 s5, v1;
	v4 =	vld.idx.msk [tilespmem:v8+s0+$0x0], $0xffff  }
0x75c: {  	s24 =	simm.s32 $0xF;
	s5 =	simm.s32 $0x17;
	s6 =	simm.s32 $0x8;
	v8 =	vadd.f32 v9, v6;
	v6 =	vld.idx.msk [tilespmem:v10+s0+$0x0], $0xffff  }
.LBB2_56:
0x75d: {  	p0 =	sne.s32 s5, $0xC7;
	v9 =	vadd.s32 s6, v1  }
0x75e: {  	s6 =	sadd.s32 $0xFFFFFFFA, s24;
	v3 =	vadd.f32 v3, v8;
	v7 =	vld.idx.msk [tilespmem:v7+s0+$0x0], $0xffff  }
0x75f: {  	v8 =	vadd.s32 s6, v1  }
0x760: {  	s6 =	sadd.s32 $0xFFFFFFFB, s24;
	v3 =	vadd.f32 v4, v3;
	v4 =	vld.idx.msk [tilespmem:v5+s0+$0x0], $0xffff  }
0x761: {  	v5 =	vadd.s32 s6, v1  }
0x762: {  	s6 =	sadd.s32 $0xFFFFFFFC, s24;
	v9 =	vld.idx.msk [tilespmem:v9+s0+$0x0], $0xffff;
	v3 =	vadd.f32 v6, v3  }
0x763: {  	v6 =	vadd.s32 s6, v1  }
0x764: {  	s6 =	sadd.s32 $0xFFFFFFFD, s24;
	v8 =	vld.idx.msk [tilespmem:v8+s0+$0x0], $0xffff;
	v3 =	vadd.f32 v7, v3  }
0x765: {  	v10 =	vadd.s32 s6, v1  }
0x766: {  	s6 =	sadd.s32 $0xFFFFFFFE, s24;
	v11 =	vld.idx.msk [tilespmem:v5+s0+$0x0], $0xffff;
	v3 =	vadd.f32 v4, v3  }
0x767: {  	v12 =	vadd.s32 s6, v1  }
.Ltmp27:
0x768: {  	s6 =	sadd.s32 $0xFFFFFFFF, s24;
	v4 =	vadd.f32 v9, v3;
	v3 =	vld.idx.msk [tilespmem:v6+s0+$0x0], $0xffff;
	(pc) =	sbr.rel @p0 .LBB2_56-.Ltmp27, $4  }
0x769: {  	v7 =	vadd.s32 s6, v1  }
0x76a: {  	v6 =	vadd.f32 v8, v4;
	v4 =	vld.idx.msk [tilespmem:v10+s0+$0x0], $0xffff  }
0x76b: {  	v5 =	vadd.s32 s24, v1;
	s24 =	smov.u32 s5  }
0x76c: {  	s5 =	sadd.s32 $0x8, s5;
	s6 =	sadd.s32 $0xFFFFFFF9, s24;
	v8 =	vadd.f32 v11, v6;
	v6 =	vld.idx.msk [tilespmem:v12+s0+$0x0], $0xffff  }
0x76d: {  	_ =	sdelay $0x2  }
0x76e: {  	v9 =	vadd.s32 s6, v1;
	v3 =	vadd.f32 v3, v8  }
0x76f: {  	s5 =	sadd.s32 $0xFFFFFFFA, s24;
	v7 =	vld.idx.msk [tilespmem:v7+s0+$0x0], $0xffff  }
0x770: {  	v8 =	vadd.s32 s5, v1;
	v3 =	vadd.f32 v4, v3  }
0x771: {  	s6 =	sadd.s32 $0xFFFFFFFB, s24;
	v4 =	vld.idx.msk [tilespmem:v5+s0+$0x0], $0xffff  }
0x772: {  	v5 =	vadd.s32 s6, v1;
	v3 =	vadd.f32 v6, v3  }
0x773: {  	s6 =	sadd.s32 $0xFFFFFFFC, s24;
	v6 =	vld.idx.msk [tilespmem:v9+s0+$0x0], $0xffff  }
0x774: {  	v9 =	vadd.s32 s6, v1;
	v3 =	vadd.f32 v7, v3  }
0x775: {  	s6 =	sadd.s32 $0xFFFFFFFD, s24;
	v7 =	vld.idx.msk [tilespmem:v8+s0+$0x0], $0xffff  }
0x776: {  	v8 =	vadd.s32 s6, v1;
	v3 =	vadd.f32 v4, v3  }
0x777: {  	s6 =	sadd.s32 $0xFFFFFFFE, s24;
	v4 =	vld.idx.msk [tilespmem:v5+s0+$0x0], $0xffff  }
0x778: {  	v5 =	vadd.s32 s6, v1;
	v3 =	vadd.f32 v6, v3  }
0x779: {  	s6 =	sadd.s32 $0xFFFFFFFF, s24;
	v6 =	vld.idx.msk [tilespmem:v9+s0+$0x0], $0xffff  }
0x77a: {  	v9 =	vadd.s32 s6, v1;
	v3 =	vadd.f32 v7, v3  }
0x77b: {  	v7 =	vld.idx.msk [tilespmem:v8+s0+$0x0], $0xffff  }
0x77c: {  	v8 =	vadd.s32 s24, v1;
	v3 =	vadd.f32 v4, v3  }
0x77d: {  	v4 =	vld.idx.msk [tilespmem:v5+s0+$0x0], $0xffff  }
0x77e: {  	v3 =	vadd.f32 v6, v3  }
0x77f: {  	v5 =	vld.idx.msk [tilespmem:v9+s0+$0x0], $0xffff  }
0x780: {  	v3 =	vadd.f32 v7, v3  }
0x781: {  	v6 =	vld.idx.msk [tilespmem:v8+s0+$0x0], $0xffff  }
0x782: {  	v3 =	vadd.f32 v4, v3;
	_ =	sdelay $0x1  }
0x783: {  	v3 =	vadd.f32 v5, v3;
	_ =	sdelay $0x1  }
0x784: {  	v3 =	vadd.f32 v6, v3;
	_ =	sdelay $0x1  }
0x785: {  	v3 =	vadd.f32 v3, v2;
	_ =	sdelay $0x1  }
0x786: {  	v4 =	vand.u32 $0x7FFFFFFF, v3  }
0x787: {  	v4 =	vsub.f32 $0.0e+00, v4;
	_ =	sdelay $0x1  }
0x788: {  	v4 =	vmul.f32 $1.442695020e+00, v4;
	_ =	sdelay $0x1  }
0x789: {  	(erf) = vpow2.f32 v4;
	_ =	sdelay $0x8  }
0x78a: {  	v4 =	vpop (erf)  }
0x78b: {  	v5 =	vadd.f32 $1.000000000e+00, v4;
	_ =	sdelay $0x1  }
0x78c: {  	(erf) = vrcp.f32 v5;
	_ =	sdelay $0x8  }
0x78d: {  	v5 =	vpop (erf)  }
0x78e: {  	v4 =	vmul.f32 v5, v4  }
0x78f: {  	vm0 =	vge.f32 v3, $0.0e+00  }
0x790: {  	v3 =	vsel vm0, v5, v4  }
0x791: {  	[tilespmem:$0x159D8] =	vst v3  }
0x792: {  	_ =	swait.ge [sflag:s31], $0x1900  }
0x793: {  	[sflag:s31] =	ssyncset.done $0x0  }
0x794: {  	s6 =	simm.s32 $0x0;
	[sflag:s31] =	ssyncadd.s32 $0xFFFFE700  }
0x795: {  	v3 =	vadd.s32 s6, v0;
	[tilespmem:s2], [sflag:$0x3] =	stream.linear.gather [hbm4b:s21+s4], $0x1900, $0x38;
	[tilespmem:$0x15A48] =	vst v63  }
0x796: {  	s24 =	simm.s32 $0x1;
	_ =	swait.ge [sflag:s25], $0x1900  }
0x797: {  	v4 =	vadd.s32 s24, v0;
	[sflag:s25] =	ssyncset.done $0x0  }
0x798: {  	s6 =	simm.s32 $0x2;
	[sflag:s25] =	ssyncadd.s32 $0xFFFFE700  }
0x799: {  	[tilespmem:s0], [sflag:$0x2] =	stream.indirect.gather [spmem:s3], $0x1, s2, s29, $0xb8;
	[tilespmem:$0x15A48] =	vst v63  }
0x79a: {  	s24 =	simm.s32 $0x3;
	v5 =	vadd.s32 s6, v0;
	v3 =	vld.idx.msk [tilespmem:v3+s30+$0x0], $0xffff  }
0x79b: {  	v6 =	vadd.s32 s24, v0;
	s6 =	simm.s32 $0x4  }
0x79c: {  	v7 =	vadd.s32 s6, v0;
	v4 =	vld.idx.msk [tilespmem:v4+s30+$0x0], $0xffff;
	_ =	sdelay $0x1  }
0x79d: {  	v8 =	vimm.f32 $0.0e+00;
	s24 =	simm.s32 $0x5  }
0x79e: {  	v10 =	vadd.s32 s24, v0;
	v9 =	vld.idx.msk [tilespmem:v5+s30+$0x0], $0xffff;
	v5 =	vadd.f32 v3, v8  }
0x79f: {  	s6 =	simm.s32 $0x6;
	v3 =	vld.idx.msk [tilespmem:v6+s30+$0x0], $0xffff  }
0x7a0: {  	v6 =	vadd.f32 v4, v5;
	v4 =	vld.idx.msk [tilespmem:v7+s30+$0x0], $0xffff;
	v7 =	vadd.s32 s6, v0  }
0x7a1: {  	s5 =	simm.s32 $0x7  }
0x7a2: {  	v5 =	vadd.s32 s5, v0  }
0x7a3: {  	s24 =	simm.s32 $0xF;
	s6 =	simm.s32 $0x8;
	s5 =	simm.s32 $0x17;
	v8 =	vadd.f32 v9, v6;
	v6 =	vld.idx.msk [tilespmem:v10+s30+$0x0], $0xffff  }
.LBB2_58:
0x7a4: {  	p0 =	sne.s32 s5, $0xC7;
	v9 =	vadd.s32 s6, v0  }
0x7a5: {  	s6 =	sadd.s32 $0xFFFFFFFA, s24;
	v3 =	vadd.f32 v3, v8;
	v7 =	vld.idx.msk [tilespmem:v7+s30+$0x0], $0xffff  }
0x7a6: {  	v8 =	vadd.s32 s6, v0  }
0x7a7: {  	s6 =	sadd.s32 $0xFFFFFFFB, s24;
	v3 =	vadd.f32 v4, v3;
	v4 =	vld.idx.msk [tilespmem:v5+s30+$0x0], $0xffff  }
0x7a8: {  	v5 =	vadd.s32 s6, v0  }
0x7a9: {  	s6 =	sadd.s32 $0xFFFFFFFC, s24;
	v9 =	vld.idx.msk [tilespmem:v9+s30+$0x0], $0xffff;
	v3 =	vadd.f32 v6, v3  }
0x7aa: {  	v6 =	vadd.s32 s6, v0  }
0x7ab: {  	s6 =	sadd.s32 $0xFFFFFFFD, s24;
	v8 =	vld.idx.msk [tilespmem:v8+s30+$0x0], $0xffff;
	v3 =	vadd.f32 v7, v3  }
0x7ac: {  	v10 =	vadd.s32 s6, v0  }
0x7ad: {  	s6 =	sadd.s32 $0xFFFFFFFE, s24;
	v11 =	vld.idx.msk [tilespmem:v5+s30+$0x0], $0xffff;
	v3 =	vadd.f32 v4, v3  }
0x7ae: {  	v12 =	vadd.s32 s6, v0  }
.Ltmp28:
0x7af: {  	s6 =	sadd.s32 $0xFFFFFFFF, s24;
	v4 =	vadd.f32 v9, v3;
	v3 =	vld.idx.msk [tilespmem:v6+s30+$0x0], $0xffff;
	(pc) =	sbr.rel @p0 .LBB2_58-.Ltmp28, $4  }
0x7b0: {  	v7 =	vadd.s32 s6, v0  }
0x7b1: {  	v6 =	vadd.f32 v8, v4;
	v4 =	vld.idx.msk [tilespmem:v10+s30+$0x0], $0xffff  }
0x7b2: {  	v5 =	vadd.s32 s24, v0;
	s24 =	smov.u32 s5  }
0x7b3: {  	s5 =	sadd.s32 $0x8, s5;
	s6 =	sadd.s32 $0xFFFFFFF9, s24;
	v8 =	vadd.f32 v11, v6;
	v6 =	vld.idx.msk [tilespmem:v12+s30+$0x0], $0xffff  }
0x7b4: {  	_ =	sdelay $0x2  }
0x7b5: {  	v9 =	vadd.s32 s6, v0;
	v3 =	vadd.f32 v3, v8  }
0x7b6: {  	s5 =	sadd.s32 $0xFFFFFFFA, s24;
	v7 =	vld.idx.msk [tilespmem:v7+s30+$0x0], $0xffff  }
0x7b7: {  	v8 =	vadd.s32 s5, v0;
	v3 =	vadd.f32 v4, v3  }
0x7b8: {  	s6 =	sadd.s32 $0xFFFFFFFB, s24;
	v4 =	vld.idx.msk [tilespmem:v5+s30+$0x0], $0xffff  }
0x7b9: {  	v5 =	vadd.s32 s6, v0;
	v3 =	vadd.f32 v6, v3  }
0x7ba: {  	s6 =	sadd.s32 $0xFFFFFFFC, s24;
	v6 =	vld.idx.msk [tilespmem:v9+s30+$0x0], $0xffff  }
0x7bb: {  	v9 =	vadd.s32 s6, v0;
	v3 =	vadd.f32 v7, v3  }
0x7bc: {  	s6 =	sadd.s32 $0xFFFFFFFD, s24;
	v7 =	vld.idx.msk [tilespmem:v8+s30+$0x0], $0xffff  }
0x7bd: {  	v8 =	vadd.s32 s6, v0;
	v3 =	vadd.f32 v4, v3  }
0x7be: {  	s6 =	sadd.s32 $0xFFFFFFFE, s24;
	v4 =	vld.idx.msk [tilespmem:v5+s30+$0x0], $0xffff  }
0x7bf: {  	v5 =	vadd.s32 s6, v0;
	v3 =	vadd.f32 v6, v3  }
0x7c0: {  	s6 =	sadd.s32 $0xFFFFFFFF, s24;
	v6 =	vld.idx.msk [tilespmem:v9+s30+$0x0], $0xffff  }
0x7c1: {  	v9 =	vadd.s32 s6, v0;
	v3 =	vadd.f32 v7, v3  }
0x7c2: {  	v7 =	vld.idx.msk [tilespmem:v8+s30+$0x0], $0xffff  }
0x7c3: {  	v8 =	vadd.s32 s24, v0;
	v3 =	vadd.f32 v4, v3  }
0x7c4: {  	v4 =	vld.idx.msk [tilespmem:v5+s30+$0x0], $0xffff  }
0x7c5: {  	v3 =	vadd.f32 v6, v3  }
0x7c6: {  	v5 =	vld.idx.msk [tilespmem:v9+s30+$0x0], $0xffff  }
0x7c7: {  	v3 =	vadd.f32 v7, v3  }
0x7c8: {  	v6 =	vld.idx.msk [tilespmem:v8+s30+$0x0], $0xffff  }
0x7c9: {  	v3 =	vadd.f32 v4, v3;
	_ =	sdelay $0x1  }
0x7ca: {  	v3 =	vadd.f32 v5, v3;
	_ =	sdelay $0x1  }
0x7cb: {  	v3 =	vadd.f32 v6, v3;
	_ =	sdelay $0x1  }
0x7cc: {  	v3 =	vadd.f32 v3, v2;
	_ =	sdelay $0x1  }
0x7cd: {  	v4 =	vand.u32 $0x7FFFFFFF, v3  }
0x7ce: {  	v4 =	vsub.f32 $0.0e+00, v4;
	_ =	sdelay $0x1  }
0x7cf: {  	v4 =	vmul.f32 $1.442695020e+00, v4;
	_ =	sdelay $0x1  }
0x7d0: {  	(erf) = vpow2.f32 v4;
	_ =	sdelay $0x8  }
0x7d1: {  	v4 =	vpop (erf)  }
0x7d2: {  	v5 =	vadd.f32 $1.000000000e+00, v4;
	_ =	sdelay $0x1  }
0x7d3: {  	(erf) = vrcp.f32 v5;
	_ =	sdelay $0x7  }
0x7d4: {  	s6 =	simm.s32 $0x0  }
0x7d5: {  	v6 =	vadd.s32 s6, v1;
	v5 =	vpop (erf)  }
0x7d6: {  	s24 =	simm.s32 $0x1;
	v4 =	vmul.f32 v5, v4  }
0x7d7: {  	vm0 =	vge.f32 v3, $0.0e+00;
	v3 =	vadd.s32 s24, v1  }
0x7d8: {  	v4 =	vsel vm0, v5, v4  }
0x7d9: {  	s6 =	simm.s32 $0x2;
	[tilespmem:$0x159E8] =	vst v4  }
0x7da: {  	v4 =	vadd.s32 s6, v1;
	v5 =	vld.idx.msk [tilespmem:v6+s30+$0x0], $0xffff  }
0x7db: {  	s24 =	simm.s32 $0x3  }
0x7dc: {  	v6 =	vadd.s32 s24, v1;
	v7 =	vld.idx.msk [tilespmem:v3+s30+$0x0], $0xffff  }
0x7dd: {  	s6 =	simm.s32 $0x4  }
0x7de: {  	v8 =	vadd.s32 s6, v1;
	s24 =	simm.s32 $0x5;
	v3 =	vimm.f32 $0.0e+00  }
0x7df: {  	v10 =	vadd.s32 s24, v1;
	v9 =	vld.idx.msk [tilespmem:v4+s30+$0x0], $0xffff;
	v4 =	vadd.f32 v5, v3  }
0x7e0: {  	s6 =	simm.s32 $0x6  }
0x7e1: {  	v3 =	vld.idx.msk [tilespmem:v6+s30+$0x0], $0xffff;
	v6 =	vadd.f32 v7, v4;
	v7 =	vadd.s32 s6, v1  }
0x7e2: {  	s5 =	simm.s32 $0x7  }
0x7e3: {  	v5 =	vadd.s32 s5, v1;
	v4 =	vld.idx.msk [tilespmem:v8+s30+$0x0], $0xffff  }
0x7e4: {  	s24 =	simm.s32 $0xF;
	s5 =	simm.s32 $0x17;
	s6 =	simm.s32 $0x8;
	v8 =	vadd.f32 v9, v6;
	v6 =	vld.idx.msk [tilespmem:v10+s30+$0x0], $0xffff  }
.LBB2_60:
0x7e5: {  	p0 =	sne.s32 s5, $0xC7;
	v9 =	vadd.s32 s6, v1  }
0x7e6: {  	s6 =	sadd.s32 $0xFFFFFFFA, s24;
	v3 =	vadd.f32 v3, v8;
	v7 =	vld.idx.msk [tilespmem:v7+s30+$0x0], $0xffff  }
0x7e7: {  	v8 =	vadd.s32 s6, v1  }
0x7e8: {  	s6 =	sadd.s32 $0xFFFFFFFB, s24;
	v3 =	vadd.f32 v4, v3;
	v4 =	vld.idx.msk [tilespmem:v5+s30+$0x0], $0xffff  }
0x7e9: {  	v5 =	vadd.s32 s6, v1  }
0x7ea: {  	s6 =	sadd.s32 $0xFFFFFFFC, s24;
	v9 =	vld.idx.msk [tilespmem:v9+s30+$0x0], $0xffff;
	v3 =	vadd.f32 v6, v3  }
0x7eb: {  	v6 =	vadd.s32 s6, v1  }
0x7ec: {  	s6 =	sadd.s32 $0xFFFFFFFD, s24;
	v8 =	vld.idx.msk [tilespmem:v8+s30+$0x0], $0xffff;
	v3 =	vadd.f32 v7, v3  }
0x7ed: {  	v10 =	vadd.s32 s6, v1  }
0x7ee: {  	s6 =	sadd.s32 $0xFFFFFFFE, s24;
	v11 =	vld.idx.msk [tilespmem:v5+s30+$0x0], $0xffff;
	v3 =	vadd.f32 v4, v3  }
0x7ef: {  	v12 =	vadd.s32 s6, v1  }
.Ltmp29:
0x7f0: {  	s6 =	sadd.s32 $0xFFFFFFFF, s24;
	v4 =	vadd.f32 v9, v3;
	v3 =	vld.idx.msk [tilespmem:v6+s30+$0x0], $0xffff;
	(pc) =	sbr.rel @p0 .LBB2_60-.Ltmp29, $4  }
0x7f1: {  	v7 =	vadd.s32 s6, v1  }
0x7f2: {  	v6 =	vadd.f32 v8, v4;
	v4 =	vld.idx.msk [tilespmem:v10+s30+$0x0], $0xffff  }
0x7f3: {  	v5 =	vadd.s32 s24, v1;
	s24 =	smov.u32 s5  }
0x7f4: {  	s5 =	sadd.s32 $0x8, s5;
	s6 =	sadd.s32 $0xFFFFFFF9, s24;
	v8 =	vadd.f32 v11, v6;
	v6 =	vld.idx.msk [tilespmem:v12+s30+$0x0], $0xffff  }
0x7f5: {  	_ =	sdelay $0x2  }
0x7f6: {  	v9 =	vadd.s32 s6, v1;
	v3 =	vadd.f32 v3, v8  }
0x7f7: {  	s5 =	sadd.s32 $0xFFFFFFFA, s24;
	v7 =	vld.idx.msk [tilespmem:v7+s30+$0x0], $0xffff  }
0x7f8: {  	v8 =	vadd.s32 s5, v1;
	v3 =	vadd.f32 v4, v3  }
0x7f9: {  	s6 =	sadd.s32 $0xFFFFFFFB, s24;
	v4 =	vld.idx.msk [tilespmem:v5+s30+$0x0], $0xffff  }
0x7fa: {  	v5 =	vadd.s32 s6, v1;
	v3 =	vadd.f32 v6, v3  }
0x7fb: {  	s6 =	sadd.s32 $0xFFFFFFFC, s24;
	v6 =	vld.idx.msk [tilespmem:v9+s30+$0x0], $0xffff  }
0x7fc: {  	v9 =	vadd.s32 s6, v1;
	v3 =	vadd.f32 v7, v3  }
0x7fd: {  	s6 =	sadd.s32 $0xFFFFFFFD, s24;
	v7 =	vld.idx.msk [tilespmem:v8+s30+$0x0], $0xffff  }
0x7fe: {  	v8 =	vadd.s32 s6, v1;
	v3 =	vadd.f32 v4, v3  }
0x7ff: {  	s6 =	sadd.s32 $0xFFFFFFFE, s24;
	v4 =	vld.idx.msk [tilespmem:v5+s30+$0x0], $0xffff  }
0x800: {  	v5 =	vadd.s32 s6, v1;
	v3 =	vadd.f32 v6, v3  }
0x801: {  	s6 =	sadd.s32 $0xFFFFFFFF, s24;
	v6 =	vld.idx.msk [tilespmem:v9+s30+$0x0], $0xffff  }
0x802: {  	v9 =	vadd.s32 s6, v1;
	v3 =	vadd.f32 v7, v3  }
0x803: {  	v7 =	vld.idx.msk [tilespmem:v8+s30+$0x0], $0xffff  }
0x804: {  	v8 =	vadd.s32 s24, v1;
	v3 =	vadd.f32 v4, v3  }
0x805: {  	v4 =	vld.idx.msk [tilespmem:v5+s30+$0x0], $0xffff  }
0x806: {  	v3 =	vadd.f32 v6, v3  }
0x807: {  	v5 =	vld.idx.msk [tilespmem:v9+s30+$0x0], $0xffff  }
0x808: {  	v3 =	vadd.f32 v7, v3  }
0x809: {  	v6 =	vld.idx.msk [tilespmem:v8+s30+$0x0], $0xffff  }
0x80a: {  	v3 =	vadd.f32 v4, v3;
	_ =	sdelay $0x1  }
0x80b: {  	v3 =	vadd.f32 v5, v3;
	_ =	sdelay $0x1  }
0x80c: {  	v3 =	vadd.f32 v6, v3;
	_ =	sdelay $0x1  }
0x80d: {  	v3 =	vadd.f32 v3, v2;
	_ =	sdelay $0x1  }
0x80e: {  	v4 =	vand.u32 $0x7FFFFFFF, v3  }
0x80f: {  	v4 =	vsub.f32 $0.0e+00, v4;
	_ =	sdelay $0x1  }
0x810: {  	v4 =	vmul.f32 $1.442695020e+00, v4;
	_ =	sdelay $0x1  }
0x811: {  	(erf) = vpow2.f32 v4;
	_ =	sdelay $0x8  }
0x812: {  	v4 =	vpop (erf)  }
0x813: {  	v5 =	vadd.f32 $1.000000000e+00, v4;
	_ =	sdelay $0x1  }
0x814: {  	(erf) = vrcp.f32 v5;
	_ =	sdelay $0x8  }
0x815: {  	v5 =	vpop (erf)  }
0x816: {  	v4 =	vmul.f32 v5, v4  }
0x817: {  	s6 =	simm.s32 $0x0;
	vm0 =	vge.f32 v3, $0.0e+00  }
0x818: {  	v3 =	vsel vm0, v5, v4;
	v4 =	vadd.s32 s6, v0  }
0x819: {  	s24 =	simm.s32 $0x1;
	[tilespmem:$0x159F8] =	vst v3  }
0x81a: {  	v3 =	vadd.s32 s24, v0;
	_ =	swait.ge [sflag:s1], $0x1900  }
0x81b: {  	[sflag:s1] =	ssyncset.done $0x0  }
0x81c: {  	s6 =	simm.s32 $0x2;
	[sflag:s1] =	ssyncadd.s32 $0xFFFFE700  }
0x81d: {  	v5 =	vadd.s32 s6, v0;
	v4 =	vld.idx.msk [tilespmem:v4+s0+$0x0], $0xffff  }
0x81e: {  	s24 =	simm.s32 $0x3  }
0x81f: {  	v6 =	vadd.s32 s24, v0;
	v7 =	vld.idx.msk [tilespmem:v3+s0+$0x0], $0xffff  }
0x820: {  	s6 =	simm.s32 $0x4  }
0x821: {  	v8 =	vadd.s32 s6, v0;
	s24 =	simm.s32 $0x5;
	v3 =	vimm.f32 $0.0e+00  }
0x822: {  	v10 =	vadd.s32 s24, v0;
	v9 =	vld.idx.msk [tilespmem:v5+s0+$0x0], $0xffff;
	v4 =	vadd.f32 v4, v3  }
0x823: {  	s6 =	simm.s32 $0x6  }
0x824: {  	v3 =	vld.idx.msk [tilespmem:v6+s0+$0x0], $0xffff;
	v6 =	vadd.f32 v7, v4;
	v7 =	vadd.s32 s6, v0  }
0x825: {  	s5 =	simm.s32 $0x7  }
0x826: {  	v5 =	vadd.s32 s5, v0;
	v4 =	vld.idx.msk [tilespmem:v8+s0+$0x0], $0xffff  }
0x827: {  	s24 =	simm.s32 $0xF;
	s5 =	simm.s32 $0x17;
	s6 =	simm.s32 $0x8;
	v8 =	vadd.f32 v9, v6;
	v6 =	vld.idx.msk [tilespmem:v10+s0+$0x0], $0xffff  }
.LBB2_62:
0x828: {  	p0 =	sne.s32 s5, $0xC7;
	v9 =	vadd.s32 s6, v0  }
0x829: {  	s6 =	sadd.s32 $0xFFFFFFFA, s24;
	v3 =	vadd.f32 v3, v8;
	v7 =	vld.idx.msk [tilespmem:v7+s0+$0x0], $0xffff  }
0x82a: {  	v8 =	vadd.s32 s6, v0  }
0x82b: {  	s6 =	sadd.s32 $0xFFFFFFFB, s24;
	v3 =	vadd.f32 v4, v3;
	v4 =	vld.idx.msk [tilespmem:v5+s0+$0x0], $0xffff  }
0x82c: {  	v5 =	vadd.s32 s6, v0  }
0x82d: {  	s6 =	sadd.s32 $0xFFFFFFFC, s24;
	v9 =	vld.idx.msk [tilespmem:v9+s0+$0x0], $0xffff;
	v3 =	vadd.f32 v6, v3  }
0x82e: {  	v6 =	vadd.s32 s6, v0  }
0x82f: {  	s6 =	sadd.s32 $0xFFFFFFFD, s24;
	v8 =	vld.idx.msk [tilespmem:v8+s0+$0x0], $0xffff;
	v3 =	vadd.f32 v7, v3  }
0x830: {  	v10 =	vadd.s32 s6, v0  }
0x831: {  	s6 =	sadd.s32 $0xFFFFFFFE, s24;
	v11 =	vld.idx.msk [tilespmem:v5+s0+$0x0], $0xffff;
	v3 =	vadd.f32 v4, v3  }
0x832: {  	v12 =	vadd.s32 s6, v0  }
.Ltmp30:
0x833: {  	s6 =	sadd.s32 $0xFFFFFFFF, s24;
	v4 =	vadd.f32 v9, v3;
	v3 =	vld.idx.msk [tilespmem:v6+s0+$0x0], $0xffff;
	(pc) =	sbr.rel @p0 .LBB2_62-.Ltmp30, $4  }
0x834: {  	v7 =	vadd.s32 s6, v0  }
0x835: {  	v6 =	vadd.f32 v8, v4;
	v4 =	vld.idx.msk [tilespmem:v10+s0+$0x0], $0xffff  }
0x836: {  	v5 =	vadd.s32 s24, v0;
	s24 =	smov.u32 s5  }
0x837: {  	s5 =	sadd.s32 $0x8, s5;
	s6 =	sadd.s32 $0xFFFFFFF9, s24;
	v8 =	vadd.f32 v11, v6;
	v6 =	vld.idx.msk [tilespmem:v12+s0+$0x0], $0xffff  }
0x838: {  	_ =	sdelay $0x2  }
0x839: {  	v9 =	vadd.s32 s6, v0;
	v3 =	vadd.f32 v3, v8  }
0x83a: {  	s5 =	sadd.s32 $0xFFFFFFFA, s24;
	v7 =	vld.idx.msk [tilespmem:v7+s0+$0x0], $0xffff  }
0x83b: {  	v8 =	vadd.s32 s5, v0;
	v3 =	vadd.f32 v4, v3  }
0x83c: {  	s6 =	sadd.s32 $0xFFFFFFFB, s24;
	v4 =	vld.idx.msk [tilespmem:v5+s0+$0x0], $0xffff  }
0x83d: {  	v5 =	vadd.s32 s6, v0;
	v3 =	vadd.f32 v6, v3  }
0x83e: {  	s6 =	sadd.s32 $0xFFFFFFFC, s24;
	v6 =	vld.idx.msk [tilespmem:v9+s0+$0x0], $0xffff  }
0x83f: {  	v9 =	vadd.s32 s6, v0;
	v3 =	vadd.f32 v7, v3  }
0x840: {  	s6 =	sadd.s32 $0xFFFFFFFD, s24;
	v7 =	vld.idx.msk [tilespmem:v8+s0+$0x0], $0xffff  }
0x841: {  	v8 =	vadd.s32 s6, v0;
	v3 =	vadd.f32 v4, v3  }
0x842: {  	s6 =	sadd.s32 $0xFFFFFFFE, s24;
	v4 =	vld.idx.msk [tilespmem:v5+s0+$0x0], $0xffff  }
0x843: {  	v5 =	vadd.s32 s6, v0;
	v3 =	vadd.f32 v6, v3  }
0x844: {  	s6 =	sadd.s32 $0xFFFFFFFF, s24;
	v6 =	vld.idx.msk [tilespmem:v9+s0+$0x0], $0xffff  }
0x845: {  	v9 =	vadd.s32 s6, v0;
	v3 =	vadd.f32 v7, v3  }
0x846: {  	v7 =	vld.idx.msk [tilespmem:v8+s0+$0x0], $0xffff  }
0x847: {  	v8 =	vadd.s32 s24, v0;
	v3 =	vadd.f32 v4, v3  }
0x848: {  	v4 =	vld.idx.msk [tilespmem:v5+s0+$0x0], $0xffff  }
0x849: {  	v3 =	vadd.f32 v6, v3  }
0x84a: {  	v5 =	vld.idx.msk [tilespmem:v9+s0+$0x0], $0xffff  }
0x84b: {  	v3 =	vadd.f32 v7, v3  }
0x84c: {  	v6 =	vld.idx.msk [tilespmem:v8+s0+$0x0], $0xffff  }
0x84d: {  	v3 =	vadd.f32 v4, v3;
	_ =	sdelay $0x1  }
0x84e: {  	v3 =	vadd.f32 v5, v3;
	_ =	sdelay $0x1  }
0x84f: {  	v3 =	vadd.f32 v6, v3;
	_ =	sdelay $0x1  }
0x850: {  	v3 =	vadd.f32 v3, v2;
	_ =	sdelay $0x1  }
0x851: {  	v4 =	vand.u32 $0x7FFFFFFF, v3  }
0x852: {  	v4 =	vsub.f32 $0.0e+00, v4;
	_ =	sdelay $0x1  }
0x853: {  	v4 =	vmul.f32 $1.442695020e+00, v4;
	_ =	sdelay $0x1  }
0x854: {  	(erf) = vpow2.f32 v4;
	_ =	sdelay $0x8  }
0x855: {  	v4 =	vpop (erf)  }
0x856: {  	v5 =	vadd.f32 $1.000000000e+00, v4;
	_ =	sdelay $0x1  }
0x857: {  	(erf) = vrcp.f32 v5;
	_ =	sdelay $0x7  }
0x858: {  	s6 =	simm.s32 $0x0  }
0x859: {  	v6 =	vadd.s32 s6, v1;
	v5 =	vpop (erf)  }
0x85a: {  	s24 =	simm.s32 $0x1;
	v4 =	vmul.f32 v5, v4  }
0x85b: {  	vm0 =	vge.f32 v3, $0.0e+00;
	v3 =	vadd.s32 s24, v1  }
0x85c: {  	v4 =	vsel vm0, v5, v4  }
0x85d: {  	s6 =	simm.s32 $0x2;
	[tilespmem:$0x15A08] =	vst v4  }
0x85e: {  	v4 =	vadd.s32 s6, v1;
	v5 =	vld.idx.msk [tilespmem:v6+s0+$0x0], $0xffff  }
0x85f: {  	s24 =	simm.s32 $0x3  }
0x860: {  	v6 =	vadd.s32 s24, v1;
	v7 =	vld.idx.msk [tilespmem:v3+s0+$0x0], $0xffff  }
0x861: {  	s6 =	simm.s32 $0x4  }
0x862: {  	v8 =	vadd.s32 s6, v1;
	s24 =	simm.s32 $0x5;
	v3 =	vimm.f32 $0.0e+00  }
0x863: {  	v10 =	vadd.s32 s24, v1;
	v9 =	vld.idx.msk [tilespmem:v4+s0+$0x0], $0xffff;
	v4 =	vadd.f32 v5, v3  }
0x864: {  	s6 =	simm.s32 $0x6  }
0x865: {  	v3 =	vld.idx.msk [tilespmem:v6+s0+$0x0], $0xffff;
	v6 =	vadd.f32 v7, v4;
	v7 =	vadd.s32 s6, v1  }
0x866: {  	s5 =	simm.s32 $0x7  }
0x867: {  	v5 =	vadd.s32 s5, v1;
	v4 =	vld.idx.msk [tilespmem:v8+s0+$0x0], $0xffff  }
0x868: {  	s24 =	simm.s32 $0xF;
	s5 =	simm.s32 $0x17;
	s6 =	simm.s32 $0x8;
	v8 =	vadd.f32 v9, v6;
	v6 =	vld.idx.msk [tilespmem:v10+s0+$0x0], $0xffff  }
.LBB2_64:
0x869: {  	p0 =	sne.s32 s5, $0xC7;
	v9 =	vadd.s32 s6, v1  }
0x86a: {  	s6 =	sadd.s32 $0xFFFFFFFA, s24;
	v3 =	vadd.f32 v3, v8;
	v7 =	vld.idx.msk [tilespmem:v7+s0+$0x0], $0xffff  }
0x86b: {  	v8 =	vadd.s32 s6, v1  }
0x86c: {  	s6 =	sadd.s32 $0xFFFFFFFB, s24;
	v3 =	vadd.f32 v4, v3;
	v4 =	vld.idx.msk [tilespmem:v5+s0+$0x0], $0xffff  }
0x86d: {  	v5 =	vadd.s32 s6, v1  }
0x86e: {  	s6 =	sadd.s32 $0xFFFFFFFC, s24;
	v9 =	vld.idx.msk [tilespmem:v9+s0+$0x0], $0xffff;
	v3 =	vadd.f32 v6, v3  }
0x86f: {  	v6 =	vadd.s32 s6, v1  }
0x870: {  	s6 =	sadd.s32 $0xFFFFFFFD, s24;
	v8 =	vld.idx.msk [tilespmem:v8+s0+$0x0], $0xffff;
	v3 =	vadd.f32 v7, v3  }
0x871: {  	v10 =	vadd.s32 s6, v1  }
0x872: {  	s6 =	sadd.s32 $0xFFFFFFFE, s24;
	v11 =	vld.idx.msk [tilespmem:v5+s0+$0x0], $0xffff;
	v3 =	vadd.f32 v4, v3  }
0x873: {  	v12 =	vadd.s32 s6, v1  }
.Ltmp31:
0x874: {  	s6 =	sadd.s32 $0xFFFFFFFF, s24;
	v4 =	vadd.f32 v9, v3;
	v3 =	vld.idx.msk [tilespmem:v6+s0+$0x0], $0xffff;
	(pc) =	sbr.rel @p0 .LBB2_64-.Ltmp31, $4  }
0x875: {  	v7 =	vadd.s32 s6, v1  }
0x876: {  	v6 =	vadd.f32 v8, v4;
	v4 =	vld.idx.msk [tilespmem:v10+s0+$0x0], $0xffff  }
0x877: {  	v5 =	vadd.s32 s24, v1;
	s24 =	smov.u32 s5  }
0x878: {  	s5 =	sadd.s32 $0x8, s5;
	s6 =	sadd.s32 $0xFFFFFFF9, s24;
	v8 =	vadd.f32 v11, v6;
	v6 =	vld.idx.msk [tilespmem:v12+s0+$0x0], $0xffff  }
0x879: {  	_ =	sdelay $0x2  }
0x87a: {  	v9 =	vadd.s32 s6, v1;
	v3 =	vadd.f32 v3, v8  }
0x87b: {  	s5 =	sadd.s32 $0xFFFFFFFA, s24;
	v7 =	vld.idx.msk [tilespmem:v7+s0+$0x0], $0xffff  }
0x87c: {  	v47 =	vadd.s32 s5, v1;
	v3 =	vadd.f32 v4, v3  }
0x87d: {  	s6 =	sadd.s32 $0xFFFFFFFB, s24;
	v48 =	vld.idx.msk [tilespmem:v5+s0+$0x0], $0xffff  }
0x87e: {  	v49 =	vadd.s32 s6, v1;
	v3 =	vadd.f32 v6, v3  }
0x87f: {  	s6 =	sadd.s32 $0xFFFFFFFC, s24;
	v50 =	vld.idx.msk [tilespmem:v9+s0+$0x0], $0xffff  }
0x880: {  	v51 =	vadd.s32 s6, v1;
	v3 =	vadd.f32 v7, v3  }
0x881: {  	s6 =	sadd.s32 $0xFFFFFFFD, s24;
	v52 =	vld.idx.msk [tilespmem:v47+s0+$0x0], $0xffff  }
0x882: {  	v53 =	vadd.s32 s6, v1;
	v3 =	vadd.f32 v48, v3  }
0x883: {  	s6 =	sadd.s32 $0xFFFFFFFE, s24;
	v54 =	vld.idx.msk [tilespmem:v49+s0+$0x0], $0xffff  }
0x884: {  	v55 =	vadd.s32 s6, v1;
	v3 =	vadd.f32 v50, v3  }
0x885: {  	s6 =	sadd.s32 $0xFFFFFFFF, s24;
	v56 =	vld.idx.msk [tilespmem:v51+s0+$0x0], $0xffff  }
0x886: {  	v57 =	vadd.s32 s6, v1;
	v3 =	vadd.f32 v52, v3  }
0x887: {  	v58 =	vld.idx.msk [tilespmem:v53+s0+$0x0], $0xffff  }
0x888: {  	v59 =	vadd.s32 s24, v1;
	v3 =	vadd.f32 v54, v3  }
0x889: {  	v60 =	vld.idx.msk [tilespmem:v55+s0+$0x0], $0xffff  }
0x88a: {  	v3 =	vadd.f32 v56, v3  }
0x88b: {  	v61 =	vld.idx.msk [tilespmem:v57+s0+$0x0], $0xffff  }
0x88c: {  	v3 =	vadd.f32 v58, v3  }
0x88d: {  	v62 =	vld.idx.msk [tilespmem:v59+s0+$0x0], $0xffff  }
0x88e: {  	v3 =	vadd.f32 v60, v3;
	_ =	sdelay $0x1  }
0x88f: {  	v3 =	vadd.f32 v61, v3;
	_ =	sdelay $0x1  }
0x890: {  	v3 =	vadd.f32 v62, v3;
	_ =	sdelay $0x1  }
0x891: {  	v2 =	vadd.f32 v3, v2;
	_ =	sdelay $0x1  }
0x892: {  	v3 =	vand.u32 $0x7FFFFFFF, v2  }
0x893: {  	v3 =	vsub.f32 $0.0e+00, v3;
	_ =	sdelay $0x1  }
0x894: {  	v3 =	vmul.f32 $1.442695020e+00, v3;
	_ =	sdelay $0x1  }
0x895: {  	(erf) = vpow2.f32 v3;
	_ =	sdelay $0x8  }
0x896: {  	v3 =	vpop (erf)  }
0x897: {  	v63 =	vadd.f32 $1.000000000e+00, v3;
	_ =	sdelay $0x1  }
0x898: {  	(erf) = vrcp.f32 v63;
	_ =	sdelay $0x8  }
0x899: {  	v4 =	vpop (erf)  }
0x89a: {  	v3 =	vmul.f32 v4, v3  }
0x89b: {  	s26 =	sadd.s32 $0x1, s26;
	vm0 =	vge.f32 v2, $0.0e+00  }
0x89c: {  	p0 =	sne.s32 s26, s23;
	v2 =	vsel vm0, v4, v3  }
.Ltmp32:
0x89d: {  	s24 =	simm.s32 $0x15828;
	[tilespmem:$0x15A18] =	vst v2;
	(pc) =	sbr.rel @p0 .LBB2_1-.Ltmp32, $4  }
0x89e: {  	[hbm4b:s22+s4] =	stream.linear.scatter [tilespmem:s24], [sflag:$0x3], $0x200, $0x38;
	[tilespmem:$0x15A48] =	vst v63  }
0x89f: {  	_ =	swait.ge [sflag:s25], $0x200  }
0x8a0: {  	[sflag:s25] =	ssyncset.done $0x0  }
0x8a1: {  	[sflag:s25] =	ssyncadd.s32 $0xFFFFFE00  }
0x8a2: {  	_ =	sfence.sel $0x180000  }
0x8a3: {  	[bflag:$0x0] =	sbarrier.arrive $0xFFFF  }
0x8a4: {  	_ =	strace $0x90000047  }
0x8a5: {  	s0 =	stileid.u32;
	[bflag:$0x2] =	sbarrier.arrive $0xFFFF  }
0x8a6: {  	p0 =	sne.s32 s0, $0x0;
	s0 =	rddreg [dreg:$0x4]  }
0x8a7: {  	s0 =	sadd.s32 @!p0 $0x100000, s0  }
0x8a8: {  	[sflag:s0] =	ssyncadd.tile.s32 @!p0 $0x1;
	_ =	shalt  }
.Lfunc_end2:
_tile_overlayer_lowered:
.L_overlay_start_2:
0x8a9: {  	(tag) =	ssettag $0x2  }
0x8aa: {  	s0 =	rddreg [dreg:$0x0];
	s2 =	stileid.u32  }
0x8ab: {  	s1 =	rddreg [dreg:$0x1];
	p0 =	sne.s32 s2, $0x0  }
0x8ac: {  	s3 =	rddreg [dreg:$0x2];
	[bflag:$0x3] =	sbarrier.arrive $0xFFFF;
	s2 =	simm.s32 @!p0 $0x1C03  }
0x8ad: {  	[timem:s3], [sflag:s2] =	dma.local @!p0 [hbm:s0], s1  }
0x8ae: {  	s0 =	simm.s32 @!p0 $0x3  }
0x8af: {  	_ =	swait.ge @!p0 [sflag:s0], s1  }
0x8b0: {  	s1 =	ssub.s32 @!p0 $0x0, s1;
	[sflag:s0] =	ssyncset.done @!p0 $0x0  }
0x8b1: {  	[sflag:s0] =	ssyncadd.s32 @!p0 s1  }
0x8b2: {  	[bflag:$0x3] =	sbarrier.arrive $0xFFFF  }
0x8b3: {  	_ =	shalt  }

</sc_bundles>
